<compile_context>
chip_gen: v7x
topology: tpu7x:2x2x1
jax: 0.10.2.dev20260603
libtpu: 0.0.44.dev20260713+nightly
codegen_flags: <defaults>
</compile_context>

<pallas_src>
import functools

import jax
import jax.numpy as jnp
from jax import lax
from jax.experimental import pallas as pl
from jax.experimental.pallas import tpu as pltpu
from jax.experimental.pallas import tpu_sc as plsc

N = 10000
E = 320000
D = 128

_NC = 2
_NS = 16
_NW = _NC * _NS
_PER_W = E // _NW
_CH = 80
_NCH = _PER_W // _CH
_NPAD = 10240
_ROWS_PER_TILE = _NPAD // _NS
_ZCH = 128

_BN = 1024
_GN = _NPAD // _BN
_BE = 2560
_GE = E // _BE

_sp = jax.nn.softplus


def _prep_body(v0_ref, wn_ref, bn_ref, w1_ref, w2_ref,
               u0_ref, wa_ref, ba_ref, w4_ref, bce_ref, wcnu_ref, bcn_ref,
               v_ref, a_ref, b_ref, crow_ref, ucn_ref, urow_ref):
    i = pl.program_id(0)
    v = _sp(jnp.dot(v0_ref[...], wn_ref[...], preferred_element_type=jnp.float32)
            + bn_ref[...])
    v_ref[...] = v
    a_ref[...] = jnp.dot(v, w1_ref[...], preferred_element_type=jnp.float32)
    b_ref[...] = jnp.dot(v, w2_ref[...], preferred_element_type=jnp.float32)

    @pl.when(i == 0)
    def _():
        u = _sp(jnp.dot(u0_ref[...], wa_ref[...], preferred_element_type=jnp.float32)
                + ba_ref[...])
        urow_ref[...] = u
        crow_ref[...] = jnp.dot(u, w4_ref[...], preferred_element_type=jnp.float32) + bce_ref[...]
        ucn_ref[...] = jnp.dot(u, wcnu_ref[...], preferred_element_type=jnp.float32) + bcn_ref[...]


def _prep_call(v0, Wn, bn, W1, W2, u0, Wa, ba, W4, bce, WcnU, bcn):
    full = pl.BlockSpec((D, D), lambda i: (0, 0))
    row = pl.BlockSpec((1, D), lambda i: (0, 0))
    blk = pl.BlockSpec((_BN, D), lambda i: (i, 0))
    return pl.pallas_call(
        _prep_body,
        grid=(_GN,),
        in_specs=[blk, full, row, full, full,
                  row, full, row, full, row, full, row],
        out_specs=[blk, blk, blk, row, row, row],
        out_shape=[
            jax.ShapeDtypeStruct((N, D), jnp.float32),
            jax.ShapeDtypeStruct((N, D), jnp.float32),
            jax.ShapeDtypeStruct((N, D), jnp.float32),
            jax.ShapeDtypeStruct((1, D), jnp.float32),
            jax.ShapeDtypeStruct((1, D), jnp.float32),
            jax.ShapeDtypeStruct((1, D), jnp.float32),
        ],
    )(v0, Wn, bn, W1, W2, u0, Wa, ba, W4, bce, WcnU, bcn)


_K = 5
_SUP = _NCH // _K


def _sc_gather_body(a_hbm, b_hbm, src_hbm, dst_hbm, g_hbm, cnt_hbm,
                    idx_s5, idx_d5, bufa5, bufb5, tab, semi, sema, semw):
    c = lax.axis_index("c")
    s = lax.axis_index("s")
    wid = s * _NC + c
    base = wid * _PER_W

    zero16 = jnp.zeros((16,), jnp.float32)
    one16 = jnp.ones((16,), jnp.float32)

    def zfill(r, carry):
        tab[pl.ds(r * 16, 16)] = zero16
        return carry

    lax.fori_loop(0, _NPAD // 16, zfill, 0)

    def issue_idx(t):
        off0 = pl.multiple_of(base + t * (_K * _CH), _CH)
        for k in range(_K):
            off = off0 + k * _CH
            pltpu.async_copy(src_hbm.at[pl.ds(off, _CH)], idx_s5.at[k], semi)
            pltpu.async_copy(dst_hbm.at[pl.ds(off, _CH)], idx_d5.at[k], semi)

    def wait_idx():
        for k in range(_K):
            pltpu.make_async_copy(src_hbm.at[pl.ds(base, _CH)], idx_s5.at[k], semi).wait()
            pltpu.make_async_copy(dst_hbm.at[pl.ds(base, _CH)], idx_d5.at[k], semi).wait()

    issue_idx(0)

    def body(t, carry):
        off0 = pl.multiple_of(base + t * (_K * _CH), _CH)
        wait_idx()
        gc = []
        for k in range(_K):
            gc.append(pltpu.async_copy(a_hbm.at[idx_s5.at[k]], bufa5.at[k], sema))
            gc.append(pltpu.async_copy(b_hbm.at[idx_d5.at[k]], bufb5.at[k], sema))
        wb = []
        for k in range(_K):
            gc[2 * k].wait()
            gc[2 * k + 1].wait()

            def addrow(r, carry, _k=k):
                for cc in range(D // 16):
                    sl = pl.ds(cc * 16, 16)
                    bufa5[_k, r, sl] += bufb5[_k, r, sl]
                return carry

            lax.fori_loop(0, _CH, addrow, 0)
            off = off0 + k * _CH
            wb.append(pltpu.async_copy(bufa5.at[k], g_hbm.at[pl.ds(off, _CH)], semw))
        for k in range(_K):
            for t16 in range(_CH // 16):
                ids = idx_d5[k, pl.ds(t16 * 16, 16)]
                plsc.addupdate_scatter(tab, [ids], one16)
        issue_idx(lax.rem(t + 1, _SUP))
        for cp in wb:
            cp.wait()
        return carry

    lax.fori_loop(0, _SUP, body, 0)
    wait_idx()
    pltpu.sync_copy(tab, cnt_hbm.at[wid])


@functools.partial(
    pl.kernel,
    out_type=[jax.ShapeDtypeStruct((E, D), jnp.float32),
              jax.ShapeDtypeStruct((_NW, _NPAD), jnp.float32)],
    mesh=plsc.VectorSubcoreMesh(core_axis_name="c", subcore_axis_name="s"),
    scratch_types=[
        pltpu.VMEM((_K, _CH), jnp.int32),
        pltpu.VMEM((_K, _CH), jnp.int32),
        pltpu.VMEM((_K, _CH, D), jnp.float32),
        pltpu.VMEM((_K, _CH, D), jnp.float32),
        pltpu.VMEM((_NPAD,), jnp.float32),
        pltpu.SemaphoreType.DMA,
        pltpu.SemaphoreType.DMA,
        pltpu.SemaphoreType.DMA,
    ],
    compiler_params=pltpu.CompilerParams(needs_layout_passes=False),
)
def _sc_gather(a_hbm, b_hbm, src_hbm, dst_hbm, g_hbm, cnt_hbm,
               idx_s5, idx_d5, bufa5, bufb5, tab, semi, sema, semw):
    _sc_gather_body(a_hbm, b_hbm, src_hbm, dst_hbm, g_hbm, cnt_hbm,
                    idx_s5, idx_d5, bufa5, bufb5, tab, semi, sema, semw)


def _splean(x):
    return jnp.maximum(x, 0.0) + jnp.log1p(jnp.exp(-jnp.abs(x)))


def _edge_body(e0_ref, g_ref, we_ref, be_ref, w3_ref, crow_ref,
               oute_ref, enew_ref):
    e0 = e0_ref[...]
    e = _splean(jnp.dot(e0, we_ref[...], preferred_element_type=jnp.float32) + be_ref[...])
    t = jnp.dot(e, w3_ref[...], preferred_element_type=jnp.float32)
    en = _splean(t + g_ref[...] + crow_ref[...])
    oute_ref[...] = en + e0
    enew_ref[...] = en


def _edge_call(e0, G, We, be, W3, crow):
    blk = pl.BlockSpec((_BE, D), lambda i: (i, 0))
    full = pl.BlockSpec((D, D), lambda i: (0, 0))
    row = pl.BlockSpec((1, D), lambda i: (0, 0))
    return pl.pallas_call(
        _edge_body,
        grid=(_GE,),
        in_specs=[blk, blk, full, row, full, row],
        out_specs=[blk, blk],
        out_shape=[
            jax.ShapeDtypeStruct((E, D), jnp.float32),
            jax.ShapeDtypeStruct((E, D), jnp.float32),
        ],
    )(e0, G, We, be, W3, crow)


_SSK = 1
_SCC = 80
_SCH = _SSK * _SCC
_SSUP = _PER_W // _SCH


def _sc_scatter_body(enew_hbm, dst_hbm, esum_hbm,
                     idx0, idx1, rows0, rows1, acc,
                     seml0, seml1, sems):
    c = lax.axis_index("c")
    s = lax.axis_index("s")
    wid = s * _NC + c
    base = wid * _PER_W

    zero16 = jnp.zeros((16,), jnp.float32)

    def zfill(r, carry):
        for cc in range(D // 16):
            rows0[r, pl.ds(cc * 16, 16)] = zero16
        return carry

    lax.fori_loop(0, _SCH, zfill, 0)
    zc = []
    for k in range(_ROWS_PER_TILE // _SCH):
        r0 = s * _ROWS_PER_TILE + k * _SCH
        zc.append(pltpu.async_copy(rows0, acc.at[pl.ds(r0, _SCH)], sems))
    for cp in zc:
        cp.wait()
    plsc.subcore_barrier()

    def issue_loads(sc, idx_b, rows_b, sem):
        off0 = pl.multiple_of(base + sc * _SCH, _SCC)
        for k in range(_SSK):
            pltpu.async_copy(dst_hbm.at[pl.ds(off0 + k * _SCC, _SCC)],
                             idx_b.at[k], sem)
        pltpu.async_copy(enew_hbm.at[pl.ds(off0, _SCH)], rows_b, sem)

    def wait_loads(idx_b, rows_b, sem):
        for k in range(_SSK):
            pltpu.make_async_copy(dst_hbm.at[pl.ds(base, _SCC)],
                                  idx_b.at[k], sem).wait()
        pltpu.make_async_copy(enew_hbm.at[pl.ds(base, _SCH)], rows_b, sem).wait()

    def do_scatter(idx_b, rows_b):
        cps = []
        for k in range(_SSK):
            cps.append(pltpu.async_copy(rows_b.at[pl.ds(k * _SCC, _SCC)],
                                        acc.at[idx_b.at[k]], sems, add=True))
        for cp in cps:
            cp.wait()

    issue_loads(0, idx0, rows0, seml0)

    def body(i, carry):
        issue_loads(2 * i + 1, idx1, rows1, seml1)
        wait_loads(idx0, rows0, seml0)
        do_scatter(idx0, rows0)
        issue_loads(2 * i + 2, idx0, rows0, seml0)
        wait_loads(idx1, rows1, seml1)
        do_scatter(idx1, rows1)
        return carry

    lax.fori_loop(0, (_SSUP - 1) // 2, body, 0)
    wait_loads(idx0, rows0, seml0)
    do_scatter(idx0, rows0)
    plsc.subcore_barrier()

    rb = []
    for k in range(_ROWS_PER_TILE // _ZCH):
        r0 = s * _ROWS_PER_TILE + k * _ZCH
        rb.append(pltpu.async_copy(acc.at[pl.ds(r0, _ZCH)],
                                   esum_hbm.at[c, pl.ds(r0, _ZCH)], sems))
    for cp in rb:
        cp.wait()


@functools.partial(
    pl.kernel,
    out_type=jax.ShapeDtypeStruct((_NC, _NPAD, D), jnp.float32),
    mesh=plsc.VectorSubcoreMesh(core_axis_name="c", subcore_axis_name="s"),
    scratch_types=[
        pltpu.VMEM((_SSK, _SCC), jnp.int32),
        pltpu.VMEM((_SSK, _SCC), jnp.int32),
        pltpu.VMEM((_SCH, D), jnp.float32),
        pltpu.VMEM((_SCH, D), jnp.float32),
        pltpu.VMEM_SHARED((_NPAD, D), jnp.float32),
        pltpu.SemaphoreType.DMA,
        pltpu.SemaphoreType.DMA,
        pltpu.SemaphoreType.DMA,
    ],
)
def _sc_scatter(enew_hbm, dst_hbm, esum_hbm,
                idx0, idx1, rows0, rows1, acc, seml0, seml1, sems):
    _sc_scatter_body(enew_hbm, dst_hbm, esum_hbm,
                     idx0, idx1, rows0, rows1, acc, seml0, seml1, sems)


def _node_body(v_ref, v0_ref, es0_ref, es1_ref, cnt_ref,
               ucn_ref, wv_ref, wve_ref,
               urow_ref, wa1_ref, wa2_ref, wa3_ref, bca_ref, u0_ref,
               outv_ref, outu_ref, uvacc_ref, ueacc_ref):
    i = pl.program_id(0)
    es = es0_ref[...] + es1_ref[...]
    cnt = jnp.sum(jnp.transpose(cnt_ref[...]), axis=1, keepdims=True)
    ve = es / jnp.maximum(cnt, 1.0)
    vn = _sp(jnp.dot(v_ref[...], wv_ref[...], preferred_element_type=jnp.float32)
             + jnp.dot(ve, wve_ref[...], preferred_element_type=jnp.float32)
             + ucn_ref[...])
    outv_ref[...] = vn + v0_ref[...]
    rows = i * _BN + lax.broadcasted_iota(jnp.int32, (_BN, 1), 0)
    vn_masked = jnp.where(rows < N, vn, 0.0)
    part = jnp.sum(vn_masked.reshape(_BN // 8, 8, D), axis=0)
    epart = jnp.sum(es.reshape(_BN // 8, 8, D), axis=0)

    @pl.when(i == 0)
    def _():
        uvacc_ref[...] = part
        ueacc_ref[...] = epart

    @pl.when(i > 0)
    def _():
        uvacc_ref[...] += part
        ueacc_ref[...] += epart

    @pl.when(i == _GN - 1)
    def _():
        uv = jnp.sum(uvacc_ref[...], axis=0, keepdims=True) * (1.0 / N)
        ue = jnp.sum(ueacc_ref[...], axis=0, keepdims=True) * (1.0 / E)
        un = _sp(jnp.dot(urow_ref[...], wa1_ref[...], preferred_element_type=jnp.float32)
                 + jnp.dot(ue, wa2_ref[...], preferred_element_type=jnp.float32)
                 + jnp.dot(uv, wa3_ref[...], preferred_element_type=jnp.float32)
                 + bca_ref[...])
        outu_ref[...] = un + u0_ref[...]


def _node_call(v, v0, es0, es1, cnt_all, ucn, WcnV, WcnE,
               urow, Wa1, Wa2, Wa3, bca, u0):
    blk = pl.BlockSpec((_BN, D), lambda i: (i, 0))
    cblk = pl.BlockSpec((_NW, _BN), lambda i: (0, i))
    full = pl.BlockSpec((D, D), lambda i: (0, 0))
    row = pl.BlockSpec((1, D), lambda i: (0, 0))
    return pl.pallas_call(
        _node_body,
        grid=(_GN,),
        in_specs=[blk, blk, blk, blk, cblk,
                  row, full, full,
                  row,
                  full, full, full, row, row],
        out_specs=[blk, row],
        out_shape=[
            jax.ShapeDtypeStruct((N, D), jnp.float32),
            jax.ShapeDtypeStruct((1, D), jnp.float32),
        ],
        scratch_shapes=[pltpu.VMEM((8, D), jnp.float32),
                        pltpu.VMEM((8, D), jnp.float32)],
    )(v, v0, es0, es1, cnt_all, ucn, WcnV, WcnE,
      urow, Wa1, Wa2, Wa3, bca, u0)


def kernel(edge_feat, node_feat, graph_attr, edge_index,
           We, be, Wn, bn, Wa, ba, Wce, bce, Wcn, bcn, Wca, bca):
    src = edge_index[0]
    dst = edge_index[1]
    be_r = be.reshape(1, D)
    bn_r = bn.reshape(1, D)
    ba_r = ba.reshape(1, D)
    bce_r = bce.reshape(1, D)
    bcn_r = bcn.reshape(1, D)
    bca_r = bca.reshape(1, D)
    W1, W2, W3, W4 = Wce[:D], Wce[D:2 * D], Wce[2 * D:3 * D], Wce[3 * D:]
    WcnV, WcnE, WcnU = Wcn[:D], Wcn[D:2 * D], Wcn[2 * D:]
    Wa1, Wa2, Wa3 = Wca[:D], Wca[D:2 * D], Wca[2 * D:]

    v, A, B, crow, ucn, urow = _prep_call(
        node_feat, Wn, bn_r, W1, W2, graph_attr, Wa, ba_r, W4, bce_r, WcnU, bcn_r)

    G, cnt_all = _sc_gather(A, B, src, dst)

    out_e, e_new = _edge_call(edge_feat, G, We, be_r, W3, crow)

    esum_part = _sc_scatter(e_new, dst)

    out_v, out_u = _node_call(
        v, node_feat, esum_part[0], esum_part[1], cnt_all,
        ucn, WcnV, WcnE, urow, Wa1, Wa2, Wa3, bca_r, graph_attr)

    return (out_e, out_v, out_u)

# --- scband reference (transcript-rebuilt; emitter-appended) ---
"""Pipeline reference for scband-meg-net-block-52209622450459 (READ-ONLY COPY).

The authoritative reference and input builder live on the scoring server;
editing this copy changes nothing except your own understanding.
"""

import jax, jax.numpy as jnp
import numpy as np

N_NODES = 10000
N_EDGES = 320000
D = 128


def _linear_params(key, din, dout):
    k1, k2 = jax.random.split(key)
    s = 1.0 / np.sqrt(din)
    W = jax.random.uniform(k1, (din, dout), minval=-s, maxval=s, dtype=jnp.float32)
    b = jax.random.uniform(k2, (dout,), minval=-s, maxval=s, dtype=jnp.float32)
    return W, b


def setup_inputs(seed: int = 0) -> dict:
    key = jax.random.key(seed)
    ks = jax.random.split(key, 12)
    inp = {}
    inp['edge_feat'] = jax.random.normal(ks[0], (N_EDGES, D), dtype=jnp.float32)
    inp['node_feat'] = jax.random.normal(ks[1], (N_NODES, D), dtype=jnp.float32)
    inp['graph_attr'] = jax.random.normal(ks[2], (1, D), dtype=jnp.float32)
    inp['edge_index'] = jax.random.randint(ks[3], (2, N_EDGES), 0, N_NODES, dtype=jnp.int32)
    # Block dense MLPs (dims=[128,128], Softplus, activate_last)
    inp['We'], inp['be'] = _linear_params(ks[4], D, D)
    inp['Wn'], inp['bn'] = _linear_params(ks[5], D, D)
    inp['Wa'], inp['ba'] = _linear_params(ks[6], D, D)
    # Conv MLPs: edge_in=4D, node_in=3D, attr_in=3D, conv_hiddens=[128]
    inp['Wce'], inp['bce'] = _linear_params(ks[7], 4 * D, D)
    inp['Wcn'], inp['bcn'] = _linear_params(ks[8], 3 * D, D)
    inp['Wca'], inp['bca'] = _linear_params(ks[9], 3 * D, D)
    return inp


def reference(edge_feat, node_feat, graph_attr, edge_index,
              We, be, Wn, bn, Wa, ba, Wce, bce, Wcn, bcn, Wca, bca):
    sp = jax.nn.softplus
    src = edge_index[0]
    dst = edge_index[1]
    e0, v0, u0 = edge_feat, node_feat, graph_attr
    # Block dense MLPs (activate_last=True)
    e = sp(edge_feat @ We + be)
    v = sp(node_feat @ Wn + bn)
    u = sp(graph_attr @ Wa + ba)
    # broadcast graph attr to nodes (single graph)
    u_nodes = jnp.broadcast_to(u, (v.shape[0], u.shape[1]))
    # --- edge update: hstack([vi, vj, eij, u_src]) -> edge MLP ---
    vi = v[src]
    vj = v[dst]
    u_e = u_nodes[src]
    edge_in = jnp.concatenate([vi, vj, e, u_e], axis=1)
    e_new = sp(edge_in @ Wce + bce)
    # --- node update: mean of incoming edge messages at dst ---
    n = v.shape[0]
    esum = jax.ops.segment_sum(e_new, dst, num_segments=n)
    cnt = jax.ops.segment_sum(jnp.ones((e_new.shape[0],), e_new.dtype), dst, num_segments=n)
    ve = esum / jnp.maximum(cnt, 1.0)[:, None]
    node_in = jnp.concatenate([v, ve, u_nodes], axis=1)
    v_new = sp(node_in @ Wcn + bcn)
    # --- graph attr update: mean readouts over edges and nodes ---
    ue = jnp.mean(e_new, axis=0, keepdims=True)
    uv = jnp.mean(v_new, axis=0, keepdims=True)
    attr_in = jnp.concatenate([u, ue, uv], axis=1)
    u_new = sp(attr_in @ Wca + bca)
    # skip connections
    return (e_new + e0, v_new + v0, u_new + u0)

if __name__ == "__main__":
    import jax
    _d = setup_inputs()
    print(jax.jit(kernel)(*tuple(_d.values())))

</pallas_src>

<mosaic_0001>
#map = affine_map<(d0, d1) -> (0, 0)>
#map1 = affine_map<(d0, d1) -> (0)>
#map2 = affine_map<(d0, d1) -> (0, 0, 0)>
module attributes {stable_mosaic.version = 14 : i64} {
  func.func @_sc_scatter(%arg0: i32, %arg1: i32, %arg2: memref<320000x128xf32, #tpu.memory_space<hbm>>, %arg3: memref<320000xi32, #tpu.memory_space<hbm>>, %arg4: memref<2x10240x128xf32, #tpu.memory_space<hbm>>, %arg5: memref<1x80xi32, #tpu.memory_space<vmem>>, %arg6: memref<1x80xi32, #tpu.memory_space<vmem>>, %arg7: memref<80x128xf32, #tpu.memory_space<vmem>>, %arg8: memref<80x128xf32, #tpu.memory_space<vmem>>, %arg9: memref<10240x128xf32, #tpu.memory_space<vmem_shared>>, %arg10: memref<!tpu.dma_semaphore, #tpu.memory_space<semaphore_mem>>, %arg11: memref<!tpu.dma_semaphore, #tpu.memory_space<semaphore_mem>>, %arg12: memref<!tpu.dma_semaphore, #tpu.memory_space<semaphore_mem>>) attributes {dimension_semantics = [#tpu.dimension_semantics<core_parallel>, #tpu.dimension_semantics<subcore_parallel>], iteration_bounds = array<i64: 2, 16>, scalar_prefetch = 0 : i64, scratch_operands = 8 : i64, tpu.core_type = #tpu.core_type<sc_vector_subcore>, window_params = [{transform_indices = #map}, {transform_indices = #map1}, {transform_indices = #map2}]} {
    %mul3A = arith.constant 2 : i32
    %mul3A_0 = arith.muli %arg1, %mul3A : i32
    %add3A = arith.addi %mul3A_0, %arg0 : i32
    %mul3A_1 = arith.constant 10000 : i32
    %mul3A_2 = arith.muli %add3A, %mul3A_1 : i32
    %broadcast_in_dim3A = arith.constant 0.000000e+00 : f32
    %broadcast_in_dim3A_3 = vector.broadcast %broadcast_in_dim3A : f32 to vector<16xf32>
    %scan3A = arith.constant 0 : i32
    %scan3A_4 = arith.constant 0 : i32
    %scan3A_5 = arith.constant 80 : i32
    %scan3A_6 = arith.addi %scan3A_4, %scan3A_5 : i32
    %scan3A_7 = arith.constant 1 : i32
    scf.for %scan3A_230 = %scan3A_4 to %scan3A_6 step %scan3A_7  : i32 {
      %swap3A = arith.index_cast %scan3A_230 : i32 to index
      %swap3A_231 = arith.constant 0 : index
      %swap3A_232 = tpu.vector_load %arg7[%swap3A, %swap3A_231] {strides = array<i32>} : memref<80x128xf32, #tpu.memory_space<vmem>>, vector<1x16xf32>,
      %swap3A_233 = vector.shape_cast %swap3A_232 : vector<1x16xf32> to vector<16xf32>
      %swap3A_234 = vector.shape_cast %broadcast_in_dim3A_3 : vector<16xf32> to vector<1x16xf32>
      tpu.vector_store %arg7[%swap3A, %swap3A_231], %swap3A_234 {strides = array<i32>} : memref<80x128xf32, #tpu.memory_space<vmem>>, vector<1x16xf32>,
      %swap3A_235 = arith.index_cast %scan3A_230 : i32 to index
      %swap3A_236 = arith.constant 16 : index
      %swap3A_237 = tpu.vector_load %arg7[%swap3A_235, %swap3A_236] {strides = array<i32>} : memref<80x128xf32, #tpu.memory_space<vmem>>, vector<1x16xf32>,
      %swap3A_238 = vector.shape_cast %swap3A_237 : vector<1x16xf32> to vector<16xf32>
      %swap3A_239 = vector.shape_cast %broadcast_in_dim3A_3 : vector<16xf32> to vector<1x16xf32>
      tpu.vector_store %arg7[%swap3A_235, %swap3A_236], %swap3A_239 {strides = array<i32>} : memref<80x128xf32, #tpu.memory_space<vmem>>, vector<1x16xf32>,
      %swap3A_240 = arith.index_cast %scan3A_230 : i32 to index
      %swap3A_241 = arith.constant 32 : index
      %swap3A_242 = tpu.vector_load %arg7[%swap3A_240, %swap3A_241] {strides = array<i32>} : memref<80x128xf32, #tpu.memory_space<vmem>>, vector<1x16xf32>,
      %swap3A_243 = vector.shape_cast %swap3A_242 : vector<1x16xf32> to vector<16xf32>
      %swap3A_244 = vector.shape_cast %broadcast_in_dim3A_3 : vector<16xf32> to vector<1x16xf32>
      tpu.vector_store %arg7[%swap3A_240, %swap3A_241], %swap3A_244 {strides = array<i32>} : memref<80x128xf32, #tpu.memory_space<vmem>>, vector<1x16xf32>,
      %swap3A_245 = arith.index_cast %scan3A_230 : i32 to index
      %swap3A_246 = arith.constant 48 : index
      %swap3A_247 = tpu.vector_load %arg7[%swap3A_245, %swap3A_246] {strides = array<i32>} : memref<80x128xf32, #tpu.memory_space<vmem>>, vector<1x16xf32>,
      %swap3A_248 = vector.shape_cast %swap3A_247 : vector<1x16xf32> to vector<16xf32>
      %swap3A_249 = vector.shape_cast %broadcast_in_dim3A_3 : vector<16xf32> to vector<1x16xf32>
      tpu.vector_store %arg7[%swap3A_245, %swap3A_246], %swap3A_249 {strides = array<i32>} : memref<80x128xf32, #tpu.memory_space<vmem>>, vector<1x16xf32>,
      %swap3A_250 = arith.index_cast %scan3A_230 : i32 to index
      %swap3A_251 = arith.constant 64 : index
      %swap3A_252 = tpu.vector_load %arg7[%swap3A_250, %swap3A_251] {strides = array<i32>} : memref<80x128xf32, #tpu.memory_space<vmem>>, vector<1x16xf32>,
      %swap3A_253 = vector.shape_cast %swap3A_252 : vector<1x16xf32> to vector<16xf32>
      %swap3A_254 = vector.shape_cast %broadcast_in_dim3A_3 : vector<16xf32> to vector<1x16xf32>
      tpu.vector_store %arg7[%swap3A_250, %swap3A_251], %swap3A_254 {strides = array<i32>} : memref<80x128xf32, #tpu.memory_space<vmem>>, vector<1x16xf32>,
      %swap3A_255 = arith.index_cast %scan3A_230 : i32 to index
      %swap3A_256 = arith.constant 80 : index
      %swap3A_257 = tpu.vector_load %arg7[%swap3A_255, %swap3A_256] {strides = array<i32>} : memref<80x128xf32, #tpu.memory_space<vmem>>, vector<1x16xf32>,
      %swap3A_258 = vector.shape_cast %swap3A_257 : vector<1x16xf32> to vector<16xf32>
      %swap3A_259 = vector.shape_cast %broadcast_in_dim3A_3 : vector<16xf32> to vector<1x16xf32>
      tpu.vector_store %arg7[%swap3A_255, %swap3A_256], %swap3A_259 {strides = array<i32>} : memref<80x128xf32, #tpu.memory_space<vmem>>, vector<1x16xf32>,
      %swap3A_260 = arith.index_cast %scan3A_230 : i32 to index
      %swap3A_261 = arith.constant 96 : index
      %swap3A_262 = tpu.vector_load %arg7[%swap3A_260, %swap3A_261] {strides = array<i32>} : memref<80x128xf32, #tpu.memory_space<vmem>>, vector<1x16xf32>,
      %swap3A_263 = vector.shape_cast %swap3A_262 : vector<1x16xf32> to vector<16xf32>
      %swap3A_264 = vector.shape_cast %broadcast_in_dim3A_3 : vector<16xf32> to vector<1x16xf32>
      tpu.vector_store %arg7[%swap3A_260, %swap3A_261], %swap3A_264 {strides = array<i32>} : memref<80x128xf32, #tpu.memory_space<vmem>>, vector<1x16xf32>,
      %swap3A_265 = arith.index_cast %scan3A_230 : i32 to index
      %swap3A_266 = arith.constant 112 : index
      %swap3A_267 = tpu.vector_load %arg7[%swap3A_265, %swap3A_266] {strides = array<i32>} : memref<80x128xf32, #tpu.memory_space<vmem>>, vector<1x16xf32>,
      %swap3A_268 = vector.shape_cast %swap3A_267 : vector<1x16xf32> to vector<16xf32>
      %swap3A_269 = vector.shape_cast %broadcast_in_dim3A_3 : vector<16xf32> to vector<1x16xf32>
      tpu.vector_store %arg7[%swap3A_265, %swap3A_266], %swap3A_269 {strides = array<i32>} : memref<80x128xf32, #tpu.memory_space<vmem>>, vector<1x16xf32>,
    }
    %scan3A_8 = arith.constant 80 : i32
    %mul3A_9 = arith.constant 640 : i32
    %mul3A_10 = arith.muli %arg1, %mul3A_9 : i32
    %add3A_11 = arith.constant 0 : i32
    %add3A_12 = arith.addi %mul3A_10, %add3A_11 : i32
    %dma_start3A = arith.constant 0 : i32
    %dma_start3A_13 = tpu.memref_slice %arg9[%add3A_12, %dma_start3A] : memref<10240x128xf32, #tpu.memory_space<vmem_shared>> -> memref<80x128xf32, #tpu.memory_space<vmem_shared>>
    %dma_start3A_14 = arith.constant 0 : i32
    %dma_start3A_15 = tpu.memref_slice %arg9[%add3A_12, %dma_start3A_14] : memref<10240x128xf32, #tpu.memory_space<vmem_shared>> -> memref<80x128xf32, #tpu.memory_space<vmem_shared>>
    tpu.enqueue_dma source(%arg7 : memref<80x128xf32, #tpu.memory_space<vmem>>) target(%dma_start3A_15 : memref<80x128xf32, #tpu.memory_space<vmem_shared>>) target_semaphore(%arg12 : memref<!tpu.dma_semaphore, #tpu.memory_space<semaphore_mem>>)
    %mul3A_16 = arith.constant 640 : i32
    %mul3A_17 = arith.muli %arg1, %mul3A_16 : i32
    %add3A_18 = arith.constant 80 : i32
    %add3A_19 = arith.addi %mul3A_17, %add3A_18 : i32
    %dma_start3A_20 = arith.constant 0 : i32
    %dma_start3A_21 = tpu.memref_slice %arg9[%add3A_19, %dma_start3A_20] : memref<10240x128xf32, #tpu.memory_space<vmem_shared>> -> memref<80x128xf32, #tpu.memory_space<vmem_shared>>
    %dma_start3A_22 = arith.constant 0 : i32
    %dma_start3A_23 = tpu.memref_slice %arg9[%add3A_19, %dma_start3A_22] : memref<10240x128xf32, #tpu.memory_space<vmem_shared>> -> memref<80x128xf32, #tpu.memory_space<vmem_shared>>
    tpu.enqueue_dma source(%arg7 : memref<80x128xf32, #tpu.memory_space<vmem>>) target(%dma_start3A_23 : memref<80x128xf32, #tpu.memory_space<vmem_shared>>) target_semaphore(%arg12 : memref<!tpu.dma_semaphore, #tpu.memory_space<semaphore_mem>>)
    %mul3A_24 = arith.constant 640 : i32
    %mul3A_25 = arith.muli %arg1, %mul3A_24 : i32
    %add3A_26 = arith.constant 160 : i32
    %add3A_27 = arith.addi %mul3A_25, %add3A_26 : i32
    %dma_start3A_28 = arith.constant 0 : i32
    %dma_start3A_29 = tpu.memref_slice %arg9[%add3A_27, %dma_start3A_28] : memref<10240x128xf32, #tpu.memory_space<vmem_shared>> -> memref<80x128xf32, #tpu.memory_space<vmem_shared>>
    %dma_start3A_30 = arith.constant 0 : i32
    %dma_start3A_31 = tpu.memref_slice %arg9[%add3A_27, %dma_start3A_30] : memref<10240x128xf32, #tpu.memory_space<vmem_shared>> -> memref<80x128xf32, #tpu.memory_space<vmem_shared>>
    tpu.enqueue_dma source(%arg7 : memref<80x128xf32, #tpu.memory_space<vmem>>) target(%dma_start3A_31 : memref<80x128xf32, #tpu.memory_space<vmem_shared>>) target_semaphore(%arg12 : memref<!tpu.dma_semaphore, #tpu.memory_space<semaphore_mem>>)
    %mul3A_32 = arith.constant 640 : i32
    %mul3A_33 = arith.muli %arg1, %mul3A_32 : i32
    %add3A_34 = arith.constant 240 : i32
    %add3A_35 = arith.addi %mul3A_33, %add3A_34 : i32
    %dma_start3A_36 = arith.constant 0 : i32
    %dma_start3A_37 = tpu.memref_slice %arg9[%add3A_35, %dma_start3A_36] : memref<10240x128xf32, #tpu.memory_space<vmem_shared>> -> memref<80x128xf32, #tpu.memory_space<vmem_shared>>
    %dma_start3A_38 = arith.constant 0 : i32
    %dma_start3A_39 = tpu.memref_slice %arg9[%add3A_35, %dma_start3A_38] : memref<10240x128xf32, #tpu.memory_space<vmem_shared>> -> memref<80x128xf32, #tpu.memory_space<vmem_shared>>
    tpu.enqueue_dma source(%arg7 : memref<80x128xf32, #tpu.memory_space<vmem>>) target(%dma_start3A_39 : memref<80x128xf32, #tpu.memory_space<vmem_shared>>) target_semaphore(%arg12 : memref<!tpu.dma_semaphore, #tpu.memory_space<semaphore_mem>>)
    %mul3A_40 = arith.constant 640 : i32
    %mul3A_41 = arith.muli %arg1, %mul3A_40 : i32
    %add3A_42 = arith.constant 320 : i32
    %add3A_43 = arith.addi %mul3A_41, %add3A_42 : i32
    %dma_start3A_44 = arith.constant 0 : i32
    %dma_start3A_45 = tpu.memref_slice %arg9[%add3A_43, %dma_start3A_44] : memref<10240x128xf32, #tpu.memory_space<vmem_shared>> -> memref<80x128xf32, #tpu.memory_space<vmem_shared>>
    %dma_start3A_46 = arith.constant 0 : i32
    %dma_start3A_47 = tpu.memref_slice %arg9[%add3A_43, %dma_start3A_46] : memref<10240x128xf32, #tpu.memory_space<vmem_shared>> -> memref<80x128xf32, #tpu.memory_space<vmem_shared>>
    tpu.enqueue_dma source(%arg7 : memref<80x128xf32, #tpu.memory_space<vmem>>) target(%dma_start3A_47 : memref<80x128xf32, #tpu.memory_space<vmem_shared>>) target_semaphore(%arg12 : memref<!tpu.dma_semaphore, #tpu.memory_space<semaphore_mem>>)
    %mul3A_48 = arith.constant 640 : i32
    %mul3A_49 = arith.muli %arg1, %mul3A_48 : i32
    %add3A_50 = arith.constant 400 : i32
    %add3A_51 = arith.addi %mul3A_49, %add3A_50 : i32
    %dma_start3A_52 = arith.constant 0 : i32
    %dma_start3A_53 = tpu.memref_slice %arg9[%add3A_51, %dma_start3A_52] : memref<10240x128xf32, #tpu.memory_space<vmem_shared>> -> memref<80x128xf32, #tpu.memory_space<vmem_shared>>
    %dma_start3A_54 = arith.constant 0 : i32
    %dma_start3A_55 = tpu.memref_slice %arg9[%add3A_51, %dma_start3A_54] : memref<10240x128xf32, #tpu.memory_space<vmem_shared>> -> memref<80x128xf32, #tpu.memory_space<vmem_shared>>
    tpu.enqueue_dma source(%arg7 : memref<80x128xf32, #tpu.memory_space<vmem>>) target(%dma_start3A_55 : memref<80x128xf32, #tpu.memory_space<vmem_shared>>) target_semaphore(%arg12 : memref<!tpu.dma_semaphore, #tpu.memory_space<semaphore_mem>>)
    %mul3A_56 = arith.constant 640 : i32
    %mul3A_57 = arith.muli %arg1, %mul3A_56 : i32
    %add3A_58 = arith.constant 480 : i32
    %add3A_59 = arith.addi %mul3A_57, %add3A_58 : i32
    %dma_start3A_60 = arith.constant 0 : i32
    %dma_start3A_61 = tpu.memref_slice %arg9[%add3A_59, %dma_start3A_60] : memref<10240x128xf32, #tpu.memory_space<vmem_shared>> -> memref<80x128xf32, #tpu.memory_space<vmem_shared>>
    %dma_start3A_62 = arith.constant 0 : i32
    %dma_start3A_63 = tpu.memref_slice %arg9[%add3A_59, %dma_start3A_62] : memref<10240x128xf32, #tpu.memory_space<vmem_shared>> -> memref<80x128xf32, #tpu.memory_space<vmem_shared>>
    tpu.enqueue_dma source(%arg7 : memref<80x128xf32, #tpu.memory_space<vmem>>) target(%dma_start3A_63 : memref<80x128xf32, #tpu.memory_space<vmem_shared>>) target_semaphore(%arg12 : memref<!tpu.dma_semaphore, #tpu.memory_space<semaphore_mem>>)
    %mul3A_64 = arith.constant 640 : i32
    %mul3A_65 = arith.muli %arg1, %mul3A_64 : i32
    %add3A_66 = arith.constant 560 : i32
    %add3A_67 = arith.addi %mul3A_65, %add3A_66 : i32
    %dma_start3A_68 = arith.constant 0 : i32
    %dma_start3A_69 = tpu.memref_slice %arg9[%add3A_67, %dma_start3A_68] : memref<10240x128xf32, #tpu.memory_space<vmem_shared>> -> memref<80x128xf32, #tpu.memory_space<vmem_shared>>
    %dma_start3A_70 = arith.constant 0 : i32
    %dma_start3A_71 = tpu.memref_slice %arg9[%add3A_67, %dma_start3A_70] : memref<10240x128xf32, #tpu.memory_space<vmem_shared>> -> memref<80x128xf32, #tpu.memory_space<vmem_shared>>
    tpu.enqueue_dma source(%arg7 : memref<80x128xf32, #tpu.memory_space<vmem>>) target(%dma_start3A_71 : memref<80x128xf32, #tpu.memory_space<vmem_shared>>) target_semaphore(%arg12 : memref<!tpu.dma_semaphore, #tpu.memory_space<semaphore_mem>>)
    %dma_wait3A = arith.constant 0 : i32
    %dma_wait3A_72 = tpu.memref_slice %arg9[%add3A_12, %dma_wait3A] : memref<10240x128xf32, #tpu.memory_space<vmem_shared>> -> memref<80x128xf32, #tpu.memory_space<vmem_shared>>
    %dma_wait3A_73 = arith.constant 0 : i32
    %dma_wait3A_74 = tpu.memref_slice %arg9[%add3A_12, %dma_wait3A_73] : memref<10240x128xf32, #tpu.memory_space<vmem_shared>> -> memref<80x128xf32, #tpu.memory_space<vmem_shared>>
    tpu.wait_dma2 semaphore(%arg12 : memref<!tpu.dma_semaphore, #tpu.memory_space<semaphore_mem>>) src(%arg7 : memref<80x128xf32, #tpu.memory_space<vmem>>) dst(%dma_wait3A_74 : memref<80x128xf32, #tpu.memory_space<vmem_shared>>)
    %dma_wait3A_75 = arith.constant 0 : i32
    %dma_wait3A_76 = tpu.memref_slice %arg9[%add3A_19, %dma_wait3A_75] : memref<10240x128xf32, #tpu.memory_space<vmem_shared>> -> memref<80x128xf32, #tpu.memory_space<vmem_shared>>
    %dma_wait3A_77 = arith.constant 0 : i32
    %dma_wait3A_78 = tpu.memref_slice %arg9[%add3A_19, %dma_wait3A_77] : memref<10240x128xf32, #tpu.memory_space<vmem_shared>> -> memref<80x128xf32, #tpu.memory_space<vmem_shared>>
    tpu.wait_dma2 semaphore(%arg12 : memref<!tpu.dma_semaphore, #tpu.memory_space<semaphore_mem>>) src(%arg7 : memref<80x128xf32, #tpu.memory_space<vmem>>) dst(%dma_wait3A_78 : memref<80x128xf32, #tpu.memory_space<vmem_shared>>)
    %dma_wait3A_79 = arith.constant 0 : i32
    %dma_wait3A_80 = tpu.memref_slice %arg9[%add3A_27, %dma_wait3A_79] : memref<10240x128xf32, #tpu.memory_space<vmem_shared>> -> memref<80x128xf32, #tpu.memory_space<vmem_shared>>
    %dma_wait3A_81 = arith.constant 0 : i32
    %dma_wait3A_82 = tpu.memref_slice %arg9[%add3A_27, %dma_wait3A_81] : memref<10240x128xf32, #tpu.memory_space<vmem_shared>> -> memref<80x128xf32, #tpu.memory_space<vmem_shared>>
    tpu.wait_dma2 semaphore(%arg12 : memref<!tpu.dma_semaphore, #tpu.memory_space<semaphore_mem>>) src(%arg7 : memref<80x128xf32, #tpu.memory_space<vmem>>) dst(%dma_wait3A_82 : memref<80x128xf32, #tpu.memory_space<vmem_shared>>)
    %dma_wait3A_83 = arith.constant 0 : i32
    %dma_wait3A_84 = tpu.memref_slice %arg9[%add3A_35, %dma_wait3A_83] : memref<10240x128xf32, #tpu.memory_space<vmem_shared>> -> memref<80x128xf32, #tpu.memory_space<vmem_shared>>
    %dma_wait3A_85 = arith.constant 0 : i32
    %dma_wait3A_86 = tpu.memref_slice %arg9[%add3A_35, %dma_wait3A_85] : memref<10240x128xf32, #tpu.memory_space<vmem_shared>> -> memref<80x128xf32, #tpu.memory_space<vmem_shared>>
    tpu.wait_dma2 semaphore(%arg12 : memref<!tpu.dma_semaphore, #tpu.memory_space<semaphore_mem>>) src(%arg7 : memref<80x128xf32, #tpu.memory_space<vmem>>) dst(%dma_wait3A_86 : memref<80x128xf32, #tpu.memory_space<vmem_shared>>)
    %dma_wait3A_87 = arith.constant 0 : i32
    %dma_wait3A_88 = tpu.memref_slice %arg9[%add3A_43, %dma_wait3A_87] : memref<10240x128xf32, #tpu.memory_space<vmem_shared>> -> memref<80x128xf32, #tpu.memory_space<vmem_shared>>
    %dma_wait3A_89 = arith.constant 0 : i32
    %dma_wait3A_90 = tpu.memref_slice %arg9[%add3A_43, %dma_wait3A_89] : memref<10240x128xf32, #tpu.memory_space<vmem_shared>> -> memref<80x128xf32, #tpu.memory_space<vmem_shared>>
    tpu.wait_dma2 semaphore(%arg12 : memref<!tpu.dma_semaphore, #tpu.memory_space<semaphore_mem>>) src(%arg7 : memref<80x128xf32, #tpu.memory_space<vmem>>) dst(%dma_wait3A_90 : memref<80x128xf32, #tpu.memory_space<vmem_shared>>)
    %dma_wait3A_91 = arith.constant 0 : i32
    %dma_wait3A_92 = tpu.memref_slice %arg9[%add3A_51, %dma_wait3A_91] : memref<10240x128xf32, #tpu.memory_space<vmem_shared>> -> memref<80x128xf32, #tpu.memory_space<vmem_shared>>
    %dma_wait3A_93 = arith.constant 0 : i32
    %dma_wait3A_94 = tpu.memref_slice %arg9[%add3A_51, %dma_wait3A_93] : memref<10240x128xf32, #tpu.memory_space<vmem_shared>> -> memref<80x128xf32, #tpu.memory_space<vmem_shared>>
    tpu.wait_dma2 semaphore(%arg12 : memref<!tpu.dma_semaphore, #tpu.memory_space<semaphore_mem>>) src(%arg7 : memref<80x128xf32, #tpu.memory_space<vmem>>) dst(%dma_wait3A_94 : memref<80x128xf32, #tpu.memory_space<vmem_shared>>)
    %dma_wait3A_95 = arith.constant 0 : i32
    %dma_wait3A_96 = tpu.memref_slice %arg9[%add3A_59, %dma_wait3A_95] : memref<10240x128xf32, #tpu.memory_space<vmem_shared>> -> memref<80x128xf32, #tpu.memory_space<vmem_shared>>
    %dma_wait3A_97 = arith.constant 0 : i32
    %dma_wait3A_98 = tpu.memref_slice %arg9[%add3A_59, %dma_wait3A_97] : memref<10240x128xf32, #tpu.memory_space<vmem_shared>> -> memref<80x128xf32, #tpu.memory_space<vmem_shared>>
    tpu.wait_dma2 semaphore(%arg12 : memref<!tpu.dma_semaphore, #tpu.memory_space<semaphore_mem>>) src(%arg7 : memref<80x128xf32, #tpu.memory_space<vmem>>) dst(%dma_wait3A_98 : memref<80x128xf32, #tpu.memory_space<vmem_shared>>)
    %dma_wait3A_99 = arith.constant 0 : i32
    %dma_wait3A_100 = tpu.memref_slice %arg9[%add3A_67, %dma_wait3A_99] : memref<10240x128xf32, #tpu.memory_space<vmem_shared>> -> memref<80x128xf32, #tpu.memory_space<vmem_shared>>
    %dma_wait3A_101 = arith.constant 0 : i32
    %dma_wait3A_102 = tpu.memref_slice %arg9[%add3A_67, %dma_wait3A_101] : memref<10240x128xf32, #tpu.memory_space<vmem_shared>> -> memref<80x128xf32, #tpu.memory_space<vmem_shared>>
    tpu.wait_dma2 semaphore(%arg12 : memref<!tpu.dma_semaphore, #tpu.memory_space<semaphore_mem>>) src(%arg7 : memref<80x128xf32, #tpu.memory_space<vmem>>) dst(%dma_wait3A_102 : memref<80x128xf32, #tpu.memory_space<vmem_shared>>)
    %barrier3A = arith.constant 0 : index
    tpu.barrier barrier_id(%barrier3A)
    %add3A_103 = arith.constant 0 : i32
    %add3A_104 = arith.addi %mul3A_2, %add3A_103 : i32
    %multiple_of3A = tpu.assume_multiple %add3A_104, 80 : i32
    %add3A_105 = arith.constant 0 : i32
    %add3A_106 = arith.addi %multiple_of3A, %add3A_105 : i32
    %dma_start3A_107 = arith.constant 0 : i32
    %dma_start3A_108 = arith.constant 0 : i32
    %dma_start3A_109 = tpu.memref_slice %arg5[%dma_start3A_107, %dma_start3A_108] : memref<1x80xi32, #tpu.memory_space<vmem>> -> memref<1x80xi32, #tpu.memory_space<vmem>>
    %dma_start3A_110 = tpu.memref_squeeze %dma_start3A_109 : memref<1x80xi32, #tpu.memory_space<vmem>> -> memref<80xi32, #tpu.memory_space<vmem>>
    %dma_start3A_111 = tpu.memref_slice %arg3[%add3A_106] : memref<320000xi32, #tpu.memory_space<hbm>> -> memref<80xi32, #tpu.memory_space<hbm>>
    %dma_start3A_112 = arith.constant 0 : i32
    %dma_start3A_113 = tpu.memref_slice %arg5[%dma_start3A_107, %dma_start3A_112] : memref<1x80xi32, #tpu.memory_space<vmem>> -> memref<1x80xi32, #tpu.memory_space<vmem>>
    %dma_start3A_114 = tpu.memref_squeeze %dma_start3A_113 : memref<1x80xi32, #tpu.memory_space<vmem>> -> memref<80xi32, #tpu.memory_space<vmem>>
    %dma_start3A_115 = tpu.memref_slice %arg3[%add3A_106] : memref<320000xi32, #tpu.memory_space<hbm>> -> memref<80xi32, #tpu.memory_space<hbm>>
    tpu.enqueue_dma source(%dma_start3A_115 : memref<80xi32, #tpu.memory_space<hbm>>) target(%dma_start3A_114 : memref<80xi32, #tpu.memory_space<vmem>>) target_semaphore(%arg10 : memref<!tpu.dma_semaphore, #tpu.memory_space<semaphore_mem>>)
    %dma_start3A_116 = arith.constant 0 : i32
    %dma_start3A_117 = tpu.memref_slice %arg2[%multiple_of3A, %dma_start3A_116] : memref<320000x128xf32, #tpu.memory_space<hbm>> -> memref<80x128xf32, #tpu.memory_space<hbm>>
    %dma_start3A_118 = arith.constant 0 : i32
    %dma_start3A_119 = tpu.memref_slice %arg2[%multiple_of3A, %dma_start3A_118] : memref<320000x128xf32, #tpu.memory_space<hbm>> -> memref<80x128xf32, #tpu.memory_space<hbm>>
    tpu.enqueue_dma source(%dma_start3A_119 : memref<80x128xf32, #tpu.memory_space<hbm>>) target(%arg7 : memref<80x128xf32, #tpu.memory_space<vmem>>) target_semaphore(%arg10 : memref<!tpu.dma_semaphore, #tpu.memory_space<semaphore_mem>>)
    %scan3A_120 = arith.constant 0 : i32
    %scan3A_121 = arith.constant 0 : i32
    %scan3A_122 = arith.constant 62 : i32
    %scan3A_123 = arith.addi %scan3A_121, %scan3A_122 : i32
    %scan3A_124 = arith.constant 1 : i32
    scf.for %scan3A_230 = %scan3A_121 to %scan3A_123 step %scan3A_124  : i32 {
      %mul3A_231 = arith.constant 2 : i32
      %mul3A_232 = arith.muli %mul3A_231, %scan3A_230 : i32
      %add3A_233 = arith.constant 1 : i32
      %add3A_234 = arith.addi %mul3A_232, %add3A_233 : i32
      %mul3A_235 = arith.constant 80 : i32
      %mul3A_236 = arith.muli %add3A_234, %mul3A_235 : i32
      %add3A_237 = arith.addi %mul3A_2, %mul3A_236 : i32
      %multiple_of3A_238 = tpu.assume_multiple %add3A_237, 80 : i32
      %add3A_239 = arith.constant 0 : i32
      %add3A_240 = arith.addi %multiple_of3A_238, %add3A_239 : i32
      %dma_start3A_241 = arith.constant 0 : i32
      %dma_start3A_242 = arith.constant 0 : i32
      %dma_start3A_243 = tpu.memref_slice %arg6[%dma_start3A_241, %dma_start3A_242] : memref<1x80xi32, #tpu.memory_space<vmem>> -> memref<1x80xi32, #tpu.memory_space<vmem>>
      %dma_start3A_244 = tpu.memref_squeeze %dma_start3A_243 : memref<1x80xi32, #tpu.memory_space<vmem>> -> memref<80xi32, #tpu.memory_space<vmem>>
      %dma_start3A_245 = tpu.memref_slice %arg3[%add3A_240] : memref<320000xi32, #tpu.memory_space<hbm>> -> memref<80xi32, #tpu.memory_space<hbm>>
      %dma_start3A_246 = arith.constant 0 : i32
      %dma_start3A_247 = tpu.memref_slice %arg6[%dma_start3A_241, %dma_start3A_246] : memref<1x80xi32, #tpu.memory_space<vmem>> -> memref<1x80xi32, #tpu.memory_space<vmem>>
      %dma_start3A_248 = tpu.memref_squeeze %dma_start3A_247 : memref<1x80xi32, #tpu.memory_space<vmem>> -> memref<80xi32, #tpu.memory_space<vmem>>
      %dma_start3A_249 = tpu.memref_slice %arg3[%add3A_240] : memref<320000xi32, #tpu.memory_space<hbm>> -> memref<80xi32, #tpu.memory_space<hbm>>
      tpu.enqueue_dma source(%dma_start3A_249 : memref<80xi32, #tpu.memory_space<hbm>>) target(%dma_start3A_248 : memref<80xi32, #tpu.memory_space<vmem>>) target_semaphore(%arg11 : memref<!tpu.dma_semaphore, #tpu.memory_space<semaphore_mem>>)
      %dma_start3A_250 = arith.constant 0 : i32
      %dma_start3A_251 = tpu.memref_slice %arg2[%multiple_of3A_238, %dma_start3A_250] : memref<320000x128xf32, #tpu.memory_space<hbm>> -> memref<80x128xf32, #tpu.memory_space<hbm>>
      %dma_start3A_252 = arith.constant 0 : i32
      %dma_start3A_253 = tpu.memref_slice %arg2[%multiple_of3A_238, %dma_start3A_252] : memref<320000x128xf32, #tpu.memory_space<hbm>> -> memref<80x128xf32, #tpu.memory_space<hbm>>
      tpu.enqueue_dma source(%dma_start3A_253 : memref<80x128xf32, #tpu.memory_space<hbm>>) target(%arg8 : memref<80x128xf32, #tpu.memory_space<vmem>>) target_semaphore(%arg11 : memref<!tpu.dma_semaphore, #tpu.memory_space<semaphore_mem>>)
      %dma_wait3A_254 = arith.constant 0 : i32
      %dma_wait3A_255 = arith.constant 0 : i32
      %dma_wait3A_256 = tpu.memref_slice %arg5[%dma_wait3A_254, %dma_wait3A_255] : memref<1x80xi32, #tpu.memory_space<vmem>> -> memref<1x80xi32, #tpu.memory_space<vmem>>
      %dma_wait3A_257 = tpu.memref_squeeze %dma_wait3A_256 : memref<1x80xi32, #tpu.memory_space<vmem>> -> memref<80xi32, #tpu.memory_space<vmem>>
      %dma_wait3A_258 = tpu.memref_slice %arg3[%mul3A_2] : memref<320000xi32, #tpu.memory_space<hbm>> -> memref<80xi32, #tpu.memory_space<hbm>>
      %dma_wait3A_259 = arith.constant 0 : i32
      %dma_wait3A_260 = tpu.memref_slice %arg5[%dma_wait3A_254, %dma_wait3A_259] : memref<1x80xi32, #tpu.memory_space<vmem>> -> memref<1x80xi32, #tpu.memory_space<vmem>>
      %dma_wait3A_261 = tpu.memref_squeeze %dma_wait3A_260 : memref<1x80xi32, #tpu.memory_space<vmem>> -> memref<80xi32, #tpu.memory_space<vmem>>
      %dma_wait3A_262 = tpu.memref_slice %arg3[%mul3A_2] : memref<320000xi32, #tpu.memory_space<hbm>> -> memref<80xi32, #tpu.memory_space<hbm>>
      tpu.wait_dma2 semaphore(%arg10 : memref<!tpu.dma_semaphore, #tpu.memory_space<semaphore_mem>>) src(%dma_wait3A_262 : memref<80xi32, #tpu.memory_space<hbm>>) dst(%dma_wait3A_261 : memref<80xi32, #tpu.memory_space<vmem>>)
      %dma_wait3A_263 = arith.constant 0 : i32
      %dma_wait3A_264 = tpu.memref_slice %arg2[%mul3A_2, %dma_wait3A_263] : memref<320000x128xf32, #tpu.memory_space<hbm>> -> memref<80x128xf32, #tpu.memory_space<hbm>>
      %dma_wait3A_265 = arith.constant 0 : i32
      %dma_wait3A_266 = tpu.memref_slice %arg2[%mul3A_2, %dma_wait3A_265] : memref<320000x128xf32, #tpu.memory_space<hbm>> -> memref<80x128xf32, #tpu.memory_space<hbm>>
      tpu.wait_dma2 semaphore(%arg10 : memref<!tpu.dma_semaphore, #tpu.memory_space<semaphore_mem>>) src(%dma_wait3A_266 : memref<80x128xf32, #tpu.memory_space<hbm>>) dst(%arg7 : memref<80x128xf32, #tpu.memory_space<vmem>>)
      %dma_start3A_267 = arith.constant 0 : i32
      %dma_start3A_268 = arith.constant 0 : i32
      %dma_start3A_269 = arith.constant 0 : i32
      %dma_start3A_270 = tpu.memref_slice %arg7[%dma_start3A_268, %dma_start3A_269] : memref<80x128xf32, #tpu.memory_space<vmem>> -> memref<80x128xf32, #tpu.memory_space<vmem>>
      %dma_start3A_271 = arith.constant 0 : i32
      %dma_start3A_272 = tpu.memref_slice %arg5[%dma_start3A_267, %dma_start3A_271] : memref<1x80xi32, #tpu.memory_space<vmem>> -> memref<1x80xi32, #tpu.memory_space<vmem>>
      %dma_start3A_273 = tpu.memref_squeeze %dma_start3A_272 : memref<1x80xi32, #tpu.memory_space<vmem>> -> memref<80xi32, #tpu.memory_space<vmem>>
      %dma_start3A_274 = arith.constant 0 : i32
      %dma_start3A_275 = arith.constant 0 : i32
      %dma_start3A_276 = tpu.memref_slice %arg9[%dma_start3A_274, %dma_start3A_275] : memref<10240x128xf32, #tpu.memory_space<vmem_shared>> -> memref<10240x128xf32, #tpu.memory_space<vmem_shared>>
      tpu.enqueue_indirect_dma source(%dma_start3A_270 : memref<80x128xf32, #tpu.memory_space<vmem>>) target(%dma_start3A_276 : memref<10240x128xf32, #tpu.memory_space<vmem_shared>>) offsets(%dma_start3A_273 : memref<80xi32, #tpu.memory_space<vmem>>) semaphore(%arg12 : memref<!tpu.dma_semaphore, #tpu.memory_space<semaphore_mem>>) {add = true}
      %dma_wait3A_277 = arith.constant 0 : i32
      %dma_wait3A_278 = arith.constant 0 : i32
      %dma_wait3A_279 = arith.constant 0 : i32
      %dma_wait3A_280 = tpu.memref_slice %arg7[%dma_wait3A_278, %dma_wait3A_279] : memref<80x128xf32, #tpu.memory_space<vmem>> -> memref<80x128xf32, #tpu.memory_space<vmem>>
      %dma_wait3A_281 = arith.constant 0 : i32
      %dma_wait3A_282 = tpu.memref_slice %arg5[%dma_wait3A_277, %dma_wait3A_281] : memref<1x80xi32, #tpu.memory_space<vmem>> -> memref<1x80xi32, #tpu.memory_space<vmem>>
      %dma_wait3A_283 = tpu.memref_squeeze %dma_wait3A_282 : memref<1x80xi32, #tpu.memory_space<vmem>> -> memref<80xi32, #tpu.memory_space<vmem>>
      %dma_wait3A_284 = arith.constant 0 : i32
      %dma_wait3A_285 = arith.constant 0 : i32
      %dma_wait3A_286 = tpu.memref_slice %arg9[%dma_wait3A_284, %dma_wait3A_285] : memref<10240x128xf32, #tpu.memory_space<vmem_shared>> -> memref<10240x128xf32, #tpu.memory_space<vmem_shared>>
      tpu.wait_indirect_dma semaphore(%arg12 : memref<!tpu.dma_semaphore, #tpu.memory_space<semaphore_mem>>) src(%dma_wait3A_280 : memref<80x128xf32, #tpu.memory_space<vmem>>) dst(%dma_wait3A_286 : memref<10240x128xf32, #tpu.memory_space<vmem_shared>>)
      %mul3A_287 = arith.constant 2 : i32
      %mul3A_288 = arith.muli %mul3A_287, %scan3A_230 : i32
      %add3A_289 = arith.constant 2 : i32
      %add3A_290 = arith.addi %mul3A_288, %add3A_289 : i32
      %mul3A_291 = arith.constant 80 : i32
      %mul3A_292 = arith.muli %add3A_290, %mul3A_291 : i32
      %add3A_293 = arith.addi %mul3A_2, %mul3A_292 : i32
      %multiple_of3A_294 = tpu.assume_multiple %add3A_293, 80 : i32
      %add3A_295 = arith.constant 0 : i32
      %add3A_296 = arith.addi %multiple_of3A_294, %add3A_295 : i32
      %dma_start3A_297 = arith.constant 0 : i32
      %dma_start3A_298 = arith.constant 0 : i32
      %dma_start3A_299 = tpu.memref_slice %arg5[%dma_start3A_297, %dma_start3A_298] : memref<1x80xi32, #tpu.memory_space<vmem>> -> memref<1x80xi32, #tpu.memory_space<vmem>>
      %dma_start3A_300 = tpu.memref_squeeze %dma_start3A_299 : memref<1x80xi32, #tpu.memory_space<vmem>> -> memref<80xi32, #tpu.memory_space<vmem>>
      %dma_start3A_301 = tpu.memref_slice %arg3[%add3A_296] : memref<320000xi32, #tpu.memory_space<hbm>> -> memref<80xi32, #tpu.memory_space<hbm>>
      %dma_start3A_302 = arith.constant 0 : i32
      %dma_start3A_303 = tpu.memref_slice %arg5[%dma_start3A_297, %dma_start3A_302] : memref<1x80xi32, #tpu.memory_space<vmem>> -> memref<1x80xi32, #tpu.memory_space<vmem>>
      %dma_start3A_304 = tpu.memref_squeeze %dma_start3A_303 : memref<1x80xi32, #tpu.memory_space<vmem>> -> memref<80xi32, #tpu.memory_space<vmem>>
      %dma_start3A_305 = tpu.memref_slice %arg3[%add3A_296] : memref<320000xi32, #tpu.memory_space<hbm>> -> memref<80xi32, #tpu.memory_space<hbm>>
      tpu.enqueue_dma source(%dma_start3A_305 : memref<80xi32, #tpu.memory_space<hbm>>) target(%dma_start3A_304 : memref<80xi32, #tpu.memory_space<vmem>>) target_semaphore(%arg10 : memref<!tpu.dma_semaphore, #tpu.memory_space<semaphore_mem>>)
      %dma_start3A_306 = arith.constant 0 : i32
      %dma_start3A_307 = tpu.memref_slice %arg2[%multiple_of3A_294, %dma_start3A_306] : memref<320000x128xf32, #tpu.memory_space<hbm>> -> memref<80x128xf32, #tpu.memory_space<hbm>>
      %dma_start3A_308 = arith.constant 0 : i32
      %dma_start3A_309 = tpu.memref_slice %arg2[%multiple_of3A_294, %dma_start3A_308] : memref<320000x128xf32, #tpu.memory_space<hbm>> -> memref<80x128xf32, #tpu.memory_space<hbm>>
      tpu.enqueue_dma source(%dma_start3A_309 : memref<80x128xf32, #tpu.memory_space<hbm>>) target(%arg7 : memref<80x128xf32, #tpu.memory_space<vmem>>) target_semaphore(%arg10 : memref<!tpu.dma_semaphore, #tpu.memory_space<semaphore_mem>>)
      %dma_wait3A_310 = arith.constant 0 : i32
      %dma_wait3A_311 = arith.constant 0 : i32
      %dma_wait3A_312 = tpu.memref_slice %arg6[%dma_wait3A_310, %dma_wait3A_311] : memref<1x80xi32, #tpu.memory_space<vmem>> -> memref<1x80xi32, #tpu.memory_space<vmem>>
      %dma_wait3A_313 = tpu.memref_squeeze %dma_wait3A_312 : memref<1x80xi32, #tpu.memory_space<vmem>> -> memref<80xi32, #tpu.memory_space<vmem>>
      %dma_wait3A_314 = tpu.memref_slice %arg3[%mul3A_2] : memref<320000xi32, #tpu.memory_space<hbm>> -> memref<80xi32, #tpu.memory_space<hbm>>
      %dma_wait3A_315 = arith.constant 0 : i32
      %dma_wait3A_316 = tpu.memref_slice %arg6[%dma_wait3A_310, %dma_wait3A_315] : memref<1x80xi32, #tpu.memory_space<vmem>> -> memref<1x80xi32, #tpu.memory_space<vmem>>
      %dma_wait3A_317 = tpu.memref_squeeze %dma_wait3A_316 : memref<1x80xi32, #tpu.memory_space<vmem>> -> memref<80xi32, #tpu.memory_space<vmem>>
      %dma_wait3A_318 = tpu.memref_slice %arg3[%mul3A_2] : memref<320000xi32, #tpu.memory_space<hbm>> -> memref<80xi32, #tpu.memory_space<hbm>>
      tpu.wait_dma2 semaphore(%arg11 : memref<!tpu.dma_semaphore, #tpu.memory_space<semaphore_mem>>) src(%dma_wait3A_318 : memref<80xi32, #tpu.memory_space<hbm>>) dst(%dma_wait3A_317 : memref<80xi32, #tpu.memory_space<vmem>>)
      %dma_wait3A_319 = arith.constant 0 : i32
      %dma_wait3A_320 = tpu.memref_slice %arg2[%mul3A_2, %dma_wait3A_319] : memref<320000x128xf32, #tpu.memory_space<hbm>> -> memref<80x128xf32, #tpu.memory_space<hbm>>
      %dma_wait3A_321 = arith.constant 0 : i32
      %dma_wait3A_322 = tpu.memref_slice %arg2[%mul3A_2, %dma_wait3A_321] : memref<320000x128xf32, #tpu.memory_space<hbm>> -> memref<80x128xf32, #tpu.memory_space<hbm>>
      tpu.wait_dma2 semaphore(%arg11 : memref<!tpu.dma_semaphore, #tpu.memory_space<semaphore_mem>>) src(%dma_wait3A_322 : memref<80x128xf32, #tpu.memory_space<hbm>>) dst(%arg8 : memref<80x128xf32, #tpu.memory_space<vmem>>)
      %dma_start3A_323 = arith.constant 0 : i32
      %dma_start3A_324 = arith.constant 0 : i32
      %dma_start3A_325 = arith.constant 0 : i32
      %dma_start3A_326 = tpu.memref_slice %arg8[%dma_start3A_324, %dma_start3A_325] : memref<80x128xf32, #tpu.memory_space<vmem>> -> memref<80x128xf32, #tpu.memory_space<vmem>>
      %dma_start3A_327 = arith.constant 0 : i32
      %dma_start3A_328 = tpu.memref_slice %arg6[%dma_start3A_323, %dma_start3A_327] : memref<1x80xi32, #tpu.memory_space<vmem>> -> memref<1x80xi32, #tpu.memory_space<vmem>>
      %dma_start3A_329 = tpu.memref_squeeze %dma_start3A_328 : memref<1x80xi32, #tpu.memory_space<vmem>> -> memref<80xi32, #tpu.memory_space<vmem>>
      %dma_start3A_330 = arith.constant 0 : i32
      %dma_start3A_331 = arith.constant 0 : i32
      %dma_start3A_332 = tpu.memref_slice %arg9[%dma_start3A_330, %dma_start3A_331] : memref<10240x128xf32, #tpu.memory_space<vmem_shared>> -> memref<10240x128xf32, #tpu.memory_space<vmem_shared>>
      tpu.enqueue_indirect_dma source(%dma_start3A_326 : memref<80x128xf32, #tpu.memory_space<vmem>>) target(%dma_start3A_332 : memref<10240x128xf32, #tpu.memory_space<vmem_shared>>) offsets(%dma_start3A_329 : memref<80xi32, #tpu.memory_space<vmem>>) semaphore(%arg12 : memref<!tpu.dma_semaphore, #tpu.memory_space<semaphore_mem>>) {add = true}
      %dma_wait3A_333 = arith.constant 0 : i32
      %dma_wait3A_334 = arith.constant 0 : i32
      %dma_wait3A_335 = arith.constant 0 : i32
      %dma_wait3A_336 = tpu.memref_slice %arg8[%dma_wait3A_334, %dma_wait3A_335] : memref<80x128xf32, #tpu.memory_space<vmem>> -> memref<80x128xf32, #tpu.memory_space<vmem>>
      %dma_wait3A_337 = arith.constant 0 : i32
      %dma_wait3A_338 = tpu.memref_slice %arg6[%dma_wait3A_333, %dma_wait3A_337] : memref<1x80xi32, #tpu.memory_space<vmem>> -> memref<1x80xi32, #tpu.memory_space<vmem>>
      %dma_wait3A_339 = tpu.memref_squeeze %dma_wait3A_338 : memref<1x80xi32, #tpu.memory_space<vmem>> -> memref<80xi32, #tpu.memory_space<vmem>>
      %dma_wait3A_340 = arith.constant 0 : i32
      %dma_wait3A_341 = arith.constant 0 : i32
      %dma_wait3A_342 = tpu.memref_slice %arg9[%dma_wait3A_340, %dma_wait3A_341] : memref<10240x128xf32, #tpu.memory_space<vmem_shared>> -> memref<10240x128xf32, #tpu.memory_space<vmem_shared>>
      tpu.wait_indirect_dma semaphore(%arg12 : memref<!tpu.dma_semaphore, #tpu.memory_space<semaphore_mem>>) src(%dma_wait3A_336 : memref<80x128xf32, #tpu.memory_space<vmem>>) dst(%dma_wait3A_342 : memref<10240x128xf32, #tpu.memory_space<vmem_shared>>)
    }
    %scan3A_125 = arith.constant 62 : i32
    %dma_wait3A_126 = arith.constant 0 : i32
    %dma_wait3A_127 = arith.constant 0 : i32
    %dma_wait3A_128 = tpu.memref_slice %arg5[%dma_wait3A_126, %dma_wait3A_127] : memref<1x80xi32, #tpu.memory_space<vmem>> -> memref<1x80xi32, #tpu.memory_space<vmem>>
    %dma_wait3A_129 = tpu.memref_squeeze %dma_wait3A_128 : memref<1x80xi32, #tpu.memory_space<vmem>> -> memref<80xi32, #tpu.memory_space<vmem>>
    %dma_wait3A_130 = tpu.memref_slice %arg3[%mul3A_2] : memref<320000xi32, #tpu.memory_space<hbm>> -> memref<80xi32, #tpu.memory_space<hbm>>
    %dma_wait3A_131 = arith.constant 0 : i32
    %dma_wait3A_132 = tpu.memref_slice %arg5[%dma_wait3A_126, %dma_wait3A_131] : memref<1x80xi32, #tpu.memory_space<vmem>> -> memref<1x80xi32, #tpu.memory_space<vmem>>
    %dma_wait3A_133 = tpu.memref_squeeze %dma_wait3A_132 : memref<1x80xi32, #tpu.memory_space<vmem>> -> memref<80xi32, #tpu.memory_space<vmem>>
    %dma_wait3A_134 = tpu.memref_slice %arg3[%mul3A_2] : memref<320000xi32, #tpu.memory_space<hbm>> -> memref<80xi32, #tpu.memory_space<hbm>>
    tpu.wait_dma2 semaphore(%arg10 : memref<!tpu.dma_semaphore, #tpu.memory_space<semaphore_mem>>) src(%dma_wait3A_134 : memref<80xi32, #tpu.memory_space<hbm>>) dst(%dma_wait3A_133 : memref<80xi32, #tpu.memory_space<vmem>>)
    %dma_wait3A_135 = arith.constant 0 : i32
    %dma_wait3A_136 = tpu.memref_slice %arg2[%mul3A_2, %dma_wait3A_135] : memref<320000x128xf32, #tpu.memory_space<hbm>> -> memref<80x128xf32, #tpu.memory_space<hbm>>
    %dma_wait3A_137 = arith.constant 0 : i32
    %dma_wait3A_138 = tpu.memref_slice %arg2[%mul3A_2, %dma_wait3A_137] : memref<320000x128xf32, #tpu.memory_space<hbm>> -> memref<80x128xf32, #tpu.memory_space<hbm>>
    tpu.wait_dma2 semaphore(%arg10 : memref<!tpu.dma_semaphore, #tpu.memory_space<semaphore_mem>>) src(%dma_wait3A_138 : memref<80x128xf32, #tpu.memory_space<hbm>>) dst(%arg7 : memref<80x128xf32, #tpu.memory_space<vmem>>)
    %dma_start3A_139 = arith.constant 0 : i32
    %dma_start3A_140 = arith.constant 0 : i32
    %dma_start3A_141 = arith.constant 0 : i32
    %dma_start3A_142 = tpu.memref_slice %arg7[%dma_start3A_140, %dma_start3A_141] : memref<80x128xf32, #tpu.memory_space<vmem>> -> memref<80x128xf32, #tpu.memory_space<vmem>>
    %dma_start3A_143 = arith.constant 0 : i32
    %dma_start3A_144 = tpu.memref_slice %arg5[%dma_start3A_139, %dma_start3A_143] : memref<1x80xi32, #tpu.memory_space<vmem>> -> memref<1x80xi32, #tpu.memory_space<vmem>>
    %dma_start3A_145 = tpu.memref_squeeze %dma_start3A_144 : memref<1x80xi32, #tpu.memory_space<vmem>> -> memref<80xi32, #tpu.memory_space<vmem>>
    %dma_start3A_146 = arith.constant 0 : i32
    %dma_start3A_147 = arith.constant 0 : i32
    %dma_start3A_148 = tpu.memref_slice %arg9[%dma_start3A_146, %dma_start3A_147] : memref<10240x128xf32, #tpu.memory_space<vmem_shared>> -> memref<10240x128xf32, #tpu.memory_space<vmem_shared>>
    tpu.enqueue_indirect_dma source(%dma_start3A_142 : memref<80x128xf32, #tpu.memory_space<vmem>>) target(%dma_start3A_148 : memref<10240x128xf32, #tpu.memory_space<vmem_shared>>) offsets(%dma_start3A_145 : memref<80xi32, #tpu.memory_space<vmem>>) semaphore(%arg12 : memref<!tpu.dma_semaphore, #tpu.memory_space<semaphore_mem>>) {add = true}
    %dma_wait3A_149 = arith.constant 0 : i32
    %dma_wait3A_150 = arith.constant 0 : i32
    %dma_wait3A_151 = arith.constant 0 : i32
    %dma_wait3A_152 = tpu.memref_slice %arg7[%dma_wait3A_150, %dma_wait3A_151] : memref<80x128xf32, #tpu.memory_space<vmem>> -> memref<80x128xf32, #tpu.memory_space<vmem>>
    %dma_wait3A_153 = arith.constant 0 : i32
    %dma_wait3A_154 = tpu.memref_slice %arg5[%dma_wait3A_149, %dma_wait3A_153] : memref<1x80xi32, #tpu.memory_space<vmem>> -> memref<1x80xi32, #tpu.memory_space<vmem>>
    %dma_wait3A_155 = tpu.memref_squeeze %dma_wait3A_154 : memref<1x80xi32, #tpu.memory_space<vmem>> -> memref<80xi32, #tpu.memory_space<vmem>>
    %dma_wait3A_156 = arith.constant 0 : i32
    %dma_wait3A_157 = arith.constant 0 : i32
    %dma_wait3A_158 = tpu.memref_slice %arg9[%dma_wait3A_156, %dma_wait3A_157] : memref<10240x128xf32, #tpu.memory_space<vmem_shared>> -> memref<10240x128xf32, #tpu.memory_space<vmem_shared>>
    tpu.wait_indirect_dma semaphore(%arg12 : memref<!tpu.dma_semaphore, #tpu.memory_space<semaphore_mem>>) src(%dma_wait3A_152 : memref<80x128xf32, #tpu.memory_space<vmem>>) dst(%dma_wait3A_158 : memref<10240x128xf32, #tpu.memory_space<vmem_shared>>)
    %barrier3A_159 = arith.constant 0 : index
    tpu.barrier barrier_id(%barrier3A_159)
    %mul3A_160 = arith.constant 640 : i32
    %mul3A_161 = arith.muli %arg1, %mul3A_160 : i32
    %add3A_162 = arith.constant 0 : i32
    %add3A_163 = arith.addi %mul3A_161, %add3A_162 : i32
    %dma_start3A_164 = arith.constant 0 : i32
    %dma_start3A_165 = tpu.memref_slice %arg4[%arg0, %add3A_163, %dma_start3A_164] : memref<2x10240x128xf32, #tpu.memory_space<hbm>> -> memref<1x128x128xf32, #tpu.memory_space<hbm>>
    %dma_start3A_166 = tpu.memref_squeeze %dma_start3A_165 : memref<1x128x128xf32, #tpu.memory_space<hbm>> -> memref<128x128xf32, #tpu.memory_space<hbm>>
    %dma_start3A_167 = arith.constant 0 : i32
    %dma_start3A_168 = tpu.memref_slice %arg9[%add3A_163, %dma_start3A_167] : memref<10240x128xf32, #tpu.memory_space<vmem_shared>> -> memref<128x128xf32, #tpu.memory_space<vmem_shared>>
    tpu.enqueue_dma source(%dma_start3A_168 : memref<128x128xf32, #tpu.memory_space<vmem_shared>>) target(%dma_start3A_166 : memref<128x128xf32, #tpu.memory_space<hbm>>) target_semaphore(%arg12 : memref<!tpu.dma_semaphore, #tpu.memory_space<semaphore_mem>>)
    %mul3A_169 = arith.constant 640 : i32
    %mul3A_170 = arith.muli %arg1, %mul3A_169 : i32
    %add3A_171 = arith.constant 128 : i32
    %add3A_172 = arith.addi %mul3A_170, %add3A_171 : i32
    %dma_start3A_173 = arith.constant 0 : i32
    %dma_start3A_174 = tpu.memref_slice %arg4[%arg0, %add3A_172, %dma_start3A_173] : memref<2x10240x128xf32, #tpu.memory_space<hbm>> -> memref<1x128x128xf32, #tpu.memory_space<hbm>>
    %dma_start3A_175 = tpu.memref_squeeze %dma_start3A_174 : memref<1x128x128xf32, #tpu.memory_space<hbm>> -> memref<128x128xf32, #tpu.memory_space<hbm>>
    %dma_start3A_176 = arith.constant 0 : i32
    %dma_start3A_177 = tpu.memref_slice %arg9[%add3A_172, %dma_start3A_176] : memref<10240x128xf32, #tpu.memory_space<vmem_shared>> -> memref<128x128xf32, #tpu.memory_space<vmem_shared>>
    tpu.enqueue_dma source(%dma_start3A_177 : memref<128x128xf32, #tpu.memory_space<vmem_shared>>) target(%dma_start3A_175 : memref<128x128xf32, #tpu.memory_space<hbm>>) target_semaphore(%arg12 : memref<!tpu.dma_semaphore, #tpu.memory_space<semaphore_mem>>)
    %mul3A_178 = arith.constant 640 : i32
    %mul3A_179 = arith.muli %arg1, %mul3A_178 : i32
    %add3A_180 = arith.constant 256 : i32
    %add3A_181 = arith.addi %mul3A_179, %add3A_180 : i32
    %dma_start3A_182 = arith.constant 0 : i32
    %dma_start3A_183 = tpu.memref_slice %arg4[%arg0, %add3A_181, %dma_start3A_182] : memref<2x10240x128xf32, #tpu.memory_space<hbm>> -> memref<1x128x128xf32, #tpu.memory_space<hbm>>
    %dma_start3A_184 = tpu.memref_squeeze %dma_start3A_183 : memref<1x128x128xf32, #tpu.memory_space<hbm>> -> memref<128x128xf32, #tpu.memory_space<hbm>>
    %dma_start3A_185 = arith.constant 0 : i32
    %dma_start3A_186 = tpu.memref_slice %arg9[%add3A_181, %dma_start3A_185] : memref<10240x128xf32, #tpu.memory_space<vmem_shared>> -> memref<128x128xf32, #tpu.memory_space<vmem_shared>>
    tpu.enqueue_dma source(%dma_start3A_186 : memref<128x128xf32, #tpu.memory_space<vmem_shared>>) target(%dma_start3A_184 : memref<128x128xf32, #tpu.memory_space<hbm>>) target_semaphore(%arg12 : memref<!tpu.dma_semaphore, #tpu.memory_space<semaphore_mem>>)
    %mul3A_187 = arith.constant 640 : i32
    %mul3A_188 = arith.muli %arg1, %mul3A_187 : i32
    %add3A_189 = arith.constant 384 : i32
    %add3A_190 = arith.addi %mul3A_188, %add3A_189 : i32
    %dma_start3A_191 = arith.constant 0 : i32
    %dma_start3A_192 = tpu.memref_slice %arg4[%arg0, %add3A_190, %dma_start3A_191] : memref<2x10240x128xf32, #tpu.memory_space<hbm>> -> memref<1x128x128xf32, #tpu.memory_space<hbm>>
    %dma_start3A_193 = tpu.memref_squeeze %dma_start3A_192 : memref<1x128x128xf32, #tpu.memory_space<hbm>> -> memref<128x128xf32, #tpu.memory_space<hbm>>
    %dma_start3A_194 = arith.constant 0 : i32
    %dma_start3A_195 = tpu.memref_slice %arg9[%add3A_190, %dma_start3A_194] : memref<10240x128xf32, #tpu.memory_space<vmem_shared>> -> memref<128x128xf32, #tpu.memory_space<vmem_shared>>
    tpu.enqueue_dma source(%dma_start3A_195 : memref<128x128xf32, #tpu.memory_space<vmem_shared>>) target(%dma_start3A_193 : memref<128x128xf32, #tpu.memory_space<hbm>>) target_semaphore(%arg12 : memref<!tpu.dma_semaphore, #tpu.memory_space<semaphore_mem>>)
    %mul3A_196 = arith.constant 640 : i32
    %mul3A_197 = arith.muli %arg1, %mul3A_196 : i32
    %add3A_198 = arith.constant 512 : i32
    %add3A_199 = arith.addi %mul3A_197, %add3A_198 : i32
    %dma_start3A_200 = arith.constant 0 : i32
    %dma_start3A_201 = tpu.memref_slice %arg4[%arg0, %add3A_199, %dma_start3A_200] : memref<2x10240x128xf32, #tpu.memory_space<hbm>> -> memref<1x128x128xf32, #tpu.memory_space<hbm>>
    %dma_start3A_202 = tpu.memref_squeeze %dma_start3A_201 : memref<1x128x128xf32, #tpu.memory_space<hbm>> -> memref<128x128xf32, #tpu.memory_space<hbm>>
    %dma_start3A_203 = arith.constant 0 : i32
    %dma_start3A_204 = tpu.memref_slice %arg9[%add3A_199, %dma_start3A_203] : memref<10240x128xf32, #tpu.memory_space<vmem_shared>> -> memref<128x128xf32, #tpu.memory_space<vmem_shared>>
    tpu.enqueue_dma source(%dma_start3A_204 : memref<128x128xf32, #tpu.memory_space<vmem_shared>>) target(%dma_start3A_202 : memref<128x128xf32, #tpu.memory_space<hbm>>) target_semaphore(%arg12 : memref<!tpu.dma_semaphore, #tpu.memory_space<semaphore_mem>>)
    %dma_wait3A_205 = arith.constant 0 : i32
    %dma_wait3A_206 = tpu.memref_slice %arg4[%arg0, %add3A_163, %dma_wait3A_205] : memref<2x10240x128xf32, #tpu.memory_space<hbm>> -> memref<1x128x128xf32, #tpu.memory_space<hbm>>
    %dma_wait3A_207 = tpu.memref_squeeze %dma_wait3A_206 : memref<1x128x128xf32, #tpu.memory_space<hbm>> -> memref<128x128xf32, #tpu.memory_space<hbm>>
    %dma_wait3A_208 = arith.constant 0 : i32
    %dma_wait3A_209 = tpu.memref_slice %arg9[%add3A_163, %dma_wait3A_208] : memref<10240x128xf32, #tpu.memory_space<vmem_shared>> -> memref<128x128xf32, #tpu.memory_space<vmem_shared>>
    tpu.wait_dma2 semaphore(%arg12 : memref<!tpu.dma_semaphore, #tpu.memory_space<semaphore_mem>>) src(%dma_wait3A_209 : memref<128x128xf32, #tpu.memory_space<vmem_shared>>) dst(%dma_wait3A_207 : memref<128x128xf32, #tpu.memory_space<hbm>>)
    %dma_wait3A_210 = arith.constant 0 : i32
    %dma_wait3A_211 = tpu.memref_slice %arg4[%arg0, %add3A_172, %dma_wait3A_210] : memref<2x10240x128xf32, #tpu.memory_space<hbm>> -> memref<1x128x128xf32, #tpu.memory_space<hbm>>
    %dma_wait3A_212 = tpu.memref_squeeze %dma_wait3A_211 : memref<1x128x128xf32, #tpu.memory_space<hbm>> -> memref<128x128xf32, #tpu.memory_space<hbm>>
    %dma_wait3A_213 = arith.constant 0 : i32
    %dma_wait3A_214 = tpu.memref_slice %arg9[%add3A_172, %dma_wait3A_213] : memref<10240x128xf32, #tpu.memory_space<vmem_shared>> -> memref<128x128xf32, #tpu.memory_space<vmem_shared>>
    tpu.wait_dma2 semaphore(%arg12 : memref<!tpu.dma_semaphore, #tpu.memory_space<semaphore_mem>>) src(%dma_wait3A_214 : memref<128x128xf32, #tpu.memory_space<vmem_shared>>) dst(%dma_wait3A_212 : memref<128x128xf32, #tpu.memory_space<hbm>>)
    %dma_wait3A_215 = arith.constant 0 : i32
    %dma_wait3A_216 = tpu.memref_slice %arg4[%arg0, %add3A_181, %dma_wait3A_215] : memref<2x10240x128xf32, #tpu.memory_space<hbm>> -> memref<1x128x128xf32, #tpu.memory_space<hbm>>
    %dma_wait3A_217 = tpu.memref_squeeze %dma_wait3A_216 : memref<1x128x128xf32, #tpu.memory_space<hbm>> -> memref<128x128xf32, #tpu.memory_space<hbm>>
    %dma_wait3A_218 = arith.constant 0 : i32
    %dma_wait3A_219 = tpu.memref_slice %arg9[%add3A_181, %dma_wait3A_218] : memref<10240x128xf32, #tpu.memory_space<vmem_shared>> -> memref<128x128xf32, #tpu.memory_space<vmem_shared>>
    tpu.wait_dma2 semaphore(%arg12 : memref<!tpu.dma_semaphore, #tpu.memory_space<semaphore_mem>>) src(%dma_wait3A_219 : memref<128x128xf32, #tpu.memory_space<vmem_shared>>) dst(%dma_wait3A_217 : memref<128x128xf32, #tpu.memory_space<hbm>>)
    %dma_wait3A_220 = arith.constant 0 : i32
    %dma_wait3A_221 = tpu.memref_slice %arg4[%arg0, %add3A_190, %dma_wait3A_220] : memref<2x10240x128xf32, #tpu.memory_space<hbm>> -> memref<1x128x128xf32, #tpu.memory_space<hbm>>
    %dma_wait3A_222 = tpu.memref_squeeze %dma_wait3A_221 : memref<1x128x128xf32, #tpu.memory_space<hbm>> -> memref<128x128xf32, #tpu.memory_space<hbm>>
    %dma_wait3A_223 = arith.constant 0 : i32
    %dma_wait3A_224 = tpu.memref_slice %arg9[%add3A_190, %dma_wait3A_223] : memref<10240x128xf32, #tpu.memory_space<vmem_shared>> -> memref<128x128xf32, #tpu.memory_space<vmem_shared>>
    tpu.wait_dma2 semaphore(%arg12 : memref<!tpu.dma_semaphore, #tpu.memory_space<semaphore_mem>>) src(%dma_wait3A_224 : memref<128x128xf32, #tpu.memory_space<vmem_shared>>) dst(%dma_wait3A_222 : memref<128x128xf32, #tpu.memory_space<hbm>>)
    %dma_wait3A_225 = arith.constant 0 : i32
    %dma_wait3A_226 = tpu.memref_slice %arg4[%arg0, %add3A_199, %dma_wait3A_225] : memref<2x10240x128xf32, #tpu.memory_space<hbm>> -> memref<1x128x128xf32, #tpu.memory_space<hbm>>
    %dma_wait3A_227 = tpu.memref_squeeze %dma_wait3A_226 : memref<1x128x128xf32, #tpu.memory_space<hbm>> -> memref<128x128xf32, #tpu.memory_space<hbm>>
    %dma_wait3A_228 = arith.constant 0 : i32
    %dma_wait3A_229 = tpu.memref_slice %arg9[%add3A_199, %dma_wait3A_228] : memref<10240x128xf32, #tpu.memory_space<vmem_shared>> -> memref<128x128xf32, #tpu.memory_space<vmem_shared>>
    tpu.wait_dma2 semaphore(%arg12 : memref<!tpu.dma_semaphore, #tpu.memory_space<semaphore_mem>>) src(%dma_wait3A_229 : memref<128x128xf32, #tpu.memory_space<vmem_shared>>) dst(%dma_wait3A_227 : memref<128x128xf32, #tpu.memory_space<hbm>>)
    return
  }
}

#map = affine_map<(d0, d1) -> (0, 0)>
#map1 = affine_map<(d0, d1) -> (0)>
module attributes {stable_mosaic.version = 14 : i64} {
  func.func @_sc_gather(%arg0: i32, %arg1: i32, %arg2: memref<10000x128xf32, #tpu.memory_space<hbm>>, %arg3: memref<10000x128xf32, #tpu.memory_space<hbm>>, %arg4: memref<320000xi32, #tpu.memory_space<hbm>>, %arg5: memref<320000xi32, #tpu.memory_space<hbm>>, %arg6: memref<320000x128xf32, #tpu.memory_space<hbm>>, %arg7: memref<32x10240xf32, #tpu.memory_space<hbm>>, %arg8: memref<5x80xi32, #tpu.memory_space<vmem>>, %arg9: memref<5x80xi32, #tpu.memory_space<vmem>>, %arg10: memref<5x80x128xf32, #tpu.memory_space<vmem>>, %arg11: memref<5x80x128xf32, #tpu.memory_space<vmem>>, %arg12: memref<10240xf32, #tpu.memory_space<vmem>>, %arg13: memref<!tpu.dma_semaphore, #tpu.memory_space<semaphore_mem>>, %arg14: memref<!tpu.dma_semaphore, #tpu.memory_space<semaphore_mem>>, %arg15: memref<!tpu.dma_semaphore, #tpu.memory_space<semaphore_mem>>) attributes {dimension_semantics = [#tpu.dimension_semantics<core_parallel>, #tpu.dimension_semantics<subcore_parallel>], iteration_bounds = array<i64: 2, 16>, scalar_prefetch = 0 : i64, scratch_operands = 8 : i64, tpu.core_type = #tpu.core_type<sc_vector_subcore>, window_params = [{transform_indices = #map}, {transform_indices = #map}, {transform_indices = #map1}, {transform_indices = #map1}, {transform_indices = #map}, {transform_indices = #map}]} {
    %mul3A = arith.constant 2 : i32
    %mul3A_0 = arith.muli %arg1, %mul3A : i32
    %add3A = arith.addi %mul3A_0, %arg0 : i32
    %mul3A_1 = arith.constant 10000 : i32
    %mul3A_2 = arith.muli %add3A, %mul3A_1 : i32
    %broadcast_in_dim3A = arith.constant 0.000000e+00 : f32
    %broadcast_in_dim3A_3 = vector.broadcast %broadcast_in_dim3A : f32 to vector<16xf32>
    %broadcast_in_dim3A_4 = arith.constant 1.000000e+00 : f32
    %broadcast_in_dim3A_5 = vector.broadcast %broadcast_in_dim3A_4 : f32 to vector<16xf32>
    %scan3A = arith.constant 0 : i32
    %scan3A_6 = arith.constant 0 : i32
    %scan3A_7 = arith.constant 640 : i32
    %scan3A_8 = arith.addi %scan3A_6, %scan3A_7 : i32
    %scan3A_9 = arith.constant 1 : i32
    scf.for %scan3A_207 = %scan3A_6 to %scan3A_8 step %scan3A_9  : i32 {
      %mul3A_208 = arith.constant 16 : i32
      %mul3A_209 = arith.muli %scan3A_207, %mul3A_208 : i32
      %swap3A = arith.index_cast %mul3A_209 : i32 to index
      %swap3A_210 = tpu.vector_load %arg12[%swap3A] {strides = array<i32>} : memref<10240xf32, #tpu.memory_space<vmem>>, vector<16xf32>,
      tpu.vector_store %arg12[%swap3A], %broadcast_in_dim3A_3 {strides = array<i32>} : memref<10240xf32, #tpu.memory_space<vmem>>, vector<16xf32>,
    }
    %scan3A_10 = arith.constant 640 : i32
    %add3A_11 = arith.constant 0 : i32
    %add3A_12 = arith.addi %mul3A_2, %add3A_11 : i32
    %multiple_of3A = tpu.assume_multiple %add3A_12, 80 : i32
    %add3A_13 = arith.constant 0 : i32
    %add3A_14 = arith.addi %multiple_of3A, %add3A_13 : i32
    %dma_start3A = arith.constant 0 : i32
    %dma_start3A_15 = arith.constant 0 : i32
    %dma_start3A_16 = tpu.memref_slice %arg8[%dma_start3A, %dma_start3A_15] : memref<5x80xi32, #tpu.memory_space<vmem>> -> memref<1x80xi32, #tpu.memory_space<vmem>>
    %dma_start3A_17 = tpu.memref_squeeze %dma_start3A_16 : memref<1x80xi32, #tpu.memory_space<vmem>> -> memref<80xi32, #tpu.memory_space<vmem>>
    %dma_start3A_18 = tpu.memref_slice %arg4[%add3A_14] : memref<320000xi32, #tpu.memory_space<hbm>> -> memref<80xi32, #tpu.memory_space<hbm>>
    %dma_start3A_19 = arith.constant 0 : i32
    %dma_start3A_20 = tpu.memref_slice %arg8[%dma_start3A, %dma_start3A_19] : memref<5x80xi32, #tpu.memory_space<vmem>> -> memref<1x80xi32, #tpu.memory_space<vmem>>
    %dma_start3A_21 = tpu.memref_squeeze %dma_start3A_20 : memref<1x80xi32, #tpu.memory_space<vmem>> -> memref<80xi32, #tpu.memory_space<vmem>>
    %dma_start3A_22 = tpu.memref_slice %arg4[%add3A_14] : memref<320000xi32, #tpu.memory_space<hbm>> -> memref<80xi32, #tpu.memory_space<hbm>>
    tpu.enqueue_dma source(%dma_start3A_22 : memref<80xi32, #tpu.memory_space<hbm>>) target(%dma_start3A_21 : memref<80xi32, #tpu.memory_space<vmem>>) target_semaphore(%arg13 : memref<!tpu.dma_semaphore, #tpu.memory_space<semaphore_mem>>)
    %dma_start3A_23 = arith.constant 0 : i32
    %dma_start3A_24 = arith.constant 0 : i32
    %dma_start3A_25 = tpu.memref_slice %arg9[%dma_start3A_23, %dma_start3A_24] : memref<5x80xi32, #tpu.memory_space<vmem>> -> memref<1x80xi32, #tpu.memory_space<vmem>>
    %dma_start3A_26 = tpu.memref_squeeze %dma_start3A_25 : memref<1x80xi32, #tpu.memory_space<vmem>> -> memref<80xi32, #tpu.memory_space<vmem>>
    %dma_start3A_27 = tpu.memref_slice %arg5[%add3A_14] : memref<320000xi32, #tpu.memory_space<hbm>> -> memref<80xi32, #tpu.memory_space<hbm>>
    %dma_start3A_28 = arith.constant 0 : i32
    %dma_start3A_29 = tpu.memref_slice %arg9[%dma_start3A_23, %dma_start3A_28] : memref<5x80xi32, #tpu.memory_space<vmem>> -> memref<1x80xi32, #tpu.memory_space<vmem>>
    %dma_start3A_30 = tpu.memref_squeeze %dma_start3A_29 : memref<1x80xi32, #tpu.memory_space<vmem>> -> memref<80xi32, #tpu.memory_space<vmem>>
    %dma_start3A_31 = tpu.memref_slice %arg5[%add3A_14] : memref<320000xi32, #tpu.memory_space<hbm>> -> memref<80xi32, #tpu.memory_space<hbm>>
    tpu.enqueue_dma source(%dma_start3A_31 : memref<80xi32, #tpu.memory_space<hbm>>) target(%dma_start3A_30 : memref<80xi32, #tpu.memory_space<vmem>>) target_semaphore(%arg13 : memref<!tpu.dma_semaphore, #tpu.memory_space<semaphore_mem>>)
    %add3A_32 = arith.constant 80 : i32
    %add3A_33 = arith.addi %multiple_of3A, %add3A_32 : i32
    %dma_start3A_34 = arith.constant 1 : i32
    %dma_start3A_35 = arith.constant 0 : i32
    %dma_start3A_36 = tpu.memref_slice %arg8[%dma_start3A_34, %dma_start3A_35] : memref<5x80xi32, #tpu.memory_space<vmem>> -> memref<1x80xi32, #tpu.memory_space<vmem>>
    %dma_start3A_37 = tpu.memref_squeeze %dma_start3A_36 : memref<1x80xi32, #tpu.memory_space<vmem>> -> memref<80xi32, #tpu.memory_space<vmem>>
    %dma_start3A_38 = tpu.memref_slice %arg4[%add3A_33] : memref<320000xi32, #tpu.memory_space<hbm>> -> memref<80xi32, #tpu.memory_space<hbm>>
    %dma_start3A_39 = arith.constant 0 : i32
    %dma_start3A_40 = tpu.memref_slice %arg8[%dma_start3A_34, %dma_start3A_39] : memref<5x80xi32, #tpu.memory_space<vmem>> -> memref<1x80xi32, #tpu.memory_space<vmem>>
    %dma_start3A_41 = tpu.memref_squeeze %dma_start3A_40 : memref<1x80xi32, #tpu.memory_space<vmem>> -> memref<80xi32, #tpu.memory_space<vmem>>
    %dma_start3A_42 = tpu.memref_slice %arg4[%add3A_33] : memref<320000xi32, #tpu.memory_space<hbm>> -> memref<80xi32, #tpu.memory_space<hbm>>
    tpu.enqueue_dma source(%dma_start3A_42 : memref<80xi32, #tpu.memory_space<hbm>>) target(%dma_start3A_41 : memref<80xi32, #tpu.memory_space<vmem>>) target_semaphore(%arg13 : memref<!tpu.dma_semaphore, #tpu.memory_space<semaphore_mem>>)
    %dma_start3A_43 = arith.constant 1 : i32
    %dma_start3A_44 = arith.constant 0 : i32
    %dma_start3A_45 = tpu.memref_slice %arg9[%dma_start3A_43, %dma_start3A_44] : memref<5x80xi32, #tpu.memory_space<vmem>> -> memref<1x80xi32, #tpu.memory_space<vmem>>
    %dma_start3A_46 = tpu.memref_squeeze %dma_start3A_45 : memref<1x80xi32, #tpu.memory_space<vmem>> -> memref<80xi32, #tpu.memory_space<vmem>>
    %dma_start3A_47 = tpu.memref_slice %arg5[%add3A_33] : memref<320000xi32, #tpu.memory_space<hbm>> -> memref<80xi32, #tpu.memory_space<hbm>>
    %dma_start3A_48 = arith.constant 0 : i32
    %dma_start3A_49 = tpu.memref_slice %arg9[%dma_start3A_43, %dma_start3A_48] : memref<5x80xi32, #tpu.memory_space<vmem>> -> memref<1x80xi32, #tpu.memory_space<vmem>>
    %dma_start3A_50 = tpu.memref_squeeze %dma_start3A_49 : memref<1x80xi32, #tpu.memory_space<vmem>> -> memref<80xi32, #tpu.memory_space<vmem>>
    %dma_start3A_51 = tpu.memref_slice %arg5[%add3A_33] : memref<320000xi32, #tpu.memory_space<hbm>> -> memref<80xi32, #tpu.memory_space<hbm>>
    tpu.enqueue_dma source(%dma_start3A_51 : memref<80xi32, #tpu.memory_space<hbm>>) target(%dma_start3A_50 : memref<80xi32, #tpu.memory_space<vmem>>) target_semaphore(%arg13 : memref<!tpu.dma_semaphore, #tpu.memory_space<semaphore_mem>>)
    %add3A_52 = arith.constant 160 : i32
    %add3A_53 = arith.addi %multiple_of3A, %add3A_52 : i32
    %dma_start3A_54 = arith.constant 2 : i32
    %dma_start3A_55 = arith.constant 0 : i32
    %dma_start3A_56 = tpu.memref_slice %arg8[%dma_start3A_54, %dma_start3A_55] : memref<5x80xi32, #tpu.memory_space<vmem>> -> memref<1x80xi32, #tpu.memory_space<vmem>>
    %dma_start3A_57 = tpu.memref_squeeze %dma_start3A_56 : memref<1x80xi32, #tpu.memory_space<vmem>> -> memref<80xi32, #tpu.memory_space<vmem>>
    %dma_start3A_58 = tpu.memref_slice %arg4[%add3A_53] : memref<320000xi32, #tpu.memory_space<hbm>> -> memref<80xi32, #tpu.memory_space<hbm>>
    %dma_start3A_59 = arith.constant 0 : i32
    %dma_start3A_60 = tpu.memref_slice %arg8[%dma_start3A_54, %dma_start3A_59] : memref<5x80xi32, #tpu.memory_space<vmem>> -> memref<1x80xi32, #tpu.memory_space<vmem>>
    %dma_start3A_61 = tpu.memref_squeeze %dma_start3A_60 : memref<1x80xi32, #tpu.memory_space<vmem>> -> memref<80xi32, #tpu.memory_space<vmem>>
    %dma_start3A_62 = tpu.memref_slice %arg4[%add3A_53] : memref<320000xi32, #tpu.memory_space<hbm>> -> memref<80xi32, #tpu.memory_space<hbm>>
    tpu.enqueue_dma source(%dma_start3A_62 : memref<80xi32, #tpu.memory_space<hbm>>) target(%dma_start3A_61 : memref<80xi32, #tpu.memory_space<vmem>>) target_semaphore(%arg13 : memref<!tpu.dma_semaphore, #tpu.memory_space<semaphore_mem>>)
    %dma_start3A_63 = arith.constant 2 : i32
    %dma_start3A_64 = arith.constant 0 : i32
    %dma_start3A_65 = tpu.memref_slice %arg9[%dma_start3A_63, %dma_start3A_64] : memref<5x80xi32, #tpu.memory_space<vmem>> -> memref<1x80xi32, #tpu.memory_space<vmem>>
    %dma_start3A_66 = tpu.memref_squeeze %dma_start3A_65 : memref<1x80xi32, #tpu.memory_space<vmem>> -> memref<80xi32, #tpu.memory_space<vmem>>
    %dma_start3A_67 = tpu.memref_slice %arg5[%add3A_53] : memref<320000xi32, #tpu.memory_space<hbm>> -> memref<80xi32, #tpu.memory_space<hbm>>
    %dma_start3A_68 = arith.constant 0 : i32
    %dma_start3A_69 = tpu.memref_slice %arg9[%dma_start3A_63, %dma_start3A_68] : memref<5x80xi32, #tpu.memory_space<vmem>> -> memref<1x80xi32, #tpu.memory_space<vmem>>
    %dma_start3A_70 = tpu.memref_squeeze %dma_start3A_69 : memref<1x80xi32, #tpu.memory_space<vmem>> -> memref<80xi32, #tpu.memory_space<vmem>>
    %dma_start3A_71 = tpu.memref_slice %arg5[%add3A_53] : memref<320000xi32, #tpu.memory_space<hbm>> -> memref<80xi32, #tpu.memory_space<hbm>>
    tpu.enqueue_dma source(%dma_start3A_71 : memref<80xi32, #tpu.memory_space<hbm>>) target(%dma_start3A_70 : memref<80xi32, #tpu.memory_space<vmem>>) target_semaphore(%arg13 : memref<!tpu.dma_semaphore, #tpu.memory_space<semaphore_mem>>)
    %add3A_72 = arith.constant 240 : i32
    %add3A_73 = arith.addi %multiple_of3A, %add3A_72 : i32
    %dma_start3A_74 = arith.constant 3 : i32
    %dma_start3A_75 = arith.constant 0 : i32
    %dma_start3A_76 = tpu.memref_slice %arg8[%dma_start3A_74, %dma_start3A_75] : memref<5x80xi32, #tpu.memory_space<vmem>> -> memref<1x80xi32, #tpu.memory_space<vmem>>
    %dma_start3A_77 = tpu.memref_squeeze %dma_start3A_76 : memref<1x80xi32, #tpu.memory_space<vmem>> -> memref<80xi32, #tpu.memory_space<vmem>>
    %dma_start3A_78 = tpu.memref_slice %arg4[%add3A_73] : memref<320000xi32, #tpu.memory_space<hbm>> -> memref<80xi32, #tpu.memory_space<hbm>>
    %dma_start3A_79 = arith.constant 0 : i32
    %dma_start3A_80 = tpu.memref_slice %arg8[%dma_start3A_74, %dma_start3A_79] : memref<5x80xi32, #tpu.memory_space<vmem>> -> memref<1x80xi32, #tpu.memory_space<vmem>>
    %dma_start3A_81 = tpu.memref_squeeze %dma_start3A_80 : memref<1x80xi32, #tpu.memory_space<vmem>> -> memref<80xi32, #tpu.memory_space<vmem>>
    %dma_start3A_82 = tpu.memref_slice %arg4[%add3A_73] : memref<320000xi32, #tpu.memory_space<hbm>> -> memref<80xi32, #tpu.memory_space<hbm>>
    tpu.enqueue_dma source(%dma_start3A_82 : memref<80xi32, #tpu.memory_space<hbm>>) target(%dma_start3A_81 : memref<80xi32, #tpu.memory_space<vmem>>) target_semaphore(%arg13 : memref<!tpu.dma_semaphore, #tpu.memory_space<semaphore_mem>>)
    %dma_start3A_83 = arith.constant 3 : i32
    %dma_start3A_84 = arith.constant 0 : i32
    %dma_start3A_85 = tpu.memref_slice %arg9[%dma_start3A_83, %dma_start3A_84] : memref<5x80xi32, #tpu.memory_space<vmem>> -> memref<1x80xi32, #tpu.memory_space<vmem>>
    %dma_start3A_86 = tpu.memref_squeeze %dma_start3A_85 : memref<1x80xi32, #tpu.memory_space<vmem>> -> memref<80xi32, #tpu.memory_space<vmem>>
    %dma_start3A_87 = tpu.memref_slice %arg5[%add3A_73] : memref<320000xi32, #tpu.memory_space<hbm>> -> memref<80xi32, #tpu.memory_space<hbm>>
    %dma_start3A_88 = arith.constant 0 : i32
    %dma_start3A_89 = tpu.memref_slice %arg9[%dma_start3A_83, %dma_start3A_88] : memref<5x80xi32, #tpu.memory_space<vmem>> -> memref<1x80xi32, #tpu.memory_space<vmem>>
    %dma_start3A_90 = tpu.memref_squeeze %dma_start3A_89 : memref<1x80xi32, #tpu.memory_space<vmem>> -> memref<80xi32, #tpu.memory_space<vmem>>
    %dma_start3A_91 = tpu.memref_slice %arg5[%add3A_73] : memref<320000xi32, #tpu.memory_space<hbm>> -> memref<80xi32, #tpu.memory_space<hbm>>
    tpu.enqueue_dma source(%dma_start3A_91 : memref<80xi32, #tpu.memory_space<hbm>>) target(%dma_start3A_90 : memref<80xi32, #tpu.memory_space<vmem>>) target_semaphore(%arg13 : memref<!tpu.dma_semaphore, #tpu.memory_space<semaphore_mem>>)
    %add3A_92 = arith.constant 320 : i32
    %add3A_93 = arith.addi %multiple_of3A, %add3A_92 : i32
    %dma_start3A_94 = arith.constant 4 : i32
    %dma_start3A_95 = arith.constant 0 : i32
    %dma_start3A_96 = tpu.memref_slice %arg8[%dma_start3A_94, %dma_start3A_95] : memref<5x80xi32, #tpu.memory_space<vmem>> -> memref<1x80xi32, #tpu.memory_space<vmem>>
    %dma_start3A_97 = tpu.memref_squeeze %dma_start3A_96 : memref<1x80xi32, #tpu.memory_space<vmem>> -> memref<80xi32, #tpu.memory_space<vmem>>
    %dma_start3A_98 = tpu.memref_slice %arg4[%add3A_93] : memref<320000xi32, #tpu.memory_space<hbm>> -> memref<80xi32, #tpu.memory_space<hbm>>
    %dma_start3A_99 = arith.constant 0 : i32
    %dma_start3A_100 = tpu.memref_slice %arg8[%dma_start3A_94, %dma_start3A_99] : memref<5x80xi32, #tpu.memory_space<vmem>> -> memref<1x80xi32, #tpu.memory_space<vmem>>
    %dma_start3A_101 = tpu.memref_squeeze %dma_start3A_100 : memref<1x80xi32, #tpu.memory_space<vmem>> -> memref<80xi32, #tpu.memory_space<vmem>>
    %dma_start3A_102 = tpu.memref_slice %arg4[%add3A_93] : memref<320000xi32, #tpu.memory_space<hbm>> -> memref<80xi32, #tpu.memory_space<hbm>>
    tpu.enqueue_dma source(%dma_start3A_102 : memref<80xi32, #tpu.memory_space<hbm>>) target(%dma_start3A_101 : memref<80xi32, #tpu.memory_space<vmem>>) target_semaphore(%arg13 : memref<!tpu.dma_semaphore, #tpu.memory_space<semaphore_mem>>)
    %dma_start3A_103 = arith.constant 4 : i32
    %dma_start3A_104 = arith.constant 0 : i32
    %dma_start3A_105 = tpu.memref_slice %arg9[%dma_start3A_103, %dma_start3A_104] : memref<5x80xi32, #tpu.memory_space<vmem>> -> memref<1x80xi32, #tpu.memory_space<vmem>>
    %dma_start3A_106 = tpu.memref_squeeze %dma_start3A_105 : memref<1x80xi32, #tpu.memory_space<vmem>> -> memref<80xi32, #tpu.memory_space<vmem>>
    %dma_start3A_107 = tpu.memref_slice %arg5[%add3A_93] : memref<320000xi32, #tpu.memory_space<hbm>> -> memref<80xi32, #tpu.memory_space<hbm>>
    %dma_start3A_108 = arith.constant 0 : i32
    %dma_start3A_109 = tpu.memref_slice %arg9[%dma_start3A_103, %dma_start3A_108] : memref<5x80xi32, #tpu.memory_space<vmem>> -> memref<1x80xi32, #tpu.memory_space<vmem>>
    %dma_start3A_110 = tpu.memref_squeeze %dma_start3A_109 : memref<1x80xi32, #tpu.memory_space<vmem>> -> memref<80xi32, #tpu.memory_space<vmem>>
    %dma_start3A_111 = tpu.memref_slice %arg5[%add3A_93] : memref<320000xi32, #tpu.memory_space<hbm>> -> memref<80xi32, #tpu.memory_space<hbm>>
    tpu.enqueue_dma source(%dma_start3A_111 : memref<80xi32, #tpu.memory_space<hbm>>) target(%dma_start3A_110 : memref<80xi32, #tpu.memory_space<vmem>>) target_semaphore(%arg13 : memref<!tpu.dma_semaphore, #tpu.memory_space<semaphore_mem>>)
    %scan3A_112 = arith.constant 0 : i32
    %scan3A_113 = arith.constant 0 : i32
    %scan3A_114 = arith.constant 25 : i32
    %scan3A_115 = arith.addi %scan3A_113, %scan3A_114 : i32
    %scan3A_116 = arith.constant 1 : i32
    scf.for %scan3A_207 = %scan3A_113 to %scan3A_115 step %scan3A_116  : i32 {
      %mul3A_208 = arith.constant 400 : i32
      %mul3A_209 = arith.muli %scan3A_207, %mul3A_208 : i32
      %add3A_210 = arith.addi %mul3A_2, %mul3A_209 : i32
      %multiple_of3A_211 = tpu.assume_multiple %add3A_210, 80 : i32
      %dma_wait3A_212 = arith.constant 0 : i32
      %dma_wait3A_213 = arith.constant 0 : i32
      %dma_wait3A_214 = tpu.memref_slice %arg8[%dma_wait3A_212, %dma_wait3A_213] : memref<5x80xi32, #tpu.memory_space<vmem>> -> memref<1x80xi32, #tpu.memory_space<vmem>>
      %dma_wait3A_215 = tpu.memref_squeeze %dma_wait3A_214 : memref<1x80xi32, #tpu.memory_space<vmem>> -> memref<80xi32, #tpu.memory_space<vmem>>
      %dma_wait3A_216 = tpu.memref_slice %arg4[%mul3A_2] : memref<320000xi32, #tpu.memory_space<hbm>> -> memref<80xi32, #tpu.memory_space<hbm>>
      %dma_wait3A_217 = arith.constant 0 : i32
      %dma_wait3A_218 = tpu.memref_slice %arg8[%dma_wait3A_212, %dma_wait3A_217] : memref<5x80xi32, #tpu.memory_space<vmem>> -> memref<1x80xi32, #tpu.memory_space<vmem>>
      %dma_wait3A_219 = tpu.memref_squeeze %dma_wait3A_218 : memref<1x80xi32, #tpu.memory_space<vmem>> -> memref<80xi32, #tpu.memory_space<vmem>>
      %dma_wait3A_220 = tpu.memref_slice %arg4[%mul3A_2] : memref<320000xi32, #tpu.memory_space<hbm>> -> memref<80xi32, #tpu.memory_space<hbm>>
      tpu.wait_dma2 semaphore(%arg13 : memref<!tpu.dma_semaphore, #tpu.memory_space<semaphore_mem>>) src(%dma_wait3A_220 : memref<80xi32, #tpu.memory_space<hbm>>) dst(%dma_wait3A_219 : memref<80xi32, #tpu.memory_space<vmem>>)
      %dma_wait3A_221 = arith.constant 0 : i32
      %dma_wait3A_222 = arith.constant 0 : i32
      %dma_wait3A_223 = tpu.memref_slice %arg9[%dma_wait3A_221, %dma_wait3A_222] : memref<5x80xi32, #tpu.memory_space<vmem>> -> memref<1x80xi32, #tpu.memory_space<vmem>>
      %dma_wait3A_224 = tpu.memref_squeeze %dma_wait3A_223 : memref<1x80xi32, #tpu.memory_space<vmem>> -> memref<80xi32, #tpu.memory_space<vmem>>
      %dma_wait3A_225 = tpu.memref_slice %arg5[%mul3A_2] : memref<320000xi32, #tpu.memory_space<hbm>> -> memref<80xi32, #tpu.memory_space<hbm>>
      %dma_wait3A_226 = arith.constant 0 : i32
      %dma_wait3A_227 = tpu.memref_slice %arg9[%dma_wait3A_221, %dma_wait3A_226] : memref<5x80xi32, #tpu.memory_space<vmem>> -> memref<1x80xi32, #tpu.memory_space<vmem>>
      %dma_wait3A_228 = tpu.memref_squeeze %dma_wait3A_227 : memref<1x80xi32, #tpu.memory_space<vmem>> -> memref<80xi32, #tpu.memory_space<vmem>>
      %dma_wait3A_229 = tpu.memref_slice %arg5[%mul3A_2] : memref<320000xi32, #tpu.memory_space<hbm>> -> memref<80xi32, #tpu.memory_space<hbm>>
      tpu.wait_dma2 semaphore(%arg13 : memref<!tpu.dma_semaphore, #tpu.memory_space<semaphore_mem>>) src(%dma_wait3A_229 : memref<80xi32, #tpu.memory_space<hbm>>) dst(%dma_wait3A_228 : memref<80xi32, #tpu.memory_space<vmem>>)
      %dma_wait3A_230 = arith.constant 1 : i32
      %dma_wait3A_231 = arith.constant 0 : i32
      %dma_wait3A_232 = tpu.memref_slice %arg8[%dma_wait3A_230, %dma_wait3A_231] : memref<5x80xi32, #tpu.memory_space<vmem>> -> memref<1x80xi32, #tpu.memory_space<vmem>>
      %dma_wait3A_233 = tpu.memref_squeeze %dma_wait3A_232 : memref<1x80xi32, #tpu.memory_space<vmem>> -> memref<80xi32, #tpu.memory_space<vmem>>
      %dma_wait3A_234 = tpu.memref_slice %arg4[%mul3A_2] : memref<320000xi32, #tpu.memory_space<hbm>> -> memref<80xi32, #tpu.memory_space<hbm>>
      %dma_wait3A_235 = arith.constant 0 : i32
      %dma_wait3A_236 = tpu.memref_slice %arg8[%dma_wait3A_230, %dma_wait3A_235] : memref<5x80xi32, #tpu.memory_space<vmem>> -> memref<1x80xi32, #tpu.memory_space<vmem>>
      %dma_wait3A_237 = tpu.memref_squeeze %dma_wait3A_236 : memref<1x80xi32, #tpu.memory_space<vmem>> -> memref<80xi32, #tpu.memory_space<vmem>>
      %dma_wait3A_238 = tpu.memref_slice %arg4[%mul3A_2] : memref<320000xi32, #tpu.memory_space<hbm>> -> memref<80xi32, #tpu.memory_space<hbm>>
      tpu.wait_dma2 semaphore(%arg13 : memref<!tpu.dma_semaphore, #tpu.memory_space<semaphore_mem>>) src(%dma_wait3A_238 : memref<80xi32, #tpu.memory_space<hbm>>) dst(%dma_wait3A_237 : memref<80xi32, #tpu.memory_space<vmem>>)
      %dma_wait3A_239 = arith.constant 1 : i32
      %dma_wait3A_240 = arith.constant 0 : i32
      %dma_wait3A_241 = tpu.memref_slice %arg9[%dma_wait3A_239, %dma_wait3A_240] : memref<5x80xi32, #tpu.memory_space<vmem>> -> memref<1x80xi32, #tpu.memory_space<vmem>>
      %dma_wait3A_242 = tpu.memref_squeeze %dma_wait3A_241 : memref<1x80xi32, #tpu.memory_space<vmem>> -> memref<80xi32, #tpu.memory_space<vmem>>
      %dma_wait3A_243 = tpu.memref_slice %arg5[%mul3A_2] : memref<320000xi32, #tpu.memory_space<hbm>> -> memref<80xi32, #tpu.memory_space<hbm>>
      %dma_wait3A_244 = arith.constant 0 : i32
      %dma_wait3A_245 = tpu.memref_slice %arg9[%dma_wait3A_239, %dma_wait3A_244] : memref<5x80xi32, #tpu.memory_space<vmem>> -> memref<1x80xi32, #tpu.memory_space<vmem>>
      %dma_wait3A_246 = tpu.memref_squeeze %dma_wait3A_245 : memref<1x80xi32, #tpu.memory_space<vmem>> -> memref<80xi32, #tpu.memory_space<vmem>>
      %dma_wait3A_247 = tpu.memref_slice %arg5[%mul3A_2] : memref<320000xi32, #tpu.memory_space<hbm>> -> memref<80xi32, #tpu.memory_space<hbm>>
      tpu.wait_dma2 semaphore(%arg13 : memref<!tpu.dma_semaphore, #tpu.memory_space<semaphore_mem>>) src(%dma_wait3A_247 : memref<80xi32, #tpu.memory_space<hbm>>) dst(%dma_wait3A_246 : memref<80xi32, #tpu.memory_space<vmem>>)
      %dma_wait3A_248 = arith.constant 2 : i32
      %dma_wait3A_249 = arith.constant 0 : i32
      %dma_wait3A_250 = tpu.memref_slice %arg8[%dma_wait3A_248, %dma_wait3A_249] : memref<5x80xi32, #tpu.memory_space<vmem>> -> memref<1x80xi32, #tpu.memory_space<vmem>>
      %dma_wait3A_251 = tpu.memref_squeeze %dma_wait3A_250 : memref<1x80xi32, #tpu.memory_space<vmem>> -> memref<80xi32, #tpu.memory_space<vmem>>
      %dma_wait3A_252 = tpu.memref_slice %arg4[%mul3A_2] : memref<320000xi32, #tpu.memory_space<hbm>> -> memref<80xi32, #tpu.memory_space<hbm>>
      %dma_wait3A_253 = arith.constant 0 : i32
      %dma_wait3A_254 = tpu.memref_slice %arg8[%dma_wait3A_248, %dma_wait3A_253] : memref<5x80xi32, #tpu.memory_space<vmem>> -> memref<1x80xi32, #tpu.memory_space<vmem>>
      %dma_wait3A_255 = tpu.memref_squeeze %dma_wait3A_254 : memref<1x80xi32, #tpu.memory_space<vmem>> -> memref<80xi32, #tpu.memory_space<vmem>>
      %dma_wait3A_256 = tpu.memref_slice %arg4[%mul3A_2] : memref<320000xi32, #tpu.memory_space<hbm>> -> memref<80xi32, #tpu.memory_space<hbm>>
      tpu.wait_dma2 semaphore(%arg13 : memref<!tpu.dma_semaphore, #tpu.memory_space<semaphore_mem>>) src(%dma_wait3A_256 : memref<80xi32, #tpu.memory_space<hbm>>) dst(%dma_wait3A_255 : memref<80xi32, #tpu.memory_space<vmem>>)
      %dma_wait3A_257 = arith.constant 2 : i32
      %dma_wait3A_258 = arith.constant 0 : i32
      %dma_wait3A_259 = tpu.memref_slice %arg9[%dma_wait3A_257, %dma_wait3A_258] : memref<5x80xi32, #tpu.memory_space<vmem>> -> memref<1x80xi32, #tpu.memory_space<vmem>>
      %dma_wait3A_260 = tpu.memref_squeeze %dma_wait3A_259 : memref<1x80xi32, #tpu.memory_space<vmem>> -> memref<80xi32, #tpu.memory_space<vmem>>
      %dma_wait3A_261 = tpu.memref_slice %arg5[%mul3A_2] : memref<320000xi32, #tpu.memory_space<hbm>> -> memref<80xi32, #tpu.memory_space<hbm>>
      %dma_wait3A_262 = arith.constant 0 : i32
      %dma_wait3A_263 = tpu.memref_slice %arg9[%dma_wait3A_257, %dma_wait3A_262] : memref<5x80xi32, #tpu.memory_space<vmem>> -> memref<1x80xi32, #tpu.memory_space<vmem>>
      %dma_wait3A_264 = tpu.memref_squeeze %dma_wait3A_263 : memref<1x80xi32, #tpu.memory_space<vmem>> -> memref<80xi32, #tpu.memory_space<vmem>>
      %dma_wait3A_265 = tpu.memref_slice %arg5[%mul3A_2] : memref<320000xi32, #tpu.memory_space<hbm>> -> memref<80xi32, #tpu.memory_space<hbm>>
      tpu.wait_dma2 semaphore(%arg13 : memref<!tpu.dma_semaphore, #tpu.memory_space<semaphore_mem>>) src(%dma_wait3A_265 : memref<80xi32, #tpu.memory_space<hbm>>) dst(%dma_wait3A_264 : memref<80xi32, #tpu.memory_space<vmem>>)
      %dma_wait3A_266 = arith.constant 3 : i32
      %dma_wait3A_267 = arith.constant 0 : i32
      %dma_wait3A_268 = tpu.memref_slice %arg8[%dma_wait3A_266, %dma_wait3A_267] : memref<5x80xi32, #tpu.memory_space<vmem>> -> memref<1x80xi32, #tpu.memory_space<vmem>>
      %dma_wait3A_269 = tpu.memref_squeeze %dma_wait3A_268 : memref<1x80xi32, #tpu.memory_space<vmem>> -> memref<80xi32, #tpu.memory_space<vmem>>
      %dma_wait3A_270 = tpu.memref_slice %arg4[%mul3A_2] : memref<320000xi32, #tpu.memory_space<hbm>> -> memref<80xi32, #tpu.memory_space<hbm>>
      %dma_wait3A_271 = arith.constant 0 : i32
      %dma_wait3A_272 = tpu.memref_slice %arg8[%dma_wait3A_266, %dma_wait3A_271] : memref<5x80xi32, #tpu.memory_space<vmem>> -> memref<1x80xi32, #tpu.memory_space<vmem>>
      %dma_wait3A_273 = tpu.memref_squeeze %dma_wait3A_272 : memref<1x80xi32, #tpu.memory_space<vmem>> -> memref<80xi32, #tpu.memory_space<vmem>>
      %dma_wait3A_274 = tpu.memref_slice %arg4[%mul3A_2] : memref<320000xi32, #tpu.memory_space<hbm>> -> memref<80xi32, #tpu.memory_space<hbm>>
      tpu.wait_dma2 semaphore(%arg13 : memref<!tpu.dma_semaphore, #tpu.memory_space<semaphore_mem>>) src(%dma_wait3A_274 : memref<80xi32, #tpu.memory_space<hbm>>) dst(%dma_wait3A_273 : memref<80xi32, #tpu.memory_space<vmem>>)
      %dma_wait3A_275 = arith.constant 3 : i32
      %dma_wait3A_276 = arith.constant 0 : i32
      %dma_wait3A_277 = tpu.memref_slice %arg9[%dma_wait3A_275, %dma_wait3A_276] : memref<5x80xi32, #tpu.memory_space<vmem>> -> memref<1x80xi32, #tpu.memory_space<vmem>>
      %dma_wait3A_278 = tpu.memref_squeeze %dma_wait3A_277 : memref<1x80xi32, #tpu.memory_space<vmem>> -> memref<80xi32, #tpu.memory_space<vmem>>
      %dma_wait3A_279 = tpu.memref_slice %arg5[%mul3A_2] : memref<320000xi32, #tpu.memory_space<hbm>> -> memref<80xi32, #tpu.memory_space<hbm>>
      %dma_wait3A_280 = arith.constant 0 : i32
      %dma_wait3A_281 = tpu.memref_slice %arg9[%dma_wait3A_275, %dma_wait3A_280] : memref<5x80xi32, #tpu.memory_space<vmem>> -> memref<1x80xi32, #tpu.memory_space<vmem>>
      %dma_wait3A_282 = tpu.memref_squeeze %dma_wait3A_281 : memref<1x80xi32, #tpu.memory_space<vmem>> -> memref<80xi32, #tpu.memory_space<vmem>>
      %dma_wait3A_283 = tpu.memref_slice %arg5[%mul3A_2] : memref<320000xi32, #tpu.memory_space<hbm>> -> memref<80xi32, #tpu.memory_space<hbm>>
      tpu.wait_dma2 semaphore(%arg13 : memref<!tpu.dma_semaphore, #tpu.memory_space<semaphore_mem>>) src(%dma_wait3A_283 : memref<80xi32, #tpu.memory_space<hbm>>) dst(%dma_wait3A_282 : memref<80xi32, #tpu.memory_space<vmem>>)
      %dma_wait3A_284 = arith.constant 4 : i32
      %dma_wait3A_285 = arith.constant 0 : i32
      %dma_wait3A_286 = tpu.memref_slice %arg8[%dma_wait3A_284, %dma_wait3A_285] : memref<5x80xi32, #tpu.memory_space<vmem>> -> memref<1x80xi32, #tpu.memory_space<vmem>>
      %dma_wait3A_287 = tpu.memref_squeeze %dma_wait3A_286 : memref<1x80xi32, #tpu.memory_space<vmem>> -> memref<80xi32, #tpu.memory_space<vmem>>
      %dma_wait3A_288 = tpu.memref_slice %arg4[%mul3A_2] : memref<320000xi32, #tpu.memory_space<hbm>> -> memref<80xi32, #tpu.memory_space<hbm>>
      %dma_wait3A_289 = arith.constant 0 : i32
      %dma_wait3A_290 = tpu.memref_slice %arg8[%dma_wait3A_284, %dma_wait3A_289] : memref<5x80xi32, #tpu.memory_space<vmem>> -> memref<1x80xi32, #tpu.memory_space<vmem>>
      %dma_wait3A_291 = tpu.memref_squeeze %dma_wait3A_290 : memref<1x80xi32, #tpu.memory_space<vmem>> -> memref<80xi32, #tpu.memory_space<vmem>>
      %dma_wait3A_292 = tpu.memref_slice %arg4[%mul3A_2] : memref<320000xi32, #tpu.memory_space<hbm>> -> memref<80xi32, #tpu.memory_space<hbm>>
      tpu.wait_dma2 semaphore(%arg13 : memref<!tpu.dma_semaphore, #tpu.memory_space<semaphore_mem>>) src(%dma_wait3A_292 : memref<80xi32, #tpu.memory_space<hbm>>) dst(%dma_wait3A_291 : memref<80xi32, #tpu.memory_space<vmem>>)
      %dma_wait3A_293 = arith.constant 4 : i32
      %dma_wait3A_294 = arith.constant 0 : i32
      %dma_wait3A_295 = tpu.memref_slice %arg9[%dma_wait3A_293, %dma_wait3A_294] : memref<5x80xi32, #tpu.memory_space<vmem>> -> memref<1x80xi32, #tpu.memory_space<vmem>>
      %dma_wait3A_296 = tpu.memref_squeeze %dma_wait3A_295 : memref<1x80xi32, #tpu.memory_space<vmem>> -> memref<80xi32, #tpu.memory_space<vmem>>
      %dma_wait3A_297 = tpu.memref_slice %arg5[%mul3A_2] : memref<320000xi32, #tpu.memory_space<hbm>> -> memref<80xi32, #tpu.memory_space<hbm>>
      %dma_wait3A_298 = arith.constant 0 : i32
      %dma_wait3A_299 = tpu.memref_slice %arg9[%dma_wait3A_293, %dma_wait3A_298] : memref<5x80xi32, #tpu.memory_space<vmem>> -> memref<1x80xi32, #tpu.memory_space<vmem>>
      %dma_wait3A_300 = tpu.memref_squeeze %dma_wait3A_299 : memref<1x80xi32, #tpu.memory_space<vmem>> -> memref<80xi32, #tpu.memory_space<vmem>>
      %dma_wait3A_301 = tpu.memref_slice %arg5[%mul3A_2] : memref<320000xi32, #tpu.memory_space<hbm>> -> memref<80xi32, #tpu.memory_space<hbm>>
      tpu.wait_dma2 semaphore(%arg13 : memref<!tpu.dma_semaphore, #tpu.memory_space<semaphore_mem>>) src(%dma_wait3A_301 : memref<80xi32, #tpu.memory_space<hbm>>) dst(%dma_wait3A_300 : memref<80xi32, #tpu.memory_space<vmem>>)
      %dma_start3A_302 = arith.constant 0 : i32
      %dma_start3A_303 = arith.constant 0 : i32
      %dma_start3A_304 = arith.constant 0 : i32
      %dma_start3A_305 = arith.constant 0 : i32
      %dma_start3A_306 = tpu.memref_slice %arg10[%dma_start3A_303, %dma_start3A_304, %dma_start3A_305] : memref<5x80x128xf32, #tpu.memory_space<vmem>> -> memref<1x80x128xf32, #tpu.memory_space<vmem>>
      %dma_start3A_307 = tpu.memref_squeeze %dma_start3A_306 : memref<1x80x128xf32, #tpu.memory_space<vmem>> -> memref<80x128xf32, #tpu.memory_space<vmem>>
      %dma_start3A_308 = arith.constant 0 : i32
      %dma_start3A_309 = tpu.memref_slice %arg8[%dma_start3A_302, %dma_start3A_308] : memref<5x80xi32, #tpu.memory_space<vmem>> -> memref<1x80xi32, #tpu.memory_space<vmem>>
      %dma_start3A_310 = tpu.memref_squeeze %dma_start3A_309 : memref<1x80xi32, #tpu.memory_space<vmem>> -> memref<80xi32, #tpu.memory_space<vmem>>
      %dma_start3A_311 = arith.constant 0 : i32
      %dma_start3A_312 = arith.constant 0 : i32
      %dma_start3A_313 = tpu.memref_slice %arg2[%dma_start3A_311, %dma_start3A_312] : memref<10000x128xf32, #tpu.memory_space<hbm>> -> memref<10000x128xf32, #tpu.memory_space<hbm>>
      tpu.enqueue_indirect_dma source(%dma_start3A_313 : memref<10000x128xf32, #tpu.memory_space<hbm>>) target(%dma_start3A_307 : memref<80x128xf32, #tpu.memory_space<vmem>>) offsets(%dma_start3A_310 : memref<80xi32, #tpu.memory_space<vmem>>) semaphore(%arg14 : memref<!tpu.dma_semaphore, #tpu.memory_space<semaphore_mem>>)
      %dma_start3A_314 = arith.constant 0 : i32
      %dma_start3A_315 = arith.constant 0 : i32
      %dma_start3A_316 = arith.constant 0 : i32
      %dma_start3A_317 = arith.constant 0 : i32
      %dma_start3A_318 = tpu.memref_slice %arg11[%dma_start3A_315, %dma_start3A_316, %dma_start3A_317] : memref<5x80x128xf32, #tpu.memory_space<vmem>> -> memref<1x80x128xf32, #tpu.memory_space<vmem>>
      %dma_start3A_319 = tpu.memref_squeeze %dma_start3A_318 : memref<1x80x128xf32, #tpu.memory_space<vmem>> -> memref<80x128xf32, #tpu.memory_space<vmem>>
      %dma_start3A_320 = arith.constant 0 : i32
      %dma_start3A_321 = tpu.memref_slice %arg9[%dma_start3A_314, %dma_start3A_320] : memref<5x80xi32, #tpu.memory_space<vmem>> -> memref<1x80xi32, #tpu.memory_space<vmem>>
      %dma_start3A_322 = tpu.memref_squeeze %dma_start3A_321 : memref<1x80xi32, #tpu.memory_space<vmem>> -> memref<80xi32, #tpu.memory_space<vmem>>
      %dma_start3A_323 = arith.constant 0 : i32
      %dma_start3A_324 = arith.constant 0 : i32
      %dma_start3A_325 = tpu.memref_slice %arg3[%dma_start3A_323, %dma_start3A_324] : memref<10000x128xf32, #tpu.memory_space<hbm>> -> memref<10000x128xf32, #tpu.memory_space<hbm>>
      tpu.enqueue_indirect_dma source(%dma_start3A_325 : memref<10000x128xf32, #tpu.memory_space<hbm>>) target(%dma_start3A_319 : memref<80x128xf32, #tpu.memory_space<vmem>>) offsets(%dma_start3A_322 : memref<80xi32, #tpu.memory_space<vmem>>) semaphore(%arg14 : memref<!tpu.dma_semaphore, #tpu.memory_space<semaphore_mem>>)
      %dma_start3A_326 = arith.constant 1 : i32
      %dma_start3A_327 = arith.constant 1 : i32
      %dma_start3A_328 = arith.constant 0 : i32
      %dma_start3A_329 = arith.constant 0 : i32
      %dma_start3A_330 = tpu.memref_slice %arg10[%dma_start3A_327, %dma_start3A_328, %dma_start3A_329] : memref<5x80x128xf32, #tpu.memory_space<vmem>> -> memref<1x80x128xf32, #tpu.memory_space<vmem>>
      %dma_start3A_331 = tpu.memref_squeeze %dma_start3A_330 : memref<1x80x128xf32, #tpu.memory_space<vmem>> -> memref<80x128xf32, #tpu.memory_space<vmem>>
      %dma_start3A_332 = arith.constant 0 : i32
      %dma_start3A_333 = tpu.memref_slice %arg8[%dma_start3A_326, %dma_start3A_332] : memref<5x80xi32, #tpu.memory_space<vmem>> -> memref<1x80xi32, #tpu.memory_space<vmem>>
      %dma_start3A_334 = tpu.memref_squeeze %dma_start3A_333 : memref<1x80xi32, #tpu.memory_space<vmem>> -> memref<80xi32, #tpu.memory_space<vmem>>
      %dma_start3A_335 = arith.constant 0 : i32
      %dma_start3A_336 = arith.constant 0 : i32
      %dma_start3A_337 = tpu.memref_slice %arg2[%dma_start3A_335, %dma_start3A_336] : memref<10000x128xf32, #tpu.memory_space<hbm>> -> memref<10000x128xf32, #tpu.memory_space<hbm>>
      tpu.enqueue_indirect_dma source(%dma_start3A_337 : memref<10000x128xf32, #tpu.memory_space<hbm>>) target(%dma_start3A_331 : memref<80x128xf32, #tpu.memory_space<vmem>>) offsets(%dma_start3A_334 : memref<80xi32, #tpu.memory_space<vmem>>) semaphore(%arg14 : memref<!tpu.dma_semaphore, #tpu.memory_space<semaphore_mem>>)
      %dma_start3A_338 = arith.constant 1 : i32
      %dma_start3A_339 = arith.constant 1 : i32
      %dma_start3A_340 = arith.constant 0 : i32
      %dma_start3A_341 = arith.constant 0 : i32
      %dma_start3A_342 = tpu.memref_slice %arg11[%dma_start3A_339, %dma_start3A_340, %dma_start3A_341] : memref<5x80x128xf32, #tpu.memory_space<vmem>> -> memref<1x80x128xf32, #tpu.memory_space<vmem>>
      %dma_start3A_343 = tpu.memref_squeeze %dma_start3A_342 : memref<1x80x128xf32, #tpu.memory_space<vmem>> -> memref<80x128xf32, #tpu.memory_space<vmem>>
      %dma_start3A_344 = arith.constant 0 : i32
      %dma_start3A_345 = tpu.memref_slice %arg9[%dma_start3A_338, %dma_start3A_344] : memref<5x80xi32, #tpu.memory_space<vmem>> -> memref<1x80xi32, #tpu.memory_space<vmem>>
      %dma_start3A_346 = tpu.memref_squeeze %dma_start3A_345 : memref<1x80xi32, #tpu.memory_space<vmem>> -> memref<80xi32, #tpu.memory_space<vmem>>
      %dma_start3A_347 = arith.constant 0 : i32
      %dma_start3A_348 = arith.constant 0 : i32
      %dma_start3A_349 = tpu.memref_slice %arg3[%dma_start3A_347, %dma_start3A_348] : memref<10000x128xf32, #tpu.memory_space<hbm>> -> memref<10000x128xf32, #tpu.memory_space<hbm>>
      tpu.enqueue_indirect_dma source(%dma_start3A_349 : memref<10000x128xf32, #tpu.memory_space<hbm>>) target(%dma_start3A_343 : memref<80x128xf32, #tpu.memory_space<vmem>>) offsets(%dma_start3A_346 : memref<80xi32, #tpu.memory_space<vmem>>) semaphore(%arg14 : memref<!tpu.dma_semaphore, #tpu.memory_space<semaphore_mem>>)
      %dma_start3A_350 = arith.constant 2 : i32
      %dma_start3A_351 = arith.constant 2 : i32
      %dma_start3A_352 = arith.constant 0 : i32
      %dma_start3A_353 = arith.constant 0 : i32
      %dma_start3A_354 = tpu.memref_slice %arg10[%dma_start3A_351, %dma_start3A_352, %dma_start3A_353] : memref<5x80x128xf32, #tpu.memory_space<vmem>> -> memref<1x80x128xf32, #tpu.memory_space<vmem>>
      %dma_start3A_355 = tpu.memref_squeeze %dma_start3A_354 : memref<1x80x128xf32, #tpu.memory_space<vmem>> -> memref<80x128xf32, #tpu.memory_space<vmem>>
      %dma_start3A_356 = arith.constant 0 : i32
      %dma_start3A_357 = tpu.memref_slice %arg8[%dma_start3A_350, %dma_start3A_356] : memref<5x80xi32, #tpu.memory_space<vmem>> -> memref<1x80xi32, #tpu.memory_space<vmem>>
      %dma_start3A_358 = tpu.memref_squeeze %dma_start3A_357 : memref<1x80xi32, #tpu.memory_space<vmem>> -> memref<80xi32, #tpu.memory_space<vmem>>
      %dma_start3A_359 = arith.constant 0 : i32
      %dma_start3A_360 = arith.constant 0 : i32
      %dma_start3A_361 = tpu.memref_slice %arg2[%dma_start3A_359, %dma_start3A_360] : memref<10000x128xf32, #tpu.memory_space<hbm>> -> memref<10000x128xf32, #tpu.memory_space<hbm>>
      tpu.enqueue_indirect_dma source(%dma_start3A_361 : memref<10000x128xf32, #tpu.memory_space<hbm>>) target(%dma_start3A_355 : memref<80x128xf32, #tpu.memory_space<vmem>>) offsets(%dma_start3A_358 : memref<80xi32, #tpu.memory_space<vmem>>) semaphore(%arg14 : memref<!tpu.dma_semaphore, #tpu.memory_space<semaphore_mem>>)
      %dma_start3A_362 = arith.constant 2 : i32
      %dma_start3A_363 = arith.constant 2 : i32
      %dma_start3A_364 = arith.constant 0 : i32
      %dma_start3A_365 = arith.constant 0 : i32
      %dma_start3A_366 = tpu.memref_slice %arg11[%dma_start3A_363, %dma_start3A_364, %dma_start3A_365] : memref<5x80x128xf32, #tpu.memory_space<vmem>> -> memref<1x80x128xf32, #tpu.memory_space<vmem>>
      %dma_start3A_367 = tpu.memref_squeeze %dma_start3A_366 : memref<1x80x128xf32, #tpu.memory_space<vmem>> -> memref<80x128xf32, #tpu.memory_space<vmem>>
      %dma_start3A_368 = arith.constant 0 : i32
      %dma_start3A_369 = tpu.memref_slice %arg9[%dma_start3A_362, %dma_start3A_368] : memref<5x80xi32, #tpu.memory_space<vmem>> -> memref<1x80xi32, #tpu.memory_space<vmem>>
      %dma_start3A_370 = tpu.memref_squeeze %dma_start3A_369 : memref<1x80xi32, #tpu.memory_space<vmem>> -> memref<80xi32, #tpu.memory_space<vmem>>
      %dma_start3A_371 = arith.constant 0 : i32
      %dma_start3A_372 = arith.constant 0 : i32
      %dma_start3A_373 = tpu.memref_slice %arg3[%dma_start3A_371, %dma_start3A_372] : memref<10000x128xf32, #tpu.memory_space<hbm>> -> memref<10000x128xf32, #tpu.memory_space<hbm>>
      tpu.enqueue_indirect_dma source(%dma_start3A_373 : memref<10000x128xf32, #tpu.memory_space<hbm>>) target(%dma_start3A_367 : memref<80x128xf32, #tpu.memory_space<vmem>>) offsets(%dma_start3A_370 : memref<80xi32, #tpu.memory_space<vmem>>) semaphore(%arg14 : memref<!tpu.dma_semaphore, #tpu.memory_space<semaphore_mem>>)
      %dma_start3A_374 = arith.constant 3 : i32
      %dma_start3A_375 = arith.constant 3 : i32
      %dma_start3A_376 = arith.constant 0 : i32
      %dma_start3A_377 = arith.constant 0 : i32
      %dma_start3A_378 = tpu.memref_slice %arg10[%dma_start3A_375, %dma_start3A_376, %dma_start3A_377] : memref<5x80x128xf32, #tpu.memory_space<vmem>> -> memref<1x80x128xf32, #tpu.memory_space<vmem>>
      %dma_start3A_379 = tpu.memref_squeeze %dma_start3A_378 : memref<1x80x128xf32, #tpu.memory_space<vmem>> -> memref<80x128xf32, #tpu.memory_space<vmem>>
      %dma_start3A_380 = arith.constant 0 : i32
      %dma_start3A_381 = tpu.memref_slice %arg8[%dma_start3A_374, %dma_start3A_380] : memref<5x80xi32, #tpu.memory_space<vmem>> -> memref<1x80xi32, #tpu.memory_space<vmem>>
      %dma_start3A_382 = tpu.memref_squeeze %dma_start3A_381 : memref<1x80xi32, #tpu.memory_space<vmem>> -> memref<80xi32, #tpu.memory_space<vmem>>
      %dma_start3A_383 = arith.constant 0 : i32
      %dma_start3A_384 = arith.constant 0 : i32
      %dma_start3A_385 = tpu.memref_slice %arg2[%dma_start3A_383, %dma_start3A_384] : memref<10000x128xf32, #tpu.memory_space<hbm>> -> memref<10000x128xf32, #tpu.memory_space<hbm>>
      tpu.enqueue_indirect_dma source(%dma_start3A_385 : memref<10000x128xf32, #tpu.memory_space<hbm>>) target(%dma_start3A_379 : memref<80x128xf32, #tpu.memory_space<vmem>>) offsets(%dma_start3A_382 : memref<80xi32, #tpu.memory_space<vmem>>) semaphore(%arg14 : memref<!tpu.dma_semaphore, #tpu.memory_space<semaphore_mem>>)
      %dma_start3A_386 = arith.constant 3 : i32
      %dma_start3A_387 = arith.constant 3 : i32
      %dma_start3A_388 = arith.constant 0 : i32
      %dma_start3A_389 = arith.constant 0 : i32
      %dma_start3A_390 = tpu.memref_slice %arg11[%dma_start3A_387, %dma_start3A_388, %dma_start3A_389] : memref<5x80x128xf32, #tpu.memory_space<vmem>> -> memref<1x80x128xf32, #tpu.memory_space<vmem>>
      %dma_start3A_391 = tpu.memref_squeeze %dma_start3A_390 : memref<1x80x128xf32, #tpu.memory_space<vmem>> -> memref<80x128xf32, #tpu.memory_space<vmem>>
      %dma_start3A_392 = arith.constant 0 : i32
      %dma_start3A_393 = tpu.memref_slice %arg9[%dma_start3A_386, %dma_start3A_392] : memref<5x80xi32, #tpu.memory_space<vmem>> -> memref<1x80xi32, #tpu.memory_space<vmem>>
      %dma_start3A_394 = tpu.memref_squeeze %dma_start3A_393 : memref<1x80xi32, #tpu.memory_space<vmem>> -> memref<80xi32, #tpu.memory_space<vmem>>
      %dma_start3A_395 = arith.constant 0 : i32
      %dma_start3A_396 = arith.constant 0 : i32
      %dma_start3A_397 = tpu.memref_slice %arg3[%dma_start3A_395, %dma_start3A_396] : memref<10000x128xf32, #tpu.memory_space<hbm>> -> memref<10000x128xf32, #tpu.memory_space<hbm>>
      tpu.enqueue_indirect_dma source(%dma_start3A_397 : memref<10000x128xf32, #tpu.memory_space<hbm>>) target(%dma_start3A_391 : memref<80x128xf32, #tpu.memory_space<vmem>>) offsets(%dma_start3A_394 : memref<80xi32, #tpu.memory_space<vmem>>) semaphore(%arg14 : memref<!tpu.dma_semaphore, #tpu.memory_space<semaphore_mem>>)
      %dma_start3A_398 = arith.constant 4 : i32
      %dma_start3A_399 = arith.constant 4 : i32
      %dma_start3A_400 = arith.constant 0 : i32
      %dma_start3A_401 = arith.constant 0 : i32
      %dma_start3A_402 = tpu.memref_slice %arg10[%dma_start3A_399, %dma_start3A_400, %dma_start3A_401] : memref<5x80x128xf32, #tpu.memory_space<vmem>> -> memref<1x80x128xf32, #tpu.memory_space<vmem>>
      %dma_start3A_403 = tpu.memref_squeeze %dma_start3A_402 : memref<1x80x128xf32, #tpu.memory_space<vmem>> -> memref<80x128xf32, #tpu.memory_space<vmem>>
      %dma_start3A_404 = arith.constant 0 : i32
      %dma_start3A_405 = tpu.memref_slice %arg8[%dma_start3A_398, %dma_start3A_404] : memref<5x80xi32, #tpu.memory_space<vmem>> -> memref<1x80xi32, #tpu.memory_space<vmem>>
      %dma_start3A_406 = tpu.memref_squeeze %dma_start3A_405 : memref<1x80xi32, #tpu.memory_space<vmem>> -> memref<80xi32, #tpu.memory_space<vmem>>
      %dma_start3A_407 = arith.constant 0 : i32
      %dma_start3A_408 = arith.constant 0 : i32
      %dma_start3A_409 = tpu.memref_slice %arg2[%dma_start3A_407, %dma_start3A_408] : memref<10000x128xf32, #tpu.memory_space<hbm>> -> memref<10000x128xf32, #tpu.memory_space<hbm>>
      tpu.enqueue_indirect_dma source(%dma_start3A_409 : memref<10000x128xf32, #tpu.memory_space<hbm>>) target(%dma_start3A_403 : memref<80x128xf32, #tpu.memory_space<vmem>>) offsets(%dma_start3A_406 : memref<80xi32, #tpu.memory_space<vmem>>) semaphore(%arg14 : memref<!tpu.dma_semaphore, #tpu.memory_space<semaphore_mem>>)
      %dma_start3A_410 = arith.constant 4 : i32
      %dma_start3A_411 = arith.constant 4 : i32
      %dma_start3A_412 = arith.constant 0 : i32
      %dma_start3A_413 = arith.constant 0 : i32
      %dma_start3A_414 = tpu.memref_slice %arg11[%dma_start3A_411, %dma_start3A_412, %dma_start3A_413] : memref<5x80x128xf32, #tpu.memory_space<vmem>> -> memref<1x80x128xf32, #tpu.memory_space<vmem>>
      %dma_start3A_415 = tpu.memref_squeeze %dma_start3A_414 : memref<1x80x128xf32, #tpu.memory_space<vmem>> -> memref<80x128xf32, #tpu.memory_space<vmem>>
      %dma_start3A_416 = arith.constant 0 : i32
      %dma_start3A_417 = tpu.memref_slice %arg9[%dma_start3A_410, %dma_start3A_416] : memref<5x80xi32, #tpu.memory_space<vmem>> -> memref<1x80xi32, #tpu.memory_space<vmem>>
      %dma_start3A_418 = tpu.memref_squeeze %dma_start3A_417 : memref<1x80xi32, #tpu.memory_space<vmem>> -> memref<80xi32, #tpu.memory_space<vmem>>
      %dma_start3A_419 = arith.constant 0 : i32
      %dma_start3A_420 = arith.constant 0 : i32
      %dma_start3A_421 = tpu.memref_slice %arg3[%dma_start3A_419, %dma_start3A_420] : memref<10000x128xf32, #tpu.memory_space<hbm>> -> memref<10000x128xf32, #tpu.memory_space<hbm>>
      tpu.enqueue_indirect_dma source(%dma_start3A_421 : memref<10000x128xf32, #tpu.memory_space<hbm>>) target(%dma_start3A_415 : memref<80x128xf32, #tpu.memory_space<vmem>>) offsets(%dma_start3A_418 : memref<80xi32, #tpu.memory_space<vmem>>) semaphore(%arg14 : memref<!tpu.dma_semaphore, #tpu.memory_space<semaphore_mem>>)
      %dma_wait3A_422 = arith.constant 0 : i32
      %dma_wait3A_423 = arith.constant 0 : i32
      %dma_wait3A_424 = arith.constant 0 : i32
      %dma_wait3A_425 = arith.constant 0 : i32
      %dma_wait3A_426 = tpu.memref_slice %arg10[%dma_wait3A_423, %dma_wait3A_424, %dma_wait3A_425] : memref<5x80x128xf32, #tpu.memory_space<vmem>> -> memref<1x80x128xf32, #tpu.memory_space<vmem>>
      %dma_wait3A_427 = tpu.memref_squeeze %dma_wait3A_426 : memref<1x80x128xf32, #tpu.memory_space<vmem>> -> memref<80x128xf32, #tpu.memory_space<vmem>>
      %dma_wait3A_428 = arith.constant 0 : i32
      %dma_wait3A_429 = tpu.memref_slice %arg8[%dma_wait3A_422, %dma_wait3A_428] : memref<5x80xi32, #tpu.memory_space<vmem>> -> memref<1x80xi32, #tpu.memory_space<vmem>>
      %dma_wait3A_430 = tpu.memref_squeeze %dma_wait3A_429 : memref<1x80xi32, #tpu.memory_space<vmem>> -> memref<80xi32, #tpu.memory_space<vmem>>
      %dma_wait3A_431 = arith.constant 0 : i32
      %dma_wait3A_432 = arith.constant 0 : i32
      %dma_wait3A_433 = tpu.memref_slice %arg2[%dma_wait3A_431, %dma_wait3A_432] : memref<10000x128xf32, #tpu.memory_space<hbm>> -> memref<10000x128xf32, #tpu.memory_space<hbm>>
      tpu.wait_indirect_dma semaphore(%arg14 : memref<!tpu.dma_semaphore, #tpu.memory_space<semaphore_mem>>) src(%dma_wait3A_433 : memref<10000x128xf32, #tpu.memory_space<hbm>>) dst(%dma_wait3A_427 : memref<80x128xf32, #tpu.memory_space<vmem>>)
      %dma_wait3A_434 = arith.constant 0 : i32
      %dma_wait3A_435 = arith.constant 0 : i32
      %dma_wait3A_436 = arith.constant 0 : i32
      %dma_wait3A_437 = arith.constant 0 : i32
      %dma_wait3A_438 = tpu.memref_slice %arg11[%dma_wait3A_435, %dma_wait3A_436, %dma_wait3A_437] : memref<5x80x128xf32, #tpu.memory_space<vmem>> -> memref<1x80x128xf32, #tpu.memory_space<vmem>>
      %dma_wait3A_439 = tpu.memref_squeeze %dma_wait3A_438 : memref<1x80x128xf32, #tpu.memory_space<vmem>> -> memref<80x128xf32, #tpu.memory_space<vmem>>
      %dma_wait3A_440 = arith.constant 0 : i32
      %dma_wait3A_441 = tpu.memref_slice %arg9[%dma_wait3A_434, %dma_wait3A_440] : memref<5x80xi32, #tpu.memory_space<vmem>> -> memref<1x80xi32, #tpu.memory_space<vmem>>
      %dma_wait3A_442 = tpu.memref_squeeze %dma_wait3A_441 : memref<1x80xi32, #tpu.memory_space<vmem>> -> memref<80xi32, #tpu.memory_space<vmem>>
      %dma_wait3A_443 = arith.constant 0 : i32
      %dma_wait3A_444 = arith.constant 0 : i32
      %dma_wait3A_445 = tpu.memref_slice %arg3[%dma_wait3A_443, %dma_wait3A_444] : memref<10000x128xf32, #tpu.memory_space<hbm>> -> memref<10000x128xf32, #tpu.memory_space<hbm>>
      tpu.wait_indirect_dma semaphore(%arg14 : memref<!tpu.dma_semaphore, #tpu.memory_space<semaphore_mem>>) src(%dma_wait3A_445 : memref<10000x128xf32, #tpu.memory_space<hbm>>) dst(%dma_wait3A_439 : memref<80x128xf32, #tpu.memory_space<vmem>>)
      %scan3A_446 = arith.constant 0 : i32
      %scan3A_447 = arith.constant 0 : i32
      %scan3A_448 = arith.constant 80 : i32
      %scan3A_449 = arith.addi %scan3A_447, %scan3A_448 : i32
      %scan3A_450 = arith.constant 1 : i32
      scf.for %scan3A_918 = %scan3A_447 to %scan3A_449 step %scan3A_450  : i32 {
        %get3A_919 = arith.constant 0 : i32
        %get3A_920 = arith.index_cast %get3A_919 : i32 to index
        %get3A_921 = arith.index_cast %scan3A_918 : i32 to index
        %get3A_922 = arith.constant 0 : index
        %get3A_923 = tpu.vector_load %arg10[%get3A_920, %get3A_921, %get3A_922] {strides = array<i32>} : memref<5x80x128xf32, #tpu.memory_space<vmem>>, vector<16xf32>,
        %get3A_924 = arith.constant 0 : i32
        %get3A_925 = arith.index_cast %get3A_924 : i32 to index
        %get3A_926 = arith.index_cast %scan3A_918 : i32 to index
        %get3A_927 = arith.constant 0 : index
        %get3A_928 = tpu.vector_load %arg11[%get3A_925, %get3A_926, %get3A_927] {strides = array<i32>} : memref<5x80x128xf32, #tpu.memory_space<vmem>>, vector<16xf32>,
        %add3A_929 = arith.addf %get3A_923, %get3A_928 : vector<16xf32>
        %swap3A = arith.constant 0 : i32
        %swap3A_930 = arith.index_cast %swap3A : i32 to index
        %swap3A_931 = arith.index_cast %scan3A_918 : i32 to index
        %swap3A_932 = arith.constant 0 : index
        %swap3A_933 = tpu.vector_load %arg10[%swap3A_930, %swap3A_931, %swap3A_932] {strides = array<i32>} : memref<5x80x128xf32, #tpu.memory_space<vmem>>, vector<16xf32>,
        tpu.vector_store %arg10[%swap3A_930, %swap3A_931, %swap3A_932], %add3A_929 {strides = array<i32>} : memref<5x80x128xf32, #tpu.memory_space<vmem>>, vector<16xf32>,
        %get3A_934 = arith.constant 0 : i32
        %get3A_935 = arith.index_cast %get3A_934 : i32 to index
        %get3A_936 = arith.index_cast %scan3A_918 : i32 to index
        %get3A_937 = arith.constant 16 : index
        %get3A_938 = tpu.vector_load %arg10[%get3A_935, %get3A_936, %get3A_937] {strides = array<i32>} : memref<5x80x128xf32, #tpu.memory_space<vmem>>, vector<16xf32>,
        %get3A_939 = arith.constant 0 : i32
        %get3A_940 = arith.index_cast %get3A_939 : i32 to index
        %get3A_941 = arith.index_cast %scan3A_918 : i32 to index
        %get3A_942 = arith.constant 16 : index
        %get3A_943 = tpu.vector_load %arg11[%get3A_940, %get3A_941, %get3A_942] {strides = array<i32>} : memref<5x80x128xf32, #tpu.memory_space<vmem>>, vector<16xf32>,
        %add3A_944 = arith.addf %get3A_938, %get3A_943 : vector<16xf32>
        %swap3A_945 = arith.constant 0 : i32
        %swap3A_946 = arith.index_cast %swap3A_945 : i32 to index
        %swap3A_947 = arith.index_cast %scan3A_918 : i32 to index
        %swap3A_948 = arith.constant 16 : index
        %swap3A_949 = tpu.vector_load %arg10[%swap3A_946, %swap3A_947, %swap3A_948] {strides = array<i32>} : memref<5x80x128xf32, #tpu.memory_space<vmem>>, vector<16xf32>,
        tpu.vector_store %arg10[%swap3A_946, %swap3A_947, %swap3A_948], %add3A_944 {strides = array<i32>} : memref<5x80x128xf32, #tpu.memory_space<vmem>>, vector<16xf32>,
        %get3A_950 = arith.constant 0 : i32
        %get3A_951 = arith.index_cast %get3A_950 : i32 to index
        %get3A_952 = arith.index_cast %scan3A_918 : i32 to index
        %get3A_953 = arith.constant 32 : index
        %get3A_954 = tpu.vector_load %arg10[%get3A_951, %get3A_952, %get3A_953] {strides = array<i32>} : memref<5x80x128xf32, #tpu.memory_space<vmem>>, vector<16xf32>,
        %get3A_955 = arith.constant 0 : i32
        %get3A_956 = arith.index_cast %get3A_955 : i32 to index
        %get3A_957 = arith.index_cast %scan3A_918 : i32 to index
        %get3A_958 = arith.constant 32 : index
        %get3A_959 = tpu.vector_load %arg11[%get3A_956, %get3A_957, %get3A_958] {strides = array<i32>} : memref<5x80x128xf32, #tpu.memory_space<vmem>>, vector<16xf32>,
        %add3A_960 = arith.addf %get3A_954, %get3A_959 : vector<16xf32>
        %swap3A_961 = arith.constant 0 : i32
        %swap3A_962 = arith.index_cast %swap3A_961 : i32 to index
        %swap3A_963 = arith.index_cast %scan3A_918 : i32 to index
        %swap3A_964 = arith.constant 32 : index
        %swap3A_965 = tpu.vector_load %arg10[%swap3A_962, %swap3A_963, %swap3A_964] {strides = array<i32>} : memref<5x80x128xf32, #tpu.memory_space<vmem>>, vector<16xf32>,
        tpu.vector_store %arg10[%swap3A_962, %swap3A_963, %swap3A_964], %add3A_960 {strides = array<i32>} : memref<5x80x128xf32, #tpu.memory_space<vmem>>, vector<16xf32>,
        %get3A_966 = arith.constant 0 : i32
        %get3A_967 = arith.index_cast %get3A_966 : i32 to index
        %get3A_968 = arith.index_cast %scan3A_918 : i32 to index
        %get3A_969 = arith.constant 48 : index
        %get3A_970 = tpu.vector_load %arg10[%get3A_967, %get3A_968, %get3A_969] {strides = array<i32>} : memref<5x80x128xf32, #tpu.memory_space<vmem>>, vector<16xf32>,
        %get3A_971 = arith.constant 0 : i32
        %get3A_972 = arith.index_cast %get3A_971 : i32 to index
        %get3A_973 = arith.index_cast %scan3A_918 : i32 to index
        %get3A_974 = arith.constant 48 : index
        %get3A_975 = tpu.vector_load %arg11[%get3A_972, %get3A_973, %get3A_974] {strides = array<i32>} : memref<5x80x128xf32, #tpu.memory_space<vmem>>, vector<16xf32>,
        %add3A_976 = arith.addf %get3A_970, %get3A_975 : vector<16xf32>
        %swap3A_977 = arith.constant 0 : i32
        %swap3A_978 = arith.index_cast %swap3A_977 : i32 to index
        %swap3A_979 = arith.index_cast %scan3A_918 : i32 to index
        %swap3A_980 = arith.constant 48 : index
        %swap3A_981 = tpu.vector_load %arg10[%swap3A_978, %swap3A_979, %swap3A_980] {strides = array<i32>} : memref<5x80x128xf32, #tpu.memory_space<vmem>>, vector<16xf32>,
        tpu.vector_store %arg10[%swap3A_978, %swap3A_979, %swap3A_980], %add3A_976 {strides = array<i32>} : memref<5x80x128xf32, #tpu.memory_space<vmem>>, vector<16xf32>,
        %get3A_982 = arith.constant 0 : i32
        %get3A_983 = arith.index_cast %get3A_982 : i32 to index
        %get3A_984 = arith.index_cast %scan3A_918 : i32 to index
        %get3A_985 = arith.constant 64 : index
        %get3A_986 = tpu.vector_load %arg10[%get3A_983, %get3A_984, %get3A_985] {strides = array<i32>} : memref<5x80x128xf32, #tpu.memory_space<vmem>>, vector<16xf32>,
        %get3A_987 = arith.constant 0 : i32
        %get3A_988 = arith.index_cast %get3A_987 : i32 to index
        %get3A_989 = arith.index_cast %scan3A_918 : i32 to index
        %get3A_990 = arith.constant 64 : index
        %get3A_991 = tpu.vector_load %arg11[%get3A_988, %get3A_989, %get3A_990] {strides = array<i32>} : memref<5x80x128xf32, #tpu.memory_space<vmem>>, vector<16xf32>,
        %add3A_992 = arith.addf %get3A_986, %get3A_991 : vector<16xf32>
        %swap3A_993 = arith.constant 0 : i32
        %swap3A_994 = arith.index_cast %swap3A_993 : i32 to index
        %swap3A_995 = arith.index_cast %scan3A_918 : i32 to index
        %swap3A_996 = arith.constant 64 : index
        %swap3A_997 = tpu.vector_load %arg10[%swap3A_994, %swap3A_995, %swap3A_996] {strides = array<i32>} : memref<5x80x128xf32, #tpu.memory_space<vmem>>, vector<16xf32>,
        tpu.vector_store %arg10[%swap3A_994, %swap3A_995, %swap3A_996], %add3A_992 {strides = array<i32>} : memref<5x80x128xf32, #tpu.memory_space<vmem>>, vector<16xf32>,
        %get3A_998 = arith.constant 0 : i32
        %get3A_999 = arith.index_cast %get3A_998 : i32 to index
        %get3A_1000 = arith.index_cast %scan3A_918 : i32 to index
        %get3A_1001 = arith.constant 80 : index
        %get3A_1002 = tpu.vector_load %arg10[%get3A_999, %get3A_1000, %get3A_1001] {strides = array<i32>} : memref<5x80x128xf32, #tpu.memory_space<vmem>>, vector<16xf32>,
        %get3A_1003 = arith.constant 0 : i32
        %get3A_1004 = arith.index_cast %get3A_1003 : i32 to index
        %get3A_1005 = arith.index_cast %scan3A_918 : i32 to index
        %get3A_1006 = arith.constant 80 : index
        %get3A_1007 = tpu.vector_load %arg11[%get3A_1004, %get3A_1005, %get3A_1006] {strides = array<i32>} : memref<5x80x128xf32, #tpu.memory_space<vmem>>, vector<16xf32>,
        %add3A_1008 = arith.addf %get3A_1002, %get3A_1007 : vector<16xf32>
        %swap3A_1009 = arith.constant 0 : i32
        %swap3A_1010 = arith.index_cast %swap3A_1009 : i32 to index
        %swap3A_1011 = arith.index_cast %scan3A_918 : i32 to index
        %swap3A_1012 = arith.constant 80 : index
        %swap3A_1013 = tpu.vector_load %arg10[%swap3A_1010, %swap3A_1011, %swap3A_1012] {strides = array<i32>} : memref<5x80x128xf32, #tpu.memory_space<vmem>>, vector<16xf32>,
        tpu.vector_store %arg10[%swap3A_1010, %swap3A_1011, %swap3A_1012], %add3A_1008 {strides = array<i32>} : memref<5x80x128xf32, #tpu.memory_space<vmem>>, vector<16xf32>,
        %get3A_1014 = arith.constant 0 : i32
        %get3A_1015 = arith.index_cast %get3A_1014 : i32 to index
        %get3A_1016 = arith.index_cast %scan3A_918 : i32 to index
        %get3A_1017 = arith.constant 96 : index
        %get3A_1018 = tpu.vector_load %arg10[%get3A_1015, %get3A_1016, %get3A_1017] {strides = array<i32>} : memref<5x80x128xf32, #tpu.memory_space<vmem>>, vector<16xf32>,
        %get3A_1019 = arith.constant 0 : i32
        %get3A_1020 = arith.index_cast %get3A_1019 : i32 to index
        %get3A_1021 = arith.index_cast %scan3A_918 : i32 to index
        %get3A_1022 = arith.constant 96 : index
        %get3A_1023 = tpu.vector_load %arg11[%get3A_1020, %get3A_1021, %get3A_1022] {strides = array<i32>} : memref<5x80x128xf32, #tpu.memory_space<vmem>>, vector<16xf32>,
        %add3A_1024 = arith.addf %get3A_1018, %get3A_1023 : vector<16xf32>
        %swap3A_1025 = arith.constant 0 : i32
        %swap3A_1026 = arith.index_cast %swap3A_1025 : i32 to index
        %swap3A_1027 = arith.index_cast %scan3A_918 : i32 to index
        %swap3A_1028 = arith.constant 96 : index
        %swap3A_1029 = tpu.vector_load %arg10[%swap3A_1026, %swap3A_1027, %swap3A_1028] {strides = array<i32>} : memref<5x80x128xf32, #tpu.memory_space<vmem>>, vector<16xf32>,
        tpu.vector_store %arg10[%swap3A_1026, %swap3A_1027, %swap3A_1028], %add3A_1024 {strides = array<i32>} : memref<5x80x128xf32, #tpu.memory_space<vmem>>, vector<16xf32>,
        %get3A_1030 = arith.constant 0 : i32
        %get3A_1031 = arith.index_cast %get3A_1030 : i32 to index
        %get3A_1032 = arith.index_cast %scan3A_918 : i32 to index
        %get3A_1033 = arith.constant 112 : index
        %get3A_1034 = tpu.vector_load %arg10[%get3A_1031, %get3A_1032, %get3A_1033] {strides = array<i32>} : memref<5x80x128xf32, #tpu.memory_space<vmem>>, vector<16xf32>,
        %get3A_1035 = arith.constant 0 : i32
        %get3A_1036 = arith.index_cast %get3A_1035 : i32 to index
        %get3A_1037 = arith.index_cast %scan3A_918 : i32 to index
        %get3A_1038 = arith.constant 112 : index
        %get3A_1039 = tpu.vector_load %arg11[%get3A_1036, %get3A_1037, %get3A_1038] {strides = array<i32>} : memref<5x80x128xf32, #tpu.memory_space<vmem>>, vector<16xf32>,
        %add3A_1040 = arith.addf %get3A_1034, %get3A_1039 : vector<16xf32>
        %swap3A_1041 = arith.constant 0 : i32
        %swap3A_1042 = arith.index_cast %swap3A_1041 : i32 to index
        %swap3A_1043 = arith.index_cast %scan3A_918 : i32 to index
        %swap3A_1044 = arith.constant 112 : index
        %swap3A_1045 = tpu.vector_load %arg10[%swap3A_1042, %swap3A_1043, %swap3A_1044] {strides = array<i32>} : memref<5x80x128xf32, #tpu.memory_space<vmem>>, vector<16xf32>,
        tpu.vector_store %arg10[%swap3A_1042, %swap3A_1043, %swap3A_1044], %add3A_1040 {strides = array<i32>} : memref<5x80x128xf32, #tpu.memory_space<vmem>>, vector<16xf32>,
      }
      %scan3A_451 = arith.constant 80 : i32
      %add3A_452 = arith.constant 0 : i32
      %add3A_453 = arith.addi %multiple_of3A_211, %add3A_452 : i32
      %dma_start3A_454 = arith.constant 0 : i32
      %dma_start3A_455 = arith.constant 0 : i32
      %dma_start3A_456 = arith.constant 0 : i32
      %dma_start3A_457 = tpu.memref_slice %arg10[%dma_start3A_454, %dma_start3A_455, %dma_start3A_456] : memref<5x80x128xf32, #tpu.memory_space<vmem>> -> memref<1x80x128xf32, #tpu.memory_space<vmem>>
      %dma_start3A_458 = tpu.memref_squeeze %dma_start3A_457 : memref<1x80x128xf32, #tpu.memory_space<vmem>> -> memref<80x128xf32, #tpu.memory_space<vmem>>
      %dma_start3A_459 = arith.constant 0 : i32
      %dma_start3A_460 = tpu.memref_slice %arg6[%add3A_453, %dma_start3A_459] : memref<320000x128xf32, #tpu.memory_space<hbm>> -> memref<80x128xf32, #tpu.memory_space<hbm>>
      %dma_start3A_461 = arith.constant 0 : i32
      %dma_start3A_462 = tpu.memref_slice %arg6[%add3A_453, %dma_start3A_461] : memref<320000x128xf32, #tpu.memory_space<hbm>> -> memref<80x128xf32, #tpu.memory_space<hbm>>
      %dma_start3A_463 = arith.constant 0 : i32
      %dma_start3A_464 = arith.constant 0 : i32
      %dma_start3A_465 = tpu.memref_slice %arg10[%dma_start3A_454, %dma_start3A_463, %dma_start3A_464] : memref<5x80x128xf32, #tpu.memory_space<vmem>> -> memref<1x80x128xf32, #tpu.memory_space<vmem>>
      %dma_start3A_466 = tpu.memref_squeeze %dma_start3A_465 : memref<1x80x128xf32, #tpu.memory_space<vmem>> -> memref<80x128xf32, #tpu.memory_space<vmem>>
      tpu.enqueue_dma source(%dma_start3A_466 : memref<80x128xf32, #tpu.memory_space<vmem>>) target(%dma_start3A_462 : memref<80x128xf32, #tpu.memory_space<hbm>>) target_semaphore(%arg15 : memref<!tpu.dma_semaphore, #tpu.memory_space<semaphore_mem>>)
      %dma_wait3A_467 = arith.constant 1 : i32
      %dma_wait3A_468 = arith.constant 1 : i32
      %dma_wait3A_469 = arith.constant 0 : i32
      %dma_wait3A_470 = arith.constant 0 : i32
      %dma_wait3A_471 = tpu.memref_slice %arg10[%dma_wait3A_468, %dma_wait3A_469, %dma_wait3A_470] : memref<5x80x128xf32, #tpu.memory_space<vmem>> -> memref<1x80x128xf32, #tpu.memory_space<vmem>>
      %dma_wait3A_472 = tpu.memref_squeeze %dma_wait3A_471 : memref<1x80x128xf32, #tpu.memory_space<vmem>> -> memref<80x128xf32, #tpu.memory_space<vmem>>
      %dma_wait3A_473 = arith.constant 0 : i32
      %dma_wait3A_474 = tpu.memref_slice %arg8[%dma_wait3A_467, %dma_wait3A_473] : memref<5x80xi32, #tpu.memory_space<vmem>> -> memref<1x80xi32, #tpu.memory_space<vmem>>
      %dma_wait3A_475 = tpu.memref_squeeze %dma_wait3A_474 : memref<1x80xi32, #tpu.memory_space<vmem>> -> memref<80xi32, #tpu.memory_space<vmem>>
      %dma_wait3A_476 = arith.constant 0 : i32
      %dma_wait3A_477 = arith.constant 0 : i32
      %dma_wait3A_478 = tpu.memref_slice %arg2[%dma_wait3A_476, %dma_wait3A_477] : memref<10000x128xf32, #tpu.memory_space<hbm>> -> memref<10000x128xf32, #tpu.memory_space<hbm>>
      tpu.wait_indirect_dma semaphore(%arg14 : memref<!tpu.dma_semaphore, #tpu.memory_space<semaphore_mem>>) src(%dma_wait3A_478 : memref<10000x128xf32, #tpu.memory_space<hbm>>) dst(%dma_wait3A_472 : memref<80x128xf32, #tpu.memory_space<vmem>>)
      %dma_wait3A_479 = arith.constant 1 : i32
      %dma_wait3A_480 = arith.constant 1 : i32
      %dma_wait3A_481 = arith.constant 0 : i32
      %dma_wait3A_482 = arith.constant 0 : i32
      %dma_wait3A_483 = tpu.memref_slice %arg11[%dma_wait3A_480, %dma_wait3A_481, %dma_wait3A_482] : memref<5x80x128xf32, #tpu.memory_space<vmem>> -> memref<1x80x128xf32, #tpu.memory_space<vmem>>
      %dma_wait3A_484 = tpu.memref_squeeze %dma_wait3A_483 : memref<1x80x128xf32, #tpu.memory_space<vmem>> -> memref<80x128xf32, #tpu.memory_space<vmem>>
      %dma_wait3A_485 = arith.constant 0 : i32
      %dma_wait3A_486 = tpu.memref_slice %arg9[%dma_wait3A_479, %dma_wait3A_485] : memref<5x80xi32, #tpu.memory_space<vmem>> -> memref<1x80xi32, #tpu.memory_space<vmem>>
      %dma_wait3A_487 = tpu.memref_squeeze %dma_wait3A_486 : memref<1x80xi32, #tpu.memory_space<vmem>> -> memref<80xi32, #tpu.memory_space<vmem>>
      %dma_wait3A_488 = arith.constant 0 : i32
      %dma_wait3A_489 = arith.constant 0 : i32
      %dma_wait3A_490 = tpu.memref_slice %arg3[%dma_wait3A_488, %dma_wait3A_489] : memref<10000x128xf32, #tpu.memory_space<hbm>> -> memref<10000x128xf32, #tpu.memory_space<hbm>>
      tpu.wait_indirect_dma semaphore(%arg14 : memref<!tpu.dma_semaphore, #tpu.memory_space<semaphore_mem>>) src(%dma_wait3A_490 : memref<10000x128xf32, #tpu.memory_space<hbm>>) dst(%dma_wait3A_484 : memref<80x128xf32, #tpu.memory_space<vmem>>)
      %scan3A_491 = arith.constant 0 : i32
      %scan3A_492 = arith.constant 0 : i32
      %scan3A_493 = arith.constant 80 : i32
      %scan3A_494 = arith.addi %scan3A_492, %scan3A_493 : i32
      %scan3A_495 = arith.constant 1 : i32
      scf.for %scan3A_918 = %scan3A_492 to %scan3A_494 step %scan3A_495  : i32 {
        %get3A_919 = arith.constant 1 : i32
        %get3A_920 = arith.index_cast %get3A_919 : i32 to index
        %get3A_921 = arith.index_cast %scan3A_918 : i32 to index
        %get3A_922 = arith.constant 0 : index
        %get3A_923 = tpu.vector_load %arg10[%get3A_920, %get3A_921, %get3A_922] {strides = array<i32>} : memref<5x80x128xf32, #tpu.memory_space<vmem>>, vector<16xf32>,
        %get3A_924 = arith.constant 1 : i32
        %get3A_925 = arith.index_cast %get3A_924 : i32 to index
        %get3A_926 = arith.index_cast %scan3A_918 : i32 to index
        %get3A_927 = arith.constant 0 : index
        %get3A_928 = tpu.vector_load %arg11[%get3A_925, %get3A_926, %get3A_927] {strides = array<i32>} : memref<5x80x128xf32, #tpu.memory_space<vmem>>, vector<16xf32>,
        %add3A_929 = arith.addf %get3A_923, %get3A_928 : vector<16xf32>
        %swap3A = arith.constant 1 : i32
        %swap3A_930 = arith.index_cast %swap3A : i32 to index
        %swap3A_931 = arith.index_cast %scan3A_918 : i32 to index
        %swap3A_932 = arith.constant 0 : index
        %swap3A_933 = tpu.vector_load %arg10[%swap3A_930, %swap3A_931, %swap3A_932] {strides = array<i32>} : memref<5x80x128xf32, #tpu.memory_space<vmem>>, vector<16xf32>,
        tpu.vector_store %arg10[%swap3A_930, %swap3A_931, %swap3A_932], %add3A_929 {strides = array<i32>} : memref<5x80x128xf32, #tpu.memory_space<vmem>>, vector<16xf32>,
        %get3A_934 = arith.constant 1 : i32
        %get3A_935 = arith.index_cast %get3A_934 : i32 to index
        %get3A_936 = arith.index_cast %scan3A_918 : i32 to index
        %get3A_937 = arith.constant 16 : index
        %get3A_938 = tpu.vector_load %arg10[%get3A_935, %get3A_936, %get3A_937] {strides = array<i32>} : memref<5x80x128xf32, #tpu.memory_space<vmem>>, vector<16xf32>,
        %get3A_939 = arith.constant 1 : i32
        %get3A_940 = arith.index_cast %get3A_939 : i32 to index
        %get3A_941 = arith.index_cast %scan3A_918 : i32 to index
        %get3A_942 = arith.constant 16 : index
        %get3A_943 = tpu.vector_load %arg11[%get3A_940, %get3A_941, %get3A_942] {strides = array<i32>} : memref<5x80x128xf32, #tpu.memory_space<vmem>>, vector<16xf32>,
        %add3A_944 = arith.addf %get3A_938, %get3A_943 : vector<16xf32>
        %swap3A_945 = arith.constant 1 : i32
        %swap3A_946 = arith.index_cast %swap3A_945 : i32 to index
        %swap3A_947 = arith.index_cast %scan3A_918 : i32 to index
        %swap3A_948 = arith.constant 16 : index
        %swap3A_949 = tpu.vector_load %arg10[%swap3A_946, %swap3A_947, %swap3A_948] {strides = array<i32>} : memref<5x80x128xf32, #tpu.memory_space<vmem>>, vector<16xf32>,
        tpu.vector_store %arg10[%swap3A_946, %swap3A_947, %swap3A_948], %add3A_944 {strides = array<i32>} : memref<5x80x128xf32, #tpu.memory_space<vmem>>, vector<16xf32>,
        %get3A_950 = arith.constant 1 : i32
        %get3A_951 = arith.index_cast %get3A_950 : i32 to index
        %get3A_952 = arith.index_cast %scan3A_918 : i32 to index
        %get3A_953 = arith.constant 32 : index
        %get3A_954 = tpu.vector_load %arg10[%get3A_951, %get3A_952, %get3A_953] {strides = array<i32>} : memref<5x80x128xf32, #tpu.memory_space<vmem>>, vector<16xf32>,
        %get3A_955 = arith.constant 1 : i32
        %get3A_956 = arith.index_cast %get3A_955 : i32 to index
        %get3A_957 = arith.index_cast %scan3A_918 : i32 to index
        %get3A_958 = arith.constant 32 : index
        %get3A_959 = tpu.vector_load %arg11[%get3A_956, %get3A_957, %get3A_958] {strides = array<i32>} : memref<5x80x128xf32, #tpu.memory_space<vmem>>, vector<16xf32>,
        %add3A_960 = arith.addf %get3A_954, %get3A_959 : vector<16xf32>
        %swap3A_961 = arith.constant 1 : i32
        %swap3A_962 = arith.index_cast %swap3A_961 : i32 to index
        %swap3A_963 = arith.index_cast %scan3A_918 : i32 to index
        %swap3A_964 = arith.constant 32 : index
        %swap3A_965 = tpu.vector_load %arg10[%swap3A_962, %swap3A_963, %swap3A_964] {strides = array<i32>} : memref<5x80x128xf32, #tpu.memory_space<vmem>>, vector<16xf32>,
        tpu.vector_store %arg10[%swap3A_962, %swap3A_963, %swap3A_964], %add3A_960 {strides = array<i32>} : memref<5x80x128xf32, #tpu.memory_space<vmem>>, vector<16xf32>,
        %get3A_966 = arith.constant 1 : i32
        %get3A_967 = arith.index_cast %get3A_966 : i32 to index
        %get3A_968 = arith.index_cast %scan3A_918 : i32 to index
        %get3A_969 = arith.constant 48 : index
        %get3A_970 = tpu.vector_load %arg10[%get3A_967, %get3A_968, %get3A_969] {strides = array<i32>} : memref<5x80x128xf32, #tpu.memory_space<vmem>>, vector<16xf32>,
        %get3A_971 = arith.constant 1 : i32
        %get3A_972 = arith.index_cast %get3A_971 : i32 to index
        %get3A_973 = arith.index_cast %scan3A_918 : i32 to index
        %get3A_974 = arith.constant 48 : index
        %get3A_975 = tpu.vector_load %arg11[%get3A_972, %get3A_973, %get3A_974] {strides = array<i32>} : memref<5x80x128xf32, #tpu.memory_space<vmem>>, vector<16xf32>,
        %add3A_976 = arith.addf %get3A_970, %get3A_975 : vector<16xf32>
        %swap3A_977 = arith.constant 1 : i32
        %swap3A_978 = arith.index_cast %swap3A_977 : i32 to index
        %swap3A_979 = arith.index_cast %scan3A_918 : i32 to index
        %swap3A_980 = arith.constant 48 : index
        %swap3A_981 = tpu.vector_load %arg10[%swap3A_978, %swap3A_979, %swap3A_980] {strides = array<i32>} : memref<5x80x128xf32, #tpu.memory_space<vmem>>, vector<16xf32>,
        tpu.vector_store %arg10[%swap3A_978, %swap3A_979, %swap3A_980], %add3A_976 {strides = array<i32>} : memref<5x80x128xf32, #tpu.memory_space<vmem>>, vector<16xf32>,
        %get3A_982 = arith.constant 1 : i32
        %get3A_983 = arith.index_cast %get3A_982 : i32 to index
        %get3A_984 = arith.index_cast %scan3A_918 : i32 to index
        %get3A_985 = arith.constant 64 : index
        %get3A_986 = tpu.vector_load %arg10[%get3A_983, %get3A_984, %get3A_985] {strides = array<i32>} : memref<5x80x128xf32, #tpu.memory_space<vmem>>, vector<16xf32>,
        %get3A_987 = arith.constant 1 : i32
        %get3A_988 = arith.index_cast %get3A_987 : i32 to index
        %get3A_989 = arith.index_cast %scan3A_918 : i32 to index
        %get3A_990 = arith.constant 64 : index
        %get3A_991 = tpu.vector_load %arg11[%get3A_988, %get3A_989, %get3A_990] {strides = array<i32>} : memref<5x80x128xf32, #tpu.memory_space<vmem>>, vector<16xf32>,
        %add3A_992 = arith.addf %get3A_986, %get3A_991 : vector<16xf32>
        %swap3A_993 = arith.constant 1 : i32
        %swap3A_994 = arith.index_cast %swap3A_993 : i32 to index
        %swap3A_995 = arith.index_cast %scan3A_918 : i32 to index
        %swap3A_996 = arith.constant 64 : index
        %swap3A_997 = tpu.vector_load %arg10[%swap3A_994, %swap3A_995, %swap3A_996] {strides = array<i32>} : memref<5x80x128xf32, #tpu.memory_space<vmem>>, vector<16xf32>,
        tpu.vector_store %arg10[%swap3A_994, %swap3A_995, %swap3A_996], %add3A_992 {strides = array<i32>} : memref<5x80x128xf32, #tpu.memory_space<vmem>>, vector<16xf32>,
        %get3A_998 = arith.constant 1 : i32
        %get3A_999 = arith.index_cast %get3A_998 : i32 to index
        %get3A_1000 = arith.index_cast %scan3A_918 : i32 to index
        %get3A_1001 = arith.constant 80 : index
        %get3A_1002 = tpu.vector_load %arg10[%get3A_999, %get3A_1000, %get3A_1001] {strides = array<i32>} : memref<5x80x128xf32, #tpu.memory_space<vmem>>, vector<16xf32>,
        %get3A_1003 = arith.constant 1 : i32
        %get3A_1004 = arith.index_cast %get3A_1003 : i32 to index
        %get3A_1005 = arith.index_cast %scan3A_918 : i32 to index
        %get3A_1006 = arith.constant 80 : index
        %get3A_1007 = tpu.vector_load %arg11[%get3A_1004, %get3A_1005, %get3A_1006] {strides = array<i32>} : memref<5x80x128xf32, #tpu.memory_space<vmem>>, vector<16xf32>,
        %add3A_1008 = arith.addf %get3A_1002, %get3A_1007 : vector<16xf32>
        %swap3A_1009 = arith.constant 1 : i32
        %swap3A_1010 = arith.index_cast %swap3A_1009 : i32 to index
        %swap3A_1011 = arith.index_cast %scan3A_918 : i32 to index
        %swap3A_1012 = arith.constant 80 : index
        %swap3A_1013 = tpu.vector_load %arg10[%swap3A_1010, %swap3A_1011, %swap3A_1012] {strides = array<i32>} : memref<5x80x128xf32, #tpu.memory_space<vmem>>, vector<16xf32>,
        tpu.vector_store %arg10[%swap3A_1010, %swap3A_1011, %swap3A_1012], %add3A_1008 {strides = array<i32>} : memref<5x80x128xf32, #tpu.memory_space<vmem>>, vector<16xf32>,
        %get3A_1014 = arith.constant 1 : i32
        %get3A_1015 = arith.index_cast %get3A_1014 : i32 to index
        %get3A_1016 = arith.index_cast %scan3A_918 : i32 to index
        %get3A_1017 = arith.constant 96 : index
        %get3A_1018 = tpu.vector_load %arg10[%get3A_1015, %get3A_1016, %get3A_1017] {strides = array<i32>} : memref<5x80x128xf32, #tpu.memory_space<vmem>>, vector<16xf32>,
        %get3A_1019 = arith.constant 1 : i32
        %get3A_1020 = arith.index_cast %get3A_1019 : i32 to index
        %get3A_1021 = arith.index_cast %scan3A_918 : i32 to index
        %get3A_1022 = arith.constant 96 : index
        %get3A_1023 = tpu.vector_load %arg11[%get3A_1020, %get3A_1021, %get3A_1022] {strides = array<i32>} : memref<5x80x128xf32, #tpu.memory_space<vmem>>, vector<16xf32>,
        %add3A_1024 = arith.addf %get3A_1018, %get3A_1023 : vector<16xf32>
        %swap3A_1025 = arith.constant 1 : i32
        %swap3A_1026 = arith.index_cast %swap3A_1025 : i32 to index
        %swap3A_1027 = arith.index_cast %scan3A_918 : i32 to index
        %swap3A_1028 = arith.constant 96 : index
        %swap3A_1029 = tpu.vector_load %arg10[%swap3A_1026, %swap3A_1027, %swap3A_1028] {strides = array<i32>} : memref<5x80x128xf32, #tpu.memory_space<vmem>>, vector<16xf32>,
        tpu.vector_store %arg10[%swap3A_1026, %swap3A_1027, %swap3A_1028], %add3A_1024 {strides = array<i32>} : memref<5x80x128xf32, #tpu.memory_space<vmem>>, vector<16xf32>,
        %get3A_1030 = arith.constant 1 : i32
        %get3A_1031 = arith.index_cast %get3A_1030 : i32 to index
        %get3A_1032 = arith.index_cast %scan3A_918 : i32 to index
        %get3A_1033 = arith.constant 112 : index
        %get3A_1034 = tpu.vector_load %arg10[%get3A_1031, %get3A_1032, %get3A_1033] {strides = array<i32>} : memref<5x80x128xf32, #tpu.memory_space<vmem>>, vector<16xf32>,
        %get3A_1035 = arith.constant 1 : i32
        %get3A_1036 = arith.index_cast %get3A_1035 : i32 to index
        %get3A_1037 = arith.index_cast %scan3A_918 : i32 to index
        %get3A_1038 = arith.constant 112 : index
        %get3A_1039 = tpu.vector_load %arg11[%get3A_1036, %get3A_1037, %get3A_1038] {strides = array<i32>} : memref<5x80x128xf32, #tpu.memory_space<vmem>>, vector<16xf32>,
        %add3A_1040 = arith.addf %get3A_1034, %get3A_1039 : vector<16xf32>
        %swap3A_1041 = arith.constant 1 : i32
        %swap3A_1042 = arith.index_cast %swap3A_1041 : i32 to index
        %swap3A_1043 = arith.index_cast %scan3A_918 : i32 to index
        %swap3A_1044 = arith.constant 112 : index
        %swap3A_1045 = tpu.vector_load %arg10[%swap3A_1042, %swap3A_1043, %swap3A_1044] {strides = array<i32>} : memref<5x80x128xf32, #tpu.memory_space<vmem>>, vector<16xf32>,
        tpu.vector_store %arg10[%swap3A_1042, %swap3A_1043, %swap3A_1044], %add3A_1040 {strides = array<i32>} : memref<5x80x128xf32, #tpu.memory_space<vmem>>, vector<16xf32>,
      }
      %scan3A_496 = arith.constant 80 : i32
      %add3A_497 = arith.constant 80 : i32
      %add3A_498 = arith.addi %multiple_of3A_211, %add3A_497 : i32
      %dma_start3A_499 = arith.constant 1 : i32
      %dma_start3A_500 = arith.constant 0 : i32
      %dma_start3A_501 = arith.constant 0 : i32
      %dma_start3A_502 = tpu.memref_slice %arg10[%dma_start3A_499, %dma_start3A_500, %dma_start3A_501] : memref<5x80x128xf32, #tpu.memory_space<vmem>> -> memref<1x80x128xf32, #tpu.memory_space<vmem>>
      %dma_start3A_503 = tpu.memref_squeeze %dma_start3A_502 : memref<1x80x128xf32, #tpu.memory_space<vmem>> -> memref<80x128xf32, #tpu.memory_space<vmem>>
      %dma_start3A_504 = arith.constant 0 : i32
      %dma_start3A_505 = tpu.memref_slice %arg6[%add3A_498, %dma_start3A_504] : memref<320000x128xf32, #tpu.memory_space<hbm>> -> memref<80x128xf32, #tpu.memory_space<hbm>>
      %dma_start3A_506 = arith.constant 0 : i32
      %dma_start3A_507 = tpu.memref_slice %arg6[%add3A_498, %dma_start3A_506] : memref<320000x128xf32, #tpu.memory_space<hbm>> -> memref<80x128xf32, #tpu.memory_space<hbm>>
      %dma_start3A_508 = arith.constant 0 : i32
      %dma_start3A_509 = arith.constant 0 : i32
      %dma_start3A_510 = tpu.memref_slice %arg10[%dma_start3A_499, %dma_start3A_508, %dma_start3A_509] : memref<5x80x128xf32, #tpu.memory_space<vmem>> -> memref<1x80x128xf32, #tpu.memory_space<vmem>>
      %dma_start3A_511 = tpu.memref_squeeze %dma_start3A_510 : memref<1x80x128xf32, #tpu.memory_space<vmem>> -> memref<80x128xf32, #tpu.memory_space<vmem>>
      tpu.enqueue_dma source(%dma_start3A_511 : memref<80x128xf32, #tpu.memory_space<vmem>>) target(%dma_start3A_507 : memref<80x128xf32, #tpu.memory_space<hbm>>) target_semaphore(%arg15 : memref<!tpu.dma_semaphore, #tpu.memory_space<semaphore_mem>>)
      %dma_wait3A_512 = arith.constant 2 : i32
      %dma_wait3A_513 = arith.constant 2 : i32
      %dma_wait3A_514 = arith.constant 0 : i32
      %dma_wait3A_515 = arith.constant 0 : i32
      %dma_wait3A_516 = tpu.memref_slice %arg10[%dma_wait3A_513, %dma_wait3A_514, %dma_wait3A_515] : memref<5x80x128xf32, #tpu.memory_space<vmem>> -> memref<1x80x128xf32, #tpu.memory_space<vmem>>
      %dma_wait3A_517 = tpu.memref_squeeze %dma_wait3A_516 : memref<1x80x128xf32, #tpu.memory_space<vmem>> -> memref<80x128xf32, #tpu.memory_space<vmem>>
      %dma_wait3A_518 = arith.constant 0 : i32
      %dma_wait3A_519 = tpu.memref_slice %arg8[%dma_wait3A_512, %dma_wait3A_518] : memref<5x80xi32, #tpu.memory_space<vmem>> -> memref<1x80xi32, #tpu.memory_space<vmem>>
      %dma_wait3A_520 = tpu.memref_squeeze %dma_wait3A_519 : memref<1x80xi32, #tpu.memory_space<vmem>> -> memref<80xi32, #tpu.memory_space<vmem>>
      %dma_wait3A_521 = arith.constant 0 : i32
      %dma_wait3A_522 = arith.constant 0 : i32
      %dma_wait3A_523 = tpu.memref_slice %arg2[%dma_wait3A_521, %dma_wait3A_522] : memref<10000x128xf32, #tpu.memory_space<hbm>> -> memref<10000x128xf32, #tpu.memory_space<hbm>>
      tpu.wait_indirect_dma semaphore(%arg14 : memref<!tpu.dma_semaphore, #tpu.memory_space<semaphore_mem>>) src(%dma_wait3A_523 : memref<10000x128xf32, #tpu.memory_space<hbm>>) dst(%dma_wait3A_517 : memref<80x128xf32, #tpu.memory_space<vmem>>)
      %dma_wait3A_524 = arith.constant 2 : i32
      %dma_wait3A_525 = arith.constant 2 : i32
      %dma_wait3A_526 = arith.constant 0 : i32
      %dma_wait3A_527 = arith.constant 0 : i32
      %dma_wait3A_528 = tpu.memref_slice %arg11[%dma_wait3A_525, %dma_wait3A_526, %dma_wait3A_527] : memref<5x80x128xf32, #tpu.memory_space<vmem>> -> memref<1x80x128xf32, #tpu.memory_space<vmem>>
      %dma_wait3A_529 = tpu.memref_squeeze %dma_wait3A_528 : memref<1x80x128xf32, #tpu.memory_space<vmem>> -> memref<80x128xf32, #tpu.memory_space<vmem>>
      %dma_wait3A_530 = arith.constant 0 : i32
      %dma_wait3A_531 = tpu.memref_slice %arg9[%dma_wait3A_524, %dma_wait3A_530] : memref<5x80xi32, #tpu.memory_space<vmem>> -> memref<1x80xi32, #tpu.memory_space<vmem>>
      %dma_wait3A_532 = tpu.memref_squeeze %dma_wait3A_531 : memref<1x80xi32, #tpu.memory_space<vmem>> -> memref<80xi32, #tpu.memory_space<vmem>>
      %dma_wait3A_533 = arith.constant 0 : i32
      %dma_wait3A_534 = arith.constant 0 : i32
      %dma_wait3A_535 = tpu.memref_slice %arg3[%dma_wait3A_533, %dma_wait3A_534] : memref<10000x128xf32, #tpu.memory_space<hbm>> -> memref<10000x128xf32, #tpu.memory_space<hbm>>
      tpu.wait_indirect_dma semaphore(%arg14 : memref<!tpu.dma_semaphore, #tpu.memory_space<semaphore_mem>>) src(%dma_wait3A_535 : memref<10000x128xf32, #tpu.memory_space<hbm>>) dst(%dma_wait3A_529 : memref<80x128xf32, #tpu.memory_space<vmem>>)
      %scan3A_536 = arith.constant 0 : i32
      %scan3A_537 = arith.constant 0 : i32
      %scan3A_538 = arith.constant 80 : i32
      %scan3A_539 = arith.addi %scan3A_537, %scan3A_538 : i32
      %scan3A_540 = arith.constant 1 : i32
      scf.for %scan3A_918 = %scan3A_537 to %scan3A_539 step %scan3A_540  : i32 {
        %get3A_919 = arith.constant 2 : i32
        %get3A_920 = arith.index_cast %get3A_919 : i32 to index
        %get3A_921 = arith.index_cast %scan3A_918 : i32 to index
        %get3A_922 = arith.constant 0 : index
        %get3A_923 = tpu.vector_load %arg10[%get3A_920, %get3A_921, %get3A_922] {strides = array<i32>} : memref<5x80x128xf32, #tpu.memory_space<vmem>>, vector<16xf32>,
        %get3A_924 = arith.constant 2 : i32
        %get3A_925 = arith.index_cast %get3A_924 : i32 to index
        %get3A_926 = arith.index_cast %scan3A_918 : i32 to index
        %get3A_927 = arith.constant 0 : index
        %get3A_928 = tpu.vector_load %arg11[%get3A_925, %get3A_926, %get3A_927] {strides = array<i32>} : memref<5x80x128xf32, #tpu.memory_space<vmem>>, vector<16xf32>,
        %add3A_929 = arith.addf %get3A_923, %get3A_928 : vector<16xf32>
        %swap3A = arith.constant 2 : i32
        %swap3A_930 = arith.index_cast %swap3A : i32 to index
        %swap3A_931 = arith.index_cast %scan3A_918 : i32 to index
        %swap3A_932 = arith.constant 0 : index
        %swap3A_933 = tpu.vector_load %arg10[%swap3A_930, %swap3A_931, %swap3A_932] {strides = array<i32>} : memref<5x80x128xf32, #tpu.memory_space<vmem>>, vector<16xf32>,
        tpu.vector_store %arg10[%swap3A_930, %swap3A_931, %swap3A_932], %add3A_929 {strides = array<i32>} : memref<5x80x128xf32, #tpu.memory_space<vmem>>, vector<16xf32>,
        %get3A_934 = arith.constant 2 : i32
        %get3A_935 = arith.index_cast %get3A_934 : i32 to index
        %get3A_936 = arith.index_cast %scan3A_918 : i32 to index
        %get3A_937 = arith.constant 16 : index
        %get3A_938 = tpu.vector_load %arg10[%get3A_935, %get3A_936, %get3A_937] {strides = array<i32>} : memref<5x80x128xf32, #tpu.memory_space<vmem>>, vector<16xf32>,
        %get3A_939 = arith.constant 2 : i32
        %get3A_940 = arith.index_cast %get3A_939 : i32 to index
        %get3A_941 = arith.index_cast %scan3A_918 : i32 to index
        %get3A_942 = arith.constant 16 : index
        %get3A_943 = tpu.vector_load %arg11[%get3A_940, %get3A_941, %get3A_942] {strides = array<i32>} : memref<5x80x128xf32, #tpu.memory_space<vmem>>, vector<16xf32>,
        %add3A_944 = arith.addf %get3A_938, %get3A_943 : vector<16xf32>
        %swap3A_945 = arith.constant 2 : i32
        %swap3A_946 = arith.index_cast %swap3A_945 : i32 to index
        %swap3A_947 = arith.index_cast %scan3A_918 : i32 to index
        %swap3A_948 = arith.constant 16 : index
        %swap3A_949 = tpu.vector_load %arg10[%swap3A_946, %swap3A_947, %swap3A_948] {strides = array<i32>} : memref<5x80x128xf32, #tpu.memory_space<vmem>>, vector<16xf32>,
        tpu.vector_store %arg10[%swap3A_946, %swap3A_947, %swap3A_948], %add3A_944 {strides = array<i32>} : memref<5x80x128xf32, #tpu.memory_space<vmem>>, vector<16xf32>,
        %get3A_950 = arith.constant 2 : i32
        %get3A_951 = arith.index_cast %get3A_950 : i32 to index
        %get3A_952 = arith.index_cast %scan3A_918 : i32 to index
        %get3A_953 = arith.constant 32 : index
        %get3A_954 = tpu.vector_load %arg10[%get3A_951, %get3A_952, %get3A_953] {strides = array<i32>} : memref<5x80x128xf32, #tpu.memory_space<vmem>>, vector<16xf32>,
        %get3A_955 = arith.constant 2 : i32
        %get3A_956 = arith.index_cast %get3A_955 : i32 to index
        %get3A_957 = arith.index_cast %scan3A_918 : i32 to index
        %get3A_958 = arith.constant 32 : index
        %get3A_959 = tpu.vector_load %arg11[%get3A_956, %get3A_957, %get3A_958] {strides = array<i32>} : memref<5x80x128xf32, #tpu.memory_space<vmem>>, vector<16xf32>,
        %add3A_960 = arith.addf %get3A_954, %get3A_959 : vector<16xf32>
        %swap3A_961 = arith.constant 2 : i32
        %swap3A_962 = arith.index_cast %swap3A_961 : i32 to index
        %swap3A_963 = arith.index_cast %scan3A_918 : i32 to index
        %swap3A_964 = arith.constant 32 : index
        %swap3A_965 = tpu.vector_load %arg10[%swap3A_962, %swap3A_963, %swap3A_964] {strides = array<i32>} : memref<5x80x128xf32, #tpu.memory_space<vmem>>, vector<16xf32>,
        tpu.vector_store %arg10[%swap3A_962, %swap3A_963, %swap3A_964], %add3A_960 {strides = array<i32>} : memref<5x80x128xf32, #tpu.memory_space<vmem>>, vector<16xf32>,
        %get3A_966 = arith.constant 2 : i32
        %get3A_967 = arith.index_cast %get3A_966 : i32 to index
        %get3A_968 = arith.index_cast %scan3A_918 : i32 to index
        %get3A_969 = arith.constant 48 : index
        %get3A_970 = tpu.vector_load %arg10[%get3A_967, %get3A_968, %get3A_969] {strides = array<i32>} : memref<5x80x128xf32, #tpu.memory_space<vmem>>, vector<16xf32>,
        %get3A_971 = arith.constant 2 : i32
        %get3A_972 = arith.index_cast %get3A_971 : i32 to index
        %get3A_973 = arith.index_cast %scan3A_918 : i32 to index
        %get3A_974 = arith.constant 48 : index
        %get3A_975 = tpu.vector_load %arg11[%get3A_972, %get3A_973, %get3A_974] {strides = array<i32>} : memref<5x80x128xf32, #tpu.memory_space<vmem>>, vector<16xf32>,
        %add3A_976 = arith.addf %get3A_970, %get3A_975 : vector<16xf32>
        %swap3A_977 = arith.constant 2 : i32
        %swap3A_978 = arith.index_cast %swap3A_977 : i32 to index
        %swap3A_979 = arith.index_cast %scan3A_918 : i32 to index
        %swap3A_980 = arith.constant 48 : index
        %swap3A_981 = tpu.vector_load %arg10[%swap3A_978, %swap3A_979, %swap3A_980] {strides = array<i32>} : memref<5x80x128xf32, #tpu.memory_space<vmem>>, vector<16xf32>,
        tpu.vector_store %arg10[%swap3A_978, %swap3A_979, %swap3A_980], %add3A_976 {strides = array<i32>} : memref<5x80x128xf32, #tpu.memory_space<vmem>>, vector<16xf32>,
        %get3A_982 = arith.constant 2 : i32
        %get3A_983 = arith.index_cast %get3A_982 : i32 to index
        %get3A_984 = arith.index_cast %scan3A_918 : i32 to index
        %get3A_985 = arith.constant 64 : index
        %get3A_986 = tpu.vector_load %arg10[%get3A_983, %get3A_984, %get3A_985] {strides = array<i32>} : memref<5x80x128xf32, #tpu.memory_space<vmem>>, vector<16xf32>,
        %get3A_987 = arith.constant 2 : i32
        %get3A_988 = arith.index_cast %get3A_987 : i32 to index
        %get3A_989 = arith.index_cast %scan3A_918 : i32 to index
        %get3A_990 = arith.constant 64 : index
        %get3A_991 = tpu.vector_load %arg11[%get3A_988, %get3A_989, %get3A_990] {strides = array<i32>} : memref<5x80x128xf32, #tpu.memory_space<vmem>>, vector<16xf32>,
        %add3A_992 = arith.addf %get3A_986, %get3A_991 : vector<16xf32>
        %swap3A_993 = arith.constant 2 : i32
        %swap3A_994 = arith.index_cast %swap3A_993 : i32 to index
        %swap3A_995 = arith.index_cast %scan3A_918 : i32 to index
        %swap3A_996 = arith.constant 64 : index
        %swap3A_997 = tpu.vector_load %arg10[%swap3A_994, %swap3A_995, %swap3A_996] {strides = array<i32>} : memref<5x80x128xf32, #tpu.memory_space<vmem>>, vector<16xf32>,
        tpu.vector_store %arg10[%swap3A_994, %swap3A_995, %swap3A_996], %add3A_992 {strides = array<i32>} : memref<5x80x128xf32, #tpu.memory_space<vmem>>, vector<16xf32>,
        %get3A_998 = arith.constant 2 : i32
        %get3A_999 = arith.index_cast %get3A_998 : i32 to index
        %get3A_1000 = arith.index_cast %scan3A_918 : i32 to index
        %get3A_1001 = arith.constant 80 : index
        %get3A_1002 = tpu.vector_load %arg10[%get3A_999, %get3A_1000, %get3A_1001] {strides = array<i32>} : memref<5x80x128xf32, #tpu.memory_space<vmem>>, vector<16xf32>,
        %get3A_1003 = arith.constant 2 : i32
        %get3A_1004 = arith.index_cast %get3A_1003 : i32 to index
        %get3A_1005 = arith.index_cast %scan3A_918 : i32 to index
        %get3A_1006 = arith.constant 80 : index
        %get3A_1007 = tpu.vector_load %arg11[%get3A_1004, %get3A_1005, %get3A_1006] {strides = array<i32>} : memref<5x80x128xf32, #tpu.memory_space<vmem>>, vector<16xf32>,
        %add3A_1008 = arith.addf %get3A_1002, %get3A_1007 : vector<16xf32>
        %swap3A_1009 = arith.constant 2 : i32
        %swap3A_1010 = arith.index_cast %swap3A_1009 : i32 to index
        %swap3A_1011 = arith.index_cast %scan3A_918 : i32 to index
        %swap3A_1012 = arith.constant 80 : index
        %swap3A_1013 = tpu.vector_load %arg10[%swap3A_1010, %swap3A_1011, %swap3A_1012] {strides = array<i32>} : memref<5x80x128xf32, #tpu.memory_space<vmem>>, vector<16xf32>,
        tpu.vector_store %arg10[%swap3A_1010, %swap3A_1011, %swap3A_1012], %add3A_1008 {strides = array<i32>} : memref<5x80x128xf32, #tpu.memory_space<vmem>>, vector<16xf32>,
        %get3A_1014 = arith.constant 2 : i32
        %get3A_1015 = arith.index_cast %get3A_1014 : i32 to index
        %get3A_1016 = arith.index_cast %scan3A_918 : i32 to index
        %get3A_1017 = arith.constant 96 : index
        %get3A_1018 = tpu.vector_load %arg10[%get3A_1015, %get3A_1016, %get3A_1017] {strides = array<i32>} : memref<5x80x128xf32, #tpu.memory_space<vmem>>, vector<16xf32>,
        %get3A_1019 = arith.constant 2 : i32
        %get3A_1020 = arith.index_cast %get3A_1019 : i32 to index
        %get3A_1021 = arith.index_cast %scan3A_918 : i32 to index
        %get3A_1022 = arith.constant 96 : index
        %get3A_1023 = tpu.vector_load %arg11[%get3A_1020, %get3A_1021, %get3A_1022] {strides = array<i32>} : memref<5x80x128xf32, #tpu.memory_space<vmem>>, vector<16xf32>,
        %add3A_1024 = arith.addf %get3A_1018, %get3A_1023 : vector<16xf32>
        %swap3A_1025 = arith.constant 2 : i32
        %swap3A_1026 = arith.index_cast %swap3A_1025 : i32 to index
        %swap3A_1027 = arith.index_cast %scan3A_918 : i32 to index
        %swap3A_1028 = arith.constant 96 : index
        %swap3A_1029 = tpu.vector_load %arg10[%swap3A_1026, %swap3A_1027, %swap3A_1028] {strides = array<i32>} : memref<5x80x128xf32, #tpu.memory_space<vmem>>, vector<16xf32>,
        tpu.vector_store %arg10[%swap3A_1026, %swap3A_1027, %swap3A_1028], %add3A_1024 {strides = array<i32>} : memref<5x80x128xf32, #tpu.memory_space<vmem>>, vector<16xf32>,
        %get3A_1030 = arith.constant 2 : i32
        %get3A_1031 = arith.index_cast %get3A_1030 : i32 to index
        %get3A_1032 = arith.index_cast %scan3A_918 : i32 to index
        %get3A_1033 = arith.constant 112 : index
        %get3A_1034 = tpu.vector_load %arg10[%get3A_1031, %get3A_1032, %get3A_1033] {strides = array<i32>} : memref<5x80x128xf32, #tpu.memory_space<vmem>>, vector<16xf32>,
        %get3A_1035 = arith.constant 2 : i32
        %get3A_1036 = arith.index_cast %get3A_1035 : i32 to index
        %get3A_1037 = arith.index_cast %scan3A_918 : i32 to index
        %get3A_1038 = arith.constant 112 : index
        %get3A_1039 = tpu.vector_load %arg11[%get3A_1036, %get3A_1037, %get3A_1038] {strides = array<i32>} : memref<5x80x128xf32, #tpu.memory_space<vmem>>, vector<16xf32>,
        %add3A_1040 = arith.addf %get3A_1034, %get3A_1039 : vector<16xf32>
        %swap3A_1041 = arith.constant 2 : i32
        %swap3A_1042 = arith.index_cast %swap3A_1041 : i32 to index
        %swap3A_1043 = arith.index_cast %scan3A_918 : i32 to index
        %swap3A_1044 = arith.constant 112 : index
        %swap3A_1045 = tpu.vector_load %arg10[%swap3A_1042, %swap3A_1043, %swap3A_1044] {strides = array<i32>} : memref<5x80x128xf32, #tpu.memory_space<vmem>>, vector<16xf32>,
        tpu.vector_store %arg10[%swap3A_1042, %swap3A_1043, %swap3A_1044], %add3A_1040 {strides = array<i32>} : memref<5x80x128xf32, #tpu.memory_space<vmem>>, vector<16xf32>,
      }
      %scan3A_541 = arith.constant 80 : i32
      %add3A_542 = arith.constant 160 : i32
      %add3A_543 = arith.addi %multiple_of3A_211, %add3A_542 : i32
      %dma_start3A_544 = arith.constant 2 : i32
      %dma_start3A_545 = arith.constant 0 : i32
      %dma_start3A_546 = arith.constant 0 : i32
      %dma_start3A_547 = tpu.memref_slice %arg10[%dma_start3A_544, %dma_start3A_545, %dma_start3A_546] : memref<5x80x128xf32, #tpu.memory_space<vmem>> -> memref<1x80x128xf32, #tpu.memory_space<vmem>>
      %dma_start3A_548 = tpu.memref_squeeze %dma_start3A_547 : memref<1x80x128xf32, #tpu.memory_space<vmem>> -> memref<80x128xf32, #tpu.memory_space<vmem>>
      %dma_start3A_549 = arith.constant 0 : i32
      %dma_start3A_550 = tpu.memref_slice %arg6[%add3A_543, %dma_start3A_549] : memref<320000x128xf32, #tpu.memory_space<hbm>> -> memref<80x128xf32, #tpu.memory_space<hbm>>
      %dma_start3A_551 = arith.constant 0 : i32
      %dma_start3A_552 = tpu.memref_slice %arg6[%add3A_543, %dma_start3A_551] : memref<320000x128xf32, #tpu.memory_space<hbm>> -> memref<80x128xf32, #tpu.memory_space<hbm>>
      %dma_start3A_553 = arith.constant 0 : i32
      %dma_start3A_554 = arith.constant 0 : i32
      %dma_start3A_555 = tpu.memref_slice %arg10[%dma_start3A_544, %dma_start3A_553, %dma_start3A_554] : memref<5x80x128xf32, #tpu.memory_space<vmem>> -> memref<1x80x128xf32, #tpu.memory_space<vmem>>
      %dma_start3A_556 = tpu.memref_squeeze %dma_start3A_555 : memref<1x80x128xf32, #tpu.memory_space<vmem>> -> memref<80x128xf32, #tpu.memory_space<vmem>>
      tpu.enqueue_dma source(%dma_start3A_556 : memref<80x128xf32, #tpu.memory_space<vmem>>) target(%dma_start3A_552 : memref<80x128xf32, #tpu.memory_space<hbm>>) target_semaphore(%arg15 : memref<!tpu.dma_semaphore, #tpu.memory_space<semaphore_mem>>)
      %dma_wait3A_557 = arith.constant 3 : i32
      %dma_wait3A_558 = arith.constant 3 : i32
      %dma_wait3A_559 = arith.constant 0 : i32
      %dma_wait3A_560 = arith.constant 0 : i32
      %dma_wait3A_561 = tpu.memref_slice %arg10[%dma_wait3A_558, %dma_wait3A_559, %dma_wait3A_560] : memref<5x80x128xf32, #tpu.memory_space<vmem>> -> memref<1x80x128xf32, #tpu.memory_space<vmem>>
      %dma_wait3A_562 = tpu.memref_squeeze %dma_wait3A_561 : memref<1x80x128xf32, #tpu.memory_space<vmem>> -> memref<80x128xf32, #tpu.memory_space<vmem>>
      %dma_wait3A_563 = arith.constant 0 : i32
      %dma_wait3A_564 = tpu.memref_slice %arg8[%dma_wait3A_557, %dma_wait3A_563] : memref<5x80xi32, #tpu.memory_space<vmem>> -> memref<1x80xi32, #tpu.memory_space<vmem>>
      %dma_wait3A_565 = tpu.memref_squeeze %dma_wait3A_564 : memref<1x80xi32, #tpu.memory_space<vmem>> -> memref<80xi32, #tpu.memory_space<vmem>>
      %dma_wait3A_566 = arith.constant 0 : i32
      %dma_wait3A_567 = arith.constant 0 : i32
      %dma_wait3A_568 = tpu.memref_slice %arg2[%dma_wait3A_566, %dma_wait3A_567] : memref<10000x128xf32, #tpu.memory_space<hbm>> -> memref<10000x128xf32, #tpu.memory_space<hbm>>
      tpu.wait_indirect_dma semaphore(%arg14 : memref<!tpu.dma_semaphore, #tpu.memory_space<semaphore_mem>>) src(%dma_wait3A_568 : memref<10000x128xf32, #tpu.memory_space<hbm>>) dst(%dma_wait3A_562 : memref<80x128xf32, #tpu.memory_space<vmem>>)
      %dma_wait3A_569 = arith.constant 3 : i32
      %dma_wait3A_570 = arith.constant 3 : i32
      %dma_wait3A_571 = arith.constant 0 : i32
      %dma_wait3A_572 = arith.constant 0 : i32
      %dma_wait3A_573 = tpu.memref_slice %arg11[%dma_wait3A_570, %dma_wait3A_571, %dma_wait3A_572] : memref<5x80x128xf32, #tpu.memory_space<vmem>> -> memref<1x80x128xf32, #tpu.memory_space<vmem>>
      %dma_wait3A_574 = tpu.memref_squeeze %dma_wait3A_573 : memref<1x80x128xf32, #tpu.memory_space<vmem>> -> memref<80x128xf32, #tpu.memory_space<vmem>>
      %dma_wait3A_575 = arith.constant 0 : i32
      %dma_wait3A_576 = tpu.memref_slice %arg9[%dma_wait3A_569, %dma_wait3A_575] : memref<5x80xi32, #tpu.memory_space<vmem>> -> memref<1x80xi32, #tpu.memory_space<vmem>>
      %dma_wait3A_577 = tpu.memref_squeeze %dma_wait3A_576 : memref<1x80xi32, #tpu.memory_space<vmem>> -> memref<80xi32, #tpu.memory_space<vmem>>
      %dma_wait3A_578 = arith.constant 0 : i32
      %dma_wait3A_579 = arith.constant 0 : i32
      %dma_wait3A_580 = tpu.memref_slice %arg3[%dma_wait3A_578, %dma_wait3A_579] : memref<10000x128xf32, #tpu.memory_space<hbm>> -> memref<10000x128xf32, #tpu.memory_space<hbm>>
      tpu.wait_indirect_dma semaphore(%arg14 : memref<!tpu.dma_semaphore, #tpu.memory_space<semaphore_mem>>) src(%dma_wait3A_580 : memref<10000x128xf32, #tpu.memory_space<hbm>>) dst(%dma_wait3A_574 : memref<80x128xf32, #tpu.memory_space<vmem>>)
      %scan3A_581 = arith.constant 0 : i32
      %scan3A_582 = arith.constant 0 : i32
      %scan3A_583 = arith.constant 80 : i32
      %scan3A_584 = arith.addi %scan3A_582, %scan3A_583 : i32
      %scan3A_585 = arith.constant 1 : i32
      scf.for %scan3A_918 = %scan3A_582 to %scan3A_584 step %scan3A_585  : i32 {
        %get3A_919 = arith.constant 3 : i32
        %get3A_920 = arith.index_cast %get3A_919 : i32 to index
        %get3A_921 = arith.index_cast %scan3A_918 : i32 to index
        %get3A_922 = arith.constant 0 : index
        %get3A_923 = tpu.vector_load %arg10[%get3A_920, %get3A_921, %get3A_922] {strides = array<i32>} : memref<5x80x128xf32, #tpu.memory_space<vmem>>, vector<16xf32>,
        %get3A_924 = arith.constant 3 : i32
        %get3A_925 = arith.index_cast %get3A_924 : i32 to index
        %get3A_926 = arith.index_cast %scan3A_918 : i32 to index
        %get3A_927 = arith.constant 0 : index
        %get3A_928 = tpu.vector_load %arg11[%get3A_925, %get3A_926, %get3A_927] {strides = array<i32>} : memref<5x80x128xf32, #tpu.memory_space<vmem>>, vector<16xf32>,
        %add3A_929 = arith.addf %get3A_923, %get3A_928 : vector<16xf32>
        %swap3A = arith.constant 3 : i32
        %swap3A_930 = arith.index_cast %swap3A : i32 to index
        %swap3A_931 = arith.index_cast %scan3A_918 : i32 to index
        %swap3A_932 = arith.constant 0 : index
        %swap3A_933 = tpu.vector_load %arg10[%swap3A_930, %swap3A_931, %swap3A_932] {strides = array<i32>} : memref<5x80x128xf32, #tpu.memory_space<vmem>>, vector<16xf32>,
        tpu.vector_store %arg10[%swap3A_930, %swap3A_931, %swap3A_932], %add3A_929 {strides = array<i32>} : memref<5x80x128xf32, #tpu.memory_space<vmem>>, vector<16xf32>,
        %get3A_934 = arith.constant 3 : i32
        %get3A_935 = arith.index_cast %get3A_934 : i32 to index
        %get3A_936 = arith.index_cast %scan3A_918 : i32 to index
        %get3A_937 = arith.constant 16 : index
        %get3A_938 = tpu.vector_load %arg10[%get3A_935, %get3A_936, %get3A_937] {strides = array<i32>} : memref<5x80x128xf32, #tpu.memory_space<vmem>>, vector<16xf32>,
        %get3A_939 = arith.constant 3 : i32
        %get3A_940 = arith.index_cast %get3A_939 : i32 to index
        %get3A_941 = arith.index_cast %scan3A_918 : i32 to index
        %get3A_942 = arith.constant 16 : index
        %get3A_943 = tpu.vector_load %arg11[%get3A_940, %get3A_941, %get3A_942] {strides = array<i32>} : memref<5x80x128xf32, #tpu.memory_space<vmem>>, vector<16xf32>,
        %add3A_944 = arith.addf %get3A_938, %get3A_943 : vector<16xf32>
        %swap3A_945 = arith.constant 3 : i32
        %swap3A_946 = arith.index_cast %swap3A_945 : i32 to index
        %swap3A_947 = arith.index_cast %scan3A_918 : i32 to index
        %swap3A_948 = arith.constant 16 : index
        %swap3A_949 = tpu.vector_load %arg10[%swap3A_946, %swap3A_947, %swap3A_948] {strides = array<i32>} : memref<5x80x128xf32, #tpu.memory_space<vmem>>, vector<16xf32>,
        tpu.vector_store %arg10[%swap3A_946, %swap3A_947, %swap3A_948], %add3A_944 {strides = array<i32>} : memref<5x80x128xf32, #tpu.memory_space<vmem>>, vector<16xf32>,
        %get3A_950 = arith.constant 3 : i32
        %get3A_951 = arith.index_cast %get3A_950 : i32 to index
        %get3A_952 = arith.index_cast %scan3A_918 : i32 to index
        %get3A_953 = arith.constant 32 : index
        %get3A_954 = tpu.vector_load %arg10[%get3A_951, %get3A_952, %get3A_953] {strides = array<i32>} : memref<5x80x128xf32, #tpu.memory_space<vmem>>, vector<16xf32>,
        %get3A_955 = arith.constant 3 : i32
        %get3A_956 = arith.index_cast %get3A_955 : i32 to index
        %get3A_957 = arith.index_cast %scan3A_918 : i32 to index
        %get3A_958 = arith.constant 32 : index
        %get3A_959 = tpu.vector_load %arg11[%get3A_956, %get3A_957, %get3A_958] {strides = array<i32>} : memref<5x80x128xf32, #tpu.memory_space<vmem>>, vector<16xf32>,
        %add3A_960 = arith.addf %get3A_954, %get3A_959 : vector<16xf32>
        %swap3A_961 = arith.constant 3 : i32
        %swap3A_962 = arith.index_cast %swap3A_961 : i32 to index
        %swap3A_963 = arith.index_cast %scan3A_918 : i32 to index
        %swap3A_964 = arith.constant 32 : index
        %swap3A_965 = tpu.vector_load %arg10[%swap3A_962, %swap3A_963, %swap3A_964] {strides = array<i32>} : memref<5x80x128xf32, #tpu.memory_space<vmem>>, vector<16xf32>,
        tpu.vector_store %arg10[%swap3A_962, %swap3A_963, %swap3A_964], %add3A_960 {strides = array<i32>} : memref<5x80x128xf32, #tpu.memory_space<vmem>>, vector<16xf32>,
        %get3A_966 = arith.constant 3 : i32
        %get3A_967 = arith.index_cast %get3A_966 : i32 to index
        %get3A_968 = arith.index_cast %scan3A_918 : i32 to index
        %get3A_969 = arith.constant 48 : index
        %get3A_970 = tpu.vector_load %arg10[%get3A_967, %get3A_968, %get3A_969] {strides = array<i32>} : memref<5x80x128xf32, #tpu.memory_space<vmem>>, vector<16xf32>,
        %get3A_971 = arith.constant 3 : i32
        %get3A_972 = arith.index_cast %get3A_971 : i32 to index
        %get3A_973 = arith.index_cast %scan3A_918 : i32 to index
        %get3A_974 = arith.constant 48 : index
        %get3A_975 = tpu.vector_load %arg11[%get3A_972, %get3A_973, %get3A_974] {strides = array<i32>} : memref<5x80x128xf32, #tpu.memory_space<vmem>>, vector<16xf32>,
        %add3A_976 = arith.addf %get3A_970, %get3A_975 : vector<16xf32>
        %swap3A_977 = arith.constant 3 : i32
        %swap3A_978 = arith.index_cast %swap3A_977 : i32 to index
        %swap3A_979 = arith.index_cast %scan3A_918 : i32 to index
        %swap3A_980 = arith.constant 48 : index
        %swap3A_981 = tpu.vector_load %arg10[%swap3A_978, %swap3A_979, %swap3A_980] {strides = array<i32>} : memref<5x80x128xf32, #tpu.memory_space<vmem>>, vector<16xf32>,
        tpu.vector_store %arg10[%swap3A_978, %swap3A_979, %swap3A_980], %add3A_976 {strides = array<i32>} : memref<5x80x128xf32, #tpu.memory_space<vmem>>, vector<16xf32>,
        %get3A_982 = arith.constant 3 : i32
        %get3A_983 = arith.index_cast %get3A_982 : i32 to index
        %get3A_984 = arith.index_cast %scan3A_918 : i32 to index
        %get3A_985 = arith.constant 64 : index
        %get3A_986 = tpu.vector_load %arg10[%get3A_983, %get3A_984, %get3A_985] {strides = array<i32>} : memref<5x80x128xf32, #tpu.memory_space<vmem>>, vector<16xf32>,
        %get3A_987 = arith.constant 3 : i32
        %get3A_988 = arith.index_cast %get3A_987 : i32 to index
        %get3A_989 = arith.index_cast %scan3A_918 : i32 to index
        %get3A_990 = arith.constant 64 : index
        %get3A_991 = tpu.vector_load %arg11[%get3A_988, %get3A_989, %get3A_990] {strides = array<i32>} : memref<5x80x128xf32, #tpu.memory_space<vmem>>, vector<16xf32>,
        %add3A_992 = arith.addf %get3A_986, %get3A_991 : vector<16xf32>
        %swap3A_993 = arith.constant 3 : i32
        %swap3A_994 = arith.index_cast %swap3A_993 : i32 to index
        %swap3A_995 = arith.index_cast %scan3A_918 : i32 to index
        %swap3A_996 = arith.constant 64 : index
        %swap3A_997 = tpu.vector_load %arg10[%swap3A_994, %swap3A_995, %swap3A_996] {strides = array<i32>} : memref<5x80x128xf32, #tpu.memory_space<vmem>>, vector<16xf32>,
        tpu.vector_store %arg10[%swap3A_994, %swap3A_995, %swap3A_996], %add3A_992 {strides = array<i32>} : memref<5x80x128xf32, #tpu.memory_space<vmem>>, vector<16xf32>,
        %get3A_998 = arith.constant 3 : i32
        %get3A_999 = arith.index_cast %get3A_998 : i32 to index
        %get3A_1000 = arith.index_cast %scan3A_918 : i32 to index
        %get3A_1001 = arith.constant 80 : index
        %get3A_1002 = tpu.vector_load %arg10[%get3A_999, %get3A_1000, %get3A_1001] {strides = array<i32>} : memref<5x80x128xf32, #tpu.memory_space<vmem>>, vector<16xf32>,
        %get3A_1003 = arith.constant 3 : i32
        %get3A_1004 = arith.index_cast %get3A_1003 : i32 to index
        %get3A_1005 = arith.index_cast %scan3A_918 : i32 to index
        %get3A_1006 = arith.constant 80 : index
        %get3A_1007 = tpu.vector_load %arg11[%get3A_1004, %get3A_1005, %get3A_1006] {strides = array<i32>} : memref<5x80x128xf32, #tpu.memory_space<vmem>>, vector<16xf32>,
        %add3A_1008 = arith.addf %get3A_1002, %get3A_1007 : vector<16xf32>
        %swap3A_1009 = arith.constant 3 : i32
        %swap3A_1010 = arith.index_cast %swap3A_1009 : i32 to index
        %swap3A_1011 = arith.index_cast %scan3A_918 : i32 to index
        %swap3A_1012 = arith.constant 80 : index
        %swap3A_1013 = tpu.vector_load %arg10[%swap3A_1010, %swap3A_1011, %swap3A_1012] {strides = array<i32>} : memref<5x80x128xf32, #tpu.memory_space<vmem>>, vector<16xf32>,
        tpu.vector_store %arg10[%swap3A_1010, %swap3A_1011, %swap3A_1012], %add3A_1008 {strides = array<i32>} : memref<5x80x128xf32, #tpu.memory_space<vmem>>, vector<16xf32>,
        %get3A_1014 = arith.constant 3 : i32
        %get3A_1015 = arith.index_cast %get3A_1014 : i32 to index
        %get3A_1016 = arith.index_cast %scan3A_918 : i32 to index
        %get3A_1017 = arith.constant 96 : index
        %get3A_1018 = tpu.vector_load %arg10[%get3A_1015, %get3A_1016, %get3A_1017] {strides = array<i32>} : memref<5x80x128xf32, #tpu.memory_space<vmem>>, vector<16xf32>,
        %get3A_1019 = arith.constant 3 : i32
        %get3A_1020 = arith.index_cast %get3A_1019 : i32 to index
        %get3A_1021 = arith.index_cast %scan3A_918 : i32 to index
        %get3A_1022 = arith.constant 96 : index
        %get3A_1023 = tpu.vector_load %arg11[%get3A_1020, %get3A_1021, %get3A_1022] {strides = array<i32>} : memref<5x80x128xf32, #tpu.memory_space<vmem>>, vector<16xf32>,
        %add3A_1024 = arith.addf %get3A_1018, %get3A_1023 : vector<16xf32>
        %swap3A_1025 = arith.constant 3 : i32
        %swap3A_1026 = arith.index_cast %swap3A_1025 : i32 to index
        %swap3A_1027 = arith.index_cast %scan3A_918 : i32 to index
        %swap3A_1028 = arith.constant 96 : index
        %swap3A_1029 = tpu.vector_load %arg10[%swap3A_1026, %swap3A_1027, %swap3A_1028] {strides = array<i32>} : memref<5x80x128xf32, #tpu.memory_space<vmem>>, vector<16xf32>,
        tpu.vector_store %arg10[%swap3A_1026, %swap3A_1027, %swap3A_1028], %add3A_1024 {strides = array<i32>} : memref<5x80x128xf32, #tpu.memory_space<vmem>>, vector<16xf32>,
        %get3A_1030 = arith.constant 3 : i32
        %get3A_1031 = arith.index_cast %get3A_1030 : i32 to index
        %get3A_1032 = arith.index_cast %scan3A_918 : i32 to index
        %get3A_1033 = arith.constant 112 : index
        %get3A_1034 = tpu.vector_load %arg10[%get3A_1031, %get3A_1032, %get3A_1033] {strides = array<i32>} : memref<5x80x128xf32, #tpu.memory_space<vmem>>, vector<16xf32>,
        %get3A_1035 = arith.constant 3 : i32
        %get3A_1036 = arith.index_cast %get3A_1035 : i32 to index
        %get3A_1037 = arith.index_cast %scan3A_918 : i32 to index
        %get3A_1038 = arith.constant 112 : index
        %get3A_1039 = tpu.vector_load %arg11[%get3A_1036, %get3A_1037, %get3A_1038] {strides = array<i32>} : memref<5x80x128xf32, #tpu.memory_space<vmem>>, vector<16xf32>,
        %add3A_1040 = arith.addf %get3A_1034, %get3A_1039 : vector<16xf32>
        %swap3A_1041 = arith.constant 3 : i32
        %swap3A_1042 = arith.index_cast %swap3A_1041 : i32 to index
        %swap3A_1043 = arith.index_cast %scan3A_918 : i32 to index
        %swap3A_1044 = arith.constant 112 : index
        %swap3A_1045 = tpu.vector_load %arg10[%swap3A_1042, %swap3A_1043, %swap3A_1044] {strides = array<i32>} : memref<5x80x128xf32, #tpu.memory_space<vmem>>, vector<16xf32>,
        tpu.vector_store %arg10[%swap3A_1042, %swap3A_1043, %swap3A_1044], %add3A_1040 {strides = array<i32>} : memref<5x80x128xf32, #tpu.memory_space<vmem>>, vector<16xf32>,
      }
      %scan3A_586 = arith.constant 80 : i32
      %add3A_587 = arith.constant 240 : i32
      %add3A_588 = arith.addi %multiple_of3A_211, %add3A_587 : i32
      %dma_start3A_589 = arith.constant 3 : i32
      %dma_start3A_590 = arith.constant 0 : i32
      %dma_start3A_591 = arith.constant 0 : i32
      %dma_start3A_592 = tpu.memref_slice %arg10[%dma_start3A_589, %dma_start3A_590, %dma_start3A_591] : memref<5x80x128xf32, #tpu.memory_space<vmem>> -> memref<1x80x128xf32, #tpu.memory_space<vmem>>
      %dma_start3A_593 = tpu.memref_squeeze %dma_start3A_592 : memref<1x80x128xf32, #tpu.memory_space<vmem>> -> memref<80x128xf32, #tpu.memory_space<vmem>>
      %dma_start3A_594 = arith.constant 0 : i32
      %dma_start3A_595 = tpu.memref_slice %arg6[%add3A_588, %dma_start3A_594] : memref<320000x128xf32, #tpu.memory_space<hbm>> -> memref<80x128xf32, #tpu.memory_space<hbm>>
      %dma_start3A_596 = arith.constant 0 : i32
      %dma_start3A_597 = tpu.memref_slice %arg6[%add3A_588, %dma_start3A_596] : memref<320000x128xf32, #tpu.memory_space<hbm>> -> memref<80x128xf32, #tpu.memory_space<hbm>>
      %dma_start3A_598 = arith.constant 0 : i32
      %dma_start3A_599 = arith.constant 0 : i32
      %dma_start3A_600 = tpu.memref_slice %arg10[%dma_start3A_589, %dma_start3A_598, %dma_start3A_599] : memref<5x80x128xf32, #tpu.memory_space<vmem>> -> memref<1x80x128xf32, #tpu.memory_space<vmem>>
      %dma_start3A_601 = tpu.memref_squeeze %dma_start3A_600 : memref<1x80x128xf32, #tpu.memory_space<vmem>> -> memref<80x128xf32, #tpu.memory_space<vmem>>
      tpu.enqueue_dma source(%dma_start3A_601 : memref<80x128xf32, #tpu.memory_space<vmem>>) target(%dma_start3A_597 : memref<80x128xf32, #tpu.memory_space<hbm>>) target_semaphore(%arg15 : memref<!tpu.dma_semaphore, #tpu.memory_space<semaphore_mem>>)
      %dma_wait3A_602 = arith.constant 4 : i32
      %dma_wait3A_603 = arith.constant 4 : i32
      %dma_wait3A_604 = arith.constant 0 : i32
      %dma_wait3A_605 = arith.constant 0 : i32
      %dma_wait3A_606 = tpu.memref_slice %arg10[%dma_wait3A_603, %dma_wait3A_604, %dma_wait3A_605] : memref<5x80x128xf32, #tpu.memory_space<vmem>> -> memref<1x80x128xf32, #tpu.memory_space<vmem>>
      %dma_wait3A_607 = tpu.memref_squeeze %dma_wait3A_606 : memref<1x80x128xf32, #tpu.memory_space<vmem>> -> memref<80x128xf32, #tpu.memory_space<vmem>>
      %dma_wait3A_608 = arith.constant 0 : i32
      %dma_wait3A_609 = tpu.memref_slice %arg8[%dma_wait3A_602, %dma_wait3A_608] : memref<5x80xi32, #tpu.memory_space<vmem>> -> memref<1x80xi32, #tpu.memory_space<vmem>>
      %dma_wait3A_610 = tpu.memref_squeeze %dma_wait3A_609 : memref<1x80xi32, #tpu.memory_space<vmem>> -> memref<80xi32, #tpu.memory_space<vmem>>
      %dma_wait3A_611 = arith.constant 0 : i32
      %dma_wait3A_612 = arith.constant 0 : i32
      %dma_wait3A_613 = tpu.memref_slice %arg2[%dma_wait3A_611, %dma_wait3A_612] : memref<10000x128xf32, #tpu.memory_space<hbm>> -> memref<10000x128xf32, #tpu.memory_space<hbm>>
      tpu.wait_indirect_dma semaphore(%arg14 : memref<!tpu.dma_semaphore, #tpu.memory_space<semaphore_mem>>) src(%dma_wait3A_613 : memref<10000x128xf32, #tpu.memory_space<hbm>>) dst(%dma_wait3A_607 : memref<80x128xf32, #tpu.memory_space<vmem>>)
      %dma_wait3A_614 = arith.constant 4 : i32
      %dma_wait3A_615 = arith.constant 4 : i32
      %dma_wait3A_616 = arith.constant 0 : i32
      %dma_wait3A_617 = arith.constant 0 : i32
      %dma_wait3A_618 = tpu.memref_slice %arg11[%dma_wait3A_615, %dma_wait3A_616, %dma_wait3A_617] : memref<5x80x128xf32, #tpu.memory_space<vmem>> -> memref<1x80x128xf32, #tpu.memory_space<vmem>>
      %dma_wait3A_619 = tpu.memref_squeeze %dma_wait3A_618 : memref<1x80x128xf32, #tpu.memory_space<vmem>> -> memref<80x128xf32, #tpu.memory_space<vmem>>
      %dma_wait3A_620 = arith.constant 0 : i32
      %dma_wait3A_621 = tpu.memref_slice %arg9[%dma_wait3A_614, %dma_wait3A_620] : memref<5x80xi32, #tpu.memory_space<vmem>> -> memref<1x80xi32, #tpu.memory_space<vmem>>
      %dma_wait3A_622 = tpu.memref_squeeze %dma_wait3A_621 : memref<1x80xi32, #tpu.memory_space<vmem>> -> memref<80xi32, #tpu.memory_space<vmem>>
      %dma_wait3A_623 = arith.constant 0 : i32
      %dma_wait3A_624 = arith.constant 0 : i32
      %dma_wait3A_625 = tpu.memref_slice %arg3[%dma_wait3A_623, %dma_wait3A_624] : memref<10000x128xf32, #tpu.memory_space<hbm>> -> memref<10000x128xf32, #tpu.memory_space<hbm>>
      tpu.wait_indirect_dma semaphore(%arg14 : memref<!tpu.dma_semaphore, #tpu.memory_space<semaphore_mem>>) src(%dma_wait3A_625 : memref<10000x128xf32, #tpu.memory_space<hbm>>) dst(%dma_wait3A_619 : memref<80x128xf32, #tpu.memory_space<vmem>>)
      %scan3A_626 = arith.constant 0 : i32
      %scan3A_627 = arith.constant 0 : i32
      %scan3A_628 = arith.constant 80 : i32
      %scan3A_629 = arith.addi %scan3A_627, %scan3A_628 : i32
      %scan3A_630 = arith.constant 1 : i32
      scf.for %scan3A_918 = %scan3A_627 to %scan3A_629 step %scan3A_630  : i32 {
        %get3A_919 = arith.constant 4 : i32
        %get3A_920 = arith.index_cast %get3A_919 : i32 to index
        %get3A_921 = arith.index_cast %scan3A_918 : i32 to index
        %get3A_922 = arith.constant 0 : index
        %get3A_923 = tpu.vector_load %arg10[%get3A_920, %get3A_921, %get3A_922] {strides = array<i32>} : memref<5x80x128xf32, #tpu.memory_space<vmem>>, vector<16xf32>,
        %get3A_924 = arith.constant 4 : i32
        %get3A_925 = arith.index_cast %get3A_924 : i32 to index
        %get3A_926 = arith.index_cast %scan3A_918 : i32 to index
        %get3A_927 = arith.constant 0 : index
        %get3A_928 = tpu.vector_load %arg11[%get3A_925, %get3A_926, %get3A_927] {strides = array<i32>} : memref<5x80x128xf32, #tpu.memory_space<vmem>>, vector<16xf32>,
        %add3A_929 = arith.addf %get3A_923, %get3A_928 : vector<16xf32>
        %swap3A = arith.constant 4 : i32
        %swap3A_930 = arith.index_cast %swap3A : i32 to index
        %swap3A_931 = arith.index_cast %scan3A_918 : i32 to index
        %swap3A_932 = arith.constant 0 : index
        %swap3A_933 = tpu.vector_load %arg10[%swap3A_930, %swap3A_931, %swap3A_932] {strides = array<i32>} : memref<5x80x128xf32, #tpu.memory_space<vmem>>, vector<16xf32>,
        tpu.vector_store %arg10[%swap3A_930, %swap3A_931, %swap3A_932], %add3A_929 {strides = array<i32>} : memref<5x80x128xf32, #tpu.memory_space<vmem>>, vector<16xf32>,
        %get3A_934 = arith.constant 4 : i32
        %get3A_935 = arith.index_cast %get3A_934 : i32 to index
        %get3A_936 = arith.index_cast %scan3A_918 : i32 to index
        %get3A_937 = arith.constant 16 : index
        %get3A_938 = tpu.vector_load %arg10[%get3A_935, %get3A_936, %get3A_937] {strides = array<i32>} : memref<5x80x128xf32, #tpu.memory_space<vmem>>, vector<16xf32>,
        %get3A_939 = arith.constant 4 : i32
        %get3A_940 = arith.index_cast %get3A_939 : i32 to index
        %get3A_941 = arith.index_cast %scan3A_918 : i32 to index
        %get3A_942 = arith.constant 16 : index
        %get3A_943 = tpu.vector_load %arg11[%get3A_940, %get3A_941, %get3A_942] {strides = array<i32>} : memref<5x80x128xf32, #tpu.memory_space<vmem>>, vector<16xf32>,
        %add3A_944 = arith.addf %get3A_938, %get3A_943 : vector<16xf32>
        %swap3A_945 = arith.constant 4 : i32
        %swap3A_946 = arith.index_cast %swap3A_945 : i32 to index
        %swap3A_947 = arith.index_cast %scan3A_918 : i32 to index
        %swap3A_948 = arith.constant 16 : index
        %swap3A_949 = tpu.vector_load %arg10[%swap3A_946, %swap3A_947, %swap3A_948] {strides = array<i32>} : memref<5x80x128xf32, #tpu.memory_space<vmem>>, vector<16xf32>,
        tpu.vector_store %arg10[%swap3A_946, %swap3A_947, %swap3A_948], %add3A_944 {strides = array<i32>} : memref<5x80x128xf32, #tpu.memory_space<vmem>>, vector<16xf32>,
        %get3A_950 = arith.constant 4 : i32
        %get3A_951 = arith.index_cast %get3A_950 : i32 to index
        %get3A_952 = arith.index_cast %scan3A_918 : i32 to index
        %get3A_953 = arith.constant 32 : index
        %get3A_954 = tpu.vector_load %arg10[%get3A_951, %get3A_952, %get3A_953] {strides = array<i32>} : memref<5x80x128xf32, #tpu.memory_space<vmem>>, vector<16xf32>,
        %get3A_955 = arith.constant 4 : i32
        %get3A_956 = arith.index_cast %get3A_955 : i32 to index
        %get3A_957 = arith.index_cast %scan3A_918 : i32 to index
        %get3A_958 = arith.constant 32 : index
        %get3A_959 = tpu.vector_load %arg11[%get3A_956, %get3A_957, %get3A_958] {strides = array<i32>} : memref<5x80x128xf32, #tpu.memory_space<vmem>>, vector<16xf32>,
        %add3A_960 = arith.addf %get3A_954, %get3A_959 : vector<16xf32>
        %swap3A_961 = arith.constant 4 : i32
        %swap3A_962 = arith.index_cast %swap3A_961 : i32 to index
        %swap3A_963 = arith.index_cast %scan3A_918 : i32 to index
        %swap3A_964 = arith.constant 32 : index
        %swap3A_965 = tpu.vector_load %arg10[%swap3A_962, %swap3A_963, %swap3A_964] {strides = array<i32>} : memref<5x80x128xf32, #tpu.memory_space<vmem>>, vector<16xf32>,
        tpu.vector_store %arg10[%swap3A_962, %swap3A_963, %swap3A_964], %add3A_960 {strides = array<i32>} : memref<5x80x128xf32, #tpu.memory_space<vmem>>, vector<16xf32>,
        %get3A_966 = arith.constant 4 : i32
        %get3A_967 = arith.index_cast %get3A_966 : i32 to index
        %get3A_968 = arith.index_cast %scan3A_918 : i32 to index
        %get3A_969 = arith.constant 48 : index
        %get3A_970 = tpu.vector_load %arg10[%get3A_967, %get3A_968, %get3A_969] {strides = array<i32>} : memref<5x80x128xf32, #tpu.memory_space<vmem>>, vector<16xf32>,
        %get3A_971 = arith.constant 4 : i32
        %get3A_972 = arith.index_cast %get3A_971 : i32 to index
        %get3A_973 = arith.index_cast %scan3A_918 : i32 to index
        %get3A_974 = arith.constant 48 : index
        %get3A_975 = tpu.vector_load %arg11[%get3A_972, %get3A_973, %get3A_974] {strides = array<i32>} : memref<5x80x128xf32, #tpu.memory_space<vmem>>, vector<16xf32>,
        %add3A_976 = arith.addf %get3A_970, %get3A_975 : vector<16xf32>
        %swap3A_977 = arith.constant 4 : i32
        %swap3A_978 = arith.index_cast %swap3A_977 : i32 to index
        %swap3A_979 = arith.index_cast %scan3A_918 : i32 to index
        %swap3A_980 = arith.constant 48 : index
        %swap3A_981 = tpu.vector_load %arg10[%swap3A_978, %swap3A_979, %swap3A_980] {strides = array<i32>} : memref<5x80x128xf32, #tpu.memory_space<vmem>>, vector<16xf32>,
        tpu.vector_store %arg10[%swap3A_978, %swap3A_979, %swap3A_980], %add3A_976 {strides = array<i32>} : memref<5x80x128xf32, #tpu.memory_space<vmem>>, vector<16xf32>,
        %get3A_982 = arith.constant 4 : i32
        %get3A_983 = arith.index_cast %get3A_982 : i32 to index
        %get3A_984 = arith.index_cast %scan3A_918 : i32 to index
        %get3A_985 = arith.constant 64 : index
        %get3A_986 = tpu.vector_load %arg10[%get3A_983, %get3A_984, %get3A_985] {strides = array<i32>} : memref<5x80x128xf32, #tpu.memory_space<vmem>>, vector<16xf32>,
        %get3A_987 = arith.constant 4 : i32
        %get3A_988 = arith.index_cast %get3A_987 : i32 to index
        %get3A_989 = arith.index_cast %scan3A_918 : i32 to index
        %get3A_990 = arith.constant 64 : index
        %get3A_991 = tpu.vector_load %arg11[%get3A_988, %get3A_989, %get3A_990] {strides = array<i32>} : memref<5x80x128xf32, #tpu.memory_space<vmem>>, vector<16xf32>,
        %add3A_992 = arith.addf %get3A_986, %get3A_991 : vector<16xf32>
        %swap3A_993 = arith.constant 4 : i32
        %swap3A_994 = arith.index_cast %swap3A_993 : i32 to index
        %swap3A_995 = arith.index_cast %scan3A_918 : i32 to index
        %swap3A_996 = arith.constant 64 : index
        %swap3A_997 = tpu.vector_load %arg10[%swap3A_994, %swap3A_995, %swap3A_996] {strides = array<i32>} : memref<5x80x128xf32, #tpu.memory_space<vmem>>, vector<16xf32>,
        tpu.vector_store %arg10[%swap3A_994, %swap3A_995, %swap3A_996], %add3A_992 {strides = array<i32>} : memref<5x80x128xf32, #tpu.memory_space<vmem>>, vector<16xf32>,
        %get3A_998 = arith.constant 4 : i32
        %get3A_999 = arith.index_cast %get3A_998 : i32 to index
        %get3A_1000 = arith.index_cast %scan3A_918 : i32 to index
        %get3A_1001 = arith.constant 80 : index
        %get3A_1002 = tpu.vector_load %arg10[%get3A_999, %get3A_1000, %get3A_1001] {strides = array<i32>} : memref<5x80x128xf32, #tpu.memory_space<vmem>>, vector<16xf32>,
        %get3A_1003 = arith.constant 4 : i32
        %get3A_1004 = arith.index_cast %get3A_1003 : i32 to index
        %get3A_1005 = arith.index_cast %scan3A_918 : i32 to index
        %get3A_1006 = arith.constant 80 : index
        %get3A_1007 = tpu.vector_load %arg11[%get3A_1004, %get3A_1005, %get3A_1006] {strides = array<i32>} : memref<5x80x128xf32, #tpu.memory_space<vmem>>, vector<16xf32>,
        %add3A_1008 = arith.addf %get3A_1002, %get3A_1007 : vector<16xf32>
        %swap3A_1009 = arith.constant 4 : i32
        %swap3A_1010 = arith.index_cast %swap3A_1009 : i32 to index
        %swap3A_1011 = arith.index_cast %scan3A_918 : i32 to index
        %swap3A_1012 = arith.constant 80 : index
        %swap3A_1013 = tpu.vector_load %arg10[%swap3A_1010, %swap3A_1011, %swap3A_1012] {strides = array<i32>} : memref<5x80x128xf32, #tpu.memory_space<vmem>>, vector<16xf32>,
        tpu.vector_store %arg10[%swap3A_1010, %swap3A_1011, %swap3A_1012], %add3A_1008 {strides = array<i32>} : memref<5x80x128xf32, #tpu.memory_space<vmem>>, vector<16xf32>,
        %get3A_1014 = arith.constant 4 : i32
        %get3A_1015 = arith.index_cast %get3A_1014 : i32 to index
        %get3A_1016 = arith.index_cast %scan3A_918 : i32 to index
        %get3A_1017 = arith.constant 96 : index
        %get3A_1018 = tpu.vector_load %arg10[%get3A_1015, %get3A_1016, %get3A_1017] {strides = array<i32>} : memref<5x80x128xf32, #tpu.memory_space<vmem>>, vector<16xf32>,
        %get3A_1019 = arith.constant 4 : i32
        %get3A_1020 = arith.index_cast %get3A_1019 : i32 to index
        %get3A_1021 = arith.index_cast %scan3A_918 : i32 to index
        %get3A_1022 = arith.constant 96 : index
        %get3A_1023 = tpu.vector_load %arg11[%get3A_1020, %get3A_1021, %get3A_1022] {strides = array<i32>} : memref<5x80x128xf32, #tpu.memory_space<vmem>>, vector<16xf32>,
        %add3A_1024 = arith.addf %get3A_1018, %get3A_1023 : vector<16xf32>
        %swap3A_1025 = arith.constant 4 : i32
        %swap3A_1026 = arith.index_cast %swap3A_1025 : i32 to index
        %swap3A_1027 = arith.index_cast %scan3A_918 : i32 to index
        %swap3A_1028 = arith.constant 96 : index
        %swap3A_1029 = tpu.vector_load %arg10[%swap3A_1026, %swap3A_1027, %swap3A_1028] {strides = array<i32>} : memref<5x80x128xf32, #tpu.memory_space<vmem>>, vector<16xf32>,
        tpu.vector_store %arg10[%swap3A_1026, %swap3A_1027, %swap3A_1028], %add3A_1024 {strides = array<i32>} : memref<5x80x128xf32, #tpu.memory_space<vmem>>, vector<16xf32>,
        %get3A_1030 = arith.constant 4 : i32
        %get3A_1031 = arith.index_cast %get3A_1030 : i32 to index
        %get3A_1032 = arith.index_cast %scan3A_918 : i32 to index
        %get3A_1033 = arith.constant 112 : index
        %get3A_1034 = tpu.vector_load %arg10[%get3A_1031, %get3A_1032, %get3A_1033] {strides = array<i32>} : memref<5x80x128xf32, #tpu.memory_space<vmem>>, vector<16xf32>,
        %get3A_1035 = arith.constant 4 : i32
        %get3A_1036 = arith.index_cast %get3A_1035 : i32 to index
        %get3A_1037 = arith.index_cast %scan3A_918 : i32 to index
        %get3A_1038 = arith.constant 112 : index
        %get3A_1039 = tpu.vector_load %arg11[%get3A_1036, %get3A_1037, %get3A_1038] {strides = array<i32>} : memref<5x80x128xf32, #tpu.memory_space<vmem>>, vector<16xf32>,
        %add3A_1040 = arith.addf %get3A_1034, %get3A_1039 : vector<16xf32>
        %swap3A_1041 = arith.constant 4 : i32
        %swap3A_1042 = arith.index_cast %swap3A_1041 : i32 to index
        %swap3A_1043 = arith.index_cast %scan3A_918 : i32 to index
        %swap3A_1044 = arith.constant 112 : index
        %swap3A_1045 = tpu.vector_load %arg10[%swap3A_1042, %swap3A_1043, %swap3A_1044] {strides = array<i32>} : memref<5x80x128xf32, #tpu.memory_space<vmem>>, vector<16xf32>,
        tpu.vector_store %arg10[%swap3A_1042, %swap3A_1043, %swap3A_1044], %add3A_1040 {strides = array<i32>} : memref<5x80x128xf32, #tpu.memory_space<vmem>>, vector<16xf32>,
      }
      %scan3A_631 = arith.constant 80 : i32
      %add3A_632 = arith.constant 320 : i32
      %add3A_633 = arith.addi %multiple_of3A_211, %add3A_632 : i32
      %dma_start3A_634 = arith.constant 4 : i32
      %dma_start3A_635 = arith.constant 0 : i32
      %dma_start3A_636 = arith.constant 0 : i32
      %dma_start3A_637 = tpu.memref_slice %arg10[%dma_start3A_634, %dma_start3A_635, %dma_start3A_636] : memref<5x80x128xf32, #tpu.memory_space<vmem>> -> memref<1x80x128xf32, #tpu.memory_space<vmem>>
      %dma_start3A_638 = tpu.memref_squeeze %dma_start3A_637 : memref<1x80x128xf32, #tpu.memory_space<vmem>> -> memref<80x128xf32, #tpu.memory_space<vmem>>
      %dma_start3A_639 = arith.constant 0 : i32
      %dma_start3A_640 = tpu.memref_slice %arg6[%add3A_633, %dma_start3A_639] : memref<320000x128xf32, #tpu.memory_space<hbm>> -> memref<80x128xf32, #tpu.memory_space<hbm>>
      %dma_start3A_641 = arith.constant 0 : i32
      %dma_start3A_642 = tpu.memref_slice %arg6[%add3A_633, %dma_start3A_641] : memref<320000x128xf32, #tpu.memory_space<hbm>> -> memref<80x128xf32, #tpu.memory_space<hbm>>
      %dma_start3A_643 = arith.constant 0 : i32
      %dma_start3A_644 = arith.constant 0 : i32
      %dma_start3A_645 = tpu.memref_slice %arg10[%dma_start3A_634, %dma_start3A_643, %dma_start3A_644] : memref<5x80x128xf32, #tpu.memory_space<vmem>> -> memref<1x80x128xf32, #tpu.memory_space<vmem>>
      %dma_start3A_646 = tpu.memref_squeeze %dma_start3A_645 : memref<1x80x128xf32, #tpu.memory_space<vmem>> -> memref<80x128xf32, #tpu.memory_space<vmem>>
      tpu.enqueue_dma source(%dma_start3A_646 : memref<80x128xf32, #tpu.memory_space<vmem>>) target(%dma_start3A_642 : memref<80x128xf32, #tpu.memory_space<hbm>>) target_semaphore(%arg15 : memref<!tpu.dma_semaphore, #tpu.memory_space<semaphore_mem>>)
      %get3A = arith.constant 0 : i32
      %get3A_647 = arith.index_cast %get3A : i32 to index
      %get3A_648 = arith.constant 0 : index
      %get3A_649 = tpu.vector_load %arg9[%get3A_647, %get3A_648] {strides = array<i32>} : memref<5x80xi32, #tpu.memory_space<vmem>>, vector<16xi32>,
      tpu.vector_store_idx %arg12[%get3A_649], %broadcast_in_dim3A_5 {add = true} : memref<10240xf32, #tpu.memory_space<vmem>>[vector<16xi32>], vector<16xf32>,
      %get3A_650 = arith.constant 0 : i32
      %get3A_651 = arith.index_cast %get3A_650 : i32 to index
      %get3A_652 = arith.constant 16 : index
      %get3A_653 = tpu.vector_load %arg9[%get3A_651, %get3A_652] {strides = array<i32>} : memref<5x80xi32, #tpu.memory_space<vmem>>, vector<16xi32>,
      tpu.vector_store_idx %arg12[%get3A_653], %broadcast_in_dim3A_5 {add = true} : memref<10240xf32, #tpu.memory_space<vmem>>[vector<16xi32>], vector<16xf32>,
      %get3A_654 = arith.constant 0 : i32
      %get3A_655 = arith.index_cast %get3A_654 : i32 to index
      %get3A_656 = arith.constant 32 : index
      %get3A_657 = tpu.vector_load %arg9[%get3A_655, %get3A_656] {strides = array<i32>} : memref<5x80xi32, #tpu.memory_space<vmem>>, vector<16xi32>,
      tpu.vector_store_idx %arg12[%get3A_657], %broadcast_in_dim3A_5 {add = true} : memref<10240xf32, #tpu.memory_space<vmem>>[vector<16xi32>], vector<16xf32>,
      %get3A_658 = arith.constant 0 : i32
      %get3A_659 = arith.index_cast %get3A_658 : i32 to index
      %get3A_660 = arith.constant 48 : index
      %get3A_661 = tpu.vector_load %arg9[%get3A_659, %get3A_660] {strides = array<i32>} : memref<5x80xi32, #tpu.memory_space<vmem>>, vector<16xi32>,
      tpu.vector_store_idx %arg12[%get3A_661], %broadcast_in_dim3A_5 {add = true} : memref<10240xf32, #tpu.memory_space<vmem>>[vector<16xi32>], vector<16xf32>,
      %get3A_662 = arith.constant 0 : i32
      %get3A_663 = arith.index_cast %get3A_662 : i32 to index
      %get3A_664 = arith.constant 64 : index
      %get3A_665 = tpu.vector_load %arg9[%get3A_663, %get3A_664] {strides = array<i32>} : memref<5x80xi32, #tpu.memory_space<vmem>>, vector<16xi32>,
      tpu.vector_store_idx %arg12[%get3A_665], %broadcast_in_dim3A_5 {add = true} : memref<10240xf32, #tpu.memory_space<vmem>>[vector<16xi32>], vector<16xf32>,
      %get3A_666 = arith.constant 1 : i32
      %get3A_667 = arith.index_cast %get3A_666 : i32 to index
      %get3A_668 = arith.constant 0 : index
      %get3A_669 = tpu.vector_load %arg9[%get3A_667, %get3A_668] {strides = array<i32>} : memref<5x80xi32, #tpu.memory_space<vmem>>, vector<16xi32>,
      tpu.vector_store_idx %arg12[%get3A_669], %broadcast_in_dim3A_5 {add = true} : memref<10240xf32, #tpu.memory_space<vmem>>[vector<16xi32>], vector<16xf32>,
      %get3A_670 = arith.constant 1 : i32
      %get3A_671 = arith.index_cast %get3A_670 : i32 to index
      %get3A_672 = arith.constant 16 : index
      %get3A_673 = tpu.vector_load %arg9[%get3A_671, %get3A_672] {strides = array<i32>} : memref<5x80xi32, #tpu.memory_space<vmem>>, vector<16xi32>,
      tpu.vector_store_idx %arg12[%get3A_673], %broadcast_in_dim3A_5 {add = true} : memref<10240xf32, #tpu.memory_space<vmem>>[vector<16xi32>], vector<16xf32>,
      %get3A_674 = arith.constant 1 : i32
      %get3A_675 = arith.index_cast %get3A_674 : i32 to index
      %get3A_676 = arith.constant 32 : index
      %get3A_677 = tpu.vector_load %arg9[%get3A_675, %get3A_676] {strides = array<i32>} : memref<5x80xi32, #tpu.memory_space<vmem>>, vector<16xi32>,
      tpu.vector_store_idx %arg12[%get3A_677], %broadcast_in_dim3A_5 {add = true} : memref<10240xf32, #tpu.memory_space<vmem>>[vector<16xi32>], vector<16xf32>,
      %get3A_678 = arith.constant 1 : i32
      %get3A_679 = arith.index_cast %get3A_678 : i32 to index
      %get3A_680 = arith.constant 48 : index
      %get3A_681 = tpu.vector_load %arg9[%get3A_679, %get3A_680] {strides = array<i32>} : memref<5x80xi32, #tpu.memory_space<vmem>>, vector<16xi32>,
      tpu.vector_store_idx %arg12[%get3A_681], %broadcast_in_dim3A_5 {add = true} : memref<10240xf32, #tpu.memory_space<vmem>>[vector<16xi32>], vector<16xf32>,
      %get3A_682 = arith.constant 1 : i32
      %get3A_683 = arith.index_cast %get3A_682 : i32 to index
      %get3A_684 = arith.constant 64 : index
      %get3A_685 = tpu.vector_load %arg9[%get3A_683, %get3A_684] {strides = array<i32>} : memref<5x80xi32, #tpu.memory_space<vmem>>, vector<16xi32>,
      tpu.vector_store_idx %arg12[%get3A_685], %broadcast_in_dim3A_5 {add = true} : memref<10240xf32, #tpu.memory_space<vmem>>[vector<16xi32>], vector<16xf32>,
      %get3A_686 = arith.constant 2 : i32
      %get3A_687 = arith.index_cast %get3A_686 : i32 to index
      %get3A_688 = arith.constant 0 : index
      %get3A_689 = tpu.vector_load %arg9[%get3A_687, %get3A_688] {strides = array<i32>} : memref<5x80xi32, #tpu.memory_space<vmem>>, vector<16xi32>,
      tpu.vector_store_idx %arg12[%get3A_689], %broadcast_in_dim3A_5 {add = true} : memref<10240xf32, #tpu.memory_space<vmem>>[vector<16xi32>], vector<16xf32>,
      %get3A_690 = arith.constant 2 : i32
      %get3A_691 = arith.index_cast %get3A_690 : i32 to index
      %get3A_692 = arith.constant 16 : index
      %get3A_693 = tpu.vector_load %arg9[%get3A_691, %get3A_692] {strides = array<i32>} : memref<5x80xi32, #tpu.memory_space<vmem>>, vector<16xi32>,
      tpu.vector_store_idx %arg12[%get3A_693], %broadcast_in_dim3A_5 {add = true} : memref<10240xf32, #tpu.memory_space<vmem>>[vector<16xi32>], vector<16xf32>,
      %get3A_694 = arith.constant 2 : i32
      %get3A_695 = arith.index_cast %get3A_694 : i32 to index
      %get3A_696 = arith.constant 32 : index
      %get3A_697 = tpu.vector_load %arg9[%get3A_695, %get3A_696] {strides = array<i32>} : memref<5x80xi32, #tpu.memory_space<vmem>>, vector<16xi32>,
      tpu.vector_store_idx %arg12[%get3A_697], %broadcast_in_dim3A_5 {add = true} : memref<10240xf32, #tpu.memory_space<vmem>>[vector<16xi32>], vector<16xf32>,
      %get3A_698 = arith.constant 2 : i32
      %get3A_699 = arith.index_cast %get3A_698 : i32 to index
      %get3A_700 = arith.constant 48 : index
      %get3A_701 = tpu.vector_load %arg9[%get3A_699, %get3A_700] {strides = array<i32>} : memref<5x80xi32, #tpu.memory_space<vmem>>, vector<16xi32>,
      tpu.vector_store_idx %arg12[%get3A_701], %broadcast_in_dim3A_5 {add = true} : memref<10240xf32, #tpu.memory_space<vmem>>[vector<16xi32>], vector<16xf32>,
      %get3A_702 = arith.constant 2 : i32
      %get3A_703 = arith.index_cast %get3A_702 : i32 to index
      %get3A_704 = arith.constant 64 : index
      %get3A_705 = tpu.vector_load %arg9[%get3A_703, %get3A_704] {strides = array<i32>} : memref<5x80xi32, #tpu.memory_space<vmem>>, vector<16xi32>,
      tpu.vector_store_idx %arg12[%get3A_705], %broadcast_in_dim3A_5 {add = true} : memref<10240xf32, #tpu.memory_space<vmem>>[vector<16xi32>], vector<16xf32>,
      %get3A_706 = arith.constant 3 : i32
      %get3A_707 = arith.index_cast %get3A_706 : i32 to index
      %get3A_708 = arith.constant 0 : index
      %get3A_709 = tpu.vector_load %arg9[%get3A_707, %get3A_708] {strides = array<i32>} : memref<5x80xi32, #tpu.memory_space<vmem>>, vector<16xi32>,
      tpu.vector_store_idx %arg12[%get3A_709], %broadcast_in_dim3A_5 {add = true} : memref<10240xf32, #tpu.memory_space<vmem>>[vector<16xi32>], vector<16xf32>,
      %get3A_710 = arith.constant 3 : i32
      %get3A_711 = arith.index_cast %get3A_710 : i32 to index
      %get3A_712 = arith.constant 16 : index
      %get3A_713 = tpu.vector_load %arg9[%get3A_711, %get3A_712] {strides = array<i32>} : memref<5x80xi32, #tpu.memory_space<vmem>>, vector<16xi32>,
      tpu.vector_store_idx %arg12[%get3A_713], %broadcast_in_dim3A_5 {add = true} : memref<10240xf32, #tpu.memory_space<vmem>>[vector<16xi32>], vector<16xf32>,
      %get3A_714 = arith.constant 3 : i32
      %get3A_715 = arith.index_cast %get3A_714 : i32 to index
      %get3A_716 = arith.constant 32 : index
      %get3A_717 = tpu.vector_load %arg9[%get3A_715, %get3A_716] {strides = array<i32>} : memref<5x80xi32, #tpu.memory_space<vmem>>, vector<16xi32>,
      tpu.vector_store_idx %arg12[%get3A_717], %broadcast_in_dim3A_5 {add = true} : memref<10240xf32, #tpu.memory_space<vmem>>[vector<16xi32>], vector<16xf32>,
      %get3A_718 = arith.constant 3 : i32
      %get3A_719 = arith.index_cast %get3A_718 : i32 to index
      %get3A_720 = arith.constant 48 : index
      %get3A_721 = tpu.vector_load %arg9[%get3A_719, %get3A_720] {strides = array<i32>} : memref<5x80xi32, #tpu.memory_space<vmem>>, vector<16xi32>,
      tpu.vector_store_idx %arg12[%get3A_721], %broadcast_in_dim3A_5 {add = true} : memref<10240xf32, #tpu.memory_space<vmem>>[vector<16xi32>], vector<16xf32>,
      %get3A_722 = arith.constant 3 : i32
      %get3A_723 = arith.index_cast %get3A_722 : i32 to index
      %get3A_724 = arith.constant 64 : index
      %get3A_725 = tpu.vector_load %arg9[%get3A_723, %get3A_724] {strides = array<i32>} : memref<5x80xi32, #tpu.memory_space<vmem>>, vector<16xi32>,
      tpu.vector_store_idx %arg12[%get3A_725], %broadcast_in_dim3A_5 {add = true} : memref<10240xf32, #tpu.memory_space<vmem>>[vector<16xi32>], vector<16xf32>,
      %get3A_726 = arith.constant 4 : i32
      %get3A_727 = arith.index_cast %get3A_726 : i32 to index
      %get3A_728 = arith.constant 0 : index
      %get3A_729 = tpu.vector_load %arg9[%get3A_727, %get3A_728] {strides = array<i32>} : memref<5x80xi32, #tpu.memory_space<vmem>>, vector<16xi32>,
      tpu.vector_store_idx %arg12[%get3A_729], %broadcast_in_dim3A_5 {add = true} : memref<10240xf32, #tpu.memory_space<vmem>>[vector<16xi32>], vector<16xf32>,
      %get3A_730 = arith.constant 4 : i32
      %get3A_731 = arith.index_cast %get3A_730 : i32 to index
      %get3A_732 = arith.constant 16 : index
      %get3A_733 = tpu.vector_load %arg9[%get3A_731, %get3A_732] {strides = array<i32>} : memref<5x80xi32, #tpu.memory_space<vmem>>, vector<16xi32>,
      tpu.vector_store_idx %arg12[%get3A_733], %broadcast_in_dim3A_5 {add = true} : memref<10240xf32, #tpu.memory_space<vmem>>[vector<16xi32>], vector<16xf32>,
      %get3A_734 = arith.constant 4 : i32
      %get3A_735 = arith.index_cast %get3A_734 : i32 to index
      %get3A_736 = arith.constant 32 : index
      %get3A_737 = tpu.vector_load %arg9[%get3A_735, %get3A_736] {strides = array<i32>} : memref<5x80xi32, #tpu.memory_space<vmem>>, vector<16xi32>,
      tpu.vector_store_idx %arg12[%get3A_737], %broadcast_in_dim3A_5 {add = true} : memref<10240xf32, #tpu.memory_space<vmem>>[vector<16xi32>], vector<16xf32>,
      %get3A_738 = arith.constant 4 : i32
      %get3A_739 = arith.index_cast %get3A_738 : i32 to index
      %get3A_740 = arith.constant 48 : index
      %get3A_741 = tpu.vector_load %arg9[%get3A_739, %get3A_740] {strides = array<i32>} : memref<5x80xi32, #tpu.memory_space<vmem>>, vector<16xi32>,
      tpu.vector_store_idx %arg12[%get3A_741], %broadcast_in_dim3A_5 {add = true} : memref<10240xf32, #tpu.memory_space<vmem>>[vector<16xi32>], vector<16xf32>,
      %get3A_742 = arith.constant 4 : i32
      %get3A_743 = arith.index_cast %get3A_742 : i32 to index
      %get3A_744 = arith.constant 64 : index
      %get3A_745 = tpu.vector_load %arg9[%get3A_743, %get3A_744] {strides = array<i32>} : memref<5x80xi32, #tpu.memory_space<vmem>>, vector<16xi32>,
      tpu.vector_store_idx %arg12[%get3A_745], %broadcast_in_dim3A_5 {add = true} : memref<10240xf32, #tpu.memory_space<vmem>>[vector<16xi32>], vector<16xf32>,
      %add3A_746 = arith.constant 1 : i32
      %add3A_747 = arith.addi %scan3A_207, %add3A_746 : i32
      %rem3A = arith.constant 25 : i32
      %rem3A_748 = arith.remsi %add3A_747, %rem3A : i32
      %mul3A_749 = arith.constant 400 : i32
      %mul3A_750 = arith.muli %rem3A_748, %mul3A_749 : i32
      %add3A_751 = arith.addi %mul3A_2, %mul3A_750 : i32
      %multiple_of3A_752 = tpu.assume_multiple %add3A_751, 80 : i32
      %add3A_753 = arith.constant 0 : i32
      %add3A_754 = arith.addi %multiple_of3A_752, %add3A_753 : i32
      %dma_start3A_755 = arith.constant 0 : i32
      %dma_start3A_756 = arith.constant 0 : i32
      %dma_start3A_757 = tpu.memref_slice %arg8[%dma_start3A_755, %dma_start3A_756] : memref<5x80xi32, #tpu.memory_space<vmem>> -> memref<1x80xi32, #tpu.memory_space<vmem>>
      %dma_start3A_758 = tpu.memref_squeeze %dma_start3A_757 : memref<1x80xi32, #tpu.memory_space<vmem>> -> memref<80xi32, #tpu.memory_space<vmem>>
      %dma_start3A_759 = tpu.memref_slice %arg4[%add3A_754] : memref<320000xi32, #tpu.memory_space<hbm>> -> memref<80xi32, #tpu.memory_space<hbm>>
      %dma_start3A_760 = arith.constant 0 : i32
      %dma_start3A_761 = tpu.memref_slice %arg8[%dma_start3A_755, %dma_start3A_760] : memref<5x80xi32, #tpu.memory_space<vmem>> -> memref<1x80xi32, #tpu.memory_space<vmem>>
      %dma_start3A_762 = tpu.memref_squeeze %dma_start3A_761 : memref<1x80xi32, #tpu.memory_space<vmem>> -> memref<80xi32, #tpu.memory_space<vmem>>
      %dma_start3A_763 = tpu.memref_slice %arg4[%add3A_754] : memref<320000xi32, #tpu.memory_space<hbm>> -> memref<80xi32, #tpu.memory_space<hbm>>
      tpu.enqueue_dma source(%dma_start3A_763 : memref<80xi32, #tpu.memory_space<hbm>>) target(%dma_start3A_762 : memref<80xi32, #tpu.memory_space<vmem>>) target_semaphore(%arg13 : memref<!tpu.dma_semaphore, #tpu.memory_space<semaphore_mem>>)
      %dma_start3A_764 = arith.constant 0 : i32
      %dma_start3A_765 = arith.constant 0 : i32
      %dma_start3A_766 = tpu.memref_slice %arg9[%dma_start3A_764, %dma_start3A_765] : memref<5x80xi32, #tpu.memory_space<vmem>> -> memref<1x80xi32, #tpu.memory_space<vmem>>
      %dma_start3A_767 = tpu.memref_squeeze %dma_start3A_766 : memref<1x80xi32, #tpu.memory_space<vmem>> -> memref<80xi32, #tpu.memory_space<vmem>>
      %dma_start3A_768 = tpu.memref_slice %arg5[%add3A_754] : memref<320000xi32, #tpu.memory_space<hbm>> -> memref<80xi32, #tpu.memory_space<hbm>>
      %dma_start3A_769 = arith.constant 0 : i32
      %dma_start3A_770 = tpu.memref_slice %arg9[%dma_start3A_764, %dma_start3A_769] : memref<5x80xi32, #tpu.memory_space<vmem>> -> memref<1x80xi32, #tpu.memory_space<vmem>>
      %dma_start3A_771 = tpu.memref_squeeze %dma_start3A_770 : memref<1x80xi32, #tpu.memory_space<vmem>> -> memref<80xi32, #tpu.memory_space<vmem>>
      %dma_start3A_772 = tpu.memref_slice %arg5[%add3A_754] : memref<320000xi32, #tpu.memory_space<hbm>> -> memref<80xi32, #tpu.memory_space<hbm>>
      tpu.enqueue_dma source(%dma_start3A_772 : memref<80xi32, #tpu.memory_space<hbm>>) target(%dma_start3A_771 : memref<80xi32, #tpu.memory_space<vmem>>) target_semaphore(%arg13 : memref<!tpu.dma_semaphore, #tpu.memory_space<semaphore_mem>>)
      %add3A_773 = arith.constant 80 : i32
      %add3A_774 = arith.addi %multiple_of3A_752, %add3A_773 : i32
      %dma_start3A_775 = arith.constant 1 : i32
      %dma_start3A_776 = arith.constant 0 : i32
      %dma_start3A_777 = tpu.memref_slice %arg8[%dma_start3A_775, %dma_start3A_776] : memref<5x80xi32, #tpu.memory_space<vmem>> -> memref<1x80xi32, #tpu.memory_space<vmem>>
      %dma_start3A_778 = tpu.memref_squeeze %dma_start3A_777 : memref<1x80xi32, #tpu.memory_space<vmem>> -> memref<80xi32, #tpu.memory_space<vmem>>
      %dma_start3A_779 = tpu.memref_slice %arg4[%add3A_774] : memref<320000xi32, #tpu.memory_space<hbm>> -> memref<80xi32, #tpu.memory_space<hbm>>
      %dma_start3A_780 = arith.constant 0 : i32
      %dma_start3A_781 = tpu.memref_slice %arg8[%dma_start3A_775, %dma_start3A_780] : memref<5x80xi32, #tpu.memory_space<vmem>> -> memref<1x80xi32, #tpu.memory_space<vmem>>
      %dma_start3A_782 = tpu.memref_squeeze %dma_start3A_781 : memref<1x80xi32, #tpu.memory_space<vmem>> -> memref<80xi32, #tpu.memory_space<vmem>>
      %dma_start3A_783 = tpu.memref_slice %arg4[%add3A_774] : memref<320000xi32, #tpu.memory_space<hbm>> -> memref<80xi32, #tpu.memory_space<hbm>>
      tpu.enqueue_dma source(%dma_start3A_783 : memref<80xi32, #tpu.memory_space<hbm>>) target(%dma_start3A_782 : memref<80xi32, #tpu.memory_space<vmem>>) target_semaphore(%arg13 : memref<!tpu.dma_semaphore, #tpu.memory_space<semaphore_mem>>)
      %dma_start3A_784 = arith.constant 1 : i32
      %dma_start3A_785 = arith.constant 0 : i32
      %dma_start3A_786 = tpu.memref_slice %arg9[%dma_start3A_784, %dma_start3A_785] : memref<5x80xi32, #tpu.memory_space<vmem>> -> memref<1x80xi32, #tpu.memory_space<vmem>>
      %dma_start3A_787 = tpu.memref_squeeze %dma_start3A_786 : memref<1x80xi32, #tpu.memory_space<vmem>> -> memref<80xi32, #tpu.memory_space<vmem>>
      %dma_start3A_788 = tpu.memref_slice %arg5[%add3A_774] : memref<320000xi32, #tpu.memory_space<hbm>> -> memref<80xi32, #tpu.memory_space<hbm>>
      %dma_start3A_789 = arith.constant 0 : i32
      %dma_start3A_790 = tpu.memref_slice %arg9[%dma_start3A_784, %dma_start3A_789] : memref<5x80xi32, #tpu.memory_space<vmem>> -> memref<1x80xi32, #tpu.memory_space<vmem>>
      %dma_start3A_791 = tpu.memref_squeeze %dma_start3A_790 : memref<1x80xi32, #tpu.memory_space<vmem>> -> memref<80xi32, #tpu.memory_space<vmem>>
      %dma_start3A_792 = tpu.memref_slice %arg5[%add3A_774] : memref<320000xi32, #tpu.memory_space<hbm>> -> memref<80xi32, #tpu.memory_space<hbm>>
      tpu.enqueue_dma source(%dma_start3A_792 : memref<80xi32, #tpu.memory_space<hbm>>) target(%dma_start3A_791 : memref<80xi32, #tpu.memory_space<vmem>>) target_semaphore(%arg13 : memref<!tpu.dma_semaphore, #tpu.memory_space<semaphore_mem>>)
      %add3A_793 = arith.constant 160 : i32
      %add3A_794 = arith.addi %multiple_of3A_752, %add3A_793 : i32
      %dma_start3A_795 = arith.constant 2 : i32
      %dma_start3A_796 = arith.constant 0 : i32
      %dma_start3A_797 = tpu.memref_slice %arg8[%dma_start3A_795, %dma_start3A_796] : memref<5x80xi32, #tpu.memory_space<vmem>> -> memref<1x80xi32, #tpu.memory_space<vmem>>
      %dma_start3A_798 = tpu.memref_squeeze %dma_start3A_797 : memref<1x80xi32, #tpu.memory_space<vmem>> -> memref<80xi32, #tpu.memory_space<vmem>>
      %dma_start3A_799 = tpu.memref_slice %arg4[%add3A_794] : memref<320000xi32, #tpu.memory_space<hbm>> -> memref<80xi32, #tpu.memory_space<hbm>>
      %dma_start3A_800 = arith.constant 0 : i32
      %dma_start3A_801 = tpu.memref_slice %arg8[%dma_start3A_795, %dma_start3A_800] : memref<5x80xi32, #tpu.memory_space<vmem>> -> memref<1x80xi32, #tpu.memory_space<vmem>>
      %dma_start3A_802 = tpu.memref_squeeze %dma_start3A_801 : memref<1x80xi32, #tpu.memory_space<vmem>> -> memref<80xi32, #tpu.memory_space<vmem>>
      %dma_start3A_803 = tpu.memref_slice %arg4[%add3A_794] : memref<320000xi32, #tpu.memory_space<hbm>> -> memref<80xi32, #tpu.memory_space<hbm>>
      tpu.enqueue_dma source(%dma_start3A_803 : memref<80xi32, #tpu.memory_space<hbm>>) target(%dma_start3A_802 : memref<80xi32, #tpu.memory_space<vmem>>) target_semaphore(%arg13 : memref<!tpu.dma_semaphore, #tpu.memory_space<semaphore_mem>>)
      %dma_start3A_804 = arith.constant 2 : i32
      %dma_start3A_805 = arith.constant 0 : i32
      %dma_start3A_806 = tpu.memref_slice %arg9[%dma_start3A_804, %dma_start3A_805] : memref<5x80xi32, #tpu.memory_space<vmem>> -> memref<1x80xi32, #tpu.memory_space<vmem>>
      %dma_start3A_807 = tpu.memref_squeeze %dma_start3A_806 : memref<1x80xi32, #tpu.memory_space<vmem>> -> memref<80xi32, #tpu.memory_space<vmem>>
      %dma_start3A_808 = tpu.memref_slice %arg5[%add3A_794] : memref<320000xi32, #tpu.memory_space<hbm>> -> memref<80xi32, #tpu.memory_space<hbm>>
      %dma_start3A_809 = arith.constant 0 : i32
      %dma_start3A_810 = tpu.memref_slice %arg9[%dma_start3A_804, %dma_start3A_809] : memref<5x80xi32, #tpu.memory_space<vmem>> -> memref<1x80xi32, #tpu.memory_space<vmem>>
      %dma_start3A_811 = tpu.memref_squeeze %dma_start3A_810 : memref<1x80xi32, #tpu.memory_space<vmem>> -> memref<80xi32, #tpu.memory_space<vmem>>
      %dma_start3A_812 = tpu.memref_slice %arg5[%add3A_794] : memref<320000xi32, #tpu.memory_space<hbm>> -> memref<80xi32, #tpu.memory_space<hbm>>
      tpu.enqueue_dma source(%dma_start3A_812 : memref<80xi32, #tpu.memory_space<hbm>>) target(%dma_start3A_811 : memref<80xi32, #tpu.memory_space<vmem>>) target_semaphore(%arg13 : memref<!tpu.dma_semaphore, #tpu.memory_space<semaphore_mem>>)
      %add3A_813 = arith.constant 240 : i32
      %add3A_814 = arith.addi %multiple_of3A_752, %add3A_813 : i32
      %dma_start3A_815 = arith.constant 3 : i32
      %dma_start3A_816 = arith.constant 0 : i32
      %dma_start3A_817 = tpu.memref_slice %arg8[%dma_start3A_815, %dma_start3A_816] : memref<5x80xi32, #tpu.memory_space<vmem>> -> memref<1x80xi32, #tpu.memory_space<vmem>>
      %dma_start3A_818 = tpu.memref_squeeze %dma_start3A_817 : memref<1x80xi32, #tpu.memory_space<vmem>> -> memref<80xi32, #tpu.memory_space<vmem>>
      %dma_start3A_819 = tpu.memref_slice %arg4[%add3A_814] : memref<320000xi32, #tpu.memory_space<hbm>> -> memref<80xi32, #tpu.memory_space<hbm>>
      %dma_start3A_820 = arith.constant 0 : i32
      %dma_start3A_821 = tpu.memref_slice %arg8[%dma_start3A_815, %dma_start3A_820] : memref<5x80xi32, #tpu.memory_space<vmem>> -> memref<1x80xi32, #tpu.memory_space<vmem>>
      %dma_start3A_822 = tpu.memref_squeeze %dma_start3A_821 : memref<1x80xi32, #tpu.memory_space<vmem>> -> memref<80xi32, #tpu.memory_space<vmem>>
      %dma_start3A_823 = tpu.memref_slice %arg4[%add3A_814] : memref<320000xi32, #tpu.memory_space<hbm>> -> memref<80xi32, #tpu.memory_space<hbm>>
      tpu.enqueue_dma source(%dma_start3A_823 : memref<80xi32, #tpu.memory_space<hbm>>) target(%dma_start3A_822 : memref<80xi32, #tpu.memory_space<vmem>>) target_semaphore(%arg13 : memref<!tpu.dma_semaphore, #tpu.memory_space<semaphore_mem>>)
      %dma_start3A_824 = arith.constant 3 : i32
      %dma_start3A_825 = arith.constant 0 : i32
      %dma_start3A_826 = tpu.memref_slice %arg9[%dma_start3A_824, %dma_start3A_825] : memref<5x80xi32, #tpu.memory_space<vmem>> -> memref<1x80xi32, #tpu.memory_space<vmem>>
      %dma_start3A_827 = tpu.memref_squeeze %dma_start3A_826 : memref<1x80xi32, #tpu.memory_space<vmem>> -> memref<80xi32, #tpu.memory_space<vmem>>
      %dma_start3A_828 = tpu.memref_slice %arg5[%add3A_814] : memref<320000xi32, #tpu.memory_space<hbm>> -> memref<80xi32, #tpu.memory_space<hbm>>
      %dma_start3A_829 = arith.constant 0 : i32
      %dma_start3A_830 = tpu.memref_slice %arg9[%dma_start3A_824, %dma_start3A_829] : memref<5x80xi32, #tpu.memory_space<vmem>> -> memref<1x80xi32, #tpu.memory_space<vmem>>
      %dma_start3A_831 = tpu.memref_squeeze %dma_start3A_830 : memref<1x80xi32, #tpu.memory_space<vmem>> -> memref<80xi32, #tpu.memory_space<vmem>>
      %dma_start3A_832 = tpu.memref_slice %arg5[%add3A_814] : memref<320000xi32, #tpu.memory_space<hbm>> -> memref<80xi32, #tpu.memory_space<hbm>>
      tpu.enqueue_dma source(%dma_start3A_832 : memref<80xi32, #tpu.memory_space<hbm>>) target(%dma_start3A_831 : memref<80xi32, #tpu.memory_space<vmem>>) target_semaphore(%arg13 : memref<!tpu.dma_semaphore, #tpu.memory_space<semaphore_mem>>)
      %add3A_833 = arith.constant 320 : i32
      %add3A_834 = arith.addi %multiple_of3A_752, %add3A_833 : i32
      %dma_start3A_835 = arith.constant 4 : i32
      %dma_start3A_836 = arith.constant 0 : i32
      %dma_start3A_837 = tpu.memref_slice %arg8[%dma_start3A_835, %dma_start3A_836] : memref<5x80xi32, #tpu.memory_space<vmem>> -> memref<1x80xi32, #tpu.memory_space<vmem>>
      %dma_start3A_838 = tpu.memref_squeeze %dma_start3A_837 : memref<1x80xi32, #tpu.memory_space<vmem>> -> memref<80xi32, #tpu.memory_space<vmem>>
      %dma_start3A_839 = tpu.memref_slice %arg4[%add3A_834] : memref<320000xi32, #tpu.memory_space<hbm>> -> memref<80xi32, #tpu.memory_space<hbm>>
      %dma_start3A_840 = arith.constant 0 : i32
      %dma_start3A_841 = tpu.memref_slice %arg8[%dma_start3A_835, %dma_start3A_840] : memref<5x80xi32, #tpu.memory_space<vmem>> -> memref<1x80xi32, #tpu.memory_space<vmem>>
      %dma_start3A_842 = tpu.memref_squeeze %dma_start3A_841 : memref<1x80xi32, #tpu.memory_space<vmem>> -> memref<80xi32, #tpu.memory_space<vmem>>
      %dma_start3A_843 = tpu.memref_slice %arg4[%add3A_834] : memref<320000xi32, #tpu.memory_space<hbm>> -> memref<80xi32, #tpu.memory_space<hbm>>
      tpu.enqueue_dma source(%dma_start3A_843 : memref<80xi32, #tpu.memory_space<hbm>>) target(%dma_start3A_842 : memref<80xi32, #tpu.memory_space<vmem>>) target_semaphore(%arg13 : memref<!tpu.dma_semaphore, #tpu.memory_space<semaphore_mem>>)
      %dma_start3A_844 = arith.constant 4 : i32
      %dma_start3A_845 = arith.constant 0 : i32
      %dma_start3A_846 = tpu.memref_slice %arg9[%dma_start3A_844, %dma_start3A_845] : memref<5x80xi32, #tpu.memory_space<vmem>> -> memref<1x80xi32, #tpu.memory_space<vmem>>
      %dma_start3A_847 = tpu.memref_squeeze %dma_start3A_846 : memref<1x80xi32, #tpu.memory_space<vmem>> -> memref<80xi32, #tpu.memory_space<vmem>>
      %dma_start3A_848 = tpu.memref_slice %arg5[%add3A_834] : memref<320000xi32, #tpu.memory_space<hbm>> -> memref<80xi32, #tpu.memory_space<hbm>>
      %dma_start3A_849 = arith.constant 0 : i32
      %dma_start3A_850 = tpu.memref_slice %arg9[%dma_start3A_844, %dma_start3A_849] : memref<5x80xi32, #tpu.memory_space<vmem>> -> memref<1x80xi32, #tpu.memory_space<vmem>>
      %dma_start3A_851 = tpu.memref_squeeze %dma_start3A_850 : memref<1x80xi32, #tpu.memory_space<vmem>> -> memref<80xi32, #tpu.memory_space<vmem>>
      %dma_start3A_852 = tpu.memref_slice %arg5[%add3A_834] : memref<320000xi32, #tpu.memory_space<hbm>> -> memref<80xi32, #tpu.memory_space<hbm>>
      tpu.enqueue_dma source(%dma_start3A_852 : memref<80xi32, #tpu.memory_space<hbm>>) target(%dma_start3A_851 : memref<80xi32, #tpu.memory_space<vmem>>) target_semaphore(%arg13 : memref<!tpu.dma_semaphore, #tpu.memory_space<semaphore_mem>>)
      %dma_wait3A_853 = arith.constant 0 : i32
      %dma_wait3A_854 = arith.constant 0 : i32
      %dma_wait3A_855 = arith.constant 0 : i32
      %dma_wait3A_856 = tpu.memref_slice %arg10[%dma_wait3A_853, %dma_wait3A_854, %dma_wait3A_855] : memref<5x80x128xf32, #tpu.memory_space<vmem>> -> memref<1x80x128xf32, #tpu.memory_space<vmem>>
      %dma_wait3A_857 = tpu.memref_squeeze %dma_wait3A_856 : memref<1x80x128xf32, #tpu.memory_space<vmem>> -> memref<80x128xf32, #tpu.memory_space<vmem>>
      %dma_wait3A_858 = arith.constant 0 : i32
      %dma_wait3A_859 = tpu.memref_slice %arg6[%add3A_453, %dma_wait3A_858] : memref<320000x128xf32, #tpu.memory_space<hbm>> -> memref<80x128xf32, #tpu.memory_space<hbm>>
      %dma_wait3A_860 = arith.constant 0 : i32
      %dma_wait3A_861 = tpu.memref_slice %arg6[%add3A_453, %dma_wait3A_860] : memref<320000x128xf32, #tpu.memory_space<hbm>> -> memref<80x128xf32, #tpu.memory_space<hbm>>
      %dma_wait3A_862 = arith.constant 0 : i32
      %dma_wait3A_863 = arith.constant 0 : i32
      %dma_wait3A_864 = tpu.memref_slice %arg10[%dma_wait3A_853, %dma_wait3A_862, %dma_wait3A_863] : memref<5x80x128xf32, #tpu.memory_space<vmem>> -> memref<1x80x128xf32, #tpu.memory_space<vmem>>
      %dma_wait3A_865 = tpu.memref_squeeze %dma_wait3A_864 : memref<1x80x128xf32, #tpu.memory_space<vmem>> -> memref<80x128xf32, #tpu.memory_space<vmem>>
      tpu.wait_dma2 semaphore(%arg15 : memref<!tpu.dma_semaphore, #tpu.memory_space<semaphore_mem>>) src(%dma_wait3A_865 : memref<80x128xf32, #tpu.memory_space<vmem>>) dst(%dma_wait3A_861 : memref<80x128xf32, #tpu.memory_space<hbm>>)
      %dma_wait3A_866 = arith.constant 1 : i32
      %dma_wait3A_867 = arith.constant 0 : i32
      %dma_wait3A_868 = arith.constant 0 : i32
      %dma_wait3A_869 = tpu.memref_slice %arg10[%dma_wait3A_866, %dma_wait3A_867, %dma_wait3A_868] : memref<5x80x128xf32, #tpu.memory_space<vmem>> -> memref<1x80x128xf32, #tpu.memory_space<vmem>>
      %dma_wait3A_870 = tpu.memref_squeeze %dma_wait3A_869 : memref<1x80x128xf32, #tpu.memory_space<vmem>> -> memref<80x128xf32, #tpu.memory_space<vmem>>
      %dma_wait3A_871 = arith.constant 0 : i32
      %dma_wait3A_872 = tpu.memref_slice %arg6[%add3A_498, %dma_wait3A_871] : memref<320000x128xf32, #tpu.memory_space<hbm>> -> memref<80x128xf32, #tpu.memory_space<hbm>>
      %dma_wait3A_873 = arith.constant 0 : i32
      %dma_wait3A_874 = tpu.memref_slice %arg6[%add3A_498, %dma_wait3A_873] : memref<320000x128xf32, #tpu.memory_space<hbm>> -> memref<80x128xf32, #tpu.memory_space<hbm>>
      %dma_wait3A_875 = arith.constant 0 : i32
      %dma_wait3A_876 = arith.constant 0 : i32
      %dma_wait3A_877 = tpu.memref_slice %arg10[%dma_wait3A_866, %dma_wait3A_875, %dma_wait3A_876] : memref<5x80x128xf32, #tpu.memory_space<vmem>> -> memref<1x80x128xf32, #tpu.memory_space<vmem>>
      %dma_wait3A_878 = tpu.memref_squeeze %dma_wait3A_877 : memref<1x80x128xf32, #tpu.memory_space<vmem>> -> memref<80x128xf32, #tpu.memory_space<vmem>>
      tpu.wait_dma2 semaphore(%arg15 : memref<!tpu.dma_semaphore, #tpu.memory_space<semaphore_mem>>) src(%dma_wait3A_878 : memref<80x128xf32, #tpu.memory_space<vmem>>) dst(%dma_wait3A_874 : memref<80x128xf32, #tpu.memory_space<hbm>>)
      %dma_wait3A_879 = arith.constant 2 : i32
      %dma_wait3A_880 = arith.constant 0 : i32
      %dma_wait3A_881 = arith.constant 0 : i32
      %dma_wait3A_882 = tpu.memref_slice %arg10[%dma_wait3A_879, %dma_wait3A_880, %dma_wait3A_881] : memref<5x80x128xf32, #tpu.memory_space<vmem>> -> memref<1x80x128xf32, #tpu.memory_space<vmem>>
      %dma_wait3A_883 = tpu.memref_squeeze %dma_wait3A_882 : memref<1x80x128xf32, #tpu.memory_space<vmem>> -> memref<80x128xf32, #tpu.memory_space<vmem>>
      %dma_wait3A_884 = arith.constant 0 : i32
      %dma_wait3A_885 = tpu.memref_slice %arg6[%add3A_543, %dma_wait3A_884] : memref<320000x128xf32, #tpu.memory_space<hbm>> -> memref<80x128xf32, #tpu.memory_space<hbm>>
      %dma_wait3A_886 = arith.constant 0 : i32
      %dma_wait3A_887 = tpu.memref_slice %arg6[%add3A_543, %dma_wait3A_886] : memref<320000x128xf32, #tpu.memory_space<hbm>> -> memref<80x128xf32, #tpu.memory_space<hbm>>
      %dma_wait3A_888 = arith.constant 0 : i32
      %dma_wait3A_889 = arith.constant 0 : i32
      %dma_wait3A_890 = tpu.memref_slice %arg10[%dma_wait3A_879, %dma_wait3A_888, %dma_wait3A_889] : memref<5x80x128xf32, #tpu.memory_space<vmem>> -> memref<1x80x128xf32, #tpu.memory_space<vmem>>
      %dma_wait3A_891 = tpu.memref_squeeze %dma_wait3A_890 : memref<1x80x128xf32, #tpu.memory_space<vmem>> -> memref<80x128xf32, #tpu.memory_space<vmem>>
      tpu.wait_dma2 semaphore(%arg15 : memref<!tpu.dma_semaphore, #tpu.memory_space<semaphore_mem>>) src(%dma_wait3A_891 : memref<80x128xf32, #tpu.memory_space<vmem>>) dst(%dma_wait3A_887 : memref<80x128xf32, #tpu.memory_space<hbm>>)
      %dma_wait3A_892 = arith.constant 3 : i32
      %dma_wait3A_893 = arith.constant 0 : i32
      %dma_wait3A_894 = arith.constant 0 : i32
      %dma_wait3A_895 = tpu.memref_slice %arg10[%dma_wait3A_892, %dma_wait3A_893, %dma_wait3A_894] : memref<5x80x128xf32, #tpu.memory_space<vmem>> -> memref<1x80x128xf32, #tpu.memory_space<vmem>>
      %dma_wait3A_896 = tpu.memref_squeeze %dma_wait3A_895 : memref<1x80x128xf32, #tpu.memory_space<vmem>> -> memref<80x128xf32, #tpu.memory_space<vmem>>
      %dma_wait3A_897 = arith.constant 0 : i32
      %dma_wait3A_898 = tpu.memref_slice %arg6[%add3A_588, %dma_wait3A_897] : memref<320000x128xf32, #tpu.memory_space<hbm>> -> memref<80x128xf32, #tpu.memory_space<hbm>>
      %dma_wait3A_899 = arith.constant 0 : i32
      %dma_wait3A_900 = tpu.memref_slice %arg6[%add3A_588, %dma_wait3A_899] : memref<320000x128xf32, #tpu.memory_space<hbm>> -> memref<80x128xf32, #tpu.memory_space<hbm>>
      %dma_wait3A_901 = arith.constant 0 : i32
      %dma_wait3A_902 = arith.constant 0 : i32
      %dma_wait3A_903 = tpu.memref_slice %arg10[%dma_wait3A_892, %dma_wait3A_901, %dma_wait3A_902] : memref<5x80x128xf32, #tpu.memory_space<vmem>> -> memref<1x80x128xf32, #tpu.memory_space<vmem>>
      %dma_wait3A_904 = tpu.memref_squeeze %dma_wait3A_903 : memref<1x80x128xf32, #tpu.memory_space<vmem>> -> memref<80x128xf32, #tpu.memory_space<vmem>>
      tpu.wait_dma2 semaphore(%arg15 : memref<!tpu.dma_semaphore, #tpu.memory_space<semaphore_mem>>) src(%dma_wait3A_904 : memref<80x128xf32, #tpu.memory_space<vmem>>) dst(%dma_wait3A_900 : memref<80x128xf32, #tpu.memory_space<hbm>>)
      %dma_wait3A_905 = arith.constant 4 : i32
      %dma_wait3A_906 = arith.constant 0 : i32
      %dma_wait3A_907 = arith.constant 0 : i32
      %dma_wait3A_908 = tpu.memref_slice %arg10[%dma_wait3A_905, %dma_wait3A_906, %dma_wait3A_907] : memref<5x80x128xf32, #tpu.memory_space<vmem>> -> memref<1x80x128xf32, #tpu.memory_space<vmem>>
      %dma_wait3A_909 = tpu.memref_squeeze %dma_wait3A_908 : memref<1x80x128xf32, #tpu.memory_space<vmem>> -> memref<80x128xf32, #tpu.memory_space<vmem>>
      %dma_wait3A_910 = arith.constant 0 : i32
      %dma_wait3A_911 = tpu.memref_slice %arg6[%add3A_633, %dma_wait3A_910] : memref<320000x128xf32, #tpu.memory_space<hbm>> -> memref<80x128xf32, #tpu.memory_space<hbm>>
      %dma_wait3A_912 = arith.constant 0 : i32
      %dma_wait3A_913 = tpu.memref_slice %arg6[%add3A_633, %dma_wait3A_912] : memref<320000x128xf32, #tpu.memory_space<hbm>> -> memref<80x128xf32, #tpu.memory_space<hbm>>
      %dma_wait3A_914 = arith.constant 0 : i32
      %dma_wait3A_915 = arith.constant 0 : i32
      %dma_wait3A_916 = tpu.memref_slice %arg10[%dma_wait3A_905, %dma_wait3A_914, %dma_wait3A_915] : memref<5x80x128xf32, #tpu.memory_space<vmem>> -> memref<1x80x128xf32, #tpu.memory_space<vmem>>
      %dma_wait3A_917 = tpu.memref_squeeze %dma_wait3A_916 : memref<1x80x128xf32, #tpu.memory_space<vmem>> -> memref<80x128xf32, #tpu.memory_space<vmem>>
      tpu.wait_dma2 semaphore(%arg15 : memref<!tpu.dma_semaphore, #tpu.memory_space<semaphore_mem>>) src(%dma_wait3A_917 : memref<80x128xf32, #tpu.memory_space<vmem>>) dst(%dma_wait3A_913 : memref<80x128xf32, #tpu.memory_space<hbm>>)
    }
    %scan3A_117 = arith.constant 25 : i32
    %dma_wait3A = arith.constant 0 : i32
    %dma_wait3A_118 = arith.constant 0 : i32
    %dma_wait3A_119 = tpu.memref_slice %arg8[%dma_wait3A, %dma_wait3A_118] : memref<5x80xi32, #tpu.memory_space<vmem>> -> memref<1x80xi32, #tpu.memory_space<vmem>>
    %dma_wait3A_120 = tpu.memref_squeeze %dma_wait3A_119 : memref<1x80xi32, #tpu.memory_space<vmem>> -> memref<80xi32, #tpu.memory_space<vmem>>
    %dma_wait3A_121 = tpu.memref_slice %arg4[%mul3A_2] : memref<320000xi32, #tpu.memory_space<hbm>> -> memref<80xi32, #tpu.memory_space<hbm>>
    %dma_wait3A_122 = arith.constant 0 : i32
    %dma_wait3A_123 = tpu.memref_slice %arg8[%dma_wait3A, %dma_wait3A_122] : memref<5x80xi32, #tpu.memory_space<vmem>> -> memref<1x80xi32, #tpu.memory_space<vmem>>
    %dma_wait3A_124 = tpu.memref_squeeze %dma_wait3A_123 : memref<1x80xi32, #tpu.memory_space<vmem>> -> memref<80xi32, #tpu.memory_space<vmem>>
    %dma_wait3A_125 = tpu.memref_slice %arg4[%mul3A_2] : memref<320000xi32, #tpu.memory_space<hbm>> -> memref<80xi32, #tpu.memory_space<hbm>>
    tpu.wait_dma2 semaphore(%arg13 : memref<!tpu.dma_semaphore, #tpu.memory_space<semaphore_mem>>) src(%dma_wait3A_125 : memref<80xi32, #tpu.memory_space<hbm>>) dst(%dma_wait3A_124 : memref<80xi32, #tpu.memory_space<vmem>>)
    %dma_wait3A_126 = arith.constant 0 : i32
    %dma_wait3A_127 = arith.constant 0 : i32
    %dma_wait3A_128 = tpu.memref_slice %arg9[%dma_wait3A_126, %dma_wait3A_127] : memref<5x80xi32, #tpu.memory_space<vmem>> -> memref<1x80xi32, #tpu.memory_space<vmem>>
    %dma_wait3A_129 = tpu.memref_squeeze %dma_wait3A_128 : memref<1x80xi32, #tpu.memory_space<vmem>> -> memref<80xi32, #tpu.memory_space<vmem>>
    %dma_wait3A_130 = tpu.memref_slice %arg5[%mul3A_2] : memref<320000xi32, #tpu.memory_space<hbm>> -> memref<80xi32, #tpu.memory_space<hbm>>
    %dma_wait3A_131 = arith.constant 0 : i32
    %dma_wait3A_132 = tpu.memref_slice %arg9[%dma_wait3A_126, %dma_wait3A_131] : memref<5x80xi32, #tpu.memory_space<vmem>> -> memref<1x80xi32, #tpu.memory_space<vmem>>
    %dma_wait3A_133 = tpu.memref_squeeze %dma_wait3A_132 : memref<1x80xi32, #tpu.memory_space<vmem>> -> memref<80xi32, #tpu.memory_space<vmem>>
    %dma_wait3A_134 = tpu.memref_slice %arg5[%mul3A_2] : memref<320000xi32, #tpu.memory_space<hbm>> -> memref<80xi32, #tpu.memory_space<hbm>>
    tpu.wait_dma2 semaphore(%arg13 : memref<!tpu.dma_semaphore, #tpu.memory_space<semaphore_mem>>) src(%dma_wait3A_134 : memref<80xi32, #tpu.memory_space<hbm>>) dst(%dma_wait3A_133 : memref<80xi32, #tpu.memory_space<vmem>>)
    %dma_wait3A_135 = arith.constant 1 : i32
    %dma_wait3A_136 = arith.constant 0 : i32
    %dma_wait3A_137 = tpu.memref_slice %arg8[%dma_wait3A_135, %dma_wait3A_136] : memref<5x80xi32, #tpu.memory_space<vmem>> -> memref<1x80xi32, #tpu.memory_space<vmem>>
    %dma_wait3A_138 = tpu.memref_squeeze %dma_wait3A_137 : memref<1x80xi32, #tpu.memory_space<vmem>> -> memref<80xi32, #tpu.memory_space<vmem>>
    %dma_wait3A_139 = tpu.memref_slice %arg4[%mul3A_2] : memref<320000xi32, #tpu.memory_space<hbm>> -> memref<80xi32, #tpu.memory_space<hbm>>
    %dma_wait3A_140 = arith.constant 0 : i32
    %dma_wait3A_141 = tpu.memref_slice %arg8[%dma_wait3A_135, %dma_wait3A_140] : memref<5x80xi32, #tpu.memory_space<vmem>> -> memref<1x80xi32, #tpu.memory_space<vmem>>
    %dma_wait3A_142 = tpu.memref_squeeze %dma_wait3A_141 : memref<1x80xi32, #tpu.memory_space<vmem>> -> memref<80xi32, #tpu.memory_space<vmem>>
    %dma_wait3A_143 = tpu.memref_slice %arg4[%mul3A_2] : memref<320000xi32, #tpu.memory_space<hbm>> -> memref<80xi32, #tpu.memory_space<hbm>>
    tpu.wait_dma2 semaphore(%arg13 : memref<!tpu.dma_semaphore, #tpu.memory_space<semaphore_mem>>) src(%dma_wait3A_143 : memref<80xi32, #tpu.memory_space<hbm>>) dst(%dma_wait3A_142 : memref<80xi32, #tpu.memory_space<vmem>>)
    %dma_wait3A_144 = arith.constant 1 : i32
    %dma_wait3A_145 = arith.constant 0 : i32
    %dma_wait3A_146 = tpu.memref_slice %arg9[%dma_wait3A_144, %dma_wait3A_145] : memref<5x80xi32, #tpu.memory_space<vmem>> -> memref<1x80xi32, #tpu.memory_space<vmem>>
    %dma_wait3A_147 = tpu.memref_squeeze %dma_wait3A_146 : memref<1x80xi32, #tpu.memory_space<vmem>> -> memref<80xi32, #tpu.memory_space<vmem>>
    %dma_wait3A_148 = tpu.memref_slice %arg5[%mul3A_2] : memref<320000xi32, #tpu.memory_space<hbm>> -> memref<80xi32, #tpu.memory_space<hbm>>
    %dma_wait3A_149 = arith.constant 0 : i32
    %dma_wait3A_150 = tpu.memref_slice %arg9[%dma_wait3A_144, %dma_wait3A_149] : memref<5x80xi32, #tpu.memory_space<vmem>> -> memref<1x80xi32, #tpu.memory_space<vmem>>
    %dma_wait3A_151 = tpu.memref_squeeze %dma_wait3A_150 : memref<1x80xi32, #tpu.memory_space<vmem>> -> memref<80xi32, #tpu.memory_space<vmem>>
    %dma_wait3A_152 = tpu.memref_slice %arg5[%mul3A_2] : memref<320000xi32, #tpu.memory_space<hbm>> -> memref<80xi32, #tpu.memory_space<hbm>>
    tpu.wait_dma2 semaphore(%arg13 : memref<!tpu.dma_semaphore, #tpu.memory_space<semaphore_mem>>) src(%dma_wait3A_152 : memref<80xi32, #tpu.memory_space<hbm>>) dst(%dma_wait3A_151 : memref<80xi32, #tpu.memory_space<vmem>>)
    %dma_wait3A_153 = arith.constant 2 : i32
    %dma_wait3A_154 = arith.constant 0 : i32
    %dma_wait3A_155 = tpu.memref_slice %arg8[%dma_wait3A_153, %dma_wait3A_154] : memref<5x80xi32, #tpu.memory_space<vmem>> -> memref<1x80xi32, #tpu.memory_space<vmem>>
    %dma_wait3A_156 = tpu.memref_squeeze %dma_wait3A_155 : memref<1x80xi32, #tpu.memory_space<vmem>> -> memref<80xi32, #tpu.memory_space<vmem>>
    %dma_wait3A_157 = tpu.memref_slice %arg4[%mul3A_2] : memref<320000xi32, #tpu.memory_space<hbm>> -> memref<80xi32, #tpu.memory_space<hbm>>
    %dma_wait3A_158 = arith.constant 0 : i32
    %dma_wait3A_159 = tpu.memref_slice %arg8[%dma_wait3A_153, %dma_wait3A_158] : memref<5x80xi32, #tpu.memory_space<vmem>> -> memref<1x80xi32, #tpu.memory_space<vmem>>
    %dma_wait3A_160 = tpu.memref_squeeze %dma_wait3A_159 : memref<1x80xi32, #tpu.memory_space<vmem>> -> memref<80xi32, #tpu.memory_space<vmem>>
    %dma_wait3A_161 = tpu.memref_slice %arg4[%mul3A_2] : memref<320000xi32, #tpu.memory_space<hbm>> -> memref<80xi32, #tpu.memory_space<hbm>>
    tpu.wait_dma2 semaphore(%arg13 : memref<!tpu.dma_semaphore, #tpu.memory_space<semaphore_mem>>) src(%dma_wait3A_161 : memref<80xi32, #tpu.memory_space<hbm>>) dst(%dma_wait3A_160 : memref<80xi32, #tpu.memory_space<vmem>>)
    %dma_wait3A_162 = arith.constant 2 : i32
    %dma_wait3A_163 = arith.constant 0 : i32
    %dma_wait3A_164 = tpu.memref_slice %arg9[%dma_wait3A_162, %dma_wait3A_163] : memref<5x80xi32, #tpu.memory_space<vmem>> -> memref<1x80xi32, #tpu.memory_space<vmem>>
    %dma_wait3A_165 = tpu.memref_squeeze %dma_wait3A_164 : memref<1x80xi32, #tpu.memory_space<vmem>> -> memref<80xi32, #tpu.memory_space<vmem>>
    %dma_wait3A_166 = tpu.memref_slice %arg5[%mul3A_2] : memref<320000xi32, #tpu.memory_space<hbm>> -> memref<80xi32, #tpu.memory_space<hbm>>
    %dma_wait3A_167 = arith.constant 0 : i32
    %dma_wait3A_168 = tpu.memref_slice %arg9[%dma_wait3A_162, %dma_wait3A_167] : memref<5x80xi32, #tpu.memory_space<vmem>> -> memref<1x80xi32, #tpu.memory_space<vmem>>
    %dma_wait3A_169 = tpu.memref_squeeze %dma_wait3A_168 : memref<1x80xi32, #tpu.memory_space<vmem>> -> memref<80xi32, #tpu.memory_space<vmem>>
    %dma_wait3A_170 = tpu.memref_slice %arg5[%mul3A_2] : memref<320000xi32, #tpu.memory_space<hbm>> -> memref<80xi32, #tpu.memory_space<hbm>>
    tpu.wait_dma2 semaphore(%arg13 : memref<!tpu.dma_semaphore, #tpu.memory_space<semaphore_mem>>) src(%dma_wait3A_170 : memref<80xi32, #tpu.memory_space<hbm>>) dst(%dma_wait3A_169 : memref<80xi32, #tpu.memory_space<vmem>>)
    %dma_wait3A_171 = arith.constant 3 : i32
    %dma_wait3A_172 = arith.constant 0 : i32
    %dma_wait3A_173 = tpu.memref_slice %arg8[%dma_wait3A_171, %dma_wait3A_172] : memref<5x80xi32, #tpu.memory_space<vmem>> -> memref<1x80xi32, #tpu.memory_space<vmem>>
    %dma_wait3A_174 = tpu.memref_squeeze %dma_wait3A_173 : memref<1x80xi32, #tpu.memory_space<vmem>> -> memref<80xi32, #tpu.memory_space<vmem>>
    %dma_wait3A_175 = tpu.memref_slice %arg4[%mul3A_2] : memref<320000xi32, #tpu.memory_space<hbm>> -> memref<80xi32, #tpu.memory_space<hbm>>
    %dma_wait3A_176 = arith.constant 0 : i32
    %dma_wait3A_177 = tpu.memref_slice %arg8[%dma_wait3A_171, %dma_wait3A_176] : memref<5x80xi32, #tpu.memory_space<vmem>> -> memref<1x80xi32, #tpu.memory_space<vmem>>
    %dma_wait3A_178 = tpu.memref_squeeze %dma_wait3A_177 : memref<1x80xi32, #tpu.memory_space<vmem>> -> memref<80xi32, #tpu.memory_space<vmem>>
    %dma_wait3A_179 = tpu.memref_slice %arg4[%mul3A_2] : memref<320000xi32, #tpu.memory_space<hbm>> -> memref<80xi32, #tpu.memory_space<hbm>>
    tpu.wait_dma2 semaphore(%arg13 : memref<!tpu.dma_semaphore, #tpu.memory_space<semaphore_mem>>) src(%dma_wait3A_179 : memref<80xi32, #tpu.memory_space<hbm>>) dst(%dma_wait3A_178 : memref<80xi32, #tpu.memory_space<vmem>>)
    %dma_wait3A_180 = arith.constant 3 : i32
    %dma_wait3A_181 = arith.constant 0 : i32
    %dma_wait3A_182 = tpu.memref_slice %arg9[%dma_wait3A_180, %dma_wait3A_181] : memref<5x80xi32, #tpu.memory_space<vmem>> -> memref<1x80xi32, #tpu.memory_space<vmem>>
    %dma_wait3A_183 = tpu.memref_squeeze %dma_wait3A_182 : memref<1x80xi32, #tpu.memory_space<vmem>> -> memref<80xi32, #tpu.memory_space<vmem>>
    %dma_wait3A_184 = tpu.memref_slice %arg5[%mul3A_2] : memref<320000xi32, #tpu.memory_space<hbm>> -> memref<80xi32, #tpu.memory_space<hbm>>
    %dma_wait3A_185 = arith.constant 0 : i32
    %dma_wait3A_186 = tpu.memref_slice %arg9[%dma_wait3A_180, %dma_wait3A_185] : memref<5x80xi32, #tpu.memory_space<vmem>> -> memref<1x80xi32, #tpu.memory_space<vmem>>
    %dma_wait3A_187 = tpu.memref_squeeze %dma_wait3A_186 : memref<1x80xi32, #tpu.memory_space<vmem>> -> memref<80xi32, #tpu.memory_space<vmem>>
    %dma_wait3A_188 = tpu.memref_slice %arg5[%mul3A_2] : memref<320000xi32, #tpu.memory_space<hbm>> -> memref<80xi32, #tpu.memory_space<hbm>>
    tpu.wait_dma2 semaphore(%arg13 : memref<!tpu.dma_semaphore, #tpu.memory_space<semaphore_mem>>) src(%dma_wait3A_188 : memref<80xi32, #tpu.memory_space<hbm>>) dst(%dma_wait3A_187 : memref<80xi32, #tpu.memory_space<vmem>>)
    %dma_wait3A_189 = arith.constant 4 : i32
    %dma_wait3A_190 = arith.constant 0 : i32
    %dma_wait3A_191 = tpu.memref_slice %arg8[%dma_wait3A_189, %dma_wait3A_190] : memref<5x80xi32, #tpu.memory_space<vmem>> -> memref<1x80xi32, #tpu.memory_space<vmem>>
    %dma_wait3A_192 = tpu.memref_squeeze %dma_wait3A_191 : memref<1x80xi32, #tpu.memory_space<vmem>> -> memref<80xi32, #tpu.memory_space<vmem>>
    %dma_wait3A_193 = tpu.memref_slice %arg4[%mul3A_2] : memref<320000xi32, #tpu.memory_space<hbm>> -> memref<80xi32, #tpu.memory_space<hbm>>
    %dma_wait3A_194 = arith.constant 0 : i32
    %dma_wait3A_195 = tpu.memref_slice %arg8[%dma_wait3A_189, %dma_wait3A_194] : memref<5x80xi32, #tpu.memory_space<vmem>> -> memref<1x80xi32, #tpu.memory_space<vmem>>
    %dma_wait3A_196 = tpu.memref_squeeze %dma_wait3A_195 : memref<1x80xi32, #tpu.memory_space<vmem>> -> memref<80xi32, #tpu.memory_space<vmem>>
    %dma_wait3A_197 = tpu.memref_slice %arg4[%mul3A_2] : memref<320000xi32, #tpu.memory_space<hbm>> -> memref<80xi32, #tpu.memory_space<hbm>>
    tpu.wait_dma2 semaphore(%arg13 : memref<!tpu.dma_semaphore, #tpu.memory_space<semaphore_mem>>) src(%dma_wait3A_197 : memref<80xi32, #tpu.memory_space<hbm>>) dst(%dma_wait3A_196 : memref<80xi32, #tpu.memory_space<vmem>>)
    %dma_wait3A_198 = arith.constant 4 : i32
    %dma_wait3A_199 = arith.constant 0 : i32
    %dma_wait3A_200 = tpu.memref_slice %arg9[%dma_wait3A_198, %dma_wait3A_199] : memref<5x80xi32, #tpu.memory_space<vmem>> -> memref<1x80xi32, #tpu.memory_space<vmem>>
    %dma_wait3A_201 = tpu.memref_squeeze %dma_wait3A_200 : memref<1x80xi32, #tpu.memory_space<vmem>> -> memref<80xi32, #tpu.memory_space<vmem>>
    %dma_wait3A_202 = tpu.memref_slice %arg5[%mul3A_2] : memref<320000xi32, #tpu.memory_space<hbm>> -> memref<80xi32, #tpu.memory_space<hbm>>
    %dma_wait3A_203 = arith.constant 0 : i32
    %dma_wait3A_204 = tpu.memref_slice %arg9[%dma_wait3A_198, %dma_wait3A_203] : memref<5x80xi32, #tpu.memory_space<vmem>> -> memref<1x80xi32, #tpu.memory_space<vmem>>
    %dma_wait3A_205 = tpu.memref_squeeze %dma_wait3A_204 : memref<1x80xi32, #tpu.memory_space<vmem>> -> memref<80xi32, #tpu.memory_space<vmem>>
    %dma_wait3A_206 = tpu.memref_slice %arg5[%mul3A_2] : memref<320000xi32, #tpu.memory_space<hbm>> -> memref<80xi32, #tpu.memory_space<hbm>>
    tpu.wait_dma2 semaphore(%arg13 : memref<!tpu.dma_semaphore, #tpu.memory_space<semaphore_mem>>) src(%dma_wait3A_206 : memref<80xi32, #tpu.memory_space<hbm>>) dst(%dma_wait3A_205 : memref<80xi32, #tpu.memory_space<vmem>>)
    "tpu.region"() ({
      %run_scoped3A = tpu.sem_alloc : memref<!tpu.dma_semaphore, #tpu.memory_space<semaphore_mem>>
      %dma_start3A_207 = arith.constant 0 : i32
      %dma_start3A_208 = tpu.memref_slice %arg7[%add3A, %dma_start3A_207] : memref<32x10240xf32, #tpu.memory_space<hbm>> -> memref<1x10240xf32, #tpu.memory_space<hbm>>
      %dma_start3A_209 = tpu.memref_squeeze %dma_start3A_208 : memref<1x10240xf32, #tpu.memory_space<hbm>> -> memref<10240xf32, #tpu.memory_space<hbm>>
      %dma_start3A_210 = arith.constant 0 : i32
      %dma_start3A_211 = tpu.memref_slice %arg7[%add3A, %dma_start3A_210] : memref<32x10240xf32, #tpu.memory_space<hbm>> -> memref<1x10240xf32, #tpu.memory_space<hbm>>
      %dma_start3A_212 = tpu.memref_squeeze %dma_start3A_211 : memref<1x10240xf32, #tpu.memory_space<hbm>> -> memref<10240xf32, #tpu.memory_space<hbm>>
      tpu.enqueue_dma source(%arg12 : memref<10240xf32, #tpu.memory_space<vmem>>) target(%dma_start3A_212 : memref<10240xf32, #tpu.memory_space<hbm>>) target_semaphore(%run_scoped3A : memref<!tpu.dma_semaphore, #tpu.memory_space<semaphore_mem>>)
      %dma_wait3A_213 = arith.constant 0 : i32
      %dma_wait3A_214 = tpu.memref_slice %arg7[%add3A, %dma_wait3A_213] : memref<32x10240xf32, #tpu.memory_space<hbm>> -> memref<1x10240xf32, #tpu.memory_space<hbm>>
      %dma_wait3A_215 = tpu.memref_squeeze %dma_wait3A_214 : memref<1x10240xf32, #tpu.memory_space<hbm>> -> memref<10240xf32, #tpu.memory_space<hbm>>
      %dma_wait3A_216 = arith.constant 0 : i32
      %dma_wait3A_217 = tpu.memref_slice %arg7[%add3A, %dma_wait3A_216] : memref<32x10240xf32, #tpu.memory_space<hbm>> -> memref<1x10240xf32, #tpu.memory_space<hbm>>
      %dma_wait3A_218 = tpu.memref_squeeze %dma_wait3A_217 : memref<1x10240xf32, #tpu.memory_space<hbm>> -> memref<10240xf32, #tpu.memory_space<hbm>>
      tpu.wait_dma2 semaphore(%run_scoped3A : memref<!tpu.dma_semaphore, #tpu.memory_space<semaphore_mem>>) src(%arg12 : memref<10240xf32, #tpu.memory_space<vmem>>) dst(%dma_wait3A_218 : memref<10240xf32, #tpu.memory_space<hbm>>)
      tpu.yield
    }) : () -> ()
    return
  }
}

module attributes {stable_mosaic.version = 14 : i64} {
  func.func @_prep_body(%arg0: i32, %arg1: memref<1024x128xf32, #tpu.memory_space<vmem>>, %arg2: memref<128x128xf32, #tpu.memory_space<vmem>>, %arg3: memref<1x128xf32, #tpu.memory_space<vmem>>, %arg4: memref<128x128xf32, #tpu.memory_space<vmem>>, %arg5: memref<128x128xf32, #tpu.memory_space<vmem>>, %arg6: memref<1x128xf32, #tpu.memory_space<vmem>>, %arg7: memref<128x128xf32, #tpu.memory_space<vmem>>, %arg8: memref<1x128xf32, #tpu.memory_space<vmem>>, %arg9: memref<128x128xf32, #tpu.memory_space<vmem>>, %arg10: memref<1x128xf32, #tpu.memory_space<vmem>>, %arg11: memref<128x128xf32, #tpu.memory_space<vmem>>, %arg12: memref<1x128xf32, #tpu.memory_space<vmem>>, %arg13: memref<1024x128xf32, #tpu.memory_space<vmem>>, %arg14: memref<1024x128xf32, #tpu.memory_space<vmem>>, %arg15: memref<1024x128xf32, #tpu.memory_space<vmem>>, %arg16: memref<1x128xf32, #tpu.memory_space<vmem>>, %arg17: memref<1x128xf32, #tpu.memory_space<vmem>>, %arg18: memref<1x128xf32, #tpu.memory_space<vmem>>) attributes {dimension_semantics = [#tpu.dimension_semantics<arbitrary>], iteration_bounds = array<i64: 10>, scalar_prefetch = 0 : i64, scratch_operands = 0 : i64, tpu.core_type = #tpu.core_type<tc>, window_params = [{transform_indices = @transform_0, window_bounds = array<i64: 1024, 128>}, {pipeline_mode = #tpu.pipeline_mode<synchronous>, transform_indices = @transform_1, window_bounds = array<i64: 128, 128>}, {pipeline_mode = #tpu.pipeline_mode<synchronous>, transform_indices = @transform_2, window_bounds = array<i64: 1, 128>}, {pipeline_mode = #tpu.pipeline_mode<synchronous>, transform_indices = @transform_3, window_bounds = array<i64: 128, 128>}, {pipeline_mode = #tpu.pipeline_mode<synchronous>, transform_indices = @transform_4, window_bounds = array<i64: 128, 128>}, {pipeline_mode = #tpu.pipeline_mode<synchronous>, transform_indices = @transform_5, window_bounds = array<i64: 1, 128>}, {pipeline_mode = #tpu.pipeline_mode<synchronous>, transform_indices = @transform_6, window_bounds = array<i64: 128, 128>}, {pipeline_mode = #tpu.pipeline_mode<synchronous>, transform_indices = @transform_7, window_bounds = array<i64: 1, 128>}, {pipeline_mode = #tpu.pipeline_mode<synchronous>, transform_indices = @transform_8, window_bounds = array<i64: 128, 128>}, {pipeline_mode = #tpu.pipeline_mode<synchronous>, transform_indices = @transform_9, window_bounds = array<i64: 1, 128>}, {pipeline_mode = #tpu.pipeline_mode<synchronous>, transform_indices = @transform_10, window_bounds = array<i64: 128, 128>}, {pipeline_mode = #tpu.pipeline_mode<synchronous>, transform_indices = @transform_11, window_bounds = array<i64: 1, 128>}, {transform_indices = @transform_12, window_bounds = array<i64: 1024, 128>}, {transform_indices = @transform_13, window_bounds = array<i64: 1024, 128>}, {transform_indices = @transform_14, window_bounds = array<i64: 1024, 128>}, {pipeline_mode = #tpu.pipeline_mode<synchronous>, transform_indices = @transform_15, window_bounds = array<i64: 1, 128>}, {pipeline_mode = #tpu.pipeline_mode<synchronous>, transform_indices = @transform_16, window_bounds = array<i64: 1, 128>}, {pipeline_mode = #tpu.pipeline_mode<synchronous>, transform_indices = @transform_17, window_bounds = array<i64: 1, 128>}]} {
    %get3A = arith.constant 0 : index
    %get3A_0 = arith.constant 0 : index
    %get3A_1 = vector.load %arg1[%get3A, %get3A_0] : memref<1024x128xf32, #tpu.memory_space<vmem>>, vector<1024x128xf32>
    %get3A_2 = arith.constant 0 : index
    %get3A_3 = arith.constant 0 : index
    %get3A_4 = vector.load %arg2[%get3A_2, %get3A_3] : memref<128x128xf32, #tpu.memory_space<vmem>>, vector<128x128xf32>
    %dot_general3A = arith.constant dense<0.000000e+00> : vector<1024x128xf32>
    %dot_general3A_5 = tpu.matmul %get3A_1, %get3A_4, %dot_general3A {dimension_numbers = #tpu.dot_dimension_numbers<[1], [0], [0], [1], [0, 0, 1, 1], [], []>, transpose_lhs_hint = false} : vector<1024x128xf32>, vector<128x128xf32>, vector<1024x128xf32> -> vector<1024x128xf32>
    %get3A_6 = arith.constant 0 : index
    %get3A_7 = arith.constant 0 : index
    %get3A_8 = vector.load %arg3[%get3A_6, %get3A_7] : memref<1x128xf32, #tpu.memory_space<vmem>>, vector<1x128xf32>
    %add3A = vector.broadcast %get3A_8 : vector<1x128xf32> to vector<1024x128xf32>
    %add3A_9 = arith.addf %dot_general3A_5, %add3A : vector<1024x128xf32>
    %custom_jvp_call3A = arith.constant 0.000000e+00 : f32
    %max3A = vector.broadcast %custom_jvp_call3A : f32 to vector<1024x128xf32>
    %max3A_10 = arith.maximumf %add3A_9, %max3A : vector<1024x128xf32>
    %sub3A = vector.broadcast %custom_jvp_call3A : f32 to vector<1024x128xf32>
    %sub3A_11 = arith.subf %add3A_9, %sub3A : vector<1024x128xf32>
    %ne3A = arith.cmpf one, %sub3A_11, %sub3A_11 : vector<1024x128xf32>
    %add3A_12 = vector.broadcast %custom_jvp_call3A : f32 to vector<1024x128xf32>
    %add3A_13 = arith.addf %add3A_9, %add3A_12 : vector<1024x128xf32>
    %abs3A = math.absf %sub3A_11 : vector<1024x128xf32>
    %neg3A = arith.constant 0.000000e+00 : f32
    %neg3A_14 = vector.broadcast %neg3A : f32 to vector<1024x128xf32>
    %neg3A_15 = arith.subf %neg3A_14, %abs3A : vector<1024x128xf32>
    %exp3A = math.exp %neg3A_15 : vector<1024x128xf32>
    %log1p3A = math.log1p %exp3A : vector<1024x128xf32>
    %add3A_16 = arith.addf %max3A_10, %log1p3A : vector<1024x128xf32>
    %select_n3A = arith.select %ne3A, %add3A_13, %add3A_16 : vector<1024x128xi1>, vector<1024x128xf32>
    %swap3A = arith.constant 0 : index
    %swap3A_17 = arith.constant 0 : index
    %swap3A_18 = vector.load %arg13[%swap3A, %swap3A_17] : memref<1024x128xf32, #tpu.memory_space<vmem>>, vector<1024x128xf32>
    tpu.vector_store %arg13[%swap3A, %swap3A_17], %select_n3A {strides = array<i32>} : memref<1024x128xf32, #tpu.memory_space<vmem>>, vector<1024x128xf32>,
    %get3A_19 = arith.constant 0 : index
    %get3A_20 = arith.constant 0 : index
    %get3A_21 = vector.load %arg4[%get3A_19, %get3A_20] : memref<128x128xf32, #tpu.memory_space<vmem>>, vector<128x128xf32>
    %dot_general3A_22 = arith.constant dense<0.000000e+00> : vector<1024x128xf32>
    %dot_general3A_23 = tpu.matmul %select_n3A, %get3A_21, %dot_general3A_22 {dimension_numbers = #tpu.dot_dimension_numbers<[1], [0], [0], [1], [0, 0, 1, 1], [], []>, transpose_lhs_hint = false} : vector<1024x128xf32>, vector<128x128xf32>, vector<1024x128xf32> -> vector<1024x128xf32>
    %swap3A_24 = arith.constant 0 : index
    %swap3A_25 = arith.constant 0 : index
    %swap3A_26 = vector.load %arg14[%swap3A_24, %swap3A_25] : memref<1024x128xf32, #tpu.memory_space<vmem>>, vector<1024x128xf32>
    tpu.vector_store %arg14[%swap3A_24, %swap3A_25], %dot_general3A_23 {strides = array<i32>} : memref<1024x128xf32, #tpu.memory_space<vmem>>, vector<1024x128xf32>,
    %get3A_27 = arith.constant 0 : index
    %get3A_28 = arith.constant 0 : index
    %get3A_29 = vector.load %arg5[%get3A_27, %get3A_28] : memref<128x128xf32, #tpu.memory_space<vmem>>, vector<128x128xf32>
    %dot_general3A_30 = arith.constant dense<0.000000e+00> : vector<1024x128xf32>
    %dot_general3A_31 = tpu.matmul %select_n3A, %get3A_29, %dot_general3A_30 {dimension_numbers = #tpu.dot_dimension_numbers<[1], [0], [0], [1], [0, 0, 1, 1], [], []>, transpose_lhs_hint = false} : vector<1024x128xf32>, vector<128x128xf32>, vector<1024x128xf32> -> vector<1024x128xf32>
    %swap3A_32 = arith.constant 0 : index
    %swap3A_33 = arith.constant 0 : index
    %swap3A_34 = vector.load %arg15[%swap3A_32, %swap3A_33] : memref<1024x128xf32, #tpu.memory_space<vmem>>, vector<1024x128xf32>
    tpu.vector_store %arg15[%swap3A_32, %swap3A_33], %dot_general3A_31 {strides = array<i32>} : memref<1024x128xf32, #tpu.memory_space<vmem>>, vector<1024x128xf32>,
    %eq3A = arith.constant 0 : i32
    %eq3A_35 = arith.cmpi eq, %arg0, %eq3A : i32
    %convert_element_type3A = arith.extui %eq3A_35 : i1 to i32
    %cond3A = arith.constant 0 : i32
    %cond3A_36 = arith.cmpi ne, %convert_element_type3A, %cond3A : i32
    scf.if %cond3A_36 {
      %get3A_37 = arith.constant 0 : index
      %get3A_38 = arith.constant 0 : index
      %get3A_39 = vector.load %arg6[%get3A_37, %get3A_38] : memref<1x128xf32, #tpu.memory_space<vmem>>, vector<1x128xf32>
      %get3A_40 = arith.constant 0 : index
      %get3A_41 = arith.constant 0 : index
      %get3A_42 = vector.load %arg7[%get3A_40, %get3A_41] : memref<128x128xf32, #tpu.memory_space<vmem>>, vector<128x128xf32>
      %dot_general3A_43 = arith.constant dense<0.000000e+00> : vector<1x128xf32>
      %dot_general3A_44 = tpu.matmul %get3A_39, %get3A_42, %dot_general3A_43 {dimension_numbers = #tpu.dot_dimension_numbers<[1], [0], [0], [1], [0, 0, 1, 1], [], []>, transpose_lhs_hint = false} : vector<1x128xf32>, vector<128x128xf32>, vector<1x128xf32> -> vector<1x128xf32>
      %get3A_45 = arith.constant 0 : index
      %get3A_46 = arith.constant 0 : index
      %get3A_47 = vector.load %arg8[%get3A_45, %get3A_46] : memref<1x128xf32, #tpu.memory_space<vmem>>, vector<1x128xf32>
      %add3A_48 = arith.addf %dot_general3A_44, %get3A_47 : vector<1x128xf32>
      %custom_jvp_call3A_49 = arith.constant 0.000000e+00 : f32
      %max3A_50 = vector.broadcast %custom_jvp_call3A_49 : f32 to vector<1x128xf32>
      %max3A_51 = arith.maximumf %add3A_48, %max3A_50 : vector<1x128xf32>
      %sub3A_52 = vector.broadcast %custom_jvp_call3A_49 : f32 to vector<1x128xf32>
      %sub3A_53 = arith.subf %add3A_48, %sub3A_52 : vector<1x128xf32>
      %ne3A_54 = arith.cmpf one, %sub3A_53, %sub3A_53 : vector<1x128xf32>
      %add3A_55 = vector.broadcast %custom_jvp_call3A_49 : f32 to vector<1x128xf32>
      %add3A_56 = arith.addf %add3A_48, %add3A_55 : vector<1x128xf32>
      %abs3A_57 = math.absf %sub3A_53 : vector<1x128xf32>
      %neg3A_58 = arith.constant 0.000000e+00 : f32
      %neg3A_59 = vector.broadcast %neg3A_58 : f32 to vector<1x128xf32>
      %neg3A_60 = arith.subf %neg3A_59, %abs3A_57 : vector<1x128xf32>
      %exp3A_61 = math.exp %neg3A_60 : vector<1x128xf32>
      %log1p3A_62 = math.log1p %exp3A_61 : vector<1x128xf32>
      %add3A_63 = arith.addf %max3A_51, %log1p3A_62 : vector<1x128xf32>
      %select_n3A_64 = arith.select %ne3A_54, %add3A_56, %add3A_63 : vector<1x128xi1>, vector<1x128xf32>
      %swap3A_65 = arith.constant 0 : index
      %swap3A_66 = arith.constant 0 : index
      %swap3A_67 = vector.load %arg18[%swap3A_65, %swap3A_66] : memref<1x128xf32, #tpu.memory_space<vmem>>, vector<1x128xf32>
      tpu.vector_store %arg18[%swap3A_65, %swap3A_66], %select_n3A_64 {strides = array<i32>} : memref<1x128xf32, #tpu.memory_space<vmem>>, vector<1x128xf32>,
      %get3A_68 = arith.constant 0 : index
      %get3A_69 = arith.constant 0 : index
      %get3A_70 = vector.load %arg9[%get3A_68, %get3A_69] : memref<128x128xf32, #tpu.memory_space<vmem>>, vector<128x128xf32>
      %dot_general3A_71 = arith.constant dense<0.000000e+00> : vector<1x128xf32>
      %dot_general3A_72 = tpu.matmul %select_n3A_64, %get3A_70, %dot_general3A_71 {dimension_numbers = #tpu.dot_dimension_numbers<[1], [0], [0], [1], [0, 0, 1, 1], [], []>, transpose_lhs_hint = false} : vector<1x128xf32>, vector<128x128xf32>, vector<1x128xf32> -> vector<1x128xf32>
      %get3A_73 = arith.constant 0 : index
      %get3A_74 = arith.constant 0 : index
      %get3A_75 = vector.load %arg10[%get3A_73, %get3A_74] : memref<1x128xf32, #tpu.memory_space<vmem>>, vector<1x128xf32>
      %add3A_76 = arith.addf %dot_general3A_72, %get3A_75 : vector<1x128xf32>
      %swap3A_77 = arith.constant 0 : index
      %swap3A_78 = arith.constant 0 : index
      %swap3A_79 = vector.load %arg16[%swap3A_77, %swap3A_78] : memref<1x128xf32, #tpu.memory_space<vmem>>, vector<1x128xf32>
      tpu.vector_store %arg16[%swap3A_77, %swap3A_78], %add3A_76 {strides = array<i32>} : memref<1x128xf32, #tpu.memory_space<vmem>>, vector<1x128xf32>,
      %get3A_80 = arith.constant 0 : index
      %get3A_81 = arith.constant 0 : index
      %get3A_82 = vector.load %arg11[%get3A_80, %get3A_81] : memref<128x128xf32, #tpu.memory_space<vmem>>, vector<128x128xf32>
      %dot_general3A_83 = arith.constant dense<0.000000e+00> : vector<1x128xf32>
      %dot_general3A_84 = tpu.matmul %select_n3A_64, %get3A_82, %dot_general3A_83 {dimension_numbers = #tpu.dot_dimension_numbers<[1], [0], [0], [1], [0, 0, 1, 1], [], []>, transpose_lhs_hint = false} : vector<1x128xf32>, vector<128x128xf32>, vector<1x128xf32> -> vector<1x128xf32>
      %get3A_85 = arith.constant 0 : index
      %get3A_86 = arith.constant 0 : index
      %get3A_87 = vector.load %arg12[%get3A_85, %get3A_86] : memref<1x128xf32, #tpu.memory_space<vmem>>, vector<1x128xf32>
      %add3A_88 = arith.addf %dot_general3A_84, %get3A_87 : vector<1x128xf32>
      %swap3A_89 = arith.constant 0 : index
      %swap3A_90 = arith.constant 0 : index
      %swap3A_91 = vector.load %arg17[%swap3A_89, %swap3A_90] : memref<1x128xf32, #tpu.memory_space<vmem>>, vector<1x128xf32>
      tpu.vector_store %arg17[%swap3A_89, %swap3A_90], %add3A_88 {strides = array<i32>} : memref<1x128xf32, #tpu.memory_space<vmem>>, vector<1x128xf32>,
    } else {
    }
    return
  }
  func.func @transform_0(%arg0: i32) -> (i32, i32) {
    %c0_i32 = arith.constant 0 : i32
    %c0_i32_0 = arith.constant 0 : i32
    return %arg0, %c0_i32 : i32, i32
  }
  func.func @transform_1(%arg0: i32) -> (i32, i32) {
    %c0_i32 = arith.constant 0 : i32
    %c0_i32_0 = arith.constant 0 : i32
    %c0_i32_1 = arith.constant 0 : i32
    return %c0_i32, %c0_i32_0 : i32, i32
  }
  func.func @transform_2(%arg0: i32) -> (i32, i32) {
    %c0_i32 = arith.constant 0 : i32
    %c0_i32_0 = arith.constant 0 : i32
    %c0_i32_1 = arith.constant 0 : i32
    return %c0_i32, %c0_i32_0 : i32, i32
  }
  func.func @transform_3(%arg0: i32) -> (i32, i32) {
    %c0_i32 = arith.constant 0 : i32
    %c0_i32_0 = arith.constant 0 : i32
    %c0_i32_1 = arith.constant 0 : i32
    return %c0_i32, %c0_i32_0 : i32, i32
  }
  func.func @transform_4(%arg0: i32) -> (i32, i32) {
    %c0_i32 = arith.constant 0 : i32
    %c0_i32_0 = arith.constant 0 : i32
    %c0_i32_1 = arith.constant 0 : i32
    return %c0_i32, %c0_i32_0 : i32, i32
  }
  func.func @transform_5(%arg0: i32) -> (i32, i32) {
    %c0_i32 = arith.constant 0 : i32
    %c0_i32_0 = arith.constant 0 : i32
    %c0_i32_1 = arith.constant 0 : i32
    return %c0_i32, %c0_i32_0 : i32, i32
  }
  func.func @transform_6(%arg0: i32) -> (i32, i32) {
    %c0_i32 = arith.constant 0 : i32
    %c0_i32_0 = arith.constant 0 : i32
    %c0_i32_1 = arith.constant 0 : i32
    return %c0_i32, %c0_i32_0 : i32, i32
  }
  func.func @transform_7(%arg0: i32) -> (i32, i32) {
    %c0_i32 = arith.constant 0 : i32
    %c0_i32_0 = arith.constant 0 : i32
    %c0_i32_1 = arith.constant 0 : i32
    return %c0_i32, %c0_i32_0 : i32, i32
  }
  func.func @transform_8(%arg0: i32) -> (i32, i32) {
    %c0_i32 = arith.constant 0 : i32
    %c0_i32_0 = arith.constant 0 : i32
    %c0_i32_1 = arith.constant 0 : i32
    return %c0_i32, %c0_i32_0 : i32, i32
  }
  func.func @transform_9(%arg0: i32) -> (i32, i32) {
    %c0_i32 = arith.constant 0 : i32
    %c0_i32_0 = arith.constant 0 : i32
    %c0_i32_1 = arith.constant 0 : i32
    return %c0_i32, %c0_i32_0 : i32, i32
  }
  func.func @transform_10(%arg0: i32) -> (i32, i32) {
    %c0_i32 = arith.constant 0 : i32
    %c0_i32_0 = arith.constant 0 : i32
    %c0_i32_1 = arith.constant 0 : i32
    return %c0_i32, %c0_i32_0 : i32, i32
  }
  func.func @transform_11(%arg0: i32) -> (i32, i32) {
    %c0_i32 = arith.constant 0 : i32
    %c0_i32_0 = arith.constant 0 : i32
    %c0_i32_1 = arith.constant 0 : i32
    return %c0_i32, %c0_i32_0 : i32, i32
  }
  func.func @transform_12(%arg0: i32) -> (i32, i32) {
    %c0_i32 = arith.constant 0 : i32
    %c0_i32_0 = arith.constant 0 : i32
    return %arg0, %c0_i32 : i32, i32
  }
  func.func @transform_13(%arg0: i32) -> (i32, i32) {
    %c0_i32 = arith.constant 0 : i32
    %c0_i32_0 = arith.constant 0 : i32
    return %arg0, %c0_i32 : i32, i32
  }
  func.func @transform_14(%arg0: i32) -> (i32, i32) {
    %c0_i32 = arith.constant 0 : i32
    %c0_i32_0 = arith.constant 0 : i32
    return %arg0, %c0_i32 : i32, i32
  }
  func.func @transform_15(%arg0: i32) -> (i32, i32) {
    %c0_i32 = arith.constant 0 : i32
    %c0_i32_0 = arith.constant 0 : i32
    %c0_i32_1 = arith.constant 0 : i32
    return %c0_i32, %c0_i32_0 : i32, i32
  }
  func.func @transform_16(%arg0: i32) -> (i32, i32) {
    %c0_i32 = arith.constant 0 : i32
    %c0_i32_0 = arith.constant 0 : i32
    %c0_i32_1 = arith.constant 0 : i32
    return %c0_i32, %c0_i32_0 : i32, i32
  }
  func.func @transform_17(%arg0: i32) -> (i32, i32) {
    %c0_i32 = arith.constant 0 : i32
    %c0_i32_0 = arith.constant 0 : i32
    %c0_i32_1 = arith.constant 0 : i32
    return %c0_i32, %c0_i32_0 : i32, i32
  }
}

module attributes {stable_mosaic.version = 14 : i64} {
  func.func @_edge_body(%arg0: i32, %arg1: memref<2560x128xf32, #tpu.memory_space<vmem>>, %arg2: memref<2560x128xf32, #tpu.memory_space<vmem>>, %arg3: memref<128x128xf32, #tpu.memory_space<vmem>>, %arg4: memref<1x128xf32, #tpu.memory_space<vmem>>, %arg5: memref<128x128xf32, #tpu.memory_space<vmem>>, %arg6: memref<1x128xf32, #tpu.memory_space<vmem>>, %arg7: memref<2560x128xf32, #tpu.memory_space<vmem>>, %arg8: memref<2560x128xf32, #tpu.memory_space<vmem>>) attributes {dimension_semantics = [#tpu.dimension_semantics<arbitrary>], iteration_bounds = array<i64: 125>, scalar_prefetch = 0 : i64, scratch_operands = 0 : i64, tpu.core_type = #tpu.core_type<tc>, window_params = [{transform_indices = @transform_0, window_bounds = array<i64: 2560, 128>}, {transform_indices = @transform_1, window_bounds = array<i64: 2560, 128>}, {pipeline_mode = #tpu.pipeline_mode<synchronous>, transform_indices = @transform_2, window_bounds = array<i64: 128, 128>}, {pipeline_mode = #tpu.pipeline_mode<synchronous>, transform_indices = @transform_3, window_bounds = array<i64: 1, 128>}, {pipeline_mode = #tpu.pipeline_mode<synchronous>, transform_indices = @transform_4, window_bounds = array<i64: 128, 128>}, {pipeline_mode = #tpu.pipeline_mode<synchronous>, transform_indices = @transform_5, window_bounds = array<i64: 1, 128>}, {transform_indices = @transform_6, window_bounds = array<i64: 2560, 128>}, {transform_indices = @transform_7, window_bounds = array<i64: 2560, 128>}]} {
    %get3A = arith.constant 0 : index
    %get3A_0 = arith.constant 0 : index
    %get3A_1 = vector.load %arg1[%get3A, %get3A_0] : memref<2560x128xf32, #tpu.memory_space<vmem>>, vector<2560x128xf32>
    %get3A_2 = arith.constant 0 : index
    %get3A_3 = arith.constant 0 : index
    %get3A_4 = vector.load %arg3[%get3A_2, %get3A_3] : memref<128x128xf32, #tpu.memory_space<vmem>>, vector<128x128xf32>
    %dot_general3A = arith.constant dense<0.000000e+00> : vector<2560x128xf32>
    %dot_general3A_5 = tpu.matmul %get3A_1, %get3A_4, %dot_general3A {dimension_numbers = #tpu.dot_dimension_numbers<[1], [0], [0], [1], [0, 0, 1, 1], [], []>, transpose_lhs_hint = false} : vector<2560x128xf32>, vector<128x128xf32>, vector<2560x128xf32> -> vector<2560x128xf32>
    %get3A_6 = arith.constant 0 : index
    %get3A_7 = arith.constant 0 : index
    %get3A_8 = vector.load %arg4[%get3A_6, %get3A_7] : memref<1x128xf32, #tpu.memory_space<vmem>>, vector<1x128xf32>
    %add3A = vector.broadcast %get3A_8 : vector<1x128xf32> to vector<2560x128xf32>
    %add3A_9 = arith.addf %dot_general3A_5, %add3A : vector<2560x128xf32>
    %max3A = arith.constant 0.000000e+00 : f32
    %max3A_10 = vector.broadcast %max3A : f32 to vector<2560x128xf32>
    %max3A_11 = arith.maximumf %add3A_9, %max3A_10 : vector<2560x128xf32>
    %abs3A = math.absf %add3A_9 : vector<2560x128xf32>
    %neg3A = arith.constant 0.000000e+00 : f32
    %neg3A_12 = vector.broadcast %neg3A : f32 to vector<2560x128xf32>
    %neg3A_13 = arith.subf %neg3A_12, %abs3A : vector<2560x128xf32>
    %exp3A = math.exp %neg3A_13 : vector<2560x128xf32>
    %log1p3A = math.log1p %exp3A : vector<2560x128xf32>
    %add3A_14 = arith.addf %max3A_11, %log1p3A : vector<2560x128xf32>
    %get3A_15 = arith.constant 0 : index
    %get3A_16 = arith.constant 0 : index
    %get3A_17 = vector.load %arg5[%get3A_15, %get3A_16] : memref<128x128xf32, #tpu.memory_space<vmem>>, vector<128x128xf32>
    %dot_general3A_18 = arith.constant dense<0.000000e+00> : vector<2560x128xf32>
    %dot_general3A_19 = tpu.matmul %add3A_14, %get3A_17, %dot_general3A_18 {dimension_numbers = #tpu.dot_dimension_numbers<[1], [0], [0], [1], [0, 0, 1, 1], [], []>, transpose_lhs_hint = false} : vector<2560x128xf32>, vector<128x128xf32>, vector<2560x128xf32> -> vector<2560x128xf32>
    %get3A_20 = arith.constant 0 : index
    %get3A_21 = arith.constant 0 : index
    %get3A_22 = vector.load %arg2[%get3A_20, %get3A_21] : memref<2560x128xf32, #tpu.memory_space<vmem>>, vector<2560x128xf32>
    %add3A_23 = arith.addf %dot_general3A_19, %get3A_22 : vector<2560x128xf32>
    %get3A_24 = arith.constant 0 : index
    %get3A_25 = arith.constant 0 : index
    %get3A_26 = vector.load %arg6[%get3A_24, %get3A_25] : memref<1x128xf32, #tpu.memory_space<vmem>>, vector<1x128xf32>
    %add3A_27 = vector.broadcast %get3A_26 : vector<1x128xf32> to vector<2560x128xf32>
    %add3A_28 = arith.addf %add3A_23, %add3A_27 : vector<2560x128xf32>
    %max3A_29 = arith.constant 0.000000e+00 : f32
    %max3A_30 = vector.broadcast %max3A_29 : f32 to vector<2560x128xf32>
    %max3A_31 = arith.maximumf %add3A_28, %max3A_30 : vector<2560x128xf32>
    %abs3A_32 = math.absf %add3A_28 : vector<2560x128xf32>
    %neg3A_33 = arith.constant 0.000000e+00 : f32
    %neg3A_34 = vector.broadcast %neg3A_33 : f32 to vector<2560x128xf32>
    %neg3A_35 = arith.subf %neg3A_34, %abs3A_32 : vector<2560x128xf32>
    %exp3A_36 = math.exp %neg3A_35 : vector<2560x128xf32>
    %log1p3A_37 = math.log1p %exp3A_36 : vector<2560x128xf32>
    %add3A_38 = arith.addf %max3A_31, %log1p3A_37 : vector<2560x128xf32>
    %add3A_39 = arith.addf %add3A_38, %get3A_1 : vector<2560x128xf32>
    %swap3A = arith.constant 0 : index
    %swap3A_40 = arith.constant 0 : index
    %swap3A_41 = vector.load %arg7[%swap3A, %swap3A_40] : memref<2560x128xf32, #tpu.memory_space<vmem>>, vector<2560x128xf32>
    tpu.vector_store %arg7[%swap3A, %swap3A_40], %add3A_39 {strides = array<i32>} : memref<2560x128xf32, #tpu.memory_space<vmem>>, vector<2560x128xf32>,
    %swap3A_42 = arith.constant 0 : index
    %swap3A_43 = arith.constant 0 : index
    %swap3A_44 = vector.load %arg8[%swap3A_42, %swap3A_43] : memref<2560x128xf32, #tpu.memory_space<vmem>>, vector<2560x128xf32>
    tpu.vector_store %arg8[%swap3A_42, %swap3A_43], %add3A_38 {strides = array<i32>} : memref<2560x128xf32, #tpu.memory_space<vmem>>, vector<2560x128xf32>,
    return
  }
  func.func @transform_0(%arg0: i32) -> (i32, i32) {
    %c0_i32 = arith.constant 0 : i32
    %c0_i32_0 = arith.constant 0 : i32
    return %arg0, %c0_i32 : i32, i32
  }
  func.func @transform_1(%arg0: i32) -> (i32, i32) {
    %c0_i32 = arith.constant 0 : i32
    %c0_i32_0 = arith.constant 0 : i32
    return %arg0, %c0_i32 : i32, i32
  }
  func.func @transform_2(%arg0: i32) -> (i32, i32) {
    %c0_i32 = arith.constant 0 : i32
    %c0_i32_0 = arith.constant 0 : i32
    %c0_i32_1 = arith.constant 0 : i32
    return %c0_i32, %c0_i32_0 : i32, i32
  }
  func.func @transform_3(%arg0: i32) -> (i32, i32) {
    %c0_i32 = arith.constant 0 : i32
    %c0_i32_0 = arith.constant 0 : i32
    %c0_i32_1 = arith.constant 0 : i32
    return %c0_i32, %c0_i32_0 : i32, i32
  }
  func.func @transform_4(%arg0: i32) -> (i32, i32) {
    %c0_i32 = arith.constant 0 : i32
    %c0_i32_0 = arith.constant 0 : i32
    %c0_i32_1 = arith.constant 0 : i32
    return %c0_i32, %c0_i32_0 : i32, i32
  }
  func.func @transform_5(%arg0: i32) -> (i32, i32) {
    %c0_i32 = arith.constant 0 : i32
    %c0_i32_0 = arith.constant 0 : i32
    %c0_i32_1 = arith.constant 0 : i32
    return %c0_i32, %c0_i32_0 : i32, i32
  }
  func.func @transform_6(%arg0: i32) -> (i32, i32) {
    %c0_i32 = arith.constant 0 : i32
    %c0_i32_0 = arith.constant 0 : i32
    return %arg0, %c0_i32 : i32, i32
  }
  func.func @transform_7(%arg0: i32) -> (i32, i32) {
    %c0_i32 = arith.constant 0 : i32
    %c0_i32_0 = arith.constant 0 : i32
    return %arg0, %c0_i32 : i32, i32
  }
}

module attributes {stable_mosaic.version = 14 : i64} {
  func.func @_node_body(%arg0: i32, %arg1: memref<1024x128xf32, #tpu.memory_space<vmem>>, %arg2: memref<1024x128xf32, #tpu.memory_space<vmem>>, %arg3: memref<1024x128xf32, #tpu.memory_space<vmem>>, %arg4: memref<1024x128xf32, #tpu.memory_space<vmem>>, %arg5: memref<32x1024xf32, #tpu.memory_space<vmem>>, %arg6: memref<1x128xf32, #tpu.memory_space<vmem>>, %arg7: memref<128x128xf32, #tpu.memory_space<vmem>>, %arg8: memref<128x128xf32, #tpu.memory_space<vmem>>, %arg9: memref<1x128xf32, #tpu.memory_space<vmem>>, %arg10: memref<128x128xf32, #tpu.memory_space<vmem>>, %arg11: memref<128x128xf32, #tpu.memory_space<vmem>>, %arg12: memref<128x128xf32, #tpu.memory_space<vmem>>, %arg13: memref<1x128xf32, #tpu.memory_space<vmem>>, %arg14: memref<1x128xf32, #tpu.memory_space<vmem>>, %arg15: memref<1024x128xf32, #tpu.memory_space<vmem>>, %arg16: memref<1x128xf32, #tpu.memory_space<vmem>>, %arg17: memref<8x128xf32, #tpu.memory_space<vmem>>, %arg18: memref<8x128xf32, #tpu.memory_space<vmem>>) attributes {dimension_semantics = [#tpu.dimension_semantics<arbitrary>], iteration_bounds = array<i64: 10>, scalar_prefetch = 0 : i64, scratch_operands = 2 : i64, tpu.core_type = #tpu.core_type<tc>, window_params = [{transform_indices = @transform_0, window_bounds = array<i64: 1024, 128>}, {transform_indices = @transform_1, window_bounds = array<i64: 1024, 128>}, {transform_indices = @transform_2, window_bounds = array<i64: 1024, 128>}, {transform_indices = @transform_3, window_bounds = array<i64: 1024, 128>}, {transform_indices = @transform_4, window_bounds = array<i64: 32, 1024>}, {pipeline_mode = #tpu.pipeline_mode<synchronous>, transform_indices = @transform_5, window_bounds = array<i64: 1, 128>}, {pipeline_mode = #tpu.pipeline_mode<synchronous>, transform_indices = @transform_6, window_bounds = array<i64: 128, 128>}, {pipeline_mode = #tpu.pipeline_mode<synchronous>, transform_indices = @transform_7, window_bounds = array<i64: 128, 128>}, {pipeline_mode = #tpu.pipeline_mode<synchronous>, transform_indices = @transform_8, window_bounds = array<i64: 1, 128>}, {pipeline_mode = #tpu.pipeline_mode<synchronous>, transform_indices = @transform_9, window_bounds = array<i64: 128, 128>}, {pipeline_mode = #tpu.pipeline_mode<synchronous>, transform_indices = @transform_10, window_bounds = array<i64: 128, 128>}, {pipeline_mode = #tpu.pipeline_mode<synchronous>, transform_indices = @transform_11, window_bounds = array<i64: 128, 128>}, {pipeline_mode = #tpu.pipeline_mode<synchronous>, transform_indices = @transform_12, window_bounds = array<i64: 1, 128>}, {pipeline_mode = #tpu.pipeline_mode<synchronous>, transform_indices = @transform_13, window_bounds = array<i64: 1, 128>}, {transform_indices = @transform_14, window_bounds = array<i64: 1024, 128>}, {pipeline_mode = #tpu.pipeline_mode<synchronous>, transform_indices = @transform_15, window_bounds = array<i64: 1, 128>}]} {
    %get3A = arith.constant 0 : index
    %get3A_0 = arith.constant 0 : index
    %get3A_1 = vector.load %arg3[%get3A, %get3A_0] : memref<1024x128xf32, #tpu.memory_space<vmem>>, vector<1024x128xf32>
    %get3A_2 = arith.constant 0 : index
    %get3A_3 = arith.constant 0 : index
    %get3A_4 = vector.load %arg4[%get3A_2, %get3A_3] : memref<1024x128xf32, #tpu.memory_space<vmem>>, vector<1024x128xf32>
    %add3A = arith.addf %get3A_1, %get3A_4 : vector<1024x128xf32>
    %get3A_5 = arith.constant 0 : index
    %get3A_6 = arith.constant 0 : index
    %get3A_7 = vector.load %arg5[%get3A_5, %get3A_6] : memref<32x1024xf32, #tpu.memory_space<vmem>>, vector<32x1024xf32>
    %transpose3A = tpu.transpose %get3A_7, [1, 0] : vector<32x1024xf32> -> vector<1024x32xf32>
    %reduce_sum3A = arith.constant dense<0.000000e+00> : vector<1024xf32>
    %reduce_sum3A_8 = vector.multi_reduction <add>, %transpose3A, %reduce_sum3A [1] : vector<1024x32xf32> to vector<1024xf32>
    %broadcast_in_dim3A = vector.shape_cast %reduce_sum3A_8 : vector<1024xf32> to vector<1024x1xf32>
    %max3A = arith.constant 1.000000e+00 : f32
    %max3A_9 = vector.broadcast %max3A : f32 to vector<1024x1xf32>
    %max3A_10 = arith.maximumf %broadcast_in_dim3A, %max3A_9 : vector<1024x1xf32>
    %div3A = vector.broadcast %max3A_10 : vector<1024x1xf32> to vector<1024x128xf32>
    %div3A_11 = arith.divf %add3A, %div3A : vector<1024x128xf32>
    %get3A_12 = arith.constant 0 : index
    %get3A_13 = arith.constant 0 : index
    %get3A_14 = vector.load %arg1[%get3A_12, %get3A_13] : memref<1024x128xf32, #tpu.memory_space<vmem>>, vector<1024x128xf32>
    %get3A_15 = arith.constant 0 : index
    %get3A_16 = arith.constant 0 : index
    %get3A_17 = vector.load %arg7[%get3A_15, %get3A_16] : memref<128x128xf32, #tpu.memory_space<vmem>>, vector<128x128xf32>
    %dot_general3A = arith.constant dense<0.000000e+00> : vector<1024x128xf32>
    %dot_general3A_18 = tpu.matmul %get3A_14, %get3A_17, %dot_general3A {dimension_numbers = #tpu.dot_dimension_numbers<[1], [0], [0], [1], [0, 0, 1, 1], [], []>, transpose_lhs_hint = false} : vector<1024x128xf32>, vector<128x128xf32>, vector<1024x128xf32> -> vector<1024x128xf32>
    %get3A_19 = arith.constant 0 : index
    %get3A_20 = arith.constant 0 : index
    %get3A_21 = vector.load %arg8[%get3A_19, %get3A_20] : memref<128x128xf32, #tpu.memory_space<vmem>>, vector<128x128xf32>
    %dot_general3A_22 = arith.constant dense<0.000000e+00> : vector<1024x128xf32>
    %dot_general3A_23 = tpu.matmul %div3A_11, %get3A_21, %dot_general3A_22 {dimension_numbers = #tpu.dot_dimension_numbers<[1], [0], [0], [1], [0, 0, 1, 1], [], []>, transpose_lhs_hint = false} : vector<1024x128xf32>, vector<128x128xf32>, vector<1024x128xf32> -> vector<1024x128xf32>
    %add3A_24 = arith.addf %dot_general3A_18, %dot_general3A_23 : vector<1024x128xf32>
    %get3A_25 = arith.constant 0 : index
    %get3A_26 = arith.constant 0 : index
    %get3A_27 = vector.load %arg6[%get3A_25, %get3A_26] : memref<1x128xf32, #tpu.memory_space<vmem>>, vector<1x128xf32>
    %add3A_28 = vector.broadcast %get3A_27 : vector<1x128xf32> to vector<1024x128xf32>
    %add3A_29 = arith.addf %add3A_24, %add3A_28 : vector<1024x128xf32>
    %custom_jvp_call3A = arith.constant 0.000000e+00 : f32
    %max3A_30 = vector.broadcast %custom_jvp_call3A : f32 to vector<1024x128xf32>
    %max3A_31 = arith.maximumf %add3A_29, %max3A_30 : vector<1024x128xf32>
    %sub3A = vector.broadcast %custom_jvp_call3A : f32 to vector<1024x128xf32>
    %sub3A_32 = arith.subf %add3A_29, %sub3A : vector<1024x128xf32>
    %ne3A = arith.cmpf one, %sub3A_32, %sub3A_32 : vector<1024x128xf32>
    %add3A_33 = vector.broadcast %custom_jvp_call3A : f32 to vector<1024x128xf32>
    %add3A_34 = arith.addf %add3A_29, %add3A_33 : vector<1024x128xf32>
    %abs3A = math.absf %sub3A_32 : vector<1024x128xf32>
    %neg3A = arith.constant 0.000000e+00 : f32
    %neg3A_35 = vector.broadcast %neg3A : f32 to vector<1024x128xf32>
    %neg3A_36 = arith.subf %neg3A_35, %abs3A : vector<1024x128xf32>
    %exp3A = math.exp %neg3A_36 : vector<1024x128xf32>
    %log1p3A = math.log1p %exp3A : vector<1024x128xf32>
    %add3A_37 = arith.addf %max3A_31, %log1p3A : vector<1024x128xf32>
    %select_n3A = arith.select %ne3A, %add3A_34, %add3A_37 : vector<1024x128xi1>, vector<1024x128xf32>
    %get3A_38 = arith.constant 0 : index
    %get3A_39 = arith.constant 0 : index
    %get3A_40 = vector.load %arg2[%get3A_38, %get3A_39] : memref<1024x128xf32, #tpu.memory_space<vmem>>, vector<1024x128xf32>
    %add3A_41 = arith.addf %select_n3A, %get3A_40 : vector<1024x128xf32>
    %swap3A = arith.constant 0 : index
    %swap3A_42 = arith.constant 0 : index
    %swap3A_43 = vector.load %arg15[%swap3A, %swap3A_42] : memref<1024x128xf32, #tpu.memory_space<vmem>>, vector<1024x128xf32>
    tpu.vector_store %arg15[%swap3A, %swap3A_42], %add3A_41 {strides = array<i32>} : memref<1024x128xf32, #tpu.memory_space<vmem>>, vector<1024x128xf32>,
    %mul3A = arith.constant 1024 : i32
    %mul3A_44 = arith.muli %arg0, %mul3A : i32
    %iota3A = tpu.iota {dimensions = array<i32: 0>} : vector<1024x1xi32>
    %add3A_45 = vector.broadcast %mul3A_44 : i32 to vector<1024x1xi32>
    %add3A_46 = arith.addi %add3A_45, %iota3A : vector<1024x1xi32>
    %lt3A = arith.constant 10000 : i32
    %lt3A_47 = vector.broadcast %lt3A : i32 to vector<1024x1xi32>
    %lt3A_48 = arith.cmpi slt, %add3A_46, %lt3A_47 : vector<1024x1xi32>
    %jit3A = arith.constant 0.000000e+00 : f32
    %broadcast_in_dim3A_49 = vector.shape_cast %lt3A_48 : vector<1024x1xi1> to vector<1024x1xi1>
    %broadcast_in_dim3A_50 = vector.broadcast %broadcast_in_dim3A_49 : vector<1024x1xi1> to vector<1024x128xi1>
    %broadcast_in_dim3A_51 = vector.broadcast %jit3A : f32 to vector<1024x128xf32>
    %select_n3A_52 = arith.select %broadcast_in_dim3A_50, %select_n3A, %broadcast_in_dim3A_51 : vector<1024x128xi1>, vector<1024x128xf32>
    %reshape3A = vector.shape_cast %select_n3A_52 : vector<1024x128xf32> to vector<128x8x128xf32>
    %reduce_sum3A_53 = arith.constant dense<0.000000e+00> : vector<8x128xf32>
    %reduce_sum3A_54 = vector.multi_reduction <add>, %reshape3A, %reduce_sum3A_53 [0] : vector<128x8x128xf32> to vector<8x128xf32>
    %reshape3A_55 = vector.shape_cast %add3A : vector<1024x128xf32> to vector<128x8x128xf32>
    %reduce_sum3A_56 = arith.constant dense<0.000000e+00> : vector<8x128xf32>
    %reduce_sum3A_57 = vector.multi_reduction <add>, %reshape3A_55, %reduce_sum3A_56 [0] : vector<128x8x128xf32> to vector<8x128xf32>
    %eq3A = arith.constant 0 : i32
    %eq3A_58 = arith.cmpi eq, %arg0, %eq3A : i32
    %convert_element_type3A = arith.extui %eq3A_58 : i1 to i32
    %cond3A = arith.constant 0 : i32
    %cond3A_59 = arith.cmpi ne, %convert_element_type3A, %cond3A : i32
    scf.if %cond3A_59 {
      %swap3A_69 = arith.constant 0 : index
      %swap3A_70 = arith.constant 0 : index
      %swap3A_71 = vector.load %arg17[%swap3A_69, %swap3A_70] : memref<8x128xf32, #tpu.memory_space<vmem>>, vector<8x128xf32>
      tpu.vector_store %arg17[%swap3A_69, %swap3A_70], %reduce_sum3A_54 {strides = array<i32>} : memref<8x128xf32, #tpu.memory_space<vmem>>, vector<8x128xf32>,
      %swap3A_72 = arith.constant 0 : index
      %swap3A_73 = arith.constant 0 : index
      %swap3A_74 = vector.load %arg18[%swap3A_72, %swap3A_73] : memref<8x128xf32, #tpu.memory_space<vmem>>, vector<8x128xf32>
      tpu.vector_store %arg18[%swap3A_72, %swap3A_73], %reduce_sum3A_57 {strides = array<i32>} : memref<8x128xf32, #tpu.memory_space<vmem>>, vector<8x128xf32>,
    } else {
    }
    %gt3A = arith.constant 0 : i32
    %gt3A_60 = arith.cmpi sgt, %arg0, %gt3A : i32
    %convert_element_type3A_61 = arith.extui %gt3A_60 : i1 to i32
    %cond3A_62 = arith.constant 0 : i32
    %cond3A_63 = arith.cmpi ne, %convert_element_type3A_61, %cond3A_62 : i32
    scf.if %cond3A_63 {
      %get3A_69 = arith.constant 0 : index
      %get3A_70 = arith.constant 0 : index
      %get3A_71 = vector.load %arg17[%get3A_69, %get3A_70] : memref<8x128xf32, #tpu.memory_space<vmem>>, vector<8x128xf32>
      %add3A_72 = arith.addf %get3A_71, %reduce_sum3A_54 : vector<8x128xf32>
      %swap3A_73 = arith.constant 0 : index
      %swap3A_74 = arith.constant 0 : index
      %swap3A_75 = vector.load %arg17[%swap3A_73, %swap3A_74] : memref<8x128xf32, #tpu.memory_space<vmem>>, vector<8x128xf32>
      tpu.vector_store %arg17[%swap3A_73, %swap3A_74], %add3A_72 {strides = array<i32>} : memref<8x128xf32, #tpu.memory_space<vmem>>, vector<8x128xf32>,
      %get3A_76 = arith.constant 0 : index
      %get3A_77 = arith.constant 0 : index
      %get3A_78 = vector.load %arg18[%get3A_76, %get3A_77] : memref<8x128xf32, #tpu.memory_space<vmem>>, vector<8x128xf32>
      %add3A_79 = arith.addf %get3A_78, %reduce_sum3A_57 : vector<8x128xf32>
      %swap3A_80 = arith.constant 0 : index
      %swap3A_81 = arith.constant 0 : index
      %swap3A_82 = vector.load %arg18[%swap3A_80, %swap3A_81] : memref<8x128xf32, #tpu.memory_space<vmem>>, vector<8x128xf32>
      tpu.vector_store %arg18[%swap3A_80, %swap3A_81], %add3A_79 {strides = array<i32>} : memref<8x128xf32, #tpu.memory_space<vmem>>, vector<8x128xf32>,
    } else {
    }
    %eq3A_64 = arith.constant 9 : i32
    %eq3A_65 = arith.cmpi eq, %arg0, %eq3A_64 : i32
    %convert_element_type3A_66 = arith.extui %eq3A_65 : i1 to i32
    %cond3A_67 = arith.constant 0 : i32
    %cond3A_68 = arith.cmpi ne, %convert_element_type3A_66, %cond3A_67 : i32
    scf.if %cond3A_68 {
      %get3A_69 = arith.constant 0 : index
      %get3A_70 = arith.constant 0 : index
      %get3A_71 = vector.load %arg17[%get3A_69, %get3A_70] : memref<8x128xf32, #tpu.memory_space<vmem>>, vector<8x128xf32>
      %reduce_sum3A_72 = arith.constant dense<0.000000e+00> : vector<128xf32>
      %reduce_sum3A_73 = vector.multi_reduction <add>, %get3A_71, %reduce_sum3A_72 [0] : vector<8x128xf32> to vector<128xf32>
      %broadcast_in_dim3A_74 = vector.shape_cast %reduce_sum3A_73 : vector<128xf32> to vector<1x128xf32>
      %mul3A_75 = arith.constant 9.99999974E-5 : f32
      %mul3A_76 = vector.broadcast %mul3A_75 : f32 to vector<1x128xf32>
      %mul3A_77 = arith.mulf %broadcast_in_dim3A_74, %mul3A_76 : vector<1x128xf32>
      %get3A_78 = arith.constant 0 : index
      %get3A_79 = arith.constant 0 : index
      %get3A_80 = vector.load %arg18[%get3A_78, %get3A_79] : memref<8x128xf32, #tpu.memory_space<vmem>>, vector<8x128xf32>
      %reduce_sum3A_81 = arith.constant dense<0.000000e+00> : vector<128xf32>
      %reduce_sum3A_82 = vector.multi_reduction <add>, %get3A_80, %reduce_sum3A_81 [0] : vector<8x128xf32> to vector<128xf32>
      %broadcast_in_dim3A_83 = vector.shape_cast %reduce_sum3A_82 : vector<128xf32> to vector<1x128xf32>
      %mul3A_84 = arith.constant 3.125000e-06 : f32
      %mul3A_85 = vector.broadcast %mul3A_84 : f32 to vector<1x128xf32>
      %mul3A_86 = arith.mulf %broadcast_in_dim3A_83, %mul3A_85 : vector<1x128xf32>
      %get3A_87 = arith.constant 0 : index
      %get3A_88 = arith.constant 0 : index
      %get3A_89 = vector.load %arg9[%get3A_87, %get3A_88] : memref<1x128xf32, #tpu.memory_space<vmem>>, vector<1x128xf32>
      %get3A_90 = arith.constant 0 : index
      %get3A_91 = arith.constant 0 : index
      %get3A_92 = vector.load %arg10[%get3A_90, %get3A_91] : memref<128x128xf32, #tpu.memory_space<vmem>>, vector<128x128xf32>
      %dot_general3A_93 = arith.constant dense<0.000000e+00> : vector<1x128xf32>
      %dot_general3A_94 = tpu.matmul %get3A_89, %get3A_92, %dot_general3A_93 {dimension_numbers = #tpu.dot_dimension_numbers<[1], [0], [0], [1], [0, 0, 1, 1], [], []>, transpose_lhs_hint = false} : vector<1x128xf32>, vector<128x128xf32>, vector<1x128xf32> -> vector<1x128xf32>
      %get3A_95 = arith.constant 0 : index
      %get3A_96 = arith.constant 0 : index
      %get3A_97 = vector.load %arg11[%get3A_95, %get3A_96] : memref<128x128xf32, #tpu.memory_space<vmem>>, vector<128x128xf32>
      %dot_general3A_98 = arith.constant dense<0.000000e+00> : vector<1x128xf32>
      %dot_general3A_99 = tpu.matmul %mul3A_86, %get3A_97, %dot_general3A_98 {dimension_numbers = #tpu.dot_dimension_numbers<[1], [0], [0], [1], [0, 0, 1, 1], [], []>, transpose_lhs_hint = false} : vector<1x128xf32>, vector<128x128xf32>, vector<1x128xf32> -> vector<1x128xf32>
      %add3A_100 = arith.addf %dot_general3A_94, %dot_general3A_99 : vector<1x128xf32>
      %get3A_101 = arith.constant 0 : index
      %get3A_102 = arith.constant 0 : index
      %get3A_103 = vector.load %arg12[%get3A_101, %get3A_102] : memref<128x128xf32, #tpu.memory_space<vmem>>, vector<128x128xf32>
      %dot_general3A_104 = arith.constant dense<0.000000e+00> : vector<1x128xf32>
      %dot_general3A_105 = tpu.matmul %mul3A_77, %get3A_103, %dot_general3A_104 {dimension_numbers = #tpu.dot_dimension_numbers<[1], [0], [0], [1], [0, 0, 1, 1], [], []>, transpose_lhs_hint = false} : vector<1x128xf32>, vector<128x128xf32>, vector<1x128xf32> -> vector<1x128xf32>
      %add3A_106 = arith.addf %add3A_100, %dot_general3A_105 : vector<1x128xf32>
      %get3A_107 = arith.constant 0 : index
      %get3A_108 = arith.constant 0 : index
      %get3A_109 = vector.load %arg13[%get3A_107, %get3A_108] : memref<1x128xf32, #tpu.memory_space<vmem>>, vector<1x128xf32>
      %add3A_110 = arith.addf %add3A_106, %get3A_109 : vector<1x128xf32>
      %custom_jvp_call3A_111 = arith.constant 0.000000e+00 : f32
      %max3A_112 = vector.broadcast %custom_jvp_call3A_111 : f32 to vector<1x128xf32>
      %max3A_113 = arith.maximumf %add3A_110, %max3A_112 : vector<1x128xf32>
      %sub3A_114 = vector.broadcast %custom_jvp_call3A_111 : f32 to vector<1x128xf32>
      %sub3A_115 = arith.subf %add3A_110, %sub3A_114 : vector<1x128xf32>
      %ne3A_116 = arith.cmpf one, %sub3A_115, %sub3A_115 : vector<1x128xf32>
      %add3A_117 = vector.broadcast %custom_jvp_call3A_111 : f32 to vector<1x128xf32>
      %add3A_118 = arith.addf %add3A_110, %add3A_117 : vector<1x128xf32>
      %abs3A_119 = math.absf %sub3A_115 : vector<1x128xf32>
      %neg3A_120 = arith.constant 0.000000e+00 : f32
      %neg3A_121 = vector.broadcast %neg3A_120 : f32 to vector<1x128xf32>
      %neg3A_122 = arith.subf %neg3A_121, %abs3A_119 : vector<1x128xf32>
      %exp3A_123 = math.exp %neg3A_122 : vector<1x128xf32>
      %log1p3A_124 = math.log1p %exp3A_123 : vector<1x128xf32>
      %add3A_125 = arith.addf %max3A_113, %log1p3A_124 : vector<1x128xf32>
      %select_n3A_126 = arith.select %ne3A_116, %add3A_118, %add3A_125 : vector<1x128xi1>, vector<1x128xf32>
      %get3A_127 = arith.constant 0 : index
      %get3A_128 = arith.constant 0 : index
      %get3A_129 = vector.load %arg14[%get3A_127, %get3A_128] : memref<1x128xf32, #tpu.memory_space<vmem>>, vector<1x128xf32>
      %add3A_130 = arith.addf %select_n3A_126, %get3A_129 : vector<1x128xf32>
      %swap3A_131 = arith.constant 0 : index
      %swap3A_132 = arith.constant 0 : index
      %swap3A_133 = vector.load %arg16[%swap3A_131, %swap3A_132] : memref<1x128xf32, #tpu.memory_space<vmem>>, vector<1x128xf32>
      tpu.vector_store %arg16[%swap3A_131, %swap3A_132], %add3A_130 {strides = array<i32>} : memref<1x128xf32, #tpu.memory_space<vmem>>, vector<1x128xf32>,
    } else {
    }
    return
  }
  func.func @transform_0(%arg0: i32) -> (i32, i32) {
    %c0_i32 = arith.constant 0 : i32
    %c0_i32_0 = arith.constant 0 : i32
    return %arg0, %c0_i32 : i32, i32
  }
  func.func @transform_1(%arg0: i32) -> (i32, i32) {
    %c0_i32 = arith.constant 0 : i32
    %c0_i32_0 = arith.constant 0 : i32
    return %arg0, %c0_i32 : i32, i32
  }
  func.func @transform_2(%arg0: i32) -> (i32, i32) {
    %c0_i32 = arith.constant 0 : i32
    %c0_i32_0 = arith.constant 0 : i32
    return %arg0, %c0_i32 : i32, i32
  }
  func.func @transform_3(%arg0: i32) -> (i32, i32) {
    %c0_i32 = arith.constant 0 : i32
    %c0_i32_0 = arith.constant 0 : i32
    return %arg0, %c0_i32 : i32, i32
  }
  func.func @transform_4(%arg0: i32) -> (i32, i32) {
    %c0_i32 = arith.constant 0 : i32
    %c0_i32_0 = arith.constant 0 : i32
    return %c0_i32, %arg0 : i32, i32
  }
  func.func @transform_5(%arg0: i32) -> (i32, i32) {
    %c0_i32 = arith.constant 0 : i32
    %c0_i32_0 = arith.constant 0 : i32
    %c0_i32_1 = arith.constant 0 : i32
    return %c0_i32, %c0_i32_0 : i32, i32
  }
  func.func @transform_6(%arg0: i32) -> (i32, i32) {
    %c0_i32 = arith.constant 0 : i32
    %c0_i32_0 = arith.constant 0 : i32
    %c0_i32_1 = arith.constant 0 : i32
    return %c0_i32, %c0_i32_0 : i32, i32
  }
  func.func @transform_7(%arg0: i32) -> (i32, i32) {
    %c0_i32 = arith.constant 0 : i32
    %c0_i32_0 = arith.constant 0 : i32
    %c0_i32_1 = arith.constant 0 : i32
    return %c0_i32, %c0_i32_0 : i32, i32
  }
  func.func @transform_8(%arg0: i32) -> (i32, i32) {
    %c0_i32 = arith.constant 0 : i32
    %c0_i32_0 = arith.constant 0 : i32
    %c0_i32_1 = arith.constant 0 : i32
    return %c0_i32, %c0_i32_0 : i32, i32
  }
  func.func @transform_9(%arg0: i32) -> (i32, i32) {
    %c0_i32 = arith.constant 0 : i32
    %c0_i32_0 = arith.constant 0 : i32
    %c0_i32_1 = arith.constant 0 : i32
    return %c0_i32, %c0_i32_0 : i32, i32
  }
  func.func @transform_10(%arg0: i32) -> (i32, i32) {
    %c0_i32 = arith.constant 0 : i32
    %c0_i32_0 = arith.constant 0 : i32
    %c0_i32_1 = arith.constant 0 : i32
    return %c0_i32, %c0_i32_0 : i32, i32
  }
  func.func @transform_11(%arg0: i32) -> (i32, i32) {
    %c0_i32 = arith.constant 0 : i32
    %c0_i32_0 = arith.constant 0 : i32
    %c0_i32_1 = arith.constant 0 : i32
    return %c0_i32, %c0_i32_0 : i32, i32
  }
  func.func @transform_12(%arg0: i32) -> (i32, i32) {
    %c0_i32 = arith.constant 0 : i32
    %c0_i32_0 = arith.constant 0 : i32
    %c0_i32_1 = arith.constant 0 : i32
    return %c0_i32, %c0_i32_0 : i32, i32
  }
  func.func @transform_13(%arg0: i32) -> (i32, i32) {
    %c0_i32 = arith.constant 0 : i32
    %c0_i32_0 = arith.constant 0 : i32
    %c0_i32_1 = arith.constant 0 : i32
    return %c0_i32, %c0_i32_0 : i32, i32
  }
  func.func @transform_14(%arg0: i32) -> (i32, i32) {
    %c0_i32 = arith.constant 0 : i32
    %c0_i32_0 = arith.constant 0 : i32
    return %arg0, %c0_i32 : i32, i32
  }
  func.func @transform_15(%arg0: i32) -> (i32, i32) {
    %c0_i32 = arith.constant 0 : i32
    %c0_i32_0 = arith.constant 0 : i32
    %c0_i32_1 = arith.constant 0 : i32
    return %c0_i32, %c0_i32_0 : i32, i32
  }
}

</mosaic_0001>

<sc_bundles>
// kernel: kernel.10.cloned.1.call-start
scs
__scs_entry_jumppad:
0x0: {  	(pc) =	sbr.rel $0x88, $3  }
0x1: {  	(tag) =	ssettag $0x0;
	lr =	simm.s32 $0x1  }
0x2: {  	[smem:$0x3F91] =	sst lr;
	_ =	strace $0xD0000000  }
0x3: {  	_ = 	snop  }
0x4: {  	_ = 	snop  }
0x5: {  	_ = 	snop  }
0x6: {  	_ = 	snop  }
0x7: {  	_ = 	snop  }
__scs_overlays_trampoline_lowered:
0x8: {  	[smem:$0x3FA0] =	sst s0  }
0x9: {  	[smem:$0x3FA1] =	sst s1  }
0xa: {  	[smem:$0x3FA2] =	sst s2  }
0xb: {  	[smem:$0x3FA3] =	sst s3  }
0xc: {  	[smem:$0x3FA4] =	sst s4  }
0xd: {  	[smem:$0x3FA5] =	sst s5  }
0xe: {  	[smem:$0x3FA6] =	sst s6  }
0xf: {  	[smem:$0x3FA7] =	sst s7  }
0x10: {  	[smem:$0x3FA8] =	sst s8  }
0x11: {  	[smem:$0x3FA9] =	sst s9;
	s0 =	simm.s32 @!p0 $0x0  }
0x12: {  	s1 =	sld [smem:$0x3F8F];
	s0 =	simm.s32 @p0 $0x1  }
0x13: {  	[smem:$0x3FAA] =	sst s0;
	s0 =	simm.s32 @!p1 $0x0  }
0x14: {  	s2 =	sld [smem:$0x3F8E];
	s0 =	simm.s32 @p1 $0x1  }
0x15: {  	[smem:$0x3FAB] =	sst s0;
	s0 =	simm.s32 @!p2 $0x0  }
0x16: {  	s3 =	sld [smem:$0x3FDB];
	s0 =	simm.s32 @p2 $0x1  }
0x17: {  	s4 =	simm.s32 $0x1BF5;
	[smem:$0x3FAD] =	sst s0  }
0x18: {  	s0 =	sld [smem:$0x3F90];
	_ =	swait.ge [sflag:s4], $0x0  }
0x19: {  	s7 =	sld [smem:$0x3F91]  }
0x1a: {  	s8 =	sadd.s32 $0xFFFFE003, lr  }
0x1b: {  	s9 =	sadd.s32 $0xFFFFFEF7, lr;
	s5 =	simm.s32 $0xFFFFFFFF;
	p2 =	slt.u32 s8, $0xFFFFF086  }
0x1c: {  	p1 =	slt.u32 s9, $0xF7A;
	s5 =	simm.s32 @!p2 $0x0  }
0x1d: {  	s5 =	simm.s32 @p1 $0x1;
	p0 =	seq.s32 s7, s2  }
0x1e: {  	s7 =	smul.u32 @!p0 $0xF7A, s2;
	p2 =	seq.s32 @!p0 s5, $0x0  }
0x1f: {  	s9 =	smul.u32 $0xF7A, s1;
	s8 =	simm.s32 @!p0 $0x1BF5;
	p2 =	por !p2, p0  }
0x20: {  	[sflag:s8] =	ssyncset.s32 @!p0 $0xFFFFF086;
	s6 =	sadd.s32 @!p0 s3, s7;
	s7 =	simm.s32 @!p0 $0x108  }
0x21: {  	s3 =	sadd.s32 s3, s9;
	s6 =	sadd.s32 @!p0 $0x88, s6;
	s7 =	simm.s32 @p2 $0x1082  }
0x22: {  	[simem:s7], [sflag:s8] =	dma.local @!p0 [hbm:s6], $0xF7A  }
0x23: {  	s9 =	sor.u32 $0xD0000000, s2;
	s6 =	simm.s32 $0x108;
	_ =	swait.ge @!p0 [sflag:s8], $0x0  }
0x24: {  	s3 =	sadd.s32 $0x88, s3;
	s6 =	simm.s32 @!p1 $0x1082;
	[sflag:s4] =	ssyncset.s32 $0xFFFFF086  }
0x25: {  	[simem:s6], [sflag:s4] =	dma.local [hbm:s3], $0xF7A  }
0x26: {  	[smem:$0x3F91] =	sst s1;
	(tag) =	ssettag s2;
	_ =	strace s9  }
0x27: {  	s1 =	sld [smem:$0x3FA1]  }
0x28: {  	s2 =	sld [smem:$0x3FA2]  }
0x29: {  	s4 =	sld [smem:$0x3FA4]  }
0x2a: {  	p0 =	seq.s32 s5, $0x0;
	s5 =	sld [smem:$0x3FA5]  }
0x2b: {  	s6 =	sld [smem:$0x3FA6]  }
0x2c: {  	s7 =	sld [smem:$0x3FA7]  }
0x2d: {  	s3 =	simm.s32 $0x108;
	s8 =	sld [smem:$0x3FA8]  }
0x2e: {  	s3 =	simm.s32 @!p0 $0x1082;
	s9 =	sld [smem:$0x3FA9]  }
0x2f: {  	lr =	sadd.s32 s0, s3;
	s0 =	sld [smem:$0x3FA0]  }
0x30: {  	s3 =	sld [smem:$0x3FA3]  }
0x31: {  	[smem:$0x3FAC] =	sst s10  }
0x32: {  	s10 =	sld [smem:$0x3FAA];
	_ =	sdelay $0x3  }
0x33: {  	p0 =	seq.s32 s10, $0x1;
	s10 =	sld [smem:$0x3FAC];
	_ =	sdelay $0x3  }
0x34: {  	[smem:$0x3FAC] =	sst s10  }
0x35: {  	s10 =	sld [smem:$0x3FAB];
	_ =	sdelay $0x3  }
0x36: {  	p1 =	seq.s32 s10, $0x1;
	s10 =	sld [smem:$0x3FAC];
	_ =	sdelay $0x3  }
0x37: {  	[smem:$0x3FAC] =	sst s10  }
0x38: {  	s10 =	sld [smem:$0x3FAD]  }
0x39: {  	_ = 	snop;
	(pc) =	sbr.ind lr, $3  }
0x3a: {  	_ = 	snop  }
0x3b: {  	_ = 	snop  }
0x3c: {  	p2 =	seq.s32 s10, $0x1;
	s10 =	sld [smem:$0x3FAC]  }
0x3d: {  	_ =	shalt  }
0x3e: {  	_ =	shalt  }
0x3f: {  	_ =	shalt  }
0x40: {  	_ =	shalt  }
0x41: {  	_ =	shalt  }
0x42: {  	_ =	shalt  }
0x43: {  	_ =	shalt  }
0x44: {  	_ =	shalt  }
0x45: {  	_ =	shalt  }
0x46: {  	_ =	shalt  }
0x47: {  	_ =	shalt  }
0x48: {  	_ =	shalt  }
0x49: {  	_ =	shalt  }
0x4a: {  	_ =	shalt  }
0x4b: {  	_ =	shalt  }
0x4c: {  	_ =	shalt  }
0x4d: {  	_ =	shalt  }
0x4e: {  	_ =	shalt  }
0x4f: {  	_ =	shalt  }
0x50: {  	_ =	shalt  }
0x51: {  	_ =	shalt  }
0x52: {  	_ =	shalt  }
0x53: {  	_ =	shalt  }
0x54: {  	_ =	shalt  }
0x55: {  	_ =	shalt  }
0x56: {  	_ =	shalt  }
0x57: {  	_ =	shalt  }
0x58: {  	_ =	shalt  }
0x59: {  	_ =	shalt  }
0x5a: {  	_ =	shalt  }
0x5b: {  	_ =	shalt  }
0x5c: {  	_ =	shalt  }
0x5d: {  	_ =	shalt  }
0x5e: {  	_ =	shalt  }
0x5f: {  	_ =	shalt  }
0x60: {  	_ =	shalt  }
0x61: {  	_ =	shalt  }
0x62: {  	_ =	shalt  }
0x63: {  	_ =	shalt  }
0x64: {  	_ =	shalt  }
0x65: {  	_ =	shalt  }
0x66: {  	_ =	shalt  }
0x67: {  	_ =	shalt  }
0x68: {  	_ =	shalt  }
0x69: {  	_ =	shalt  }
0x6a: {  	_ =	shalt  }
0x6b: {  	_ =	shalt  }
0x6c: {  	_ =	shalt  }
0x6d: {  	_ =	shalt  }
0x6e: {  	_ =	shalt  }
0x6f: {  	_ =	shalt  }
0x70: {  	_ =	shalt  }
0x71: {  	_ =	shalt  }
0x72: {  	_ =	shalt  }
0x73: {  	_ =	shalt  }
0x74: {  	_ =	shalt  }
0x75: {  	_ =	shalt  }
0x76: {  	_ =	shalt  }
0x77: {  	_ =	shalt  }
0x78: {  	_ =	shalt  }
0x79: {  	_ =	shalt  }
0x7a: {  	_ =	shalt  }
0x7b: {  	_ =	shalt  }
0x7c: {  	_ =	shalt  }
0x7d: {  	_ =	shalt  }
0x7e: {  	_ =	shalt  }
0x7f: {  	_ =	shalt  }
0x80: {  	_ =	shalt  }
0x81: {  	_ =	shalt  }
0x82: {  	_ =	shalt  }
0x83: {  	_ =	shalt  }
0x84: {  	_ =	shalt  }
0x85: {  	_ =	shalt  }
0x86: {  	_ =	shalt  }
0x87: {  	_ =	shalt  }
.Lfunc_end0:
.L_simem_size_0:
called_computation.1_lowered:
.L_overlay_start_0:
0x88: {  	s2 =	sld [smem:$0x3FD9]  }
0x89: {  	s3 =	sld [smem:$0x3FFE];
	_ =	sdelay $0x1  }
0x8a: {  	s1 =	srdreg.scid  }
0x8b: {  	s0 =	sand.u32 $0x1, s1  }
0x8c: {  	s16 =	sshll.u32 s0, $0xA;
	s2 =	sadd.s32 s3, s2  }
0x8d: {  	s2 =	sadd.s32 s2, s16  }
0x8e: {  	[smem:$0x3FB8] =	sst s2  }
0x8f: {  	_ = 	snop  }
0x90: {  	(tm) =	ssettm $0x1  }
0x91: {  	s17 =	sld [smem:$0x3FFB];
	_ =	sdelay $0x3  }
0x92: {  	_ =	strace s17  }
0x93: {  	s2 =	sld [smem:$0x3FFC];
	_ =	sdelay $0x3  }
0x94: {  	_ =	strace s2  }
0x95: {  	s2 =	sld [smem:$0x3FFD];
	_ =	sdelay $0x3  }
0x96: {  	_ =	strace s2  }
0x97: {  	_ =	strace $0x8FFFFFFF  }
0x98: {  	s18 =	sld [smem:$0x3FDB];
	_ =	sdelay $0x1  }
0x99: {  	s19 =	simm.s32 $_scs_section_size  }
0x9a: {  	s4 =	simm.s32 $_size__tile_overlayer_lowered;
	s5 =	simm.s32 $_tile_overlayer_lowered  }
0x9b: {  	s22 =	simm.s32 $0x1BFF;
	s21 =	sshll.u32 s5, $0x1;
	s2 =	sadd.s32 s19, s18  }
0x9c: {  	s6 =	simm.s32 $0x0;
	s20 =	sshll.u32 s4, $0x1;
	s4 =	sadd.s32 s21, s2  }
0x9d: {  	[timem:s6], [sflag:s22] =	dma.local [hbm:s4], s20  }
0x9e: {  	_ =	swait.ge [sflag:s22], s20  }
0x9f: {  	s3 =	ssub.s32 $0x0, s20;
	[sflag:s22] =	ssyncset.done $0x0  }
0xa0: {  	[sflag:s22] =	ssyncadd.s32 s3;
	_ =	sdelay $0x1  }
0xa1: {  	s23 =	simm.s32 $0x1B8B  }
0xa2: {  	_ =	swait.ge [sflag:s23], $0x1  }
0xa3: {  	[sflag:s23] =	ssyncset.done $0x0  }
0xa4: {  	s25 =	simm.s32 $0x1B8E;
	s24 =	sld [smem:$0x3FFE];
	[sflag:s23] =	ssyncadd.s32 $0xFFFFFFFF  }
0xa5: {  	s26 =	simm.s32 $execute0_lowered;
	[smem:$0x3FD2] =	sst s25  }
0xa6: {  	s4 =	sshll.u32 s26, $0x1;
	_ =	strace $0x80000049;
	[dreg:$0x1] =	wrdreg $0xFFFFFFFF  }
0xa7: {  	s28 =	simm.s32 $_size_execute0_lowered;
	s2 =	sadd.s32 s2, s4;
	[dreg:$0x0] =	wrdreg $0x0  }
0xa8: {  	s4 =	sshll.u32 s28, $0x1;
	[dreg:$0x2] =	wrdreg s2  }
0xa9: {  	[dreg:$0x3] =	wrdreg s4  }
0xaa: {  	[dreg:$0x4] =	wrdreg $0xC0  }
0xab: {  	_ =	task [dreg:s6], $0x5FFFF  }
0xac: {  	[dreg:$0x1] =	wrdreg $0xFFFFFFFF  }
0xad: {  	[dreg:$0x0] =	wrdreg $0x60  }
0xae: {  	[dreg:$0x2] =	wrdreg s24  }
0xaf: {  	[dreg:$0x3] =	wrdreg $0x51000  }
0xb0: {  	[dreg:$0x4] =	wrdreg $0x9  }
0xb1: {  	_ =	task.clear_ibuf [dreg:s6], $0x5FFFF;
	_ =	strace $0x90000049  }
0xb2: {  	s29 =	simm.s32 $0x9;
	_ =	strace $0x8000004B  }
0xb3: {  	_ =	swait.ge [sflag:s29], $0x1  }
0xb4: {  	[sflag:s29] =	ssyncadd.s32 $0xFFFFFFFF  }
0xb5: {  	_ =	strace $0x9000004B  }
0xb6: {  	_ =	sfence  }
0xb7: {  	s30 =	sld [smem:$0x0];
	_ =	sdelay $0x2  }
0xb8: {  	s31 =	sshll.u32 s1, $0xD;
	s1 =	sshrl.u32 s1, $0x2  }
0xb9: {  	s3 =	sand.u32 $0x4000, s31;
	s1 =	sadd.s32 s1, s30  }
0xba: {  	s0 =	sor.u32 s3, s0;
	s1 =	sshll.u32 s1, $0x11  }
0xbb: {  	s0 =	sor.u32 s1, s0  }
0xbc: {  	s0 =	sadd.s32 $0x8F2B, s0  }
0xbd: {  	[sflag:s0] =	ssyncadd.remote.s32 $0x1  }
0xbe: {  	_ =	sfence.sel $0xFFFF  }
0xbf: {  	[dreg:$0x0] =	wrdreg $0xFFFFFFFF;
	(pc) =	sbr.abs _section_cstart, $3  }
0xc0: {  	[dreg:$0x1] =	wrdreg $0xFFFFFFFF  }
0xc1: {  	_ =	task.clear_ibuf [dreg:s6], $0x2FFFF;
	_ =	strace $0x9FFFFFFF  }
0xc2: {  	(tm) =	ssettm $0x7FFFFFFF  }
0xc3: {  	_ =	shalt  }
tec
execute0_lowered:
.L_overlay_start_1:
0x0: {  	(tag) =	ssettag $0x1  }
0x1: {  	s0 =	rddreg [dreg:$0x0]  }
0x2: {  	s1 =	rddreg [dreg:$0x1];
	s16 =	stileid.u32  }
0x3: {  	s2 =	simm.s32 $0x0;
	s5 =	srdreg.scid;
	s7 =	smul.u32 $0x50000, s16  }
0x4: {  	s29 =	simm.s32 $0x100;
	s30 =	simm.s32 $0x3;
	s22 =	smul.u32 $0x14000, s16  }
0x5: {  	s31 =	simm.s32 $0x80;
	[smem:$0x7FF] =	sst s2;
	s17 =	smul.u32 $0x4E200, s16  }
0x6: {  	s6 =	sand.u32 $0x1, s5;
	s20 =	sshll.u32 s16, $0x1;
	s16 =	smul.u32 $0x4E20, s16  }
0x7: {  	s3 =	sadd.s32 $0x52D200, s0;
	s4 =	sadd.s32 $0xF000, s0;
	s24 =	smul.u32 $0x140000, s6  }
0x8: {  	s0 =	sadd.s32 $0x41200, s0;
	s9 =	sor.u32 s6, s20;
	s20 =	smul.u32 $0x2710, s6  }
0x9: {  	_ =	strace $0x8000004A;
	s8 =	ssub.s32 $0x2, s6;
	s6 =	smul.u32 $0x27100, s6  }
0xa: {  	s21 =	sshrl.u32 s8, $0x1;
	s10 =	smul.u32 $0x2710, s9;
	s7 =	sshrl.u32 s7, $0x2  }
0xb: {  	s9 =	smul.u32 $0x27100, s9;
	s25 =	sadd.s32 $0x4000, s22;
	s18 =	sadd.s32 $0x8000, s22  }
0xc: {  	s19 =	sadd.s32 $0xC000, s22;
	s8 =	ssub.s32 s8, s21;
	s5 =	sadd.s32 s7, s1  }
0xd: {  	s13 =	sadd.s32 s22, s24;
	s14 =	sadd.s32 s24, s25;
	s15 =	sadd.s32 s24, s18  }
0xe: {  	s7 =	sadd.s32 $0x10000, s22;
	s22 =	sadd.s32 s25, s1;
	s11 =	sadd.s32 $0x2800, s5  }
0xf: {  	s23 =	sadd.s32 $0x5000, s5;
	s12 =	sadd.s32 $0x7800, s5;
	s13 =	sshrl.u32 s13, $0x3  }
0x10: {  	s14 =	sshrl.u32 s14, $0x3;
	s9 =	sadd.s32 s3, s9;
	[dreg:$0x3] =	wrdreg s11  }
0x11: {  	s3 =	sadd.s32 s17, s3;
	s21 =	sshrl.u32 s10, $0x3;
	[dreg:$0x4] =	wrdreg s23  }
0x12: {  	s22 =	sshrl.u32 s22, $0x3;
	s28 =	sadd.s32 $0x11800, s5;
	[dreg:$0x5] =	wrdreg s12  }
0x13: {  	s13 =	sadd.s32 s0, s13;
	s26 =	sadd.s32 s0, s14;
	s14 =	sshrl.u32 s15, $0x3  }
0x14: {  	s15 =	sadd.s32 s24, s19;
	s11 =	sadd.s32 s24, s7;
	[dreg:$0xb] =	wrdreg s9  }
0x15: {  	s17 =	sadd.s32 s4, s21;
	s23 =	sadd.s32 s18, s1;
	s24 =	sadd.s32 s19, s1  }
0x16: {  	s7 =	sadd.s32 s7, s1;
	s18 =	smax.u32 s8, $0x1;
	s3 =	sadd.s32 s6, s3  }
0x17: {  	s6 =	simm.s32 $0x50;
	s8 =	simm.s32 $0x0;
	[dreg:$0x6] =	wrdreg s13  }
0x18: {  	[dreg:$0x7] =	wrdreg s26;
	s13 =	sadd.s32 s0, s14;
	s11 =	sshrl.u32 s11, $0x3  }
0x19: {  	s19 =	sadd.s32 $0xA00, s3;
	[dreg:$0x8] =	wrdreg s13;
	s13 =	sshrl.u32 s15, $0x3  }
0x1a: {  	s23 =	sshrl.u32 s23, $0x3;
	s24 =	sshrl.u32 s24, $0x3;
	s13 =	sadd.s32 s0, s13  }
0x1b: {  	s3 =	simm.s32 $0x1;
	s0 =	sadd.s32 s0, s11;
	[dreg:$0x9] =	wrdreg s13  }
0x1c: {  	s15 =	sadd.s32 $0xA000, s5;
	[dreg:$0xa] =	wrdreg s0;
	s0 =	sadd.s32 s20, s16  }
0x1d: {  	s16 =	sadd.s32 $0xC800, s5;
	s25 =	sadd.s32 $0x50, s0;
	s20 =	sadd.s32 $0xA0, s0  }
0x1e: {  	s0 =	simm.s32 $0x2900;
	s26 =	sshrl.u32 s25, $0x3;
	s25 =	sshrl.u32 s7, $0x3  }
0x1f: {  	v0 =	vimm.f32 $0.0e+00;
	s7 =	simm.s32 $0x2;
	s21 =	sadd.s32 s26, s4;
	s26 =	sadd.s32 $0xF000, s5  }
.LBB2_1:
0x20: {  	s9 =	simm.s32 $0x0;
	s10 =	simm.s32 $0x200  }
.LBB2_2:
0x21: {  	p0 =	sne.s32 s10, $0x9E00;
	[tilespmem:s9+$0x170] =	vst v0  }
0x22: {  	[tilespmem:s9+$0x100] =	vst v0  }
0x23: {  	[tilespmem:s9+$0x110] =	vst v0  }
.Ltmp0:
0x24: {  	[tilespmem:s9+$0x120] =	vst v0;
	(pc) =	sbr.rel @p0 .LBB2_2-.Ltmp0, $4  }
0x25: {  	[tilespmem:s9+$0x130] =	vst v0  }
0x26: {  	[tilespmem:s9+$0x140] =	vst v0  }
0x27: {  	[tilespmem:s9+$0x150] =	vst v0  }
0x28: {  	[tilespmem:s9+$0x160] =	vst v0;
	s9 =	sshra.s32 s10, $0x2;
	s10 =	sadd.s32 $0x200, s10  }
0x29: {  	[tilespmem:s9+$0x170] =	vst v0  }
0x2a: {  	[tilespmem:s9+$0x100] =	vst v0  }
0x2b: {  	[tilespmem:s9+$0x110] =	vst v0  }
0x2c: {  	[tilespmem:s9+$0x120] =	vst v0  }
0x2d: {  	[tilespmem:s9+$0x130] =	vst v0  }
0x2e: {  	[tilespmem:s9+$0x140] =	vst v0  }
0x2f: {  	[tilespmem:s9+$0x150] =	vst v0  }
0x30: {  	[tilespmem:s9+$0x160] =	vst v0  }
0x31: {  	[spmem:s5] =	stream.linear.scatter [tilespmem:s29], [sflag:$0x3], $0x2800, $0x38;
	[tilespmem:$0x19100] =	vst v63  }
0x32: {  	s13 =	rddreg [dreg:$0x3]  }
0x33: {  	[spmem:s13] =	stream.linear.scatter [tilespmem:s29], [sflag:$0x3], $0x2800, $0x38;
	[tilespmem:$0x19100] =	vst v63  }
0x34: {  	s14 =	rddreg [dreg:$0x4]  }
0x35: {  	[spmem:s14] =	stream.linear.scatter [tilespmem:s29], [sflag:$0x3], $0x2800, $0x38;
	[tilespmem:$0x19100] =	vst v63  }
0x36: {  	s10 =	rddreg [dreg:$0x5]  }
0x37: {  	[spmem:s10] =	stream.linear.scatter [tilespmem:s29], [sflag:$0x3], $0x2800, $0x38;
	[tilespmem:$0x19100] =	vst v63  }
0x38: {  	_ = 	snop  }
0x39: {  	[spmem:s15] =	stream.linear.scatter [tilespmem:s29], [sflag:$0x3], $0x2800, $0x38;
	[tilespmem:$0x19100] =	vst v63  }
0x3a: {  	_ = 	snop  }
0x3b: {  	[spmem:s16] =	stream.linear.scatter [tilespmem:s29], [sflag:$0x3], $0x2800, $0x38;
	[tilespmem:$0x19100] =	vst v63  }
0x3c: {  	_ = 	snop  }
0x3d: {  	[spmem:s26] =	stream.linear.scatter [tilespmem:s29], [sflag:$0x3], $0x2800, $0x38;
	[tilespmem:$0x19100] =	vst v63  }
0x3e: {  	_ = 	snop  }
0x3f: {  	[spmem:s28] =	stream.linear.scatter [tilespmem:s29], [sflag:$0x3], $0x2800, $0x38;
	[tilespmem:$0x19100] =	vst v63  }
0x40: {  	_ =	swait.ge [sflag:s30], $0x2800  }
0x41: {  	[sflag:s30] =	ssyncset.done $0x0  }
0x42: {  	[sflag:s30] =	ssyncadd.s32 $0xFFFFD800  }
0x43: {  	_ =	swait.ge [sflag:s30], $0x2800  }
0x44: {  	[sflag:s30] =	ssyncset.done $0x0  }
0x45: {  	[sflag:s30] =	ssyncadd.s32 $0xFFFFD800  }
0x46: {  	_ =	swait.ge [sflag:s30], $0x2800  }
0x47: {  	[sflag:s30] =	ssyncset.done $0x0  }
0x48: {  	[sflag:s30] =	ssyncadd.s32 $0xFFFFD800  }
0x49: {  	_ =	swait.ge [sflag:s30], $0x2800  }
0x4a: {  	[sflag:s30] =	ssyncset.done $0x0  }
0x4b: {  	[sflag:s30] =	ssyncadd.s32 $0xFFFFD800  }
0x4c: {  	_ =	swait.ge [sflag:s30], $0x2800  }
0x4d: {  	[sflag:s30] =	ssyncset.done $0x0  }
0x4e: {  	[sflag:s30] =	ssyncadd.s32 $0xFFFFD800  }
0x4f: {  	_ =	swait.ge [sflag:s30], $0x2800  }
0x50: {  	[sflag:s30] =	ssyncset.done $0x0  }
0x51: {  	[sflag:s30] =	ssyncadd.s32 $0xFFFFD800  }
0x52: {  	_ =	swait.ge [sflag:s30], $0x2800  }
0x53: {  	[sflag:s30] =	ssyncset.done $0x0  }
0x54: {  	[sflag:s30] =	ssyncadd.s32 $0xFFFFD800  }
0x55: {  	_ =	swait.ge [sflag:s30], $0x2800  }
0x56: {  	[sflag:s30] =	ssyncset.done $0x0  }
0x57: {  	[sflag:s30] =	ssyncadd.s32 $0xFFFFD800  }
0x58: {  	s11 =	simm.s32 $0x0;
	[bflag:$0x0] =	sbarrier.arrive $0xFFFF  }
0x59: {  	[tilespmem:s11], [sflag:$0x1] =	stream.linear.gather [hbm4b:s17+s11], $0x50, $0x38;
	[tilespmem:$0x19100] =	vst v63  }
0x5a: {  	s10 =	rddreg [dreg:$0xb]  }
0x5b: {  	[tilespmem:s29], [sflag:$0x1] =	stream.linear.gather [hbm4b:s10+s11], $0x2800, $0x38;
	[tilespmem:$0x19100] =	vst v63  }
0x5c: {  	s12 =	sadd.s32 $0x0, s21  }
0x5d: {  	[tilespmem:s31], [sflag:$0x2] =	stream.linear.gather [hbm4b:s12+s2], $0x50, $0x38;
	[tilespmem:$0x19100] =	vst v63  }
0x5e: {  	s13 =	sadd.s32 $0xFFFFFB00, s19  }
0x5f: {  	[tilespmem:s0], [sflag:$0x2] =	stream.linear.gather [hbm4b:s13+s2], $0x2800, $0x38;
	[tilespmem:$0x19100] =	vst v63  }
0x60: {  	_ =	swait.ge [sflag:s3], $0x50  }
0x61: {  	[sflag:s3] =	ssyncset.done $0x0  }
0x62: {  	[sflag:s3] =	ssyncadd.s32 $0xFFFFFFB0  }
0x63: {  	_ =	swait.ge [sflag:s3], $0x2800  }
0x64: {  	[sflag:s3] =	ssyncset.done $0x0  }
0x65: {  	[sflag:s3] =	ssyncadd.s32 $0xFFFFD800  }
0x66: {  	[spmem:s1] =	stream.indirect.scatter.add.f32 [tilespmem:s29], [sflag:$0x3], $0x80, s2, s6, $0xb8;
	[tilespmem:$0x19100] =	vst v63  }
0x67: {  	_ =	swait.ge [sflag:s30], $0x2800  }
0x68: {  	s14 =	sshrl.u32 s20, $0x3;
	[sflag:s30] =	ssyncset.done $0x0  }
0x69: {  	s9 =	sadd.s32 s4, s14;
	[sflag:s30] =	ssyncadd.s32 $0xFFFFD800  }
0x6a: {  	[tilespmem:s2], [sflag:$0x1] =	stream.linear.gather [hbm4b:s9+s2], $0x50, $0x38;
	[tilespmem:$0x19100] =	vst v63  }
0x6b: {  	_ = 	snop  }
0x6c: {  	[tilespmem:s29], [sflag:$0x1] =	stream.linear.gather [hbm4b:s19+s2], $0x2800, $0x38;
	[tilespmem:$0x19100] =	vst v63  }
0x6d: {  	_ =	swait.ge [sflag:s7], $0x50  }
0x6e: {  	[sflag:s7] =	ssyncset.done $0x0  }
0x6f: {  	[sflag:s7] =	ssyncadd.s32 $0xFFFFFFB0  }
0x70: {  	_ =	swait.ge [sflag:s7], $0x2800  }
0x71: {  	[sflag:s7] =	ssyncset.done $0x0  }
0x72: {  	[sflag:s7] =	ssyncadd.s32 $0xFFFFD800  }
0x73: {  	[spmem:s1] =	stream.indirect.scatter.add.f32 [tilespmem:s0], [sflag:$0x3], $0x80, s31, s6, $0xb8;
	[tilespmem:$0x19100] =	vst v63  }
0x74: {  	s11 =	simm.s32 $0x14;
	s10 =	sadd.s32 $0xA0, s20;
	_ =	swait.ge [sflag:s30], $0x2800  }
0x75: {  	s12 =	simm.s32 $0x28;
	s9 =	sadd.s32 $0xA00, s19;
	[sflag:s30] =	ssyncset.done $0x0  }
.LBB2_4:
0x76: {  	s13 =	sadd.s32 s11, s21  }
0x77: {  	[sflag:s30] =	ssyncadd.s32 $0xFFFFD800;
	s11 =	smov.u32 s12;
	s14 =	sadd.s32 $0x14, s12  }
0x78: {  	[tilespmem:s31], [sflag:$0x2] =	stream.linear.gather [hbm4b:s13+s2], $0x50, $0x38;
	[tilespmem:$0x19100] =	vst v63  }
0x79: {  	p0 =	sne.s32 s12, $0x4C4;
	s12 =	sadd.s32 $0xFFFFFB00, s9  }
0x7a: {  	[tilespmem:s0], [sflag:$0x2] =	stream.linear.gather [hbm4b:s12+s2], $0x2800, $0x38;
	[tilespmem:$0x19100] =	vst v63  }
0x7b: {  	_ =	swait.ge [sflag:s3], $0x50  }
0x7c: {  	[sflag:s3] =	ssyncset.done $0x0  }
0x7d: {  	[sflag:s3] =	ssyncadd.s32 $0xFFFFFFB0  }
0x7e: {  	_ =	swait.ge [sflag:s3], $0x2800  }
0x7f: {  	[sflag:s3] =	ssyncset.done $0x0  }
0x80: {  	[sflag:s3] =	ssyncadd.s32 $0xFFFFD800  }
0x81: {  	[spmem:s1] =	stream.indirect.scatter.add.f32 [tilespmem:s29], [sflag:$0x3], $0x80, s2, s6, $0xb8;
	[tilespmem:$0x19100] =	vst v63  }
0x82: {  	_ =	swait.ge [sflag:s30], $0x2800  }
0x83: {  	s12 =	sshrl.u32 s10, $0x3;
	[sflag:s30] =	ssyncset.done $0x0  }
0x84: {  	s12 =	sadd.s32 s4, s12;
	[sflag:s30] =	ssyncadd.s32 $0xFFFFD800  }
0x85: {  	[tilespmem:s2], [sflag:$0x1] =	stream.linear.gather [hbm4b:s12+s2], $0x50, $0x38;
	[tilespmem:$0x19100] =	vst v63  }
0x86: {  	_ = 	snop  }
0x87: {  	[tilespmem:s29], [sflag:$0x1] =	stream.linear.gather [hbm4b:s9+s2], $0x2800, $0x38;
	[tilespmem:$0x19100] =	vst v63  }
0x88: {  	_ =	swait.ge [sflag:s7], $0x50  }
0x89: {  	[sflag:s7] =	ssyncset.done $0x0  }
0x8a: {  	[sflag:s7] =	ssyncadd.s32 $0xFFFFFFB0  }
0x8b: {  	_ =	swait.ge [sflag:s7], $0x2800  }
.Ltmp1:
0x8c: {  	[sflag:s7] =	ssyncset.done $0x0;
	(pc) =	sbr.rel @p0 .LBB2_4-.Ltmp1, $4  }
0x8d: {  	[sflag:s7] =	ssyncadd.s32 $0xFFFFD800  }
0x8e: {  	[spmem:s1] =	stream.indirect.scatter.add.f32 [tilespmem:s0], [sflag:$0x3], $0x80, s31, s6, $0xb8;
	[tilespmem:$0x19100] =	vst v63  }
0x8f: {  	s10 =	sadd.s32 $0xA0, s10;
	_ =	swait.ge [sflag:s30], $0x2800  }
0x90: {  	s12 =	smov.u32 s14;
	s9 =	sadd.s32 $0xA00, s9;
	[sflag:s30] =	ssyncset.done $0x0  }
0x91: {  	s11 =	sadd.s32 s11, s21;
	[sflag:s30] =	ssyncadd.s32 $0xFFFFD800  }
0x92: {  	[tilespmem:s31], [sflag:$0x2] =	stream.linear.gather [hbm4b:s11+s2], $0x50, $0x38;
	[tilespmem:$0x19100] =	vst v63  }
0x93: {  	s14 =	sadd.s32 $0xFFFFFB00, s9  }
0x94: {  	[tilespmem:s0], [sflag:$0x2] =	stream.linear.gather [hbm4b:s14+s2], $0x2800, $0x38;
	[tilespmem:$0x19100] =	vst v63  }
0x95: {  	_ =	swait.ge [sflag:s3], $0x50  }
0x96: {  	[sflag:s3] =	ssyncset.done $0x0  }
0x97: {  	[sflag:s3] =	ssyncadd.s32 $0xFFFFFFB0  }
0x98: {  	_ =	swait.ge [sflag:s3], $0x2800  }
0x99: {  	[sflag:s3] =	ssyncset.done $0x0  }
0x9a: {  	[sflag:s3] =	ssyncadd.s32 $0xFFFFD800  }
0x9b: {  	[spmem:s1] =	stream.indirect.scatter.add.f32 [tilespmem:s29], [sflag:$0x3], $0x80, s2, s6, $0xb8;
	[tilespmem:$0x19100] =	vst v63  }
0x9c: {  	_ =	swait.ge [sflag:s30], $0x2800  }
0x9d: {  	s10 =	sshrl.u32 s10, $0x3;
	[sflag:s30] =	ssyncset.done $0x0  }
0x9e: {  	s10 =	sadd.s32 s4, s10;
	[sflag:s30] =	ssyncadd.s32 $0xFFFFD800  }
0x9f: {  	[tilespmem:s2], [sflag:$0x1] =	stream.linear.gather [hbm4b:s10+s2], $0x50, $0x38;
	[tilespmem:$0x19100] =	vst v63  }
0xa0: {  	_ = 	snop  }
0xa1: {  	[tilespmem:s29], [sflag:$0x1] =	stream.linear.gather [hbm4b:s9+s2], $0x2800, $0x38;
	[tilespmem:$0x19100] =	vst v63  }
0xa2: {  	_ =	swait.ge [sflag:s7], $0x50  }
0xa3: {  	[sflag:s7] =	ssyncset.done $0x0  }
0xa4: {  	[sflag:s7] =	ssyncadd.s32 $0xFFFFFFB0  }
0xa5: {  	_ =	swait.ge [sflag:s7], $0x2800  }
0xa6: {  	[sflag:s7] =	ssyncset.done $0x0  }
0xa7: {  	[sflag:s7] =	ssyncadd.s32 $0xFFFFD800  }
0xa8: {  	[spmem:s1] =	stream.indirect.scatter.add.f32 [tilespmem:s0], [sflag:$0x3], $0x80, s31, s6, $0xb8;
	[tilespmem:$0x19100] =	vst v63  }
0xa9: {  	_ =	swait.ge [sflag:s30], $0x2800  }
0xaa: {  	[sflag:s30] =	ssyncset.done $0x0  }
0xab: {  	[sflag:s30] =	ssyncadd.s32 $0xFFFFD800  }
0xac: {  	_ =	swait.ge [sflag:s3], $0x50  }
0xad: {  	[sflag:s3] =	ssyncset.done $0x0  }
0xae: {  	[sflag:s3] =	ssyncadd.s32 $0xFFFFFFB0  }
0xaf: {  	_ =	swait.ge [sflag:s3], $0x2800  }
0xb0: {  	[sflag:s3] =	ssyncset.done $0x0  }
0xb1: {  	[sflag:s3] =	ssyncadd.s32 $0xFFFFD800  }
0xb2: {  	[spmem:s1] =	stream.indirect.scatter.add.f32 [tilespmem:s29], [sflag:$0x3], $0x80, s2, s6, $0xb8;
	[tilespmem:$0x19100] =	vst v63  }
0xb3: {  	_ =	swait.ge [sflag:s30], $0x2800  }
0xb4: {  	[sflag:s30] =	ssyncset.done $0x0  }
0xb5: {  	s12 =	stileid.u32;
	[sflag:s30] =	ssyncadd.s32 $0xFFFFD800  }
0xb6: {  	s9 =	sshll.u32 s12, $0x6;
	[bflag:$0x0] =	sbarrier.arrive $0xFFFF  }
0xb7: {  	s13 =	sshrl.u32 s5, $0x3;
	s9 =	sor.u32 $0x1C03, s9;
	s14 =	rddreg [dreg:$0x6]  }
0xb8: {  	[hbm:s14], [sflag:s9] =	dma.local [spmem:s13], $0x800  }
0xb9: {  	s10 =	rddreg [dreg:$0x7]  }
0xba: {  	[hbm:s10], [sflag:s9] =	dma.local [spmem:s22], $0x800  }
0xbb: {  	s10 =	rddreg [dreg:$0x8]  }
0xbc: {  	[hbm:s10], [sflag:s9] =	dma.local [spmem:s23], $0x800  }
0xbd: {  	s10 =	rddreg [dreg:$0x9]  }
0xbe: {  	[hbm:s10], [sflag:s9] =	dma.local [spmem:s24], $0x800  }
0xbf: {  	s10 =	rddreg [dreg:$0xa]  }
0xc0: {  	[hbm:s10], [sflag:s9] =	dma.local [spmem:s25], $0x800  }
0xc1: {  	_ =	swait.ge [sflag:s30], $0x800  }
0xc2: {  	[sflag:s30] =	ssyncset.done $0x0  }
0xc3: {  	[sflag:s30] =	ssyncadd.s32 $0xFFFFF800  }
0xc4: {  	_ =	swait.ge [sflag:s30], $0x800  }
0xc5: {  	[sflag:s30] =	ssyncset.done $0x0  }
0xc6: {  	[sflag:s30] =	ssyncadd.s32 $0xFFFFF800  }
0xc7: {  	_ =	swait.ge [sflag:s30], $0x800  }
0xc8: {  	[sflag:s30] =	ssyncset.done $0x0  }
0xc9: {  	s8 =	sadd.s32 $0x1, s8;
	[sflag:s30] =	ssyncadd.s32 $0xFFFFF800  }
0xca: {  	p0 =	sne.s32 s8, s18;
	_ =	swait.ge [sflag:s30], $0x800  }
.Ltmp2:
0xcb: {  	[sflag:s30] =	ssyncset.done $0x0;
	(pc) =	sbr.rel @p0 .LBB2_1-.Ltmp2, $4  }
0xcc: {  	[sflag:s30] =	ssyncadd.s32 $0xFFFFF800  }
0xcd: {  	_ =	swait.ge [sflag:s30], $0x800  }
0xce: {  	[sflag:s30] =	ssyncset.done $0x0  }
0xcf: {  	[sflag:s30] =	ssyncadd.s32 $0xFFFFF800  }
0xd0: {  	_ =	sfence.sel $0x180000  }
0xd1: {  	[bflag:$0x0] =	sbarrier.arrive $0xFFFF  }
0xd2: {  	_ =	strace $0x9000004A  }
0xd3: {  	s0 =	stileid.u32;
	[bflag:$0x2] =	sbarrier.arrive $0xFFFF  }
0xd4: {  	p0 =	sne.s32 s0, $0x0;
	s0 =	rddreg [dreg:$0x2]  }
0xd5: {  	s0 =	sadd.s32 @!p0 $0x100000, s0  }
0xd6: {  	[sflag:s0] =	ssyncadd.tile.s32 @!p0 $0x1;
	_ =	shalt  }
.Lfunc_end2:
_tile_overlayer_lowered:
.L_overlay_start_2:
0xd7: {  	(tag) =	ssettag $0x2  }
0xd8: {  	s0 =	rddreg [dreg:$0x0];
	s2 =	stileid.u32  }
0xd9: {  	s1 =	rddreg [dreg:$0x1];
	p0 =	sne.s32 s2, $0x0  }
0xda: {  	s3 =	rddreg [dreg:$0x2];
	[bflag:$0x3] =	sbarrier.arrive $0xFFFF;
	s2 =	simm.s32 @!p0 $0x1C04  }
0xdb: {  	[timem:s3], [sflag:s2] =	dma.local @!p0 [hbm:s0], s1  }
0xdc: {  	s0 =	simm.s32 @!p0 $0x4  }
0xdd: {  	_ =	swait.ge @!p0 [sflag:s0], s1  }
0xde: {  	s1 =	ssub.s32 @!p0 $0x0, s1;
	[sflag:s0] =	ssyncset.done @!p0 $0x0  }
0xdf: {  	[sflag:s0] =	ssyncadd.s32 @!p0 s1  }
0xe0: {  	[bflag:$0x3] =	sbarrier.arrive $0xFFFF  }
0xe1: {  	_ =	shalt  }

// kernel: kernel.7.cloned.1.call-start
scs
__scs_entry_jumppad:
0x0: {  	(pc) =	sbr.rel $0x88, $3  }
0x1: {  	(tag) =	ssettag $0x0;
	lr =	simm.s32 $0x1  }
0x2: {  	[smem:$0x3F91] =	sst lr;
	_ =	strace $0xD0000000  }
0x3: {  	_ = 	snop  }
0x4: {  	_ = 	snop  }
0x5: {  	_ = 	snop  }
0x6: {  	_ = 	snop  }
0x7: {  	_ = 	snop  }
__scs_overlays_trampoline_lowered:
0x8: {  	[smem:$0x3FA0] =	sst s0  }
0x9: {  	[smem:$0x3FA1] =	sst s1  }
0xa: {  	[smem:$0x3FA2] =	sst s2  }
0xb: {  	[smem:$0x3FA3] =	sst s3  }
0xc: {  	[smem:$0x3FA4] =	sst s4  }
0xd: {  	[smem:$0x3FA5] =	sst s5  }
0xe: {  	[smem:$0x3FA6] =	sst s6  }
0xf: {  	[smem:$0x3FA7] =	sst s7  }
0x10: {  	[smem:$0x3FA8] =	sst s8  }
0x11: {  	[smem:$0x3FA9] =	sst s9;
	s0 =	simm.s32 @!p0 $0x0  }
0x12: {  	s1 =	sld [smem:$0x3F8F];
	s0 =	simm.s32 @p0 $0x1  }
0x13: {  	[smem:$0x3FAA] =	sst s0;
	s0 =	simm.s32 @!p1 $0x0  }
0x14: {  	s2 =	sld [smem:$0x3F8E];
	s0 =	simm.s32 @p1 $0x1  }
0x15: {  	[smem:$0x3FAB] =	sst s0;
	s0 =	simm.s32 @!p2 $0x0  }
0x16: {  	s3 =	sld [smem:$0x3FDB];
	s0 =	simm.s32 @p2 $0x1  }
0x17: {  	s4 =	simm.s32 $0x1BF5;
	[smem:$0x3FAD] =	sst s0  }
0x18: {  	s0 =	sld [smem:$0x3F90];
	_ =	swait.ge [sflag:s4], $0x0  }
0x19: {  	s7 =	sld [smem:$0x3F91]  }
0x1a: {  	s8 =	sadd.s32 $0xFFFFE003, lr  }
0x1b: {  	s9 =	sadd.s32 $0xFFFFFEF7, lr;
	s5 =	simm.s32 $0xFFFFFFFF;
	p2 =	slt.u32 s8, $0xFFFFF086  }
0x1c: {  	p1 =	slt.u32 s9, $0xF7A;
	s5 =	simm.s32 @!p2 $0x0  }
0x1d: {  	s5 =	simm.s32 @p1 $0x1;
	p0 =	seq.s32 s7, s2  }
0x1e: {  	s7 =	smul.u32 @!p0 $0xF7A, s2;
	p2 =	seq.s32 @!p0 s5, $0x0  }
0x1f: {  	s9 =	smul.u32 $0xF7A, s1;
	s8 =	simm.s32 @!p0 $0x1BF5;
	p2 =	por !p2, p0  }
0x20: {  	[sflag:s8] =	ssyncset.s32 @!p0 $0xFFFFF086;
	s6 =	sadd.s32 @!p0 s3, s7;
	s7 =	simm.s32 @!p0 $0x108  }
0x21: {  	s3 =	sadd.s32 s3, s9;
	s6 =	sadd.s32 @!p0 $0x88, s6;
	s7 =	simm.s32 @p2 $0x1082  }
0x22: {  	[simem:s7], [sflag:s8] =	dma.local @!p0 [hbm:s6], $0xF7A  }
0x23: {  	s9 =	sor.u32 $0xD0000000, s2;
	s6 =	simm.s32 $0x108;
	_ =	swait.ge @!p0 [sflag:s8], $0x0  }
0x24: {  	s3 =	sadd.s32 $0x88, s3;
	s6 =	simm.s32 @!p1 $0x1082;
	[sflag:s4] =	ssyncset.s32 $0xFFFFF086  }
0x25: {  	[simem:s6], [sflag:s4] =	dma.local [hbm:s3], $0xF7A  }
0x26: {  	[smem:$0x3F91] =	sst s1;
	(tag) =	ssettag s2;
	_ =	strace s9  }
0x27: {  	s1 =	sld [smem:$0x3FA1]  }
0x28: {  	s2 =	sld [smem:$0x3FA2]  }
0x29: {  	s4 =	sld [smem:$0x3FA4]  }
0x2a: {  	p0 =	seq.s32 s5, $0x0;
	s5 =	sld [smem:$0x3FA5]  }
0x2b: {  	s6 =	sld [smem:$0x3FA6]  }
0x2c: {  	s7 =	sld [smem:$0x3FA7]  }
0x2d: {  	s3 =	simm.s32 $0x108;
	s8 =	sld [smem:$0x3FA8]  }
0x2e: {  	s3 =	simm.s32 @!p0 $0x1082;
	s9 =	sld [smem:$0x3FA9]  }
0x2f: {  	lr =	sadd.s32 s0, s3;
	s0 =	sld [smem:$0x3FA0]  }
0x30: {  	s3 =	sld [smem:$0x3FA3]  }
0x31: {  	[smem:$0x3FAC] =	sst s10  }
0x32: {  	s10 =	sld [smem:$0x3FAA];
	_ =	sdelay $0x3  }
0x33: {  	p0 =	seq.s32 s10, $0x1;
	s10 =	sld [smem:$0x3FAC];
	_ =	sdelay $0x3  }
0x34: {  	[smem:$0x3FAC] =	sst s10  }
0x35: {  	s10 =	sld [smem:$0x3FAB];
	_ =	sdelay $0x3  }
0x36: {  	p1 =	seq.s32 s10, $0x1;
	s10 =	sld [smem:$0x3FAC];
	_ =	sdelay $0x3  }
0x37: {  	[smem:$0x3FAC] =	sst s10  }
0x38: {  	s10 =	sld [smem:$0x3FAD]  }
0x39: {  	_ = 	snop;
	(pc) =	sbr.ind lr, $3  }
0x3a: {  	_ = 	snop  }
0x3b: {  	_ = 	snop  }
0x3c: {  	p2 =	seq.s32 s10, $0x1;
	s10 =	sld [smem:$0x3FAC]  }
0x3d: {  	_ =	shalt  }
0x3e: {  	_ =	shalt  }
0x3f: {  	_ =	shalt  }
0x40: {  	_ =	shalt  }
0x41: {  	_ =	shalt  }
0x42: {  	_ =	shalt  }
0x43: {  	_ =	shalt  }
0x44: {  	_ =	shalt  }
0x45: {  	_ =	shalt  }
0x46: {  	_ =	shalt  }
0x47: {  	_ =	shalt  }
0x48: {  	_ =	shalt  }
0x49: {  	_ =	shalt  }
0x4a: {  	_ =	shalt  }
0x4b: {  	_ =	shalt  }
0x4c: {  	_ =	shalt  }
0x4d: {  	_ =	shalt  }
0x4e: {  	_ =	shalt  }
0x4f: {  	_ =	shalt  }
0x50: {  	_ =	shalt  }
0x51: {  	_ =	shalt  }
0x52: {  	_ =	shalt  }
0x53: {  	_ =	shalt  }
0x54: {  	_ =	shalt  }
0x55: {  	_ =	shalt  }
0x56: {  	_ =	shalt  }
0x57: {  	_ =	shalt  }
0x58: {  	_ =	shalt  }
0x59: {  	_ =	shalt  }
0x5a: {  	_ =	shalt  }
0x5b: {  	_ =	shalt  }
0x5c: {  	_ =	shalt  }
0x5d: {  	_ =	shalt  }
0x5e: {  	_ =	shalt  }
0x5f: {  	_ =	shalt  }
0x60: {  	_ =	shalt  }
0x61: {  	_ =	shalt  }
0x62: {  	_ =	shalt  }
0x63: {  	_ =	shalt  }
0x64: {  	_ =	shalt  }
0x65: {  	_ =	shalt  }
0x66: {  	_ =	shalt  }
0x67: {  	_ =	shalt  }
0x68: {  	_ =	shalt  }
0x69: {  	_ =	shalt  }
0x6a: {  	_ =	shalt  }
0x6b: {  	_ =	shalt  }
0x6c: {  	_ =	shalt  }
0x6d: {  	_ =	shalt  }
0x6e: {  	_ =	shalt  }
0x6f: {  	_ =	shalt  }
0x70: {  	_ =	shalt  }
0x71: {  	_ =	shalt  }
0x72: {  	_ =	shalt  }
0x73: {  	_ =	shalt  }
0x74: {  	_ =	shalt  }
0x75: {  	_ =	shalt  }
0x76: {  	_ =	shalt  }
0x77: {  	_ =	shalt  }
0x78: {  	_ =	shalt  }
0x79: {  	_ =	shalt  }
0x7a: {  	_ =	shalt  }
0x7b: {  	_ =	shalt  }
0x7c: {  	_ =	shalt  }
0x7d: {  	_ =	shalt  }
0x7e: {  	_ =	shalt  }
0x7f: {  	_ =	shalt  }
0x80: {  	_ =	shalt  }
0x81: {  	_ =	shalt  }
0x82: {  	_ =	shalt  }
0x83: {  	_ =	shalt  }
0x84: {  	_ =	shalt  }
0x85: {  	_ =	shalt  }
0x86: {  	_ =	shalt  }
0x87: {  	_ =	shalt  }
.Lfunc_end0:
.L_simem_size_0:
called_computation_lowered:
.L_overlay_start_0:
0x88: {  	s2 =	sld [smem:$0x3FD9]  }
0x89: {  	s3 =	sld [smem:$0x3FFE];
	_ =	sdelay $0x1  }
0x8a: {  	s1 =	srdreg.scid  }
0x8b: {  	s0 =	sand.u32 $0x1, s1  }
0x8c: {  	s14 =	sshll.u32 s0, $0xA;
	s2 =	sadd.s32 s3, s2  }
0x8d: {  	s2 =	sadd.s32 s2, s14  }
0x8e: {  	[smem:$0x3FB8] =	sst s2  }
0x8f: {  	_ = 	snop  }
0x90: {  	s2 =	sld [smem:$0x3FD0];
	_ =	sdelay $0x2  }
0x91: {  	s15 =	simm.s32 $0xA;
	s4 =	simm.s32 $0x10  }
0x92: {  	[smem:s4], [sflag:s15] =	dma.local [hbm:s2], $0x1  }
0x93: {  	_ =	swait.eq [sflag:s15], $0x1  }
0x94: {  	[sflag:s15] =	ssyncset.done $0x0  }
0x95: {  	s16 =	sld [smem:$0x10];
	[sflag:s15] =	ssyncadd.s32 $0xFFFFFFFF  }
0x96: {  	s17 =	sld [smem:$0x11];
	(tm) =	ssettm $0x1  }
0x97: {  	s18 =	sld [smem:$0x3FFB];
	_ =	sdelay $0x3  }
0x98: {  	_ =	strace s18  }
0x99: {  	s4 =	sld [smem:$0x3FFC];
	_ =	sdelay $0x3  }
0x9a: {  	_ =	strace s4  }
0x9b: {  	s4 =	sld [smem:$0x3FFD];
	_ =	sdelay $0x3  }
0x9c: {  	_ =	strace s4  }
0x9d: {  	_ =	strace $0x8FFFFFFF  }
0x9e: {  	s19 =	sld [smem:$0x3FDB];
	_ =	sdelay $0x1  }
0x9f: {  	s5 =	simm.s32 $_scs_section_size  }
0xa0: {  	s6 =	simm.s32 $_size__tile_overlayer_lowered;
	s7 =	simm.s32 $_tile_overlayer_lowered  }
0xa1: {  	s22 =	simm.s32 $0x1BFF;
	s21 =	sshll.u32 s7, $0x1;
	s4 =	sadd.s32 s5, s19  }
0xa2: {  	s8 =	simm.s32 $0x0;
	s20 =	sshll.u32 s6, $0x1;
	s6 =	sadd.s32 s21, s4  }
0xa3: {  	[timem:s8], [sflag:s22] =	dma.local [hbm:s6], s20  }
0xa4: {  	_ =	swait.ge [sflag:s22], s20  }
0xa5: {  	s5 =	ssub.s32 $0x0, s20;
	[sflag:s22] =	ssyncset.done $0x0  }
0xa6: {  	[sflag:s22] =	ssyncadd.s32 s5;
	_ =	sdelay $0x1  }
0xa7: {  	s23 =	simm.s32 $0x1B8B  }
0xa8: {  	_ =	swait.ge [sflag:s23], $0x1  }
0xa9: {  	[sflag:s23] =	ssyncset.done $0x0  }
0xaa: {  	s25 =	simm.s32 $0x1B8E;
	s24 =	sld [smem:$0x3FFE];
	[sflag:s23] =	ssyncadd.s32 $0xFFFFFFFF  }
0xab: {  	s26 =	simm.s32 $execute0_lowered;
	[smem:$0x3FD2] =	sst s25  }
0xac: {  	s6 =	sshll.u32 s26, $0x1;
	_ =	strace $0x80000046;
	[dreg:$0x1] =	wrdreg $0xFFFFFFFF  }
0xad: {  	s28 =	simm.s32 $_size_execute0_lowered;
	s4 =	sadd.s32 s4, s6;
	[dreg:$0x0] =	wrdreg $0x0  }
0xae: {  	s6 =	sshll.u32 s28, $0x1;
	[dreg:$0x2] =	wrdreg s4  }
0xaf: {  	[dreg:$0x3] =	wrdreg s6  }
0xb0: {  	[dreg:$0x4] =	wrdreg $0xC0  }
0xb1: {  	_ =	task [dreg:s8], $0x5FFFF  }
0xb2: {  	[dreg:$0x1] =	wrdreg $0xFFFFFFFF  }
0xb3: {  	[dreg:$0x0] =	wrdreg $0x60  }
0xb4: {  	[dreg:$0x2] =	wrdreg s17  }
0xb5: {  	[dreg:$0x3] =	wrdreg s16  }
0xb6: {  	[dreg:$0x4] =	wrdreg s24  }
0xb7: {  	[dreg:$0x5] =	wrdreg $0x9  }
0xb8: {  	_ =	task.clear_ibuf [dreg:s8], $0x6FFFF;
	_ =	strace $0x90000046  }
0xb9: {  	s29 =	simm.s32 $0x9;
	_ =	strace $0x80000048  }
0xba: {  	_ =	swait.ge [sflag:s29], $0x1  }
0xbb: {  	[sflag:s29] =	ssyncadd.s32 $0xFFFFFFFF  }
0xbc: {  	_ =	strace $0x90000048  }
0xbd: {  	_ =	sfence  }
0xbe: {  	s30 =	sld [smem:$0x0];
	_ =	sdelay $0x2  }
0xbf: {  	s31 =	sshll.u32 s1, $0xD;
	s1 =	sshrl.u32 s1, $0x2  }
0xc0: {  	s3 =	sand.u32 $0x4000, s31;
	s1 =	sadd.s32 s1, s30  }
0xc1: {  	s0 =	sor.u32 s3, s0;
	s1 =	sshll.u32 s1, $0x11  }
0xc2: {  	s0 =	sor.u32 s1, s0  }
0xc3: {  	s0 =	sadd.s32 $0x8F2B, s0  }
0xc4: {  	[sflag:s0] =	ssyncadd.remote.s32 $0x1  }
0xc5: {  	_ =	sfence.sel $0xFFFF  }
0xc6: {  	[dreg:$0x0] =	wrdreg $0xFFFFFFFF;
	(pc) =	sbr.abs _section_cstart, $3  }
0xc7: {  	[dreg:$0x1] =	wrdreg $0xFFFFFFFF  }
0xc8: {  	_ =	task.clear_ibuf [dreg:s8], $0x2FFFF;
	_ =	strace $0x9FFFFFFF  }
0xc9: {  	(tm) =	ssettm $0x7FFFFFFF  }
tec
execute0_lowered:
.L_overlay_start_1:
0x0: {  	(tag) =	ssettag $0x1  }
0x1: {  	s1 =	rddreg [dreg:$0x0]  }
0x2: {  	s2 =	rddreg [dreg:$0x1]  }
0x3: {  	s0 =	rddreg [dreg:$0x2];
	s4 =	simm.s32 $0x0  }
0x4: {  	s3 =	srdreg.scid;
	s6 =	stileid.u32;
	s28 =	simm.s32 $0x480  }
0x5: {  	s29 =	simm.s32 $0x100;
	s30 =	simm.s32 $0x500;
	s31 =	simm.s32 $0x180  }
0x6: {  	[smem:$0x7FF] =	sst s4;
	s3 =	sand.u32 $0x1, s3;
	s5 =	sshll.u32 s6, $0x1  }
0x7: {  	s6 =	sshrl.u32 s6, $0x2;
	s10 =	sadd.s32 $0x41200, s0;
	s22 =	sadd.s32 $0x41700, s0  }
0x8: {  	s23 =	sadd.s32 $0x41C00, s0;
	_ =	strace $0x80000047;
	[dreg:$0x4] =	wrdreg s10  }
0x9: {  	s24 =	sadd.s32 $0x42100, s0;
	s7 =	sor.u32 s3, s5;
	[dreg:$0xf] =	wrdreg s22  }
0xa: {  	s5 =	sadd.s32 $0x5200, s0;
	s8 =	smul.u32 $0x14000, s6;
	[dreg:$0x10] =	wrdreg s23  }
0xb: {  	s6 =	sadd.s32 $0xF000, s0;
	s3 =	ssub.s32 $0x2, s3;
	[dreg:$0x11] =	wrdreg s24  }
0xc: {  	s22 =	sadd.s32 $0x42600, s0;
	s9 =	sshll.u32 s7, $0x7;
	s7 =	smul.u32 $0x2710, s7  }
0xd: {  	s24 =	simm.s32 $0xA800;
	s23 =	simm.s32 $0x3;
	s9 =	sand.u32 $0x380, s9  }
0xe: {  	s25 =	sshrl.u32 s3, $0x1;
	s8 =	sor.u32 s8, s9;
	s26 =	sshrl.u32 s7, $0x3  }
0xf: {  	s3 =	ssub.s32 s3, s25;
	s8 =	sshrl.u32 s8, $0x3;
	s13 =	sadd.s32 s5, s26  }
0x10: {  	s14 =	sadd.s32 s6, s26;
	s15 =	sadd.s32 $0xA, s26;
	s11 =	sadd.s32 $0x14, s26  }
0x11: {  	s18 =	sadd.s32 $0x1E, s26;
	s10 =	sadd.s32 $0x28, s26;
	[dreg:$0x5] =	wrdreg s13  }
0x12: {  	s26 =	smax.u32 s3, $0x1;
	s3 =	simm.s32 $0x200;
	[dreg:$0x6] =	wrdreg s14  }
0x13: {  	s8 =	sadd.s32 s8, s0;
	s12 =	sadd.s32 s5, s15;
	[dreg:$0x13] =	wrdreg s26  }
0x14: {  	s9 =	sadd.s32 s6, s15;
	s16 =	sadd.s32 s5, s11;
	[dreg:$0x7] =	wrdreg s12  }
0x15: {  	s17 =	sadd.s32 s6, s11;
	s19 =	sadd.s32 s5, s18;
	[dreg:$0x8] =	wrdreg s9  }
0x16: {  	s20 =	sadd.s32 s5, s10;
	s21 =	sadd.s32 s6, s10;
	[dreg:$0x9] =	wrdreg s16  }
0x17: {  	s26 =	simm.s32 $0x80;
	s0 =	simm.s32 $0x580;
	[dreg:$0xa] =	wrdreg s17  }
0x18: {  	s10 =	simm.s32 $0x1;
	s11 =	simm.s32 $0x50;
	[dreg:$0xb] =	wrdreg s19  }
0x19: {  	s14 =	simm.s32 $0x3000;
	s15 =	simm.s32 $0x2;
	[dreg:$0xd] =	wrdreg s20  }
0x1a: {  	s9 =	sadd.s32 s6, s18;
	[dreg:$0xe] =	wrdreg s21;
	s25 =	sadd.s32 $0x523200, s8  }
0x1b: {  	s12 =	simm.s32 $0x800;
	s16 =	simm.s32 $0x5800;
	s18 =	simm.s32 $0x8000  }
0x1c: {  	s17 =	simm.s32 $0x19800;
	s19 =	simm.s32 $0x0;
	[dreg:$0xc] =	wrdreg s9  }
0x1d: {  	v0 =	vimm.f32 $0.0e+00;
	v1 =	vimm.f32 $1.000000000e+00;
	[dreg:$0x12] =	wrdreg s25;
	s25 =	simm.s32 $0x400;
	s9 =	simm.s32 $0x600  }
.LBB2_1:
0x1e: {  	[dreg:$0x14] =	wrdreg s19;
	s8 =	simm.s32 $0x40;
	s13 =	simm.s32 $0x0  }
.LBB2_2:
0x1f: {  	p0 =	sne.s32 s8, $0x9FC0;
	[tilespmem:s13+$0x19800] =	vst v0;
	s13 =	smov.u32 s8;
	s8 =	sadd.s32 $0x40, s8  }
.Ltmp0:
0x20: {  	(pc) =	sbr.rel @p0 .LBB2_2-.Ltmp0, $2  }
0x21: {  	_ =	sdelay $0x2  }
0x22: {  	s13 =	sshra.s32 s13, $0x2  }
0x23: {  	[tilespmem:s13+$0x19800] =	vst v0;
	s13 =	simm.s32 $0x0;
	s8 =	rddreg [dreg:$0x5]  }
0x24: {  	[tilespmem:s13], [sflag:$0x1] =	stream.linear.gather [hbm4b:s8+s13], $0x50, $0x38;
	[tilespmem:$0x1C000] =	vst v63  }
0x25: {  	s19 =	rddreg [dreg:$0x6]  }
0x26: {  	[tilespmem:s25], [sflag:$0x1] =	stream.linear.gather [hbm4b:s19+s13], $0x50, $0x38;
	[tilespmem:$0x1C000] =	vst v63  }
0x27: {  	s20 =	rddreg [dreg:$0x7]  }
0x28: {  	[tilespmem:s26], [sflag:$0x1] =	stream.linear.gather [hbm4b:s20+s13], $0x50, $0x38;
	[tilespmem:$0x1C000] =	vst v63  }
0x29: {  	s21 =	rddreg [dreg:$0x8]  }
0x2a: {  	[tilespmem:s28], [sflag:$0x1] =	stream.linear.gather [hbm4b:s21+s13], $0x50, $0x38;
	[tilespmem:$0x1C000] =	vst v63  }
0x2b: {  	s19 =	rddreg [dreg:$0x9]  }
0x2c: {  	[tilespmem:s29], [sflag:$0x1] =	stream.linear.gather [hbm4b:s19+s13], $0x50, $0x38;
	[tilespmem:$0x1C000] =	vst v63  }
0x2d: {  	s20 =	rddreg [dreg:$0xa]  }
0x2e: {  	[tilespmem:s30], [sflag:$0x1] =	stream.linear.gather [hbm4b:s20+s13], $0x50, $0x38;
	[tilespmem:$0x1C000] =	vst v63  }
0x2f: {  	s21 =	rddreg [dreg:$0xb]  }
0x30: {  	[tilespmem:s31], [sflag:$0x1] =	stream.linear.gather [hbm4b:s21+s13], $0x50, $0x38;
	[tilespmem:$0x1C000] =	vst v63  }
0x31: {  	s19 =	rddreg [dreg:$0xc]  }
0x32: {  	[tilespmem:s0], [sflag:$0x1] =	stream.linear.gather [hbm4b:s19+s13], $0x50, $0x38;
	[tilespmem:$0x1C000] =	vst v63  }
0x33: {  	s20 =	rddreg [dreg:$0xd]  }
0x34: {  	[tilespmem:s3], [sflag:$0x1] =	stream.linear.gather [hbm4b:s20+s13], $0x50, $0x38;
	[tilespmem:$0x1C000] =	vst v63  }
0x35: {  	s21 =	rddreg [dreg:$0xe]  }
0x36: {  	[tilespmem:s9], [sflag:$0x1] =	stream.linear.gather [hbm4b:s21+s13], $0x50, $0x38;
	[tilespmem:$0x1C000] =	vst v63  }
0x37: {  	s13 =	simm.s32 $0x0  }
.LBB2_4:
0x38: {  	_ =	swait.ge [sflag:s10], $0x50  }
0x39: {  	[sflag:s10] =	ssyncset.done $0x0  }
0x3a: {  	[sflag:s10] =	ssyncadd.s32 $0xFFFFFFB0  }
0x3b: {  	_ =	swait.ge [sflag:s10], $0x50  }
0x3c: {  	[sflag:s10] =	ssyncset.done $0x0  }
0x3d: {  	[sflag:s10] =	ssyncadd.s32 $0xFFFFFFB0  }
0x3e: {  	_ =	swait.ge [sflag:s10], $0x50  }
0x3f: {  	[sflag:s10] =	ssyncset.done $0x0  }
0x40: {  	[sflag:s10] =	ssyncadd.s32 $0xFFFFFFB0  }
0x41: {  	_ =	swait.ge [sflag:s10], $0x50  }
0x42: {  	[sflag:s10] =	ssyncset.done $0x0  }
0x43: {  	[sflag:s10] =	ssyncadd.s32 $0xFFFFFFB0  }
0x44: {  	_ =	swait.ge [sflag:s10], $0x50  }
0x45: {  	[sflag:s10] =	ssyncset.done $0x0  }
0x46: {  	[sflag:s10] =	ssyncadd.s32 $0xFFFFFFB0  }
0x47: {  	_ =	swait.ge [sflag:s10], $0x50  }
0x48: {  	[sflag:s10] =	ssyncset.done $0x0  }
0x49: {  	[sflag:s10] =	ssyncadd.s32 $0xFFFFFFB0  }
0x4a: {  	_ =	swait.ge [sflag:s10], $0x50  }
0x4b: {  	[sflag:s10] =	ssyncset.done $0x0  }
0x4c: {  	[sflag:s10] =	ssyncadd.s32 $0xFFFFFFB0  }
0x4d: {  	_ =	swait.ge [sflag:s10], $0x50  }
0x4e: {  	[sflag:s10] =	ssyncset.done $0x0  }
0x4f: {  	[sflag:s10] =	ssyncadd.s32 $0xFFFFFFB0  }
0x50: {  	_ =	swait.ge [sflag:s10], $0x50  }
0x51: {  	[sflag:s10] =	ssyncset.done $0x0  }
0x52: {  	[sflag:s10] =	ssyncadd.s32 $0xFFFFFFB0  }
0x53: {  	_ =	swait.ge [sflag:s10], $0x50  }
0x54: {  	[sflag:s10] =	ssyncset.done $0x0  }
0x55: {  	s8 =	simm.s32 $0x0;
	[sflag:s10] =	ssyncadd.s32 $0xFFFFFFB0  }
0x56: {  	[tilespmem:s12], [sflag:$0x2] =	stream.indirect.gather [hbm4b:s1+s11], $0x80, s8, s11, $0xb8;
	[tilespmem:$0x1C000] =	vst v63  }
0x57: {  	s19 =	simm.s32 $0xD000  }
0x58: {  	[tilespmem:s19], [sflag:$0x2] =	stream.indirect.gather [hbm4b:s2+s11], $0x80, s25, s11, $0xb8;
	[tilespmem:$0x1C000] =	vst v63  }
0x59: {  	_ = 	snop  }
0x5a: {  	[tilespmem:s14], [sflag:$0x2] =	stream.indirect.gather [hbm4b:s1+s11], $0x80, s26, s11, $0xb8;
	[tilespmem:$0x1C000] =	vst v63  }
0x5b: {  	s20 =	simm.s32 $0xF800  }
0x5c: {  	[tilespmem:s20], [sflag:$0x2] =	stream.indirect.gather [hbm4b:s2+s11], $0x80, s28, s11, $0xb8;
	[tilespmem:$0x1C000] =	vst v63  }
0x5d: {  	_ = 	snop  }
0x5e: {  	[tilespmem:s16], [sflag:$0x2] =	stream.indirect.gather [hbm4b:s1+s11], $0x80, s29, s11, $0xb8;
	[tilespmem:$0x1C000] =	vst v63  }
0x5f: {  	s21 =	simm.s32 $0x12000  }
0x60: {  	[tilespmem:s21], [sflag:$0x2] =	stream.indirect.gather [hbm4b:s2+s11], $0x80, s30, s11, $0xb8;
	[tilespmem:$0x1C000] =	vst v63  }
0x61: {  	_ = 	snop  }
0x62: {  	[tilespmem:s18], [sflag:$0x2] =	stream.indirect.gather [hbm4b:s1+s11], $0x80, s31, s11, $0xb8;
	[tilespmem:$0x1C000] =	vst v63  }
0x63: {  	s19 =	simm.s32 $0x14800  }
0x64: {  	[tilespmem:s19], [sflag:$0x2] =	stream.indirect.gather [hbm4b:s2+s11], $0x80, s0, s11, $0xb8;
	[tilespmem:$0x1C000] =	vst v63  }
0x65: {  	_ = 	snop  }
0x66: {  	[tilespmem:s24], [sflag:$0x2] =	stream.indirect.gather [hbm4b:s1+s11], $0x80, s3, s11, $0xb8;
	[tilespmem:$0x1C000] =	vst v63  }
0x67: {  	s20 =	simm.s32 $0x17000  }
0x68: {  	[tilespmem:s20], [sflag:$0x2] =	stream.indirect.gather [hbm4b:s2+s11], $0x80, s9, s11, $0xb8;
	[tilespmem:$0x1C000] =	vst v63  }
0x69: {  	_ =	swait.ge [sflag:s15], $0x2800  }
0x6a: {  	[sflag:s15] =	ssyncset.done $0x0  }
0x6b: {  	[sflag:s15] =	ssyncadd.s32 $0xFFFFD800  }
0x6c: {  	_ =	swait.ge [sflag:s15], $0x2800  }
0x6d: {  	[sflag:s15] =	ssyncset.done $0x0  }
0x6e: {  	s19 =	simm.s32 $0x0;
	[sflag:s15] =	ssyncadd.s32 $0xFFFFD800  }
0x6f: {  	v9 =	vld [tilespmem:s19+$0xD000]  }
0x70: {  	v13 =	vld [tilespmem:s19+$0xD010]  }
0x71: {  	v7 =	vld [tilespmem:s19+$0xD020]  }
0x72: {  	v6 =	vld [tilespmem:s19+$0xD030]  }
0x73: {  	v5 =	vld [tilespmem:s19+$0xD040]  }
0x74: {  	v4 =	vld [tilespmem:s19+$0xD050]  }
0x75: {  	v3 =	vld [tilespmem:s19+$0xD060]  }
0x76: {  	v2 =	vld [tilespmem:s19+$0xD070]  }
0x77: {  	v14 =	vld [tilespmem:s19+$0x800]  }
0x78: {  	v15 =	vld [tilespmem:s19+$0x810]  }
0x79: {  	v12 =	vld [tilespmem:s19+$0x820]  }
0x7a: {  	v11 =	vld [tilespmem:s19+$0x830]  }
0x7b: {  	s21 =	smul.u32 $0x190, s13;
	v10 =	vld [tilespmem:s19+$0x840]  }
0x7c: {  	v8 =	vld [tilespmem:s19+$0x850];
	v14 =	vadd.f32 v9, v14  }
0x7d: {  	s8 =	sadd.s32 s7, s21;
	s20 =	simm.s32 $0x200;
	v13 =	vadd.f32 v13, v15;
	v9 =	vld [tilespmem:s19+$0x860]  }
.LBB2_5:
0x7e: {  	s21 =	sshra.s32 s20, $0x2;
	p0 =	sne.s32 s20, $0x9E00;
	[tilespmem:s19+$0x800] =	vst v14;
	v7 =	vadd.f32 v7, v12;
	v12 =	vld [tilespmem:s19+$0x870]  }
0x7f: {  	v14 =	vld [tilespmem:s21+$0xD000];
	[tilespmem:s19+$0x810] =	vst v13;
	v6 =	vadd.f32 v6, v11  }
0x80: {  	v13 =	vld [tilespmem:s21+$0xD010];
	[tilespmem:s19+$0x820] =	vst v7;
	v5 =	vadd.f32 v5, v10  }
0x81: {  	v7 =	vld [tilespmem:s21+$0xD020];
	[tilespmem:s19+$0x830] =	vst v6;
	v4 =	vadd.f32 v4, v8  }
0x82: {  	v6 =	vld [tilespmem:s21+$0xD030];
	[tilespmem:s19+$0x840] =	vst v5;
	v3 =	vadd.f32 v3, v9  }
0x83: {  	v5 =	vld [tilespmem:s21+$0xD040];
	[tilespmem:s19+$0x850] =	vst v4;
	v2 =	vadd.f32 v2, v12  }
0x84: {  	v4 =	vld [tilespmem:s21+$0xD050];
	[tilespmem:s19+$0x860] =	vst v3  }
0x85: {  	v3 =	vld [tilespmem:s21+$0xD060];
	[tilespmem:s19+$0x870] =	vst v2;
	s19 =	smov.u32 s21  }
0x86: {  	v2 =	vld [tilespmem:s19+$0xD070]  }
0x87: {  	v8 =	vld [tilespmem:s19+$0x800]  }
0x88: {  	v9 =	vld [tilespmem:s19+$0x810]  }
.Ltmp1:
0x89: {  	v12 =	vld [tilespmem:s19+$0x820];
	(pc) =	sbr.rel @p0 .LBB2_5-.Ltmp1, $4  }
0x8a: {  	v11 =	vld [tilespmem:s19+$0x830]  }
0x8b: {  	v10 =	vld [tilespmem:s19+$0x840]  }
0x8c: {  	v14 =	vadd.f32 v14, v8;
	v8 =	vld [tilespmem:s19+$0x850]  }
0x8d: {  	s20 =	sadd.s32 $0x200, s20;
	v13 =	vadd.f32 v13, v9;
	v9 =	vld [tilespmem:s19+$0x860]  }
0x8e: {  	[tilespmem:s19+$0x800] =	vst v14;
	v7 =	vadd.f32 v7, v12;
	v12 =	vld [tilespmem:s19+$0x870]  }
0x8f: {  	[tilespmem:s19+$0x810] =	vst v13;
	v6 =	vadd.f32 v6, v11  }
0x90: {  	[tilespmem:s19+$0x820] =	vst v7;
	v5 =	vadd.f32 v5, v10  }
0x91: {  	[tilespmem:s19+$0x830] =	vst v6;
	v4 =	vadd.f32 v4, v8  }
0x92: {  	[tilespmem:s19+$0x840] =	vst v5;
	v3 =	vadd.f32 v3, v9  }
0x93: {  	[tilespmem:s19+$0x850] =	vst v4;
	v2 =	vadd.f32 v2, v12  }
0x94: {  	s8 =	sshll.u32 s8, $0x4;
	s21 =	rddreg [dreg:$0x4];
	[tilespmem:s19+$0x860] =	vst v3  }
0x95: {  	s20 =	simm.s32 $0x0;
	[tilespmem:s19+$0x870] =	vst v2;
	s19 =	sadd.s32 s21, s8  }
0x96: {  	[hbm4b:s19+s20] =	stream.linear.scatter [tilespmem:s12], [sflag:$0x3], $0x2800, $0x38;
	[tilespmem:$0x1C000] =	vst v63  }
0x97: {  	_ =	swait.ge [sflag:s15], $0x2800  }
0x98: {  	[sflag:s15] =	ssyncset.done $0x0  }
0x99: {  	[sflag:s15] =	ssyncadd.s32 $0xFFFFD800  }
0x9a: {  	_ =	swait.ge [sflag:s15], $0x2800  }
0x9b: {  	[sflag:s15] =	ssyncset.done $0x0  }
0x9c: {  	s19 =	simm.s32 $0x0;
	[sflag:s15] =	ssyncadd.s32 $0xFFFFD800  }
0x9d: {  	v9 =	vld [tilespmem:s19+$0xF800]  }
0x9e: {  	v13 =	vld [tilespmem:s19+$0xF810]  }
0x9f: {  	v7 =	vld [tilespmem:s19+$0xF820]  }
0xa0: {  	v6 =	vld [tilespmem:s19+$0xF830]  }
0xa1: {  	v5 =	vld [tilespmem:s19+$0xF840]  }
0xa2: {  	v4 =	vld [tilespmem:s19+$0xF850]  }
0xa3: {  	v3 =	vld [tilespmem:s19+$0xF860]  }
0xa4: {  	v2 =	vld [tilespmem:s19+$0xF870]  }
0xa5: {  	v14 =	vld [tilespmem:s19+$0x3000]  }
0xa6: {  	v15 =	vld [tilespmem:s19+$0x3010]  }
0xa7: {  	v12 =	vld [tilespmem:s19+$0x3020]  }
0xa8: {  	v11 =	vld [tilespmem:s19+$0x3030]  }
0xa9: {  	v10 =	vld [tilespmem:s19+$0x3040]  }
0xaa: {  	v8 =	vld [tilespmem:s19+$0x3050];
	v14 =	vadd.f32 v9, v14  }
0xab: {  	s20 =	simm.s32 $0x200;
	v13 =	vadd.f32 v13, v15;
	v9 =	vld [tilespmem:s19+$0x3060]  }
.LBB2_7:
0xac: {  	s21 =	sshra.s32 s20, $0x2;
	p0 =	sne.s32 s20, $0x9E00;
	[tilespmem:s19+$0x3000] =	vst v14;
	v7 =	vadd.f32 v7, v12;
	v12 =	vld [tilespmem:s19+$0x3070]  }
0xad: {  	v14 =	vld [tilespmem:s21+$0xF800];
	[tilespmem:s19+$0x3010] =	vst v13;
	v6 =	vadd.f32 v6, v11  }
0xae: {  	v13 =	vld [tilespmem:s21+$0xF810];
	[tilespmem:s19+$0x3020] =	vst v7;
	v5 =	vadd.f32 v5, v10  }
0xaf: {  	v7 =	vld [tilespmem:s21+$0xF820];
	[tilespmem:s19+$0x3030] =	vst v6;
	v4 =	vadd.f32 v4, v8  }
0xb0: {  	v6 =	vld [tilespmem:s21+$0xF830];
	[tilespmem:s19+$0x3040] =	vst v5;
	v3 =	vadd.f32 v3, v9  }
0xb1: {  	v5 =	vld [tilespmem:s21+$0xF840];
	[tilespmem:s19+$0x3050] =	vst v4;
	v2 =	vadd.f32 v2, v12  }
0xb2: {  	v4 =	vld [tilespmem:s21+$0xF850];
	[tilespmem:s19+$0x3060] =	vst v3  }
0xb3: {  	v3 =	vld [tilespmem:s21+$0xF860];
	[tilespmem:s19+$0x3070] =	vst v2;
	s19 =	smov.u32 s21  }
0xb4: {  	v2 =	vld [tilespmem:s19+$0xF870]  }
0xb5: {  	v8 =	vld [tilespmem:s19+$0x3000]  }
0xb6: {  	v9 =	vld [tilespmem:s19+$0x3010]  }
.Ltmp2:
0xb7: {  	v12 =	vld [tilespmem:s19+$0x3020];
	(pc) =	sbr.rel @p0 .LBB2_7-.Ltmp2, $4  }
0xb8: {  	v11 =	vld [tilespmem:s19+$0x3030]  }
0xb9: {  	v10 =	vld [tilespmem:s19+$0x3040]  }
0xba: {  	v14 =	vadd.f32 v14, v8;
	v8 =	vld [tilespmem:s19+$0x3050]  }
0xbb: {  	s20 =	sadd.s32 $0x200, s20;
	v13 =	vadd.f32 v13, v9;
	v9 =	vld [tilespmem:s19+$0x3060]  }
0xbc: {  	[tilespmem:s19+$0x3000] =	vst v14;
	v7 =	vadd.f32 v7, v12;
	v12 =	vld [tilespmem:s19+$0x3070]  }
0xbd: {  	[tilespmem:s19+$0x3010] =	vst v13;
	v6 =	vadd.f32 v6, v11  }
0xbe: {  	[tilespmem:s19+$0x3020] =	vst v7;
	v5 =	vadd.f32 v5, v10  }
0xbf: {  	[tilespmem:s19+$0x3030] =	vst v6;
	v4 =	vadd.f32 v4, v8  }
0xc0: {  	[tilespmem:s19+$0x3040] =	vst v5;
	v3 =	vadd.f32 v3, v9  }
0xc1: {  	[tilespmem:s19+$0x3050] =	vst v4;
	v2 =	vadd.f32 v2, v12  }
0xc2: {  	s21 =	rddreg [dreg:$0xf];
	[tilespmem:s19+$0x3060] =	vst v3  }
0xc3: {  	s20 =	simm.s32 $0x0;
	[tilespmem:s19+$0x3070] =	vst v2;
	s19 =	sadd.s32 s8, s21  }
0xc4: {  	[hbm4b:s19+s20] =	stream.linear.scatter [tilespmem:s14], [sflag:$0x3], $0x2800, $0x38;
	[tilespmem:$0x1C000] =	vst v63  }
0xc5: {  	_ =	swait.ge [sflag:s15], $0x2800  }
0xc6: {  	[sflag:s15] =	ssyncset.done $0x0  }
0xc7: {  	[sflag:s15] =	ssyncadd.s32 $0xFFFFD800  }
0xc8: {  	_ =	swait.ge [sflag:s15], $0x2800  }
0xc9: {  	[sflag:s15] =	ssyncset.done $0x0  }
0xca: {  	s19 =	simm.s32 $0x0;
	[sflag:s15] =	ssyncadd.s32 $0xFFFFD800  }
0xcb: {  	v9 =	vld [tilespmem:s19+$0x12000]  }
0xcc: {  	v13 =	vld [tilespmem:s19+$0x12010]  }
0xcd: {  	v7 =	vld [tilespmem:s19+$0x12020]  }
0xce: {  	v6 =	vld [tilespmem:s19+$0x12030]  }
0xcf: {  	v5 =	vld [tilespmem:s19+$0x12040]  }
0xd0: {  	v4 =	vld [tilespmem:s19+$0x12050]  }
0xd1: {  	v3 =	vld [tilespmem:s19+$0x12060]  }
0xd2: {  	v2 =	vld [tilespmem:s19+$0x12070]  }
0xd3: {  	v14 =	vld [tilespmem:s19+$0x5800]  }
0xd4: {  	v15 =	vld [tilespmem:s19+$0x5810]  }
0xd5: {  	v12 =	vld [tilespmem:s19+$0x5820]  }
0xd6: {  	v11 =	vld [tilespmem:s19+$0x5830]  }
0xd7: {  	v10 =	vld [tilespmem:s19+$0x5840]  }
0xd8: {  	v8 =	vld [tilespmem:s19+$0x5850];
	v14 =	vadd.f32 v9, v14  }
0xd9: {  	s20 =	simm.s32 $0x200;
	v13 =	vadd.f32 v13, v15;
	v9 =	vld [tilespmem:s19+$0x5860]  }
.LBB2_9:
0xda: {  	s21 =	sshra.s32 s20, $0x2;
	p0 =	sne.s32 s20, $0x9E00;
	[tilespmem:s19+$0x5800] =	vst v14;
	v7 =	vadd.f32 v7, v12;
	v12 =	vld [tilespmem:s19+$0x5870]  }
0xdb: {  	v14 =	vld [tilespmem:s21+$0x12000];
	[tilespmem:s19+$0x5810] =	vst v13;
	v6 =	vadd.f32 v6, v11  }
0xdc: {  	v13 =	vld [tilespmem:s21+$0x12010];
	[tilespmem:s19+$0x5820] =	vst v7;
	v5 =	vadd.f32 v5, v10  }
0xdd: {  	v7 =	vld [tilespmem:s21+$0x12020];
	[tilespmem:s19+$0x5830] =	vst v6;
	v4 =	vadd.f32 v4, v8  }
0xde: {  	v6 =	vld [tilespmem:s21+$0x12030];
	[tilespmem:s19+$0x5840] =	vst v5;
	v3 =	vadd.f32 v3, v9  }
0xdf: {  	v5 =	vld [tilespmem:s21+$0x12040];
	[tilespmem:s19+$0x5850] =	vst v4;
	v2 =	vadd.f32 v2, v12  }
0xe0: {  	v4 =	vld [tilespmem:s21+$0x12050];
	[tilespmem:s19+$0x5860] =	vst v3  }
0xe1: {  	v3 =	vld [tilespmem:s21+$0x12060];
	[tilespmem:s19+$0x5870] =	vst v2;
	s19 =	smov.u32 s21  }
0xe2: {  	v2 =	vld [tilespmem:s19+$0x12070]  }
0xe3: {  	v8 =	vld [tilespmem:s19+$0x5800]  }
0xe4: {  	v9 =	vld [tilespmem:s19+$0x5810]  }
.Ltmp3:
0xe5: {  	v12 =	vld [tilespmem:s19+$0x5820];
	(pc) =	sbr.rel @p0 .LBB2_9-.Ltmp3, $4  }
0xe6: {  	v11 =	vld [tilespmem:s19+$0x5830]  }
0xe7: {  	v10 =	vld [tilespmem:s19+$0x5840]  }
0xe8: {  	v14 =	vadd.f32 v14, v8;
	v8 =	vld [tilespmem:s19+$0x5850]  }
0xe9: {  	s20 =	sadd.s32 $0x200, s20;
	v13 =	vadd.f32 v13, v9;
	v9 =	vld [tilespmem:s19+$0x5860]  }
0xea: {  	[tilespmem:s19+$0x5800] =	vst v14;
	v7 =	vadd.f32 v7, v12;
	v12 =	vld [tilespmem:s19+$0x5870]  }
0xeb: {  	[tilespmem:s19+$0x5810] =	vst v13;
	v6 =	vadd.f32 v6, v11  }
0xec: {  	[tilespmem:s19+$0x5820] =	vst v7;
	v5 =	vadd.f32 v5, v10  }
0xed: {  	[tilespmem:s19+$0x5830] =	vst v6;
	v4 =	vadd.f32 v4, v8  }
0xee: {  	[tilespmem:s19+$0x5840] =	vst v5;
	v3 =	vadd.f32 v3, v9  }
0xef: {  	[tilespmem:s19+$0x5850] =	vst v4;
	v2 =	vadd.f32 v2, v12  }
0xf0: {  	s21 =	rddreg [dreg:$0x10];
	[tilespmem:s19+$0x5860] =	vst v3  }
0xf1: {  	s20 =	simm.s32 $0x0;
	[tilespmem:s19+$0x5870] =	vst v2;
	s19 =	sadd.s32 s8, s21  }
0xf2: {  	[hbm4b:s19+s20] =	stream.linear.scatter [tilespmem:s16], [sflag:$0x3], $0x2800, $0x38;
	[tilespmem:$0x1C000] =	vst v63  }
0xf3: {  	_ =	swait.ge [sflag:s15], $0x2800  }
0xf4: {  	[sflag:s15] =	ssyncset.done $0x0  }
0xf5: {  	[sflag:s15] =	ssyncadd.s32 $0xFFFFD800  }
0xf6: {  	_ =	swait.ge [sflag:s15], $0x2800  }
0xf7: {  	[sflag:s15] =	ssyncset.done $0x0  }
0xf8: {  	s19 =	simm.s32 $0x0;
	[sflag:s15] =	ssyncadd.s32 $0xFFFFD800  }
0xf9: {  	v9 =	vld [tilespmem:s19+$0x14800]  }
0xfa: {  	v13 =	vld [tilespmem:s19+$0x14810]  }
0xfb: {  	v7 =	vld [tilespmem:s19+$0x14820]  }
0xfc: {  	v6 =	vld [tilespmem:s19+$0x14830]  }
0xfd: {  	v5 =	vld [tilespmem:s19+$0x14840]  }
0xfe: {  	v4 =	vld [tilespmem:s19+$0x14850]  }
0xff: {  	v3 =	vld [tilespmem:s19+$0x14860]  }
0x100: {  	v2 =	vld [tilespmem:s19+$0x14870]  }
0x101: {  	v14 =	vld [tilespmem:s19+$0x8000]  }
0x102: {  	v15 =	vld [tilespmem:s19+$0x8010]  }
0x103: {  	v12 =	vld [tilespmem:s19+$0x8020]  }
0x104: {  	v11 =	vld [tilespmem:s19+$0x8030]  }
0x105: {  	v10 =	vld [tilespmem:s19+$0x8040]  }
0x106: {  	v8 =	vld [tilespmem:s19+$0x8050];
	v14 =	vadd.f32 v9, v14  }
0x107: {  	s20 =	simm.s32 $0x200;
	v13 =	vadd.f32 v13, v15;
	v9 =	vld [tilespmem:s19+$0x8060]  }
.LBB2_11:
0x108: {  	s21 =	sshra.s32 s20, $0x2;
	p0 =	sne.s32 s20, $0x9E00;
	[tilespmem:s19+$0x8000] =	vst v14;
	v7 =	vadd.f32 v7, v12;
	v12 =	vld [tilespmem:s19+$0x8070]  }
0x109: {  	v14 =	vld [tilespmem:s21+$0x14800];
	[tilespmem:s19+$0x8010] =	vst v13;
	v6 =	vadd.f32 v6, v11  }
0x10a: {  	v13 =	vld [tilespmem:s21+$0x14810];
	[tilespmem:s19+$0x8020] =	vst v7;
	v5 =	vadd.f32 v5, v10  }
0x10b: {  	v7 =	vld [tilespmem:s21+$0x14820];
	[tilespmem:s19+$0x8030] =	vst v6;
	v4 =	vadd.f32 v4, v8  }
0x10c: {  	v6 =	vld [tilespmem:s21+$0x14830];
	[tilespmem:s19+$0x8040] =	vst v5;
	v3 =	vadd.f32 v3, v9  }
0x10d: {  	v5 =	vld [tilespmem:s21+$0x14840];
	[tilespmem:s19+$0x8050] =	vst v4;
	v2 =	vadd.f32 v2, v12  }
0x10e: {  	v4 =	vld [tilespmem:s21+$0x14850];
	[tilespmem:s19+$0x8060] =	vst v3  }
0x10f: {  	v3 =	vld [tilespmem:s21+$0x14860];
	[tilespmem:s19+$0x8070] =	vst v2;
	s19 =	smov.u32 s21  }
0x110: {  	v2 =	vld [tilespmem:s19+$0x14870]  }
0x111: {  	v8 =	vld [tilespmem:s19+$0x8000]  }
0x112: {  	v9 =	vld [tilespmem:s19+$0x8010]  }
.Ltmp4:
0x113: {  	v12 =	vld [tilespmem:s19+$0x8020];
	(pc) =	sbr.rel @p0 .LBB2_11-.Ltmp4, $4  }
0x114: {  	v11 =	vld [tilespmem:s19+$0x8030]  }
0x115: {  	v10 =	vld [tilespmem:s19+$0x8040]  }
0x116: {  	v14 =	vadd.f32 v14, v8;
	v8 =	vld [tilespmem:s19+$0x8050]  }
0x117: {  	s20 =	sadd.s32 $0x200, s20;
	v13 =	vadd.f32 v13, v9;
	v9 =	vld [tilespmem:s19+$0x8060]  }
0x118: {  	[tilespmem:s19+$0x8000] =	vst v14;
	v7 =	vadd.f32 v7, v12;
	v12 =	vld [tilespmem:s19+$0x8070]  }
0x119: {  	[tilespmem:s19+$0x8010] =	vst v13;
	v6 =	vadd.f32 v6, v11  }
0x11a: {  	[tilespmem:s19+$0x8020] =	vst v7;
	v5 =	vadd.f32 v5, v10  }
0x11b: {  	[tilespmem:s19+$0x8030] =	vst v6;
	v4 =	vadd.f32 v4, v8  }
0x11c: {  	[tilespmem:s19+$0x8040] =	vst v5;
	v3 =	vadd.f32 v3, v9  }
0x11d: {  	[tilespmem:s19+$0x8050] =	vst v4;
	v2 =	vadd.f32 v2, v12  }
0x11e: {  	s21 =	rddreg [dreg:$0x11];
	[tilespmem:s19+$0x8060] =	vst v3  }
0x11f: {  	s20 =	simm.s32 $0x0;
	[tilespmem:s19+$0x8070] =	vst v2;
	s19 =	sadd.s32 s8, s21  }
0x120: {  	[hbm4b:s19+s20] =	stream.linear.scatter [tilespmem:s18], [sflag:$0x3], $0x2800, $0x38;
	[tilespmem:$0x1C000] =	vst v63  }
0x121: {  	_ =	swait.ge [sflag:s15], $0x2800  }
0x122: {  	[sflag:s15] =	ssyncset.done $0x0  }
0x123: {  	[sflag:s15] =	ssyncadd.s32 $0xFFFFD800  }
0x124: {  	_ =	swait.ge [sflag:s15], $0x2800  }
0x125: {  	[sflag:s15] =	ssyncset.done $0x0  }
0x126: {  	s19 =	simm.s32 $0x0;
	[sflag:s15] =	ssyncadd.s32 $0xFFFFD800  }
0x127: {  	v9 =	vld [tilespmem:s19+$0x17000]  }
0x128: {  	v13 =	vld [tilespmem:s19+$0x17010]  }
0x129: {  	v7 =	vld [tilespmem:s19+$0x17020]  }
0x12a: {  	v6 =	vld [tilespmem:s19+$0x17030]  }
0x12b: {  	v5 =	vld [tilespmem:s19+$0x17040]  }
0x12c: {  	v4 =	vld [tilespmem:s19+$0x17050]  }
0x12d: {  	v3 =	vld [tilespmem:s19+$0x17060]  }
0x12e: {  	v2 =	vld [tilespmem:s19+$0x17070]  }
0x12f: {  	v14 =	vld [tilespmem:s19+$0xA800]  }
0x130: {  	v15 =	vld [tilespmem:s19+$0xA810]  }
0x131: {  	v12 =	vld [tilespmem:s19+$0xA820]  }
0x132: {  	v11 =	vld [tilespmem:s19+$0xA830]  }
0x133: {  	v10 =	vld [tilespmem:s19+$0xA840]  }
0x134: {  	v8 =	vld [tilespmem:s19+$0xA850];
	v14 =	vadd.f32 v9, v14  }
0x135: {  	s20 =	simm.s32 $0x200;
	v13 =	vadd.f32 v13, v15;
	v9 =	vld [tilespmem:s19+$0xA860]  }
.LBB2_13:
0x136: {  	s21 =	sshra.s32 s20, $0x2;
	p0 =	sne.s32 s20, $0x9E00;
	[tilespmem:s19+$0xA800] =	vst v14;
	v7 =	vadd.f32 v7, v12;
	v12 =	vld [tilespmem:s19+$0xA870]  }
0x137: {  	v14 =	vld [tilespmem:s21+$0x17000];
	[tilespmem:s19+$0xA810] =	vst v13;
	v6 =	vadd.f32 v6, v11  }
0x138: {  	v13 =	vld [tilespmem:s21+$0x17010];
	[tilespmem:s19+$0xA820] =	vst v7;
	v5 =	vadd.f32 v5, v10  }
0x139: {  	v7 =	vld [tilespmem:s21+$0x17020];
	[tilespmem:s19+$0xA830] =	vst v6;
	v4 =	vadd.f32 v4, v8  }
0x13a: {  	v6 =	vld [tilespmem:s21+$0x17030];
	[tilespmem:s19+$0xA840] =	vst v5;
	v3 =	vadd.f32 v3, v9  }
0x13b: {  	v5 =	vld [tilespmem:s21+$0x17040];
	[tilespmem:s19+$0xA850] =	vst v4;
	v2 =	vadd.f32 v2, v12  }
0x13c: {  	v4 =	vld [tilespmem:s21+$0x17050];
	[tilespmem:s19+$0xA860] =	vst v3  }
0x13d: {  	v3 =	vld [tilespmem:s21+$0x17060];
	[tilespmem:s19+$0xA870] =	vst v2;
	s19 =	smov.u32 s21  }
0x13e: {  	v2 =	vld [tilespmem:s19+$0x17070]  }
0x13f: {  	v8 =	vld [tilespmem:s19+$0xA800]  }
0x140: {  	v9 =	vld [tilespmem:s19+$0xA810]  }
.Ltmp5:
0x141: {  	v12 =	vld [tilespmem:s19+$0xA820];
	(pc) =	sbr.rel @p0 .LBB2_13-.Ltmp5, $4  }
0x142: {  	v11 =	vld [tilespmem:s19+$0xA830]  }
0x143: {  	v10 =	vld [tilespmem:s19+$0xA840]  }
0x144: {  	v14 =	vadd.f32 v14, v8;
	v8 =	vld [tilespmem:s19+$0xA850]  }
0x145: {  	s20 =	sadd.s32 $0x200, s20;
	v13 =	vadd.f32 v13, v9;
	v9 =	vld [tilespmem:s19+$0xA860]  }
0x146: {  	[tilespmem:s19+$0xA800] =	vst v14;
	v7 =	vadd.f32 v7, v12;
	v63 =	vld [tilespmem:s19+$0xA870]  }
0x147: {  	[tilespmem:s19+$0xA810] =	vst v13;
	v6 =	vadd.f32 v6, v11  }
0x148: {  	[tilespmem:s19+$0xA820] =	vst v7;
	v5 =	vadd.f32 v5, v10  }
0x149: {  	[tilespmem:s19+$0xA830] =	vst v6;
	v4 =	vadd.f32 v4, v8  }
0x14a: {  	[tilespmem:s19+$0xA840] =	vst v5;
	v3 =	vadd.f32 v3, v9  }
0x14b: {  	[tilespmem:s19+$0xA850] =	vst v4;
	v2 =	vadd.f32 v2, v63  }
0x14c: {  	[tilespmem:s19+$0xA860] =	vst v3  }
0x14d: {  	s8 =	sadd.s32 s8, s22;
	[tilespmem:s19+$0xA870] =	vst v2  }
0x14e: {  	[hbm4b:s8+s4] =	stream.linear.scatter [tilespmem:s24], [sflag:$0x3], $0x2800, $0x38;
	[tilespmem:$0x1C000] =	vst v63  }
0x14f: {  	v2 =	vld [tilespmem:$0x400];
	_ =	sdelay $0x7  }
0x150: {  	[tilespmem:v2+s17+$0x0] =	vst.idx.add.f32.msk $0xffff, v1  }
0x151: {  	v2 =	vld [tilespmem:$0x410];
	_ =	sdelay $0x7  }
0x152: {  	[tilespmem:v2+s17+$0x0] =	vst.idx.add.f32.msk $0xffff, v1  }
0x153: {  	v2 =	vld [tilespmem:$0x420];
	_ =	sdelay $0x7  }
0x154: {  	[tilespmem:v2+s17+$0x0] =	vst.idx.add.f32.msk $0xffff, v1  }
0x155: {  	v2 =	vld [tilespmem:$0x430];
	_ =	sdelay $0x7  }
0x156: {  	[tilespmem:v2+s17+$0x0] =	vst.idx.add.f32.msk $0xffff, v1  }
0x157: {  	v2 =	vld [tilespmem:$0x440];
	_ =	sdelay $0x7  }
0x158: {  	[tilespmem:v2+s17+$0x0] =	vst.idx.add.f32.msk $0xffff, v1  }
0x159: {  	v2 =	vld [tilespmem:$0x480];
	_ =	sdelay $0x7  }
0x15a: {  	[tilespmem:v2+s17+$0x0] =	vst.idx.add.f32.msk $0xffff, v1  }
0x15b: {  	v2 =	vld [tilespmem:$0x490];
	_ =	sdelay $0x7  }
0x15c: {  	[tilespmem:v2+s17+$0x0] =	vst.idx.add.f32.msk $0xffff, v1  }
0x15d: {  	v2 =	vld [tilespmem:$0x4A0];
	_ =	sdelay $0x7  }
0x15e: {  	[tilespmem:v2+s17+$0x0] =	vst.idx.add.f32.msk $0xffff, v1  }
0x15f: {  	v2 =	vld [tilespmem:$0x4B0];
	_ =	sdelay $0x7  }
0x160: {  	[tilespmem:v2+s17+$0x0] =	vst.idx.add.f32.msk $0xffff, v1  }
0x161: {  	v2 =	vld [tilespmem:$0x4C0];
	_ =	sdelay $0x7  }
0x162: {  	[tilespmem:v2+s17+$0x0] =	vst.idx.add.f32.msk $0xffff, v1  }
0x163: {  	v2 =	vld [tilespmem:$0x500];
	_ =	sdelay $0x7  }
0x164: {  	[tilespmem:v2+s17+$0x0] =	vst.idx.add.f32.msk $0xffff, v1  }
0x165: {  	v2 =	vld [tilespmem:$0x510];
	_ =	sdelay $0x7  }
0x166: {  	[tilespmem:v2+s17+$0x0] =	vst.idx.add.f32.msk $0xffff, v1  }
0x167: {  	v2 =	vld [tilespmem:$0x520];
	_ =	sdelay $0x7  }
0x168: {  	[tilespmem:v2+s17+$0x0] =	vst.idx.add.f32.msk $0xffff, v1  }
0x169: {  	v2 =	vld [tilespmem:$0x530];
	_ =	sdelay $0x7  }
0x16a: {  	[tilespmem:v2+s17+$0x0] =	vst.idx.add.f32.msk $0xffff, v1  }
0x16b: {  	v2 =	vld [tilespmem:$0x540];
	_ =	sdelay $0x7  }
0x16c: {  	[tilespmem:v2+s17+$0x0] =	vst.idx.add.f32.msk $0xffff, v1  }
0x16d: {  	v2 =	vld [tilespmem:$0x580];
	_ =	sdelay $0x7  }
0x16e: {  	[tilespmem:v2+s17+$0x0] =	vst.idx.add.f32.msk $0xffff, v1  }
0x16f: {  	v2 =	vld [tilespmem:$0x590];
	_ =	sdelay $0x7  }
0x170: {  	[tilespmem:v2+s17+$0x0] =	vst.idx.add.f32.msk $0xffff, v1  }
0x171: {  	v2 =	vld [tilespmem:$0x5A0];
	_ =	sdelay $0x7  }
0x172: {  	[tilespmem:v2+s17+$0x0] =	vst.idx.add.f32.msk $0xffff, v1  }
0x173: {  	v2 =	vld [tilespmem:$0x5B0];
	_ =	sdelay $0x7  }
0x174: {  	[tilespmem:v2+s17+$0x0] =	vst.idx.add.f32.msk $0xffff, v1  }
0x175: {  	v2 =	vld [tilespmem:$0x5C0];
	_ =	sdelay $0x7  }
0x176: {  	[tilespmem:v2+s17+$0x0] =	vst.idx.add.f32.msk $0xffff, v1  }
0x177: {  	v2 =	vld [tilespmem:$0x600];
	_ =	sdelay $0x7  }
0x178: {  	[tilespmem:v2+s17+$0x0] =	vst.idx.add.f32.msk $0xffff, v1  }
0x179: {  	v2 =	vld [tilespmem:$0x610];
	_ =	sdelay $0x7  }
0x17a: {  	[tilespmem:v2+s17+$0x0] =	vst.idx.add.f32.msk $0xffff, v1  }
0x17b: {  	v2 =	vld [tilespmem:$0x620];
	_ =	sdelay $0x7  }
0x17c: {  	[tilespmem:v2+s17+$0x0] =	vst.idx.add.f32.msk $0xffff, v1  }
0x17d: {  	v2 =	vld [tilespmem:$0x630];
	_ =	sdelay $0x7  }
0x17e: {  	[tilespmem:v2+s17+$0x0] =	vst.idx.add.f32.msk $0xffff, v1  }
0x17f: {  	v2 =	vld [tilespmem:$0x640];
	_ =	sdelay $0x1  }
0x180: {  	s13 =	sadd.s32 $0x1, s13  }
0x181: {  	s8 =	smul.u32 $0x190, s13  }
0x182: {  	p0 =	seq.s32 s13, $0x19  }
0x183: {  	s8 =	simm.s32 @p0 $0x0  }
0x184: {  	s8 =	sadd.s32 s7, s8  }
0x185: {  	s8 =	sshrl.u32 s8, $0x3  }
0x186: {  	s21 =	sadd.s32 s5, s8;
	[tilespmem:v2+s17+$0x0] =	vst.idx.add.f32.msk $0xffff, v1  }
0x187: {  	[tilespmem:s4], [sflag:$0x1] =	stream.linear.gather [hbm4b:s21+s4], $0x50, $0x38;
	[tilespmem:$0x1C000] =	vst v63  }
0x188: {  	s20 =	sadd.s32 s6, s8;
	s21 =	sadd.s32 $0xA, s8  }
0x189: {  	[tilespmem:s25], [sflag:$0x1] =	stream.linear.gather [hbm4b:s20+s4], $0x50, $0x38;
	[tilespmem:$0x1C000] =	vst v63  }
0x18a: {  	s20 =	sadd.s32 s5, s21  }
0x18b: {  	[tilespmem:s26], [sflag:$0x1] =	stream.linear.gather [hbm4b:s20+s4], $0x50, $0x38;
	[tilespmem:$0x1C000] =	vst v63  }
0x18c: {  	s19 =	sadd.s32 s6, s21  }
0x18d: {  	[tilespmem:s28], [sflag:$0x1] =	stream.linear.gather [hbm4b:s19+s4], $0x50, $0x38;
	[tilespmem:$0x1C000] =	vst v63  }
0x18e: {  	s19 =	sadd.s32 $0x14, s8  }
0x18f: {  	s21 =	sadd.s32 s5, s19  }
0x190: {  	[tilespmem:s29], [sflag:$0x1] =	stream.linear.gather [hbm4b:s21+s4], $0x50, $0x38;
	[tilespmem:$0x1C000] =	vst v63  }
0x191: {  	s19 =	sadd.s32 s6, s19  }
0x192: {  	[tilespmem:s30], [sflag:$0x1] =	stream.linear.gather [hbm4b:s19+s4], $0x50, $0x38;
	[tilespmem:$0x1C000] =	vst v63  }
0x193: {  	s19 =	sadd.s32 $0x1E, s8  }
0x194: {  	s21 =	sadd.s32 s5, s19  }
0x195: {  	[tilespmem:s31], [sflag:$0x1] =	stream.linear.gather [hbm4b:s21+s4], $0x50, $0x38;
	[tilespmem:$0x1C000] =	vst v63  }
0x196: {  	s8 =	sadd.s32 $0x28, s8;
	s19 =	sadd.s32 s6, s19  }
0x197: {  	[tilespmem:s0], [sflag:$0x1] =	stream.linear.gather [hbm4b:s19+s4], $0x50, $0x38;
	[tilespmem:$0x1C000] =	vst v63  }
0x198: {  	s21 =	sadd.s32 s5, s8  }
0x199: {  	[tilespmem:s3], [sflag:$0x1] =	stream.linear.gather [hbm4b:s21+s4], $0x50, $0x38;
	[tilespmem:$0x1C000] =	vst v63  }
0x19a: {  	s8 =	sadd.s32 s6, s8  }
0x19b: {  	[tilespmem:s9], [sflag:$0x1] =	stream.linear.gather [hbm4b:s8+s4], $0x50, $0x38;
	[tilespmem:$0x1C000] =	vst v63  }
0x19c: {  	_ =	swait.ge [sflag:s23], $0x2800  }
0x19d: {  	[sflag:s23] =	ssyncset.done $0x0  }
0x19e: {  	[sflag:s23] =	ssyncadd.s32 $0xFFFFD800  }
0x19f: {  	_ =	swait.ge [sflag:s23], $0x2800  }
0x1a0: {  	[sflag:s23] =	ssyncset.done $0x0  }
0x1a1: {  	[sflag:s23] =	ssyncadd.s32 $0xFFFFD800  }
0x1a2: {  	_ =	swait.ge [sflag:s23], $0x2800  }
0x1a3: {  	[sflag:s23] =	ssyncset.done $0x0  }
0x1a4: {  	[sflag:s23] =	ssyncadd.s32 $0xFFFFD800  }
0x1a5: {  	p0 =	sne.s32 s13, $0x19;
	_ =	swait.ge [sflag:s23], $0x2800  }
.Ltmp6:
0x1a6: {  	[sflag:s23] =	ssyncset.done $0x0;
	(pc) =	sbr.rel @p0 .LBB2_4-.Ltmp6, $4  }
0x1a7: {  	[sflag:s23] =	ssyncadd.s32 $0xFFFFD800  }
0x1a8: {  	_ =	swait.ge [sflag:s23], $0x2800  }
0x1a9: {  	[sflag:s23] =	ssyncset.done $0x0  }
0x1aa: {  	[sflag:s23] =	ssyncadd.s32 $0xFFFFD800  }
0x1ab: {  	_ =	swait.ge [sflag:s10], $0x50  }
0x1ac: {  	[sflag:s10] =	ssyncset.done $0x0  }
0x1ad: {  	[sflag:s10] =	ssyncadd.s32 $0xFFFFFFB0  }
0x1ae: {  	_ =	swait.ge [sflag:s10], $0x50  }
0x1af: {  	[sflag:s10] =	ssyncset.done $0x0  }
0x1b0: {  	[sflag:s10] =	ssyncadd.s32 $0xFFFFFFB0  }
0x1b1: {  	_ =	swait.ge [sflag:s10], $0x50  }
0x1b2: {  	[sflag:s10] =	ssyncset.done $0x0  }
0x1b3: {  	[sflag:s10] =	ssyncadd.s32 $0xFFFFFFB0  }
0x1b4: {  	_ =	swait.ge [sflag:s10], $0x50  }
0x1b5: {  	[sflag:s10] =	ssyncset.done $0x0  }
0x1b6: {  	[sflag:s10] =	ssyncadd.s32 $0xFFFFFFB0  }
0x1b7: {  	_ =	swait.ge [sflag:s10], $0x50  }
0x1b8: {  	[sflag:s10] =	ssyncset.done $0x0  }
0x1b9: {  	[sflag:s10] =	ssyncadd.s32 $0xFFFFFFB0  }
0x1ba: {  	_ =	swait.ge [sflag:s10], $0x50  }
0x1bb: {  	[sflag:s10] =	ssyncset.done $0x0  }
0x1bc: {  	[sflag:s10] =	ssyncadd.s32 $0xFFFFFFB0  }
0x1bd: {  	_ =	swait.ge [sflag:s10], $0x50  }
0x1be: {  	[sflag:s10] =	ssyncset.done $0x0  }
0x1bf: {  	[sflag:s10] =	ssyncadd.s32 $0xFFFFFFB0  }
0x1c0: {  	_ =	swait.ge [sflag:s10], $0x50  }
0x1c1: {  	[sflag:s10] =	ssyncset.done $0x0  }
0x1c2: {  	[sflag:s10] =	ssyncadd.s32 $0xFFFFFFB0  }
0x1c3: {  	_ =	swait.ge [sflag:s10], $0x50  }
0x1c4: {  	[sflag:s10] =	ssyncset.done $0x0  }
0x1c5: {  	[sflag:s10] =	ssyncadd.s32 $0xFFFFFFB0  }
0x1c6: {  	_ =	swait.ge [sflag:s10], $0x50  }
0x1c7: {  	[sflag:s10] =	ssyncset.done $0x0  }
0x1c8: {  	s13 =	simm.s32 $0x4;
	s8 =	rddreg [dreg:$0x12];
	[sflag:s10] =	ssyncadd.s32 $0xFFFFFFB0  }
0x1c9: {  	[hbm4b:s8+s26] =	stream.strided.scatter [tilespmem:s17], [sflag:$0x4], $0x2800, s25, s26, $0x38;
	[tilespmem:$0x1C000] =	vst v63  }
0x1ca: {  	_ =	swait.ge [sflag:s13], $0x2800  }
0x1cb: {  	s19 =	rddreg [dreg:$0x14]  }
0x1cc: {  	s21 =	rddreg [dreg:$0x13];
	s19 =	sadd.s32 $0x1, s19  }
0x1cd: {  	p0 =	sne.s32 s19, s21  }
.Ltmp7:
0x1ce: {  	_ = 	snop;
	(pc) =	sbr.rel @p0 .LBB2_1-.Ltmp7, $3  }
0x1cf: {  	_ =	sdelay $0x1  }
0x1d0: {  	[sflag:s13] =	ssyncset.done $0x0  }
0x1d1: {  	[sflag:s13] =	ssyncadd.s32 $0xFFFFD800  }
0x1d2: {  	_ =	sfence.sel $0x180000  }
0x1d3: {  	[bflag:$0x0] =	sbarrier.arrive $0xFFFF  }
0x1d4: {  	_ =	strace $0x90000047  }
0x1d5: {  	s0 =	stileid.u32;
	[bflag:$0x2] =	sbarrier.arrive $0xFFFF  }
0x1d6: {  	p0 =	sne.s32 s0, $0x0;
	s0 =	rddreg [dreg:$0x3]  }
0x1d7: {  	s0 =	sadd.s32 @!p0 $0x100000, s0  }
0x1d8: {  	[sflag:s0] =	ssyncadd.tile.s32 @!p0 $0x1;
	_ =	shalt  }
.Lfunc_end2:
_tile_overlayer_lowered:
.L_overlay_start_2:
0x1d9: {  	(tag) =	ssettag $0x2  }
0x1da: {  	s0 =	rddreg [dreg:$0x0];
	s2 =	stileid.u32  }
0x1db: {  	s1 =	rddreg [dreg:$0x1];
	p0 =	sne.s32 s2, $0x0  }
0x1dc: {  	s3 =	rddreg [dreg:$0x2];
	[bflag:$0x3] =	sbarrier.arrive $0xFFFF;
	s2 =	simm.s32 @!p0 $0x1C04  }
0x1dd: {  	[timem:s3], [sflag:s2] =	dma.local @!p0 [hbm:s0], s1  }
0x1de: {  	s0 =	simm.s32 @!p0 $0x4  }
0x1df: {  	_ =	swait.ge @!p0 [sflag:s0], s1  }
0x1e0: {  	s1 =	ssub.s32 @!p0 $0x0, s1;
	[sflag:s0] =	ssyncset.done @!p0 $0x0  }
0x1e1: {  	[sflag:s0] =	ssyncadd.s32 @!p0 s1  }
0x1e2: {  	[bflag:$0x3] =	sbarrier.arrive $0xFFFF  }
0x1e3: {  	_ =	shalt  }

</sc_bundles>
